<compile_context>
chip_gen: v7x
topology: tpu7x:2x2x1
jax: 0.10.2.dev20260603
libtpu: 0.0.44.dev20260713+nightly
codegen_flags: <defaults>
</compile_context>

<pallas_src>
import functools

import jax
import jax.numpy as jnp
from jax import lax
from jax.experimental import pallas as pl
from jax.experimental.pallas import tpu as pltpu
from jax.experimental.pallas import tpu_sc as plsc

B = 4096
BB = 128
NW = 32
BPW = B // NW

_SIZES = [100, 5000, 50, 10000, 10000, 100, 3, 10, 35, 400, 6, 50, 200]
_NT = len(_SIZES)


def _sc_gather(stacked, idx_all, days_tab, days_idx):
    info = plsc.get_sparse_core_info()
    nc = info.num_cores
    mesh = plsc.VectorSubcoreMesh(core_axis_name="c", subcore_axis_name="s")

    @functools.partial(
        pl.kernel,
        mesh=mesh,
        out_type=[
            jax.ShapeDtypeStruct((_NT, B, 16), jnp.float32),
            jax.ShapeDtypeStruct((B, 112), jnp.float32),
        ],
        scratch_types=[
            pltpu.VMEM((BPW,), jnp.int32),
            pltpu.VMEM((BPW, 16), jnp.float32),
            pltpu.VMEM((BPW, 112), jnp.float32),
            pltpu.SemaphoreType.DMA,
        ],
        compiler_params=pltpu.CompilerParams(use_tc_tiling_on_sc=False),
    )
    def gk(stacked_hbm, idx_hbm, days_hbm, didx_hbm, out1, out2,
           idx_v, rows_v, rows2_v, sem):
        wid = lax.axis_index("s") * nc + lax.axis_index("c")
        base = wid * BPW
        for t in range(_NT):
            pltpu.sync_copy(idx_hbm.at[pl.ds(t * B + base, BPW)], idx_v)
            pltpu.async_copy(stacked_hbm.at[idx_v], rows_v, sem).wait()
            pltpu.sync_copy(rows_v, out1.at[t, pl.ds(base, BPW)])
        pltpu.sync_copy(didx_hbm.at[pl.ds(base, BPW)], idx_v)
        pltpu.async_copy(days_hbm.at[idx_v], rows2_v, sem).wait()
        pltpu.sync_copy(rows2_v, out2.at[pl.ds(base, BPW)])

    return gk(stacked, idx_all, days_tab, days_idx)


def _dot(a, b):
    return jnp.dot(a, b, preferred_element_type=jnp.float32)


def _tc_body(gs_ref, gd_ref, x_ref, v_ref,
             pw1_ref, pb1_ref, pw2_ref, pb2_ref,
             uws_ref, uwd_ref, uwa_ref, uwv_ref, ub1_ref, uw2_ref, ub2_ref,
             kcat_ref, ab_ref, evit_ref, vitk_ref, vb_ref,
             rw1_ref, rb1_ref, rw2_ref, rb2_ref, out_ref):
    relu = jax.nn.relu
    u = ub1_ref[...] + _dot(gd_ref[...], uwd_ref[...])
    for i in range(8):
        u = u + _dot(gs_ref[5 + i], uws_ref[i])

    ab = ab_ref[...]
    kcat = kcat_ref[...]
    y0 = y1 = y2 = None
    c_prev = None
    for w in range(30):
        y0, y1, y2 = y1, y2, _dot(x_ref[:, w, :], kcat)
        if w >= 2:
            t = w - 2
            c = relu(y0[:, 0:32] + y1[:, 32:64] + y2[:, 64:96] + ab)
            if t >= 1:
                u = u + _dot(jnp.maximum(c_prev, c),
                             uwa_ref[(t - 1) * 32:t * 32, :])
            c_prev = c

    ev = evit_ref[...]
    m = [_dot(ev, vitk_ref[d]) for d in range(3)]
    vb = vb_ref[...]
    vmat = v_ref[...]
    c_prev = None
    for t in range(28):
        s = vb
        for d in range(3):
            col = vmat[:, t + d:t + d + 1]
            md = m[d]
            for j in range(3):
                s = s + (col == j).astype(jnp.float32) * md[j:j + 1, :]
        c = relu(s)
        if t >= 1:
            u = u + _dot(jnp.maximum(c_prev, c),
                         uwv_ref[(t - 1) * 32:t * 32, :])
        c_prev = c

    user_emb = relu(_dot(relu(u), uw2_ref[...]) + ub2_ref[...])

    p = pb1_ref[...]
    for i in range(5):
        p = p + _dot(gs_ref[i], pw1_ref[i])
    phone_emb = relu(_dot(relu(p), pw2_ref[...]) + pb2_ref[...])

    r = relu(_dot(user_emb, rw1_ref[0:32, :]) +
             _dot(phone_emb, rw1_ref[32:64, :]) + rb1_ref[...])
    out_ref[...] = jax.nn.sigmoid(_dot(r, rw2_ref[...]) + rb2_ref[...])


def _full(shape):
    nd = len(shape)
    return pl.BlockSpec(shape, lambda i, nd=nd: (0,) * nd)


def kernel(brand, modelname, version, phone_log_model, phone_raw_model,
           total_use_days, user_age, user_sex, user_degree, resident_province,
           resident_city, resident_city_type, sale_channel_1, sale_channel_2,
           vatality, all_app, emb_brand, emb_model, emb_version, emb_phone_log,
           emb_phone_raw, phone_W1, phone_b1, phone_W2, phone_b2, emb_age,
           emb_sex, emb_degree, emb_province, emb_city, emb_city_type, emb_ch1,
           emb_ch2, emb_use_days, emb_vitality, conv_vit_k, conv_vit_b,
           conv_app_k, conv_app_b, user_W1, user_b1, user_W2, user_b2,
           rate_W1, rate_b1, rate_W2, rate_b2):
    f32 = jnp.float32
    tables = [emb_brand, emb_model, emb_version, emb_phone_log, emb_phone_raw,
              emb_age, emb_sex, emb_degree, emb_province, emb_city,
              emb_city_type, emb_ch1, emb_ch2]
    stacked = jnp.pad(jnp.concatenate(tables, axis=0), ((0, 0), (0, 6)))
    offs, acc = [], 0
    for s in _SIZES:
        offs.append(acc)
        acc += s
    idx_cols = [brand, modelname, version, phone_log_model, phone_raw_model,
                user_age, user_sex, user_degree, resident_province,
                resident_city, resident_city_type, sale_channel_1,
                sale_channel_2]
    idx_all = jnp.concatenate(
        [c[:, 0].astype(jnp.int32) + o for c, o in zip(idx_cols, offs)])
    days_tab = jnp.pad(emb_use_days, ((0, 0), (0, 12)))
    days_idx = total_use_days[:, 0].astype(jnp.int32)

    g_small, g_days = _sc_gather(stacked, idx_all, days_tab, days_idx)

    pw1 = jnp.pad(phone_W1.reshape(5, 10, 128), ((0, 0), (0, 6), (0, 0)))
    uws = jnp.pad(user_W1[0:80].reshape(8, 10, 128), ((0, 0), (0, 6), (0, 0)))
    uwd = jnp.pad(user_W1[80:180], ((0, 12), (0, 0)))
    uwa = user_W1[180:1044]
    uwv = user_W1[1044:1908]
    kcat = jnp.concatenate([conv_app_k[0], conv_app_k[1], conv_app_k[2]],
                           axis=1)

    out = pl.pallas_call(
        _tc_body,
        grid=(B // BB,),
        in_specs=[
            pl.BlockSpec((_NT, BB, 16), lambda i: (0, i, 0)),
            pl.BlockSpec((BB, 112), lambda i: (i, 0)),
            pl.BlockSpec((BB, 30, 609), lambda i: (i, 0, 0)),
            pl.BlockSpec((BB, 30), lambda i: (i, 0)),
            _full((5, 16, 128)), _full((1, 128)), _full((128, 32)),
            _full((1, 32)),
            _full((8, 16, 128)), _full((112, 128)), _full((864, 128)),
            _full((864, 128)), _full((1, 128)), _full((128, 32)),
            _full((1, 32)),
            _full((609, 96)), _full((1, 32)), _full((3, 10)),
            _full((3, 10, 32)), _full((1, 32)),
            _full((64, 64)), _full((1, 64)), _full((64, 1)), _full((1, 1)),
        ],
        out_specs=pl.BlockSpec((BB, 1), lambda i: (i, 0)),
        out_shape=jax.ShapeDtypeStruct((B, 1), f32),
        compiler_params=pltpu.CompilerParams(
            dimension_semantics=("arbitrary",)),
    )(g_small, g_days, all_app, vatality,
      pw1, phone_b1.reshape(1, 128), phone_W2, phone_b2.reshape(1, 32),
      uws, uwd, uwa, uwv, user_b1.reshape(1, 128), user_W2,
      user_b2.reshape(1, 32),
      kcat, conv_app_b.reshape(1, 32), emb_vitality, conv_vit_k,
      conv_vit_b.reshape(1, 32),
      rate_W1, rate_b1.reshape(1, 64), rate_W2, rate_b2.reshape(1, 1))
    return out

# --- scband reference (transcript-rebuilt; emitter-appended) ---
"""Pipeline reference for scband-ranking-model-26749056320131 (READ-ONLY COPY).

The authoritative reference and input builder live on the scoring server;
editing this copy changes nothing except your own understanding.
"""

import jax, jax.numpy as jnp
import numpy as np

B = 4096

def _conv1d_relu(x, k, b):
    out = jax.lax.conv_general_dilated(x, k, window_strides=(1,), padding='VALID', dimension_numbers=('NWC', 'WIO', 'NWC'))
    return jax.nn.relu(out + b)

def _maxpool1d(x):
    return jnp.maximum(x[:, :-1, :], x[:, 1:, :])

def _forward(ints, floats):
    (brand, modelname, version, phone_log_model, phone_raw_model,
     total_use_days, user_age, user_sex, user_degree, resident_province,
     resident_city, resident_city_type, sale_channel_1, sale_channel_2, vatality) = ints
    (all_app, emb_brand, emb_model, emb_version, emb_phone_log, emb_phone_raw,
     phone_W1, phone_b1, phone_W2, phone_b2,
     emb_age, emb_sex, emb_degree, emb_province, emb_city, emb_city_type,
     emb_ch1, emb_ch2, emb_use_days, emb_vitality,
     conv_vit_k, conv_vit_b, conv_app_k, conv_app_b,
     user_W1, user_b1, user_W2, user_b2,
     rate_W1, rate_b1, rate_W2, rate_b2) = floats
    # phone tower
    pctx = jnp.concatenate([
        emb_brand[brand[:, 0]], emb_model[modelname[:, 0]], emb_version[version[:, 0]],
        emb_phone_log[phone_log_model[:, 0]], emb_phone_raw[phone_raw_model[:, 0]]], axis=1)
    p = jax.nn.relu(pctx @ phone_W1 + phone_b1)
    phone_emb = jax.nn.relu(p @ phone_W2 + phone_b2)
    # user tower
    vit = emb_vitality[vatality]  # [B, 30, 10]
    vit = _maxpool1d(_conv1d_relu(vit, conv_vit_k, conv_vit_b)).reshape(vatality.shape[0], -1)
    app = _maxpool1d(_conv1d_relu(all_app, conv_app_k, conv_app_b)).reshape(all_app.shape[0], -1)
    uctx = jnp.concatenate([
        emb_age[user_age[:, 0]], emb_sex[user_sex[:, 0]], emb_degree[user_degree[:, 0]],
        emb_province[resident_province[:, 0]], emb_city[resident_city[:, 0]],
        emb_city_type[resident_city_type[:, 0]], emb_ch1[sale_channel_1[:, 0]],
        emb_ch2[sale_channel_2[:, 0]], emb_use_days[total_use_days[:, 0]],
        app, vit], axis=1)
    u = jax.nn.relu(uctx @ user_W1 + user_b1)
    user_emb = jax.nn.relu(u @ user_W2 + user_b2)
    # ratings head
    h = jnp.concatenate([user_emb, phone_emb], axis=1)
    h = jax.nn.relu(h @ rate_W1 + rate_b1)
    return jax.nn.sigmoid(h @ rate_W2 + rate_b2)


def setup_inputs(seed: int = 0):
    key = jax.random.key(seed)
    ks = jax.random.split(key, 64)
    def ri(i, shape, hi):
        return jax.random.randint(ks[i], shape, 0, hi)
    def rn(i, shape, s=0.02):
        return jax.random.normal(ks[i], shape, dtype=jnp.float32) * s
    inp = {}
    inp['brand'] = ri(0, (B, 1), 100)
    inp['modelname'] = ri(1, (B, 1), 5000)
    inp['version'] = ri(2, (B, 1), 50)
    inp['phone_log_model'] = ri(3, (B, 1), 10000)
    inp['phone_raw_model'] = ri(4, (B, 1), 10000)
    inp['total_use_days'] = ri(5, (B, 1), 5000)
    inp['user_age'] = ri(6, (B, 1), 100)
    inp['user_sex'] = ri(7, (B, 1), 3)
    inp['user_degree'] = ri(8, (B, 1), 10)
    inp['resident_province'] = ri(9, (B, 1), 35)
    inp['resident_city'] = ri(10, (B, 1), 400)
    inp['resident_city_type'] = ri(11, (B, 1), 6)
    inp['sale_channel_1'] = ri(12, (B, 1), 50)
    inp['sale_channel_2'] = ri(13, (B, 1), 200)
    inp['vatality'] = ri(14, (B, 30), 3)
    inp['all_app'] = rn(15, (B, 30, 609), 1.0)
    inp['emb_brand'] = rn(16, (100, 10))
    inp['emb_model'] = rn(17, (5000, 10))
    inp['emb_version'] = rn(18, (50, 10))
    inp['emb_phone_log'] = rn(19, (10000, 10))
    inp['emb_phone_raw'] = rn(20, (10000, 10))
    inp['phone_W1'] = rn(21, (50, 128))
    inp['phone_b1'] = rn(22, (128,))
    inp['phone_W2'] = rn(23, (128, 32))
    inp['phone_b2'] = rn(24, (32,))
    inp['emb_age'] = rn(25, (100, 10))
    inp['emb_sex'] = rn(26, (3, 10))
    inp['emb_degree'] = rn(27, (10, 10))
    inp['emb_province'] = rn(28, (35, 10))
    inp['emb_city'] = rn(29, (400, 10))
    inp['emb_city_type'] = rn(30, (6, 10))
    inp['emb_ch1'] = rn(31, (50, 10))
    inp['emb_ch2'] = rn(32, (200, 10))
    inp['emb_use_days'] = rn(33, (5000, 100))
    inp['emb_vitality'] = rn(34, (3, 10))
    inp['conv_vit_k'] = rn(35, (3, 10, 32))
    inp['conv_vit_b'] = rn(36, (32,))
    inp['conv_app_k'] = rn(37, (3, 609, 32))
    inp['conv_app_b'] = rn(38, (32,))
    inp['user_W1'] = rn(39, (1908, 128))
    inp['user_b1'] = rn(40, (128,))
    inp['user_W2'] = rn(41, (128, 32))
    inp['user_b2'] = rn(42, (32,))
    inp['rate_W1'] = rn(43, (64, 64))
    inp['rate_b1'] = rn(44, (64,))
    inp['rate_W2'] = rn(45, (64, 1))
    inp['rate_b2'] = rn(46, (1,))
    return inp


def reference(brand, modelname, version, phone_log_model, phone_raw_model,
              total_use_days, user_age, user_sex, user_degree, resident_province,
              resident_city, resident_city_type, sale_channel_1, sale_channel_2, vatality,
              all_app, emb_brand, emb_model, emb_version, emb_phone_log, emb_phone_raw,
              phone_W1, phone_b1, phone_W2, phone_b2,
              emb_age, emb_sex, emb_degree, emb_province, emb_city, emb_city_type,
              emb_ch1, emb_ch2, emb_use_days, emb_vitality,
              conv_vit_k, conv_vit_b, conv_app_k, conv_app_b,
              user_W1, user_b1, user_W2, user_b2,
              rate_W1, rate_b1, rate_W2, rate_b2):
    ints = (brand, modelname, version, phone_log_model, phone_raw_model,
            total_use_days, user_age, user_sex, user_degree, resident_province,
            resident_city, resident_city_type, sale_channel_1, sale_channel_2, vatality)
    floats = (all_app, emb_brand, emb_model, emb_version, emb_phone_log, emb_phone_raw,
              phone_W1, phone_b1, phone_W2, phone_b2,
              emb_age, emb_sex, emb_degree, emb_province, emb_city, emb_city_type,
              emb_ch1, emb_ch2, emb_use_days, emb_vitality,
              conv_vit_k, conv_vit_b, conv_app_k, conv_app_b,
              user_W1, user_b1, user_W2, user_b2,
              rate_W1, rate_b1, rate_W2, rate_b2)
    return _forward(ints, floats)

if __name__ == "__main__":
    import jax
    _d = setup_inputs()
    print(jax.jit(kernel)(*tuple(_d.values())))

</pallas_src>

<mosaic_0001>
#map = affine_map<(d0, d1) -> (0, 0)>
#map1 = affine_map<(d0, d1) -> (0)>
#map2 = affine_map<(d0, d1) -> (0, 0, 0)>
module attributes {stable_mosaic.version = 14 : i64} {
  func.func @gk(%arg0: i32, %arg1: i32, %arg2: memref<25954x16xf32, #tpu.memory_space<hbm>>, %arg3: memref<53248xi32, #tpu.memory_space<hbm>>, %arg4: memref<5000x112xf32, #tpu.memory_space<hbm>>, %arg5: memref<4096xi32, #tpu.memory_space<hbm>>, %arg6: memref<13x4096x16xf32, #tpu.memory_space<hbm>>, %arg7: memref<4096x112xf32, #tpu.memory_space<hbm>>, %arg8: memref<128xi32, #tpu.memory_space<vmem>>, %arg9: memref<128x16xf32, #tpu.memory_space<vmem>>, %arg10: memref<128x112xf32, #tpu.memory_space<vmem>>, %arg11: memref<!tpu.dma_semaphore, #tpu.memory_space<semaphore_mem>>) attributes {dimension_semantics = [#tpu.dimension_semantics<core_parallel>, #tpu.dimension_semantics<subcore_parallel>], iteration_bounds = array<i64: 2, 16>, scalar_prefetch = 0 : i64, scratch_operands = 4 : i64, tpu.core_type = #tpu.core_type<sc_vector_subcore>, window_params = [{transform_indices = #map}, {transform_indices = #map1}, {transform_indices = #map}, {transform_indices = #map1}, {transform_indices = #map2}, {transform_indices = #map}]} {
    %mul3A = arith.constant 2 : i32
    %mul3A_0 = arith.muli %arg1, %mul3A : i32
    %add3A = arith.addi %mul3A_0, %arg0 : i32
    %mul3A_1 = arith.constant 128 : i32
    %mul3A_2 = arith.muli %add3A, %mul3A_1 : i32
    %add3A_3 = arith.constant 0 : i32
    %add3A_4 = arith.addi %add3A_3, %mul3A_2 : i32
    "tpu.region"() ({
      %run_scoped3A_123 = tpu.sem_alloc : memref<!tpu.dma_semaphore, #tpu.memory_space<semaphore_mem>>
      %dma_start3A_124 = tpu.memref_slice %arg3[%add3A_4] : memref<53248xi32, #tpu.memory_space<hbm>> -> memref<128xi32, #tpu.memory_space<hbm>>
      %dma_start3A_125 = tpu.memref_slice %arg3[%add3A_4] : memref<53248xi32, #tpu.memory_space<hbm>> -> memref<128xi32, #tpu.memory_space<hbm>>
      tpu.enqueue_dma source(%dma_start3A_125 : memref<128xi32, #tpu.memory_space<hbm>>) target(%arg8 : memref<128xi32, #tpu.memory_space<vmem>>) target_semaphore(%run_scoped3A_123 : memref<!tpu.dma_semaphore, #tpu.memory_space<semaphore_mem>>)
      %dma_wait3A_126 = tpu.memref_slice %arg3[%add3A_4] : memref<53248xi32, #tpu.memory_space<hbm>> -> memref<128xi32, #tpu.memory_space<hbm>>
      %dma_wait3A_127 = tpu.memref_slice %arg3[%add3A_4] : memref<53248xi32, #tpu.memory_space<hbm>> -> memref<128xi32, #tpu.memory_space<hbm>>
      tpu.wait_dma2 semaphore(%run_scoped3A_123 : memref<!tpu.dma_semaphore, #tpu.memory_space<semaphore_mem>>) src(%dma_wait3A_127 : memref<128xi32, #tpu.memory_space<hbm>>) dst(%arg8 : memref<128xi32, #tpu.memory_space<vmem>>)
      tpu.yield
    }) : () -> ()
    %dma_start3A = arith.constant 0 : i32
    %dma_start3A_5 = arith.constant 0 : i32
    %dma_start3A_6 = tpu.memref_slice %arg2[%dma_start3A, %dma_start3A_5] : memref<25954x16xf32, #tpu.memory_space<hbm>> -> memref<25954x16xf32, #tpu.memory_space<hbm>>
    tpu.enqueue_indirect_dma source(%dma_start3A_6 : memref<25954x16xf32, #tpu.memory_space<hbm>>) target(%arg9 : memref<128x16xf32, #tpu.memory_space<vmem>>) offsets(%arg8 : memref<128xi32, #tpu.memory_space<vmem>>) semaphore(%arg11 : memref<!tpu.dma_semaphore, #tpu.memory_space<semaphore_mem>>)
    %dma_wait3A = arith.constant 0 : i32
    %dma_wait3A_7 = arith.constant 0 : i32
    %dma_wait3A_8 = tpu.memref_slice %arg2[%dma_wait3A, %dma_wait3A_7] : memref<25954x16xf32, #tpu.memory_space<hbm>> -> memref<25954x16xf32, #tpu.memory_space<hbm>>
    tpu.wait_indirect_dma semaphore(%arg11 : memref<!tpu.dma_semaphore, #tpu.memory_space<semaphore_mem>>) src(%dma_wait3A_8 : memref<25954x16xf32, #tpu.memory_space<hbm>>) dst(%arg9 : memref<128x16xf32, #tpu.memory_space<vmem>>)
    %run_scoped3A = arith.constant 0 : i32
    "tpu.region"() ({
      %run_scoped3A_123 = tpu.sem_alloc : memref<!tpu.dma_semaphore, #tpu.memory_space<semaphore_mem>>
      %dma_start3A_124 = arith.constant 0 : i32
      %dma_start3A_125 = tpu.memref_slice %arg6[%run_scoped3A, %mul3A_2, %dma_start3A_124] : memref<13x4096x16xf32, #tpu.memory_space<hbm>> -> memref<1x128x16xf32, #tpu.memory_space<hbm>>
      %dma_start3A_126 = tpu.memref_squeeze %dma_start3A_125 : memref<1x128x16xf32, #tpu.memory_space<hbm>> -> memref<128x16xf32, #tpu.memory_space<hbm>>
      %dma_start3A_127 = arith.constant 0 : i32
      %dma_start3A_128 = tpu.memref_slice %arg6[%run_scoped3A, %mul3A_2, %dma_start3A_127] : memref<13x4096x16xf32, #tpu.memory_space<hbm>> -> memref<1x128x16xf32, #tpu.memory_space<hbm>>
      %dma_start3A_129 = tpu.memref_squeeze %dma_start3A_128 : memref<1x128x16xf32, #tpu.memory_space<hbm>> -> memref<128x16xf32, #tpu.memory_space<hbm>>
      tpu.enqueue_dma source(%arg9 : memref<128x16xf32, #tpu.memory_space<vmem>>) target(%dma_start3A_129 : memref<128x16xf32, #tpu.memory_space<hbm>>) target_semaphore(%run_scoped3A_123 : memref<!tpu.dma_semaphore, #tpu.memory_space<semaphore_mem>>)
      %dma_wait3A_130 = arith.constant 0 : i32
      %dma_wait3A_131 = tpu.memref_slice %arg6[%run_scoped3A, %mul3A_2, %dma_wait3A_130] : memref<13x4096x16xf32, #tpu.memory_space<hbm>> -> memref<1x128x16xf32, #tpu.memory_space<hbm>>
      %dma_wait3A_132 = tpu.memref_squeeze %dma_wait3A_131 : memref<1x128x16xf32, #tpu.memory_space<hbm>> -> memref<128x16xf32, #tpu.memory_space<hbm>>
      %dma_wait3A_133 = arith.constant 0 : i32
      %dma_wait3A_134 = tpu.memref_slice %arg6[%run_scoped3A, %mul3A_2, %dma_wait3A_133] : memref<13x4096x16xf32, #tpu.memory_space<hbm>> -> memref<1x128x16xf32, #tpu.memory_space<hbm>>
      %dma_wait3A_135 = tpu.memref_squeeze %dma_wait3A_134 : memref<1x128x16xf32, #tpu.memory_space<hbm>> -> memref<128x16xf32, #tpu.memory_space<hbm>>
      tpu.wait_dma2 semaphore(%run_scoped3A_123 : memref<!tpu.dma_semaphore, #tpu.memory_space<semaphore_mem>>) src(%arg9 : memref<128x16xf32, #tpu.memory_space<vmem>>) dst(%dma_wait3A_135 : memref<128x16xf32, #tpu.memory_space<hbm>>)
      tpu.yield
    }) : () -> ()
    %add3A_9 = arith.constant 4096 : i32
    %add3A_10 = arith.addi %add3A_9, %mul3A_2 : i32
    "tpu.region"() ({
      %run_scoped3A_123 = tpu.sem_alloc : memref<!tpu.dma_semaphore, #tpu.memory_space<semaphore_mem>>
      %dma_start3A_124 = tpu.memref_slice %arg3[%add3A_10] : memref<53248xi32, #tpu.memory_space<hbm>> -> memref<128xi32, #tpu.memory_space<hbm>>
      %dma_start3A_125 = tpu.memref_slice %arg3[%add3A_10] : memref<53248xi32, #tpu.memory_space<hbm>> -> memref<128xi32, #tpu.memory_space<hbm>>
      tpu.enqueue_dma source(%dma_start3A_125 : memref<128xi32, #tpu.memory_space<hbm>>) target(%arg8 : memref<128xi32, #tpu.memory_space<vmem>>) target_semaphore(%run_scoped3A_123 : memref<!tpu.dma_semaphore, #tpu.memory_space<semaphore_mem>>)
      %dma_wait3A_126 = tpu.memref_slice %arg3[%add3A_10] : memref<53248xi32, #tpu.memory_space<hbm>> -> memref<128xi32, #tpu.memory_space<hbm>>
      %dma_wait3A_127 = tpu.memref_slice %arg3[%add3A_10] : memref<53248xi32, #tpu.memory_space<hbm>> -> memref<128xi32, #tpu.memory_space<hbm>>
      tpu.wait_dma2 semaphore(%run_scoped3A_123 : memref<!tpu.dma_semaphore, #tpu.memory_space<semaphore_mem>>) src(%dma_wait3A_127 : memref<128xi32, #tpu.memory_space<hbm>>) dst(%arg8 : memref<128xi32, #tpu.memory_space<vmem>>)
      tpu.yield
    }) : () -> ()
    %dma_start3A_11 = arith.constant 0 : i32
    %dma_start3A_12 = arith.constant 0 : i32
    %dma_start3A_13 = tpu.memref_slice %arg2[%dma_start3A_11, %dma_start3A_12] : memref<25954x16xf32, #tpu.memory_space<hbm>> -> memref<25954x16xf32, #tpu.memory_space<hbm>>
    tpu.enqueue_indirect_dma source(%dma_start3A_13 : memref<25954x16xf32, #tpu.memory_space<hbm>>) target(%arg9 : memref<128x16xf32, #tpu.memory_space<vmem>>) offsets(%arg8 : memref<128xi32, #tpu.memory_space<vmem>>) semaphore(%arg11 : memref<!tpu.dma_semaphore, #tpu.memory_space<semaphore_mem>>)
    %dma_wait3A_14 = arith.constant 0 : i32
    %dma_wait3A_15 = arith.constant 0 : i32
    %dma_wait3A_16 = tpu.memref_slice %arg2[%dma_wait3A_14, %dma_wait3A_15] : memref<25954x16xf32, #tpu.memory_space<hbm>> -> memref<25954x16xf32, #tpu.memory_space<hbm>>
    tpu.wait_indirect_dma semaphore(%arg11 : memref<!tpu.dma_semaphore, #tpu.memory_space<semaphore_mem>>) src(%dma_wait3A_16 : memref<25954x16xf32, #tpu.memory_space<hbm>>) dst(%arg9 : memref<128x16xf32, #tpu.memory_space<vmem>>)
    %run_scoped3A_17 = arith.constant 1 : i32
    "tpu.region"() ({
      %run_scoped3A_123 = tpu.sem_alloc : memref<!tpu.dma_semaphore, #tpu.memory_space<semaphore_mem>>
      %dma_start3A_124 = arith.constant 0 : i32
      %dma_start3A_125 = tpu.memref_slice %arg6[%run_scoped3A_17, %mul3A_2, %dma_start3A_124] : memref<13x4096x16xf32, #tpu.memory_space<hbm>> -> memref<1x128x16xf32, #tpu.memory_space<hbm>>
      %dma_start3A_126 = tpu.memref_squeeze %dma_start3A_125 : memref<1x128x16xf32, #tpu.memory_space<hbm>> -> memref<128x16xf32, #tpu.memory_space<hbm>>
      %dma_start3A_127 = arith.constant 0 : i32
      %dma_start3A_128 = tpu.memref_slice %arg6[%run_scoped3A_17, %mul3A_2, %dma_start3A_127] : memref<13x4096x16xf32, #tpu.memory_space<hbm>> -> memref<1x128x16xf32, #tpu.memory_space<hbm>>
      %dma_start3A_129 = tpu.memref_squeeze %dma_start3A_128 : memref<1x128x16xf32, #tpu.memory_space<hbm>> -> memref<128x16xf32, #tpu.memory_space<hbm>>
      tpu.enqueue_dma source(%arg9 : memref<128x16xf32, #tpu.memory_space<vmem>>) target(%dma_start3A_129 : memref<128x16xf32, #tpu.memory_space<hbm>>) target_semaphore(%run_scoped3A_123 : memref<!tpu.dma_semaphore, #tpu.memory_space<semaphore_mem>>)
      %dma_wait3A_130 = arith.constant 0 : i32
      %dma_wait3A_131 = tpu.memref_slice %arg6[%run_scoped3A_17, %mul3A_2, %dma_wait3A_130] : memref<13x4096x16xf32, #tpu.memory_space<hbm>> -> memref<1x128x16xf32, #tpu.memory_space<hbm>>
      %dma_wait3A_132 = tpu.memref_squeeze %dma_wait3A_131 : memref<1x128x16xf32, #tpu.memory_space<hbm>> -> memref<128x16xf32, #tpu.memory_space<hbm>>
      %dma_wait3A_133 = arith.constant 0 : i32
      %dma_wait3A_134 = tpu.memref_slice %arg6[%run_scoped3A_17, %mul3A_2, %dma_wait3A_133] : memref<13x4096x16xf32, #tpu.memory_space<hbm>> -> memref<1x128x16xf32, #tpu.memory_space<hbm>>
      %dma_wait3A_135 = tpu.memref_squeeze %dma_wait3A_134 : memref<1x128x16xf32, #tpu.memory_space<hbm>> -> memref<128x16xf32, #tpu.memory_space<hbm>>
      tpu.wait_dma2 semaphore(%run_scoped3A_123 : memref<!tpu.dma_semaphore, #tpu.memory_space<semaphore_mem>>) src(%arg9 : memref<128x16xf32, #tpu.memory_space<vmem>>) dst(%dma_wait3A_135 : memref<128x16xf32, #tpu.memory_space<hbm>>)
      tpu.yield
    }) : () -> ()
    %add3A_18 = arith.constant 8192 : i32
    %add3A_19 = arith.addi %add3A_18, %mul3A_2 : i32
    "tpu.region"() ({
      %run_scoped3A_123 = tpu.sem_alloc : memref<!tpu.dma_semaphore, #tpu.memory_space<semaphore_mem>>
      %dma_start3A_124 = tpu.memref_slice %arg3[%add3A_19] : memref<53248xi32, #tpu.memory_space<hbm>> -> memref<128xi32, #tpu.memory_space<hbm>>
      %dma_start3A_125 = tpu.memref_slice %arg3[%add3A_19] : memref<53248xi32, #tpu.memory_space<hbm>> -> memref<128xi32, #tpu.memory_space<hbm>>
      tpu.enqueue_dma source(%dma_start3A_125 : memref<128xi32, #tpu.memory_space<hbm>>) target(%arg8 : memref<128xi32, #tpu.memory_space<vmem>>) target_semaphore(%run_scoped3A_123 : memref<!tpu.dma_semaphore, #tpu.memory_space<semaphore_mem>>)
      %dma_wait3A_126 = tpu.memref_slice %arg3[%add3A_19] : memref<53248xi32, #tpu.memory_space<hbm>> -> memref<128xi32, #tpu.memory_space<hbm>>
      %dma_wait3A_127 = tpu.memref_slice %arg3[%add3A_19] : memref<53248xi32, #tpu.memory_space<hbm>> -> memref<128xi32, #tpu.memory_space<hbm>>
      tpu.wait_dma2 semaphore(%run_scoped3A_123 : memref<!tpu.dma_semaphore, #tpu.memory_space<semaphore_mem>>) src(%dma_wait3A_127 : memref<128xi32, #tpu.memory_space<hbm>>) dst(%arg8 : memref<128xi32, #tpu.memory_space<vmem>>)
      tpu.yield
    }) : () -> ()
    %dma_start3A_20 = arith.constant 0 : i32
    %dma_start3A_21 = arith.constant 0 : i32
    %dma_start3A_22 = tpu.memref_slice %arg2[%dma_start3A_20, %dma_start3A_21] : memref<25954x16xf32, #tpu.memory_space<hbm>> -> memref<25954x16xf32, #tpu.memory_space<hbm>>
    tpu.enqueue_indirect_dma source(%dma_start3A_22 : memref<25954x16xf32, #tpu.memory_space<hbm>>) target(%arg9 : memref<128x16xf32, #tpu.memory_space<vmem>>) offsets(%arg8 : memref<128xi32, #tpu.memory_space<vmem>>) semaphore(%arg11 : memref<!tpu.dma_semaphore, #tpu.memory_space<semaphore_mem>>)
    %dma_wait3A_23 = arith.constant 0 : i32
    %dma_wait3A_24 = arith.constant 0 : i32
    %dma_wait3A_25 = tpu.memref_slice %arg2[%dma_wait3A_23, %dma_wait3A_24] : memref<25954x16xf32, #tpu.memory_space<hbm>> -> memref<25954x16xf32, #tpu.memory_space<hbm>>
    tpu.wait_indirect_dma semaphore(%arg11 : memref<!tpu.dma_semaphore, #tpu.memory_space<semaphore_mem>>) src(%dma_wait3A_25 : memref<25954x16xf32, #tpu.memory_space<hbm>>) dst(%arg9 : memref<128x16xf32, #tpu.memory_space<vmem>>)
    %run_scoped3A_26 = arith.constant 2 : i32
    "tpu.region"() ({
      %run_scoped3A_123 = tpu.sem_alloc : memref<!tpu.dma_semaphore, #tpu.memory_space<semaphore_mem>>
      %dma_start3A_124 = arith.constant 0 : i32
      %dma_start3A_125 = tpu.memref_slice %arg6[%run_scoped3A_26, %mul3A_2, %dma_start3A_124] : memref<13x4096x16xf32, #tpu.memory_space<hbm>> -> memref<1x128x16xf32, #tpu.memory_space<hbm>>
      %dma_start3A_126 = tpu.memref_squeeze %dma_start3A_125 : memref<1x128x16xf32, #tpu.memory_space<hbm>> -> memref<128x16xf32, #tpu.memory_space<hbm>>
      %dma_start3A_127 = arith.constant 0 : i32
      %dma_start3A_128 = tpu.memref_slice %arg6[%run_scoped3A_26, %mul3A_2, %dma_start3A_127] : memref<13x4096x16xf32, #tpu.memory_space<hbm>> -> memref<1x128x16xf32, #tpu.memory_space<hbm>>
      %dma_start3A_129 = tpu.memref_squeeze %dma_start3A_128 : memref<1x128x16xf32, #tpu.memory_space<hbm>> -> memref<128x16xf32, #tpu.memory_space<hbm>>
      tpu.enqueue_dma source(%arg9 : memref<128x16xf32, #tpu.memory_space<vmem>>) target(%dma_start3A_129 : memref<128x16xf32, #tpu.memory_space<hbm>>) target_semaphore(%run_scoped3A_123 : memref<!tpu.dma_semaphore, #tpu.memory_space<semaphore_mem>>)
      %dma_wait3A_130 = arith.constant 0 : i32
      %dma_wait3A_131 = tpu.memref_slice %arg6[%run_scoped3A_26, %mul3A_2, %dma_wait3A_130] : memref<13x4096x16xf32, #tpu.memory_space<hbm>> -> memref<1x128x16xf32, #tpu.memory_space<hbm>>
      %dma_wait3A_132 = tpu.memref_squeeze %dma_wait3A_131 : memref<1x128x16xf32, #tpu.memory_space<hbm>> -> memref<128x16xf32, #tpu.memory_space<hbm>>
      %dma_wait3A_133 = arith.constant 0 : i32
      %dma_wait3A_134 = tpu.memref_slice %arg6[%run_scoped3A_26, %mul3A_2, %dma_wait3A_133] : memref<13x4096x16xf32, #tpu.memory_space<hbm>> -> memref<1x128x16xf32, #tpu.memory_space<hbm>>
      %dma_wait3A_135 = tpu.memref_squeeze %dma_wait3A_134 : memref<1x128x16xf32, #tpu.memory_space<hbm>> -> memref<128x16xf32, #tpu.memory_space<hbm>>
      tpu.wait_dma2 semaphore(%run_scoped3A_123 : memref<!tpu.dma_semaphore, #tpu.memory_space<semaphore_mem>>) src(%arg9 : memref<128x16xf32, #tpu.memory_space<vmem>>) dst(%dma_wait3A_135 : memref<128x16xf32, #tpu.memory_space<hbm>>)
      tpu.yield
    }) : () -> ()
    %add3A_27 = arith.constant 12288 : i32
    %add3A_28 = arith.addi %add3A_27, %mul3A_2 : i32
    "tpu.region"() ({
      %run_scoped3A_123 = tpu.sem_alloc : memref<!tpu.dma_semaphore, #tpu.memory_space<semaphore_mem>>
      %dma_start3A_124 = tpu.memref_slice %arg3[%add3A_28] : memref<53248xi32, #tpu.memory_space<hbm>> -> memref<128xi32, #tpu.memory_space<hbm>>
      %dma_start3A_125 = tpu.memref_slice %arg3[%add3A_28] : memref<53248xi32, #tpu.memory_space<hbm>> -> memref<128xi32, #tpu.memory_space<hbm>>
      tpu.enqueue_dma source(%dma_start3A_125 : memref<128xi32, #tpu.memory_space<hbm>>) target(%arg8 : memref<128xi32, #tpu.memory_space<vmem>>) target_semaphore(%run_scoped3A_123 : memref<!tpu.dma_semaphore, #tpu.memory_space<semaphore_mem>>)
      %dma_wait3A_126 = tpu.memref_slice %arg3[%add3A_28] : memref<53248xi32, #tpu.memory_space<hbm>> -> memref<128xi32, #tpu.memory_space<hbm>>
      %dma_wait3A_127 = tpu.memref_slice %arg3[%add3A_28] : memref<53248xi32, #tpu.memory_space<hbm>> -> memref<128xi32, #tpu.memory_space<hbm>>
      tpu.wait_dma2 semaphore(%run_scoped3A_123 : memref<!tpu.dma_semaphore, #tpu.memory_space<semaphore_mem>>) src(%dma_wait3A_127 : memref<128xi32, #tpu.memory_space<hbm>>) dst(%arg8 : memref<128xi32, #tpu.memory_space<vmem>>)
      tpu.yield
    }) : () -> ()
    %dma_start3A_29 = arith.constant 0 : i32
    %dma_start3A_30 = arith.constant 0 : i32
    %dma_start3A_31 = tpu.memref_slice %arg2[%dma_start3A_29, %dma_start3A_30] : memref<25954x16xf32, #tpu.memory_space<hbm>> -> memref<25954x16xf32, #tpu.memory_space<hbm>>
    tpu.enqueue_indirect_dma source(%dma_start3A_31 : memref<25954x16xf32, #tpu.memory_space<hbm>>) target(%arg9 : memref<128x16xf32, #tpu.memory_space<vmem>>) offsets(%arg8 : memref<128xi32, #tpu.memory_space<vmem>>) semaphore(%arg11 : memref<!tpu.dma_semaphore, #tpu.memory_space<semaphore_mem>>)
    %dma_wait3A_32 = arith.constant 0 : i32
    %dma_wait3A_33 = arith.constant 0 : i32
    %dma_wait3A_34 = tpu.memref_slice %arg2[%dma_wait3A_32, %dma_wait3A_33] : memref<25954x16xf32, #tpu.memory_space<hbm>> -> memref<25954x16xf32, #tpu.memory_space<hbm>>
    tpu.wait_indirect_dma semaphore(%arg11 : memref<!tpu.dma_semaphore, #tpu.memory_space<semaphore_mem>>) src(%dma_wait3A_34 : memref<25954x16xf32, #tpu.memory_space<hbm>>) dst(%arg9 : memref<128x16xf32, #tpu.memory_space<vmem>>)
    %run_scoped3A_35 = arith.constant 3 : i32
    "tpu.region"() ({
      %run_scoped3A_123 = tpu.sem_alloc : memref<!tpu.dma_semaphore, #tpu.memory_space<semaphore_mem>>
      %dma_start3A_124 = arith.constant 0 : i32
      %dma_start3A_125 = tpu.memref_slice %arg6[%run_scoped3A_35, %mul3A_2, %dma_start3A_124] : memref<13x4096x16xf32, #tpu.memory_space<hbm>> -> memref<1x128x16xf32, #tpu.memory_space<hbm>>
      %dma_start3A_126 = tpu.memref_squeeze %dma_start3A_125 : memref<1x128x16xf32, #tpu.memory_space<hbm>> -> memref<128x16xf32, #tpu.memory_space<hbm>>
      %dma_start3A_127 = arith.constant 0 : i32
      %dma_start3A_128 = tpu.memref_slice %arg6[%run_scoped3A_35, %mul3A_2, %dma_start3A_127] : memref<13x4096x16xf32, #tpu.memory_space<hbm>> -> memref<1x128x16xf32, #tpu.memory_space<hbm>>
      %dma_start3A_129 = tpu.memref_squeeze %dma_start3A_128 : memref<1x128x16xf32, #tpu.memory_space<hbm>> -> memref<128x16xf32, #tpu.memory_space<hbm>>
      tpu.enqueue_dma source(%arg9 : memref<128x16xf32, #tpu.memory_space<vmem>>) target(%dma_start3A_129 : memref<128x16xf32, #tpu.memory_space<hbm>>) target_semaphore(%run_scoped3A_123 : memref<!tpu.dma_semaphore, #tpu.memory_space<semaphore_mem>>)
      %dma_wait3A_130 = arith.constant 0 : i32
      %dma_wait3A_131 = tpu.memref_slice %arg6[%run_scoped3A_35, %mul3A_2, %dma_wait3A_130] : memref<13x4096x16xf32, #tpu.memory_space<hbm>> -> memref<1x128x16xf32, #tpu.memory_space<hbm>>
      %dma_wait3A_132 = tpu.memref_squeeze %dma_wait3A_131 : memref<1x128x16xf32, #tpu.memory_space<hbm>> -> memref<128x16xf32, #tpu.memory_space<hbm>>
      %dma_wait3A_133 = arith.constant 0 : i32
      %dma_wait3A_134 = tpu.memref_slice %arg6[%run_scoped3A_35, %mul3A_2, %dma_wait3A_133] : memref<13x4096x16xf32, #tpu.memory_space<hbm>> -> memref<1x128x16xf32, #tpu.memory_space<hbm>>
      %dma_wait3A_135 = tpu.memref_squeeze %dma_wait3A_134 : memref<1x128x16xf32, #tpu.memory_space<hbm>> -> memref<128x16xf32, #tpu.memory_space<hbm>>
      tpu.wait_dma2 semaphore(%run_scoped3A_123 : memref<!tpu.dma_semaphore, #tpu.memory_space<semaphore_mem>>) src(%arg9 : memref<128x16xf32, #tpu.memory_space<vmem>>) dst(%dma_wait3A_135 : memref<128x16xf32, #tpu.memory_space<hbm>>)
      tpu.yield
    }) : () -> ()
    %add3A_36 = arith.constant 16384 : i32
    %add3A_37 = arith.addi %add3A_36, %mul3A_2 : i32
    "tpu.region"() ({
      %run_scoped3A_123 = tpu.sem_alloc : memref<!tpu.dma_semaphore, #tpu.memory_space<semaphore_mem>>
      %dma_start3A_124 = tpu.memref_slice %arg3[%add3A_37] : memref<53248xi32, #tpu.memory_space<hbm>> -> memref<128xi32, #tpu.memory_space<hbm>>
      %dma_start3A_125 = tpu.memref_slice %arg3[%add3A_37] : memref<53248xi32, #tpu.memory_space<hbm>> -> memref<128xi32, #tpu.memory_space<hbm>>
      tpu.enqueue_dma source(%dma_start3A_125 : memref<128xi32, #tpu.memory_space<hbm>>) target(%arg8 : memref<128xi32, #tpu.memory_space<vmem>>) target_semaphore(%run_scoped3A_123 : memref<!tpu.dma_semaphore, #tpu.memory_space<semaphore_mem>>)
      %dma_wait3A_126 = tpu.memref_slice %arg3[%add3A_37] : memref<53248xi32, #tpu.memory_space<hbm>> -> memref<128xi32, #tpu.memory_space<hbm>>
      %dma_wait3A_127 = tpu.memref_slice %arg3[%add3A_37] : memref<53248xi32, #tpu.memory_space<hbm>> -> memref<128xi32, #tpu.memory_space<hbm>>
      tpu.wait_dma2 semaphore(%run_scoped3A_123 : memref<!tpu.dma_semaphore, #tpu.memory_space<semaphore_mem>>) src(%dma_wait3A_127 : memref<128xi32, #tpu.memory_space<hbm>>) dst(%arg8 : memref<128xi32, #tpu.memory_space<vmem>>)
      tpu.yield
    }) : () -> ()
    %dma_start3A_38 = arith.constant 0 : i32
    %dma_start3A_39 = arith.constant 0 : i32
    %dma_start3A_40 = tpu.memref_slice %arg2[%dma_start3A_38, %dma_start3A_39] : memref<25954x16xf32, #tpu.memory_space<hbm>> -> memref<25954x16xf32, #tpu.memory_space<hbm>>
    tpu.enqueue_indirect_dma source(%dma_start3A_40 : memref<25954x16xf32, #tpu.memory_space<hbm>>) target(%arg9 : memref<128x16xf32, #tpu.memory_space<vmem>>) offsets(%arg8 : memref<128xi32, #tpu.memory_space<vmem>>) semaphore(%arg11 : memref<!tpu.dma_semaphore, #tpu.memory_space<semaphore_mem>>)
    %dma_wait3A_41 = arith.constant 0 : i32
    %dma_wait3A_42 = arith.constant 0 : i32
    %dma_wait3A_43 = tpu.memref_slice %arg2[%dma_wait3A_41, %dma_wait3A_42] : memref<25954x16xf32, #tpu.memory_space<hbm>> -> memref<25954x16xf32, #tpu.memory_space<hbm>>
    tpu.wait_indirect_dma semaphore(%arg11 : memref<!tpu.dma_semaphore, #tpu.memory_space<semaphore_mem>>) src(%dma_wait3A_43 : memref<25954x16xf32, #tpu.memory_space<hbm>>) dst(%arg9 : memref<128x16xf32, #tpu.memory_space<vmem>>)
    %run_scoped3A_44 = arith.constant 4 : i32
    "tpu.region"() ({
      %run_scoped3A_123 = tpu.sem_alloc : memref<!tpu.dma_semaphore, #tpu.memory_space<semaphore_mem>>
      %dma_start3A_124 = arith.constant 0 : i32
      %dma_start3A_125 = tpu.memref_slice %arg6[%run_scoped3A_44, %mul3A_2, %dma_start3A_124] : memref<13x4096x16xf32, #tpu.memory_space<hbm>> -> memref<1x128x16xf32, #tpu.memory_space<hbm>>
      %dma_start3A_126 = tpu.memref_squeeze %dma_start3A_125 : memref<1x128x16xf32, #tpu.memory_space<hbm>> -> memref<128x16xf32, #tpu.memory_space<hbm>>
      %dma_start3A_127 = arith.constant 0 : i32
      %dma_start3A_128 = tpu.memref_slice %arg6[%run_scoped3A_44, %mul3A_2, %dma_start3A_127] : memref<13x4096x16xf32, #tpu.memory_space<hbm>> -> memref<1x128x16xf32, #tpu.memory_space<hbm>>
      %dma_start3A_129 = tpu.memref_squeeze %dma_start3A_128 : memref<1x128x16xf32, #tpu.memory_space<hbm>> -> memref<128x16xf32, #tpu.memory_space<hbm>>
      tpu.enqueue_dma source(%arg9 : memref<128x16xf32, #tpu.memory_space<vmem>>) target(%dma_start3A_129 : memref<128x16xf32, #tpu.memory_space<hbm>>) target_semaphore(%run_scoped3A_123 : memref<!tpu.dma_semaphore, #tpu.memory_space<semaphore_mem>>)
      %dma_wait3A_130 = arith.constant 0 : i32
      %dma_wait3A_131 = tpu.memref_slice %arg6[%run_scoped3A_44, %mul3A_2, %dma_wait3A_130] : memref<13x4096x16xf32, #tpu.memory_space<hbm>> -> memref<1x128x16xf32, #tpu.memory_space<hbm>>
      %dma_wait3A_132 = tpu.memref_squeeze %dma_wait3A_131 : memref<1x128x16xf32, #tpu.memory_space<hbm>> -> memref<128x16xf32, #tpu.memory_space<hbm>>
      %dma_wait3A_133 = arith.constant 0 : i32
      %dma_wait3A_134 = tpu.memref_slice %arg6[%run_scoped3A_44, %mul3A_2, %dma_wait3A_133] : memref<13x4096x16xf32, #tpu.memory_space<hbm>> -> memref<1x128x16xf32, #tpu.memory_space<hbm>>
      %dma_wait3A_135 = tpu.memref_squeeze %dma_wait3A_134 : memref<1x128x16xf32, #tpu.memory_space<hbm>> -> memref<128x16xf32, #tpu.memory_space<hbm>>
      tpu.wait_dma2 semaphore(%run_scoped3A_123 : memref<!tpu.dma_semaphore, #tpu.memory_space<semaphore_mem>>) src(%arg9 : memref<128x16xf32, #tpu.memory_space<vmem>>) dst(%dma_wait3A_135 : memref<128x16xf32, #tpu.memory_space<hbm>>)
      tpu.yield
    }) : () -> ()
    %add3A_45 = arith.constant 20480 : i32
    %add3A_46 = arith.addi %add3A_45, %mul3A_2 : i32
    "tpu.region"() ({
      %run_scoped3A_123 = tpu.sem_alloc : memref<!tpu.dma_semaphore, #tpu.memory_space<semaphore_mem>>
      %dma_start3A_124 = tpu.memref_slice %arg3[%add3A_46] : memref<53248xi32, #tpu.memory_space<hbm>> -> memref<128xi32, #tpu.memory_space<hbm>>
      %dma_start3A_125 = tpu.memref_slice %arg3[%add3A_46] : memref<53248xi32, #tpu.memory_space<hbm>> -> memref<128xi32, #tpu.memory_space<hbm>>
      tpu.enqueue_dma source(%dma_start3A_125 : memref<128xi32, #tpu.memory_space<hbm>>) target(%arg8 : memref<128xi32, #tpu.memory_space<vmem>>) target_semaphore(%run_scoped3A_123 : memref<!tpu.dma_semaphore, #tpu.memory_space<semaphore_mem>>)
      %dma_wait3A_126 = tpu.memref_slice %arg3[%add3A_46] : memref<53248xi32, #tpu.memory_space<hbm>> -> memref<128xi32, #tpu.memory_space<hbm>>
      %dma_wait3A_127 = tpu.memref_slice %arg3[%add3A_46] : memref<53248xi32, #tpu.memory_space<hbm>> -> memref<128xi32, #tpu.memory_space<hbm>>
      tpu.wait_dma2 semaphore(%run_scoped3A_123 : memref<!tpu.dma_semaphore, #tpu.memory_space<semaphore_mem>>) src(%dma_wait3A_127 : memref<128xi32, #tpu.memory_space<hbm>>) dst(%arg8 : memref<128xi32, #tpu.memory_space<vmem>>)
      tpu.yield
    }) : () -> ()
    %dma_start3A_47 = arith.constant 0 : i32
    %dma_start3A_48 = arith.constant 0 : i32
    %dma_start3A_49 = tpu.memref_slice %arg2[%dma_start3A_47, %dma_start3A_48] : memref<25954x16xf32, #tpu.memory_space<hbm>> -> memref<25954x16xf32, #tpu.memory_space<hbm>>
    tpu.enqueue_indirect_dma source(%dma_start3A_49 : memref<25954x16xf32, #tpu.memory_space<hbm>>) target(%arg9 : memref<128x16xf32, #tpu.memory_space<vmem>>) offsets(%arg8 : memref<128xi32, #tpu.memory_space<vmem>>) semaphore(%arg11 : memref<!tpu.dma_semaphore, #tpu.memory_space<semaphore_mem>>)
    %dma_wait3A_50 = arith.constant 0 : i32
    %dma_wait3A_51 = arith.constant 0 : i32
    %dma_wait3A_52 = tpu.memref_slice %arg2[%dma_wait3A_50, %dma_wait3A_51] : memref<25954x16xf32, #tpu.memory_space<hbm>> -> memref<25954x16xf32, #tpu.memory_space<hbm>>
    tpu.wait_indirect_dma semaphore(%arg11 : memref<!tpu.dma_semaphore, #tpu.memory_space<semaphore_mem>>) src(%dma_wait3A_52 : memref<25954x16xf32, #tpu.memory_space<hbm>>) dst(%arg9 : memref<128x16xf32, #tpu.memory_space<vmem>>)
    %run_scoped3A_53 = arith.constant 5 : i32
    "tpu.region"() ({
      %run_scoped3A_123 = tpu.sem_alloc : memref<!tpu.dma_semaphore, #tpu.memory_space<semaphore_mem>>
      %dma_start3A_124 = arith.constant 0 : i32
      %dma_start3A_125 = tpu.memref_slice %arg6[%run_scoped3A_53, %mul3A_2, %dma_start3A_124] : memref<13x4096x16xf32, #tpu.memory_space<hbm>> -> memref<1x128x16xf32, #tpu.memory_space<hbm>>
      %dma_start3A_126 = tpu.memref_squeeze %dma_start3A_125 : memref<1x128x16xf32, #tpu.memory_space<hbm>> -> memref<128x16xf32, #tpu.memory_space<hbm>>
      %dma_start3A_127 = arith.constant 0 : i32
      %dma_start3A_128 = tpu.memref_slice %arg6[%run_scoped3A_53, %mul3A_2, %dma_start3A_127] : memref<13x4096x16xf32, #tpu.memory_space<hbm>> -> memref<1x128x16xf32, #tpu.memory_space<hbm>>
      %dma_start3A_129 = tpu.memref_squeeze %dma_start3A_128 : memref<1x128x16xf32, #tpu.memory_space<hbm>> -> memref<128x16xf32, #tpu.memory_space<hbm>>
      tpu.enqueue_dma source(%arg9 : memref<128x16xf32, #tpu.memory_space<vmem>>) target(%dma_start3A_129 : memref<128x16xf32, #tpu.memory_space<hbm>>) target_semaphore(%run_scoped3A_123 : memref<!tpu.dma_semaphore, #tpu.memory_space<semaphore_mem>>)
      %dma_wait3A_130 = arith.constant 0 : i32
      %dma_wait3A_131 = tpu.memref_slice %arg6[%run_scoped3A_53, %mul3A_2, %dma_wait3A_130] : memref<13x4096x16xf32, #tpu.memory_space<hbm>> -> memref<1x128x16xf32, #tpu.memory_space<hbm>>
      %dma_wait3A_132 = tpu.memref_squeeze %dma_wait3A_131 : memref<1x128x16xf32, #tpu.memory_space<hbm>> -> memref<128x16xf32, #tpu.memory_space<hbm>>
      %dma_wait3A_133 = arith.constant 0 : i32
      %dma_wait3A_134 = tpu.memref_slice %arg6[%run_scoped3A_53, %mul3A_2, %dma_wait3A_133] : memref<13x4096x16xf32, #tpu.memory_space<hbm>> -> memref<1x128x16xf32, #tpu.memory_space<hbm>>
      %dma_wait3A_135 = tpu.memref_squeeze %dma_wait3A_134 : memref<1x128x16xf32, #tpu.memory_space<hbm>> -> memref<128x16xf32, #tpu.memory_space<hbm>>
      tpu.wait_dma2 semaphore(%run_scoped3A_123 : memref<!tpu.dma_semaphore, #tpu.memory_space<semaphore_mem>>) src(%arg9 : memref<128x16xf32, #tpu.memory_space<vmem>>) dst(%dma_wait3A_135 : memref<128x16xf32, #tpu.memory_space<hbm>>)
      tpu.yield
    }) : () -> ()
    %add3A_54 = arith.constant 24576 : i32
    %add3A_55 = arith.addi %add3A_54, %mul3A_2 : i32
    "tpu.region"() ({
      %run_scoped3A_123 = tpu.sem_alloc : memref<!tpu.dma_semaphore, #tpu.memory_space<semaphore_mem>>
      %dma_start3A_124 = tpu.memref_slice %arg3[%add3A_55] : memref<53248xi32, #tpu.memory_space<hbm>> -> memref<128xi32, #tpu.memory_space<hbm>>
      %dma_start3A_125 = tpu.memref_slice %arg3[%add3A_55] : memref<53248xi32, #tpu.memory_space<hbm>> -> memref<128xi32, #tpu.memory_space<hbm>>
      tpu.enqueue_dma source(%dma_start3A_125 : memref<128xi32, #tpu.memory_space<hbm>>) target(%arg8 : memref<128xi32, #tpu.memory_space<vmem>>) target_semaphore(%run_scoped3A_123 : memref<!tpu.dma_semaphore, #tpu.memory_space<semaphore_mem>>)
      %dma_wait3A_126 = tpu.memref_slice %arg3[%add3A_55] : memref<53248xi32, #tpu.memory_space<hbm>> -> memref<128xi32, #tpu.memory_space<hbm>>
      %dma_wait3A_127 = tpu.memref_slice %arg3[%add3A_55] : memref<53248xi32, #tpu.memory_space<hbm>> -> memref<128xi32, #tpu.memory_space<hbm>>
      tpu.wait_dma2 semaphore(%run_scoped3A_123 : memref<!tpu.dma_semaphore, #tpu.memory_space<semaphore_mem>>) src(%dma_wait3A_127 : memref<128xi32, #tpu.memory_space<hbm>>) dst(%arg8 : memref<128xi32, #tpu.memory_space<vmem>>)
      tpu.yield
    }) : () -> ()
    %dma_start3A_56 = arith.constant 0 : i32
    %dma_start3A_57 = arith.constant 0 : i32
    %dma_start3A_58 = tpu.memref_slice %arg2[%dma_start3A_56, %dma_start3A_57] : memref<25954x16xf32, #tpu.memory_space<hbm>> -> memref<25954x16xf32, #tpu.memory_space<hbm>>
    tpu.enqueue_indirect_dma source(%dma_start3A_58 : memref<25954x16xf32, #tpu.memory_space<hbm>>) target(%arg9 : memref<128x16xf32, #tpu.memory_space<vmem>>) offsets(%arg8 : memref<128xi32, #tpu.memory_space<vmem>>) semaphore(%arg11 : memref<!tpu.dma_semaphore, #tpu.memory_space<semaphore_mem>>)
    %dma_wait3A_59 = arith.constant 0 : i32
    %dma_wait3A_60 = arith.constant 0 : i32
    %dma_wait3A_61 = tpu.memref_slice %arg2[%dma_wait3A_59, %dma_wait3A_60] : memref<25954x16xf32, #tpu.memory_space<hbm>> -> memref<25954x16xf32, #tpu.memory_space<hbm>>
    tpu.wait_indirect_dma semaphore(%arg11 : memref<!tpu.dma_semaphore, #tpu.memory_space<semaphore_mem>>) src(%dma_wait3A_61 : memref<25954x16xf32, #tpu.memory_space<hbm>>) dst(%arg9 : memref<128x16xf32, #tpu.memory_space<vmem>>)
    %run_scoped3A_62 = arith.constant 6 : i32
    "tpu.region"() ({
      %run_scoped3A_123 = tpu.sem_alloc : memref<!tpu.dma_semaphore, #tpu.memory_space<semaphore_mem>>
      %dma_start3A_124 = arith.constant 0 : i32
      %dma_start3A_125 = tpu.memref_slice %arg6[%run_scoped3A_62, %mul3A_2, %dma_start3A_124] : memref<13x4096x16xf32, #tpu.memory_space<hbm>> -> memref<1x128x16xf32, #tpu.memory_space<hbm>>
      %dma_start3A_126 = tpu.memref_squeeze %dma_start3A_125 : memref<1x128x16xf32, #tpu.memory_space<hbm>> -> memref<128x16xf32, #tpu.memory_space<hbm>>
      %dma_start3A_127 = arith.constant 0 : i32
      %dma_start3A_128 = tpu.memref_slice %arg6[%run_scoped3A_62, %mul3A_2, %dma_start3A_127] : memref<13x4096x16xf32, #tpu.memory_space<hbm>> -> memref<1x128x16xf32, #tpu.memory_space<hbm>>
      %dma_start3A_129 = tpu.memref_squeeze %dma_start3A_128 : memref<1x128x16xf32, #tpu.memory_space<hbm>> -> memref<128x16xf32, #tpu.memory_space<hbm>>
      tpu.enqueue_dma source(%arg9 : memref<128x16xf32, #tpu.memory_space<vmem>>) target(%dma_start3A_129 : memref<128x16xf32, #tpu.memory_space<hbm>>) target_semaphore(%run_scoped3A_123 : memref<!tpu.dma_semaphore, #tpu.memory_space<semaphore_mem>>)
      %dma_wait3A_130 = arith.constant 0 : i32
      %dma_wait3A_131 = tpu.memref_slice %arg6[%run_scoped3A_62, %mul3A_2, %dma_wait3A_130] : memref<13x4096x16xf32, #tpu.memory_space<hbm>> -> memref<1x128x16xf32, #tpu.memory_space<hbm>>
      %dma_wait3A_132 = tpu.memref_squeeze %dma_wait3A_131 : memref<1x128x16xf32, #tpu.memory_space<hbm>> -> memref<128x16xf32, #tpu.memory_space<hbm>>
      %dma_wait3A_133 = arith.constant 0 : i32
      %dma_wait3A_134 = tpu.memref_slice %arg6[%run_scoped3A_62, %mul3A_2, %dma_wait3A_133] : memref<13x4096x16xf32, #tpu.memory_space<hbm>> -> memref<1x128x16xf32, #tpu.memory_space<hbm>>
      %dma_wait3A_135 = tpu.memref_squeeze %dma_wait3A_134 : memref<1x128x16xf32, #tpu.memory_space<hbm>> -> memref<128x16xf32, #tpu.memory_space<hbm>>
      tpu.wait_dma2 semaphore(%run_scoped3A_123 : memref<!tpu.dma_semaphore, #tpu.memory_space<semaphore_mem>>) src(%arg9 : memref<128x16xf32, #tpu.memory_space<vmem>>) dst(%dma_wait3A_135 : memref<128x16xf32, #tpu.memory_space<hbm>>)
      tpu.yield
    }) : () -> ()
    %add3A_63 = arith.constant 28672 : i32
    %add3A_64 = arith.addi %add3A_63, %mul3A_2 : i32
    "tpu.region"() ({
      %run_scoped3A_123 = tpu.sem_alloc : memref<!tpu.dma_semaphore, #tpu.memory_space<semaphore_mem>>
      %dma_start3A_124 = tpu.memref_slice %arg3[%add3A_64] : memref<53248xi32, #tpu.memory_space<hbm>> -> memref<128xi32, #tpu.memory_space<hbm>>
      %dma_start3A_125 = tpu.memref_slice %arg3[%add3A_64] : memref<53248xi32, #tpu.memory_space<hbm>> -> memref<128xi32, #tpu.memory_space<hbm>>
      tpu.enqueue_dma source(%dma_start3A_125 : memref<128xi32, #tpu.memory_space<hbm>>) target(%arg8 : memref<128xi32, #tpu.memory_space<vmem>>) target_semaphore(%run_scoped3A_123 : memref<!tpu.dma_semaphore, #tpu.memory_space<semaphore_mem>>)
      %dma_wait3A_126 = tpu.memref_slice %arg3[%add3A_64] : memref<53248xi32, #tpu.memory_space<hbm>> -> memref<128xi32, #tpu.memory_space<hbm>>
      %dma_wait3A_127 = tpu.memref_slice %arg3[%add3A_64] : memref<53248xi32, #tpu.memory_space<hbm>> -> memref<128xi32, #tpu.memory_space<hbm>>
      tpu.wait_dma2 semaphore(%run_scoped3A_123 : memref<!tpu.dma_semaphore, #tpu.memory_space<semaphore_mem>>) src(%dma_wait3A_127 : memref<128xi32, #tpu.memory_space<hbm>>) dst(%arg8 : memref<128xi32, #tpu.memory_space<vmem>>)
      tpu.yield
    }) : () -> ()
    %dma_start3A_65 = arith.constant 0 : i32
    %dma_start3A_66 = arith.constant 0 : i32
    %dma_start3A_67 = tpu.memref_slice %arg2[%dma_start3A_65, %dma_start3A_66] : memref<25954x16xf32, #tpu.memory_space<hbm>> -> memref<25954x16xf32, #tpu.memory_space<hbm>>
    tpu.enqueue_indirect_dma source(%dma_start3A_67 : memref<25954x16xf32, #tpu.memory_space<hbm>>) target(%arg9 : memref<128x16xf32, #tpu.memory_space<vmem>>) offsets(%arg8 : memref<128xi32, #tpu.memory_space<vmem>>) semaphore(%arg11 : memref<!tpu.dma_semaphore, #tpu.memory_space<semaphore_mem>>)
    %dma_wait3A_68 = arith.constant 0 : i32
    %dma_wait3A_69 = arith.constant 0 : i32
    %dma_wait3A_70 = tpu.memref_slice %arg2[%dma_wait3A_68, %dma_wait3A_69] : memref<25954x16xf32, #tpu.memory_space<hbm>> -> memref<25954x16xf32, #tpu.memory_space<hbm>>
    tpu.wait_indirect_dma semaphore(%arg11 : memref<!tpu.dma_semaphore, #tpu.memory_space<semaphore_mem>>) src(%dma_wait3A_70 : memref<25954x16xf32, #tpu.memory_space<hbm>>) dst(%arg9 : memref<128x16xf32, #tpu.memory_space<vmem>>)
    %run_scoped3A_71 = arith.constant 7 : i32
    "tpu.region"() ({
      %run_scoped3A_123 = tpu.sem_alloc : memref<!tpu.dma_semaphore, #tpu.memory_space<semaphore_mem>>
      %dma_start3A_124 = arith.constant 0 : i32
      %dma_start3A_125 = tpu.memref_slice %arg6[%run_scoped3A_71, %mul3A_2, %dma_start3A_124] : memref<13x4096x16xf32, #tpu.memory_space<hbm>> -> memref<1x128x16xf32, #tpu.memory_space<hbm>>
      %dma_start3A_126 = tpu.memref_squeeze %dma_start3A_125 : memref<1x128x16xf32, #tpu.memory_space<hbm>> -> memref<128x16xf32, #tpu.memory_space<hbm>>
      %dma_start3A_127 = arith.constant 0 : i32
      %dma_start3A_128 = tpu.memref_slice %arg6[%run_scoped3A_71, %mul3A_2, %dma_start3A_127] : memref<13x4096x16xf32, #tpu.memory_space<hbm>> -> memref<1x128x16xf32, #tpu.memory_space<hbm>>
      %dma_start3A_129 = tpu.memref_squeeze %dma_start3A_128 : memref<1x128x16xf32, #tpu.memory_space<hbm>> -> memref<128x16xf32, #tpu.memory_space<hbm>>
      tpu.enqueue_dma source(%arg9 : memref<128x16xf32, #tpu.memory_space<vmem>>) target(%dma_start3A_129 : memref<128x16xf32, #tpu.memory_space<hbm>>) target_semaphore(%run_scoped3A_123 : memref<!tpu.dma_semaphore, #tpu.memory_space<semaphore_mem>>)
      %dma_wait3A_130 = arith.constant 0 : i32
      %dma_wait3A_131 = tpu.memref_slice %arg6[%run_scoped3A_71, %mul3A_2, %dma_wait3A_130] : memref<13x4096x16xf32, #tpu.memory_space<hbm>> -> memref<1x128x16xf32, #tpu.memory_space<hbm>>
      %dma_wait3A_132 = tpu.memref_squeeze %dma_wait3A_131 : memref<1x128x16xf32, #tpu.memory_space<hbm>> -> memref<128x16xf32, #tpu.memory_space<hbm>>
      %dma_wait3A_133 = arith.constant 0 : i32
      %dma_wait3A_134 = tpu.memref_slice %arg6[%run_scoped3A_71, %mul3A_2, %dma_wait3A_133] : memref<13x4096x16xf32, #tpu.memory_space<hbm>> -> memref<1x128x16xf32, #tpu.memory_space<hbm>>
      %dma_wait3A_135 = tpu.memref_squeeze %dma_wait3A_134 : memref<1x128x16xf32, #tpu.memory_space<hbm>> -> memref<128x16xf32, #tpu.memory_space<hbm>>
      tpu.wait_dma2 semaphore(%run_scoped3A_123 : memref<!tpu.dma_semaphore, #tpu.memory_space<semaphore_mem>>) src(%arg9 : memref<128x16xf32, #tpu.memory_space<vmem>>) dst(%dma_wait3A_135 : memref<128x16xf32, #tpu.memory_space<hbm>>)
      tpu.yield
    }) : () -> ()
    %add3A_72 = arith.constant 32768 : i32
    %add3A_73 = arith.addi %add3A_72, %mul3A_2 : i32
    "tpu.region"() ({
      %run_scoped3A_123 = tpu.sem_alloc : memref<!tpu.dma_semaphore, #tpu.memory_space<semaphore_mem>>
      %dma_start3A_124 = tpu.memref_slice %arg3[%add3A_73] : memref<53248xi32, #tpu.memory_space<hbm>> -> memref<128xi32, #tpu.memory_space<hbm>>
      %dma_start3A_125 = tpu.memref_slice %arg3[%add3A_73] : memref<53248xi32, #tpu.memory_space<hbm>> -> memref<128xi32, #tpu.memory_space<hbm>>
      tpu.enqueue_dma source(%dma_start3A_125 : memref<128xi32, #tpu.memory_space<hbm>>) target(%arg8 : memref<128xi32, #tpu.memory_space<vmem>>) target_semaphore(%run_scoped3A_123 : memref<!tpu.dma_semaphore, #tpu.memory_space<semaphore_mem>>)
      %dma_wait3A_126 = tpu.memref_slice %arg3[%add3A_73] : memref<53248xi32, #tpu.memory_space<hbm>> -> memref<128xi32, #tpu.memory_space<hbm>>
      %dma_wait3A_127 = tpu.memref_slice %arg3[%add3A_73] : memref<53248xi32, #tpu.memory_space<hbm>> -> memref<128xi32, #tpu.memory_space<hbm>>
      tpu.wait_dma2 semaphore(%run_scoped3A_123 : memref<!tpu.dma_semaphore, #tpu.memory_space<semaphore_mem>>) src(%dma_wait3A_127 : memref<128xi32, #tpu.memory_space<hbm>>) dst(%arg8 : memref<128xi32, #tpu.memory_space<vmem>>)
      tpu.yield
    }) : () -> ()
    %dma_start3A_74 = arith.constant 0 : i32
    %dma_start3A_75 = arith.constant 0 : i32
    %dma_start3A_76 = tpu.memref_slice %arg2[%dma_start3A_74, %dma_start3A_75] : memref<25954x16xf32, #tpu.memory_space<hbm>> -> memref<25954x16xf32, #tpu.memory_space<hbm>>
    tpu.enqueue_indirect_dma source(%dma_start3A_76 : memref<25954x16xf32, #tpu.memory_space<hbm>>) target(%arg9 : memref<128x16xf32, #tpu.memory_space<vmem>>) offsets(%arg8 : memref<128xi32, #tpu.memory_space<vmem>>) semaphore(%arg11 : memref<!tpu.dma_semaphore, #tpu.memory_space<semaphore_mem>>)
    %dma_wait3A_77 = arith.constant 0 : i32
    %dma_wait3A_78 = arith.constant 0 : i32
    %dma_wait3A_79 = tpu.memref_slice %arg2[%dma_wait3A_77, %dma_wait3A_78] : memref<25954x16xf32, #tpu.memory_space<hbm>> -> memref<25954x16xf32, #tpu.memory_space<hbm>>
    tpu.wait_indirect_dma semaphore(%arg11 : memref<!tpu.dma_semaphore, #tpu.memory_space<semaphore_mem>>) src(%dma_wait3A_79 : memref<25954x16xf32, #tpu.memory_space<hbm>>) dst(%arg9 : memref<128x16xf32, #tpu.memory_space<vmem>>)
    %run_scoped3A_80 = arith.constant 8 : i32
    "tpu.region"() ({
      %run_scoped3A_123 = tpu.sem_alloc : memref<!tpu.dma_semaphore, #tpu.memory_space<semaphore_mem>>
      %dma_start3A_124 = arith.constant 0 : i32
      %dma_start3A_125 = tpu.memref_slice %arg6[%run_scoped3A_80, %mul3A_2, %dma_start3A_124] : memref<13x4096x16xf32, #tpu.memory_space<hbm>> -> memref<1x128x16xf32, #tpu.memory_space<hbm>>
      %dma_start3A_126 = tpu.memref_squeeze %dma_start3A_125 : memref<1x128x16xf32, #tpu.memory_space<hbm>> -> memref<128x16xf32, #tpu.memory_space<hbm>>
      %dma_start3A_127 = arith.constant 0 : i32
      %dma_start3A_128 = tpu.memref_slice %arg6[%run_scoped3A_80, %mul3A_2, %dma_start3A_127] : memref<13x4096x16xf32, #tpu.memory_space<hbm>> -> memref<1x128x16xf32, #tpu.memory_space<hbm>>
      %dma_start3A_129 = tpu.memref_squeeze %dma_start3A_128 : memref<1x128x16xf32, #tpu.memory_space<hbm>> -> memref<128x16xf32, #tpu.memory_space<hbm>>
      tpu.enqueue_dma source(%arg9 : memref<128x16xf32, #tpu.memory_space<vmem>>) target(%dma_start3A_129 : memref<128x16xf32, #tpu.memory_space<hbm>>) target_semaphore(%run_scoped3A_123 : memref<!tpu.dma_semaphore, #tpu.memory_space<semaphore_mem>>)
      %dma_wait3A_130 = arith.constant 0 : i32
      %dma_wait3A_131 = tpu.memref_slice %arg6[%run_scoped3A_80, %mul3A_2, %dma_wait3A_130] : memref<13x4096x16xf32, #tpu.memory_space<hbm>> -> memref<1x128x16xf32, #tpu.memory_space<hbm>>
      %dma_wait3A_132 = tpu.memref_squeeze %dma_wait3A_131 : memref<1x128x16xf32, #tpu.memory_space<hbm>> -> memref<128x16xf32, #tpu.memory_space<hbm>>
      %dma_wait3A_133 = arith.constant 0 : i32
      %dma_wait3A_134 = tpu.memref_slice %arg6[%run_scoped3A_80, %mul3A_2, %dma_wait3A_133] : memref<13x4096x16xf32, #tpu.memory_space<hbm>> -> memref<1x128x16xf32, #tpu.memory_space<hbm>>
      %dma_wait3A_135 = tpu.memref_squeeze %dma_wait3A_134 : memref<1x128x16xf32, #tpu.memory_space<hbm>> -> memref<128x16xf32, #tpu.memory_space<hbm>>
      tpu.wait_dma2 semaphore(%run_scoped3A_123 : memref<!tpu.dma_semaphore, #tpu.memory_space<semaphore_mem>>) src(%arg9 : memref<128x16xf32, #tpu.memory_space<vmem>>) dst(%dma_wait3A_135 : memref<128x16xf32, #tpu.memory_space<hbm>>)
      tpu.yield
    }) : () -> ()
    %add3A_81 = arith.constant 36864 : i32
    %add3A_82 = arith.addi %add3A_81, %mul3A_2 : i32
    "tpu.region"() ({
      %run_scoped3A_123 = tpu.sem_alloc : memref<!tpu.dma_semaphore, #tpu.memory_space<semaphore_mem>>
      %dma_start3A_124 = tpu.memref_slice %arg3[%add3A_82] : memref<53248xi32, #tpu.memory_space<hbm>> -> memref<128xi32, #tpu.memory_space<hbm>>
      %dma_start3A_125 = tpu.memref_slice %arg3[%add3A_82] : memref<53248xi32, #tpu.memory_space<hbm>> -> memref<128xi32, #tpu.memory_space<hbm>>
      tpu.enqueue_dma source(%dma_start3A_125 : memref<128xi32, #tpu.memory_space<hbm>>) target(%arg8 : memref<128xi32, #tpu.memory_space<vmem>>) target_semaphore(%run_scoped3A_123 : memref<!tpu.dma_semaphore, #tpu.memory_space<semaphore_mem>>)
      %dma_wait3A_126 = tpu.memref_slice %arg3[%add3A_82] : memref<53248xi32, #tpu.memory_space<hbm>> -> memref<128xi32, #tpu.memory_space<hbm>>
      %dma_wait3A_127 = tpu.memref_slice %arg3[%add3A_82] : memref<53248xi32, #tpu.memory_space<hbm>> -> memref<128xi32, #tpu.memory_space<hbm>>
      tpu.wait_dma2 semaphore(%run_scoped3A_123 : memref<!tpu.dma_semaphore, #tpu.memory_space<semaphore_mem>>) src(%dma_wait3A_127 : memref<128xi32, #tpu.memory_space<hbm>>) dst(%arg8 : memref<128xi32, #tpu.memory_space<vmem>>)
      tpu.yield
    }) : () -> ()
    %dma_start3A_83 = arith.constant 0 : i32
    %dma_start3A_84 = arith.constant 0 : i32
    %dma_start3A_85 = tpu.memref_slice %arg2[%dma_start3A_83, %dma_start3A_84] : memref<25954x16xf32, #tpu.memory_space<hbm>> -> memref<25954x16xf32, #tpu.memory_space<hbm>>
    tpu.enqueue_indirect_dma source(%dma_start3A_85 : memref<25954x16xf32, #tpu.memory_space<hbm>>) target(%arg9 : memref<128x16xf32, #tpu.memory_space<vmem>>) offsets(%arg8 : memref<128xi32, #tpu.memory_space<vmem>>) semaphore(%arg11 : memref<!tpu.dma_semaphore, #tpu.memory_space<semaphore_mem>>)
    %dma_wait3A_86 = arith.constant 0 : i32
    %dma_wait3A_87 = arith.constant 0 : i32
    %dma_wait3A_88 = tpu.memref_slice %arg2[%dma_wait3A_86, %dma_wait3A_87] : memref<25954x16xf32, #tpu.memory_space<hbm>> -> memref<25954x16xf32, #tpu.memory_space<hbm>>
    tpu.wait_indirect_dma semaphore(%arg11 : memref<!tpu.dma_semaphore, #tpu.memory_space<semaphore_mem>>) src(%dma_wait3A_88 : memref<25954x16xf32, #tpu.memory_space<hbm>>) dst(%arg9 : memref<128x16xf32, #tpu.memory_space<vmem>>)
    %run_scoped3A_89 = arith.constant 9 : i32
    "tpu.region"() ({
      %run_scoped3A_123 = tpu.sem_alloc : memref<!tpu.dma_semaphore, #tpu.memory_space<semaphore_mem>>
      %dma_start3A_124 = arith.constant 0 : i32
      %dma_start3A_125 = tpu.memref_slice %arg6[%run_scoped3A_89, %mul3A_2, %dma_start3A_124] : memref<13x4096x16xf32, #tpu.memory_space<hbm>> -> memref<1x128x16xf32, #tpu.memory_space<hbm>>
      %dma_start3A_126 = tpu.memref_squeeze %dma_start3A_125 : memref<1x128x16xf32, #tpu.memory_space<hbm>> -> memref<128x16xf32, #tpu.memory_space<hbm>>
      %dma_start3A_127 = arith.constant 0 : i32
      %dma_start3A_128 = tpu.memref_slice %arg6[%run_scoped3A_89, %mul3A_2, %dma_start3A_127] : memref<13x4096x16xf32, #tpu.memory_space<hbm>> -> memref<1x128x16xf32, #tpu.memory_space<hbm>>
      %dma_start3A_129 = tpu.memref_squeeze %dma_start3A_128 : memref<1x128x16xf32, #tpu.memory_space<hbm>> -> memref<128x16xf32, #tpu.memory_space<hbm>>
      tpu.enqueue_dma source(%arg9 : memref<128x16xf32, #tpu.memory_space<vmem>>) target(%dma_start3A_129 : memref<128x16xf32, #tpu.memory_space<hbm>>) target_semaphore(%run_scoped3A_123 : memref<!tpu.dma_semaphore, #tpu.memory_space<semaphore_mem>>)
      %dma_wait3A_130 = arith.constant 0 : i32
      %dma_wait3A_131 = tpu.memref_slice %arg6[%run_scoped3A_89, %mul3A_2, %dma_wait3A_130] : memref<13x4096x16xf32, #tpu.memory_space<hbm>> -> memref<1x128x16xf32, #tpu.memory_space<hbm>>
      %dma_wait3A_132 = tpu.memref_squeeze %dma_wait3A_131 : memref<1x128x16xf32, #tpu.memory_space<hbm>> -> memref<128x16xf32, #tpu.memory_space<hbm>>
      %dma_wait3A_133 = arith.constant 0 : i32
      %dma_wait3A_134 = tpu.memref_slice %arg6[%run_scoped3A_89, %mul3A_2, %dma_wait3A_133] : memref<13x4096x16xf32, #tpu.memory_space<hbm>> -> memref<1x128x16xf32, #tpu.memory_space<hbm>>
      %dma_wait3A_135 = tpu.memref_squeeze %dma_wait3A_134 : memref<1x128x16xf32, #tpu.memory_space<hbm>> -> memref<128x16xf32, #tpu.memory_space<hbm>>
      tpu.wait_dma2 semaphore(%run_scoped3A_123 : memref<!tpu.dma_semaphore, #tpu.memory_space<semaphore_mem>>) src(%arg9 : memref<128x16xf32, #tpu.memory_space<vmem>>) dst(%dma_wait3A_135 : memref<128x16xf32, #tpu.memory_space<hbm>>)
      tpu.yield
    }) : () -> ()
    %add3A_90 = arith.constant 40960 : i32
    %add3A_91 = arith.addi %add3A_90, %mul3A_2 : i32
    "tpu.region"() ({
      %run_scoped3A_123 = tpu.sem_alloc : memref<!tpu.dma_semaphore, #tpu.memory_space<semaphore_mem>>
      %dma_start3A_124 = tpu.memref_slice %arg3[%add3A_91] : memref<53248xi32, #tpu.memory_space<hbm>> -> memref<128xi32, #tpu.memory_space<hbm>>
      %dma_start3A_125 = tpu.memref_slice %arg3[%add3A_91] : memref<53248xi32, #tpu.memory_space<hbm>> -> memref<128xi32, #tpu.memory_space<hbm>>
      tpu.enqueue_dma source(%dma_start3A_125 : memref<128xi32, #tpu.memory_space<hbm>>) target(%arg8 : memref<128xi32, #tpu.memory_space<vmem>>) target_semaphore(%run_scoped3A_123 : memref<!tpu.dma_semaphore, #tpu.memory_space<semaphore_mem>>)
      %dma_wait3A_126 = tpu.memref_slice %arg3[%add3A_91] : memref<53248xi32, #tpu.memory_space<hbm>> -> memref<128xi32, #tpu.memory_space<hbm>>
      %dma_wait3A_127 = tpu.memref_slice %arg3[%add3A_91] : memref<53248xi32, #tpu.memory_space<hbm>> -> memref<128xi32, #tpu.memory_space<hbm>>
      tpu.wait_dma2 semaphore(%run_scoped3A_123 : memref<!tpu.dma_semaphore, #tpu.memory_space<semaphore_mem>>) src(%dma_wait3A_127 : memref<128xi32, #tpu.memory_space<hbm>>) dst(%arg8 : memref<128xi32, #tpu.memory_space<vmem>>)
      tpu.yield
    }) : () -> ()
    %dma_start3A_92 = arith.constant 0 : i32
    %dma_start3A_93 = arith.constant 0 : i32
    %dma_start3A_94 = tpu.memref_slice %arg2[%dma_start3A_92, %dma_start3A_93] : memref<25954x16xf32, #tpu.memory_space<hbm>> -> memref<25954x16xf32, #tpu.memory_space<hbm>>
    tpu.enqueue_indirect_dma source(%dma_start3A_94 : memref<25954x16xf32, #tpu.memory_space<hbm>>) target(%arg9 : memref<128x16xf32, #tpu.memory_space<vmem>>) offsets(%arg8 : memref<128xi32, #tpu.memory_space<vmem>>) semaphore(%arg11 : memref<!tpu.dma_semaphore, #tpu.memory_space<semaphore_mem>>)
    %dma_wait3A_95 = arith.constant 0 : i32
    %dma_wait3A_96 = arith.constant 0 : i32
    %dma_wait3A_97 = tpu.memref_slice %arg2[%dma_wait3A_95, %dma_wait3A_96] : memref<25954x16xf32, #tpu.memory_space<hbm>> -> memref<25954x16xf32, #tpu.memory_space<hbm>>
    tpu.wait_indirect_dma semaphore(%arg11 : memref<!tpu.dma_semaphore, #tpu.memory_space<semaphore_mem>>) src(%dma_wait3A_97 : memref<25954x16xf32, #tpu.memory_space<hbm>>) dst(%arg9 : memref<128x16xf32, #tpu.memory_space<vmem>>)
    %run_scoped3A_98 = arith.constant 10 : i32
    "tpu.region"() ({
      %run_scoped3A_123 = tpu.sem_alloc : memref<!tpu.dma_semaphore, #tpu.memory_space<semaphore_mem>>
      %dma_start3A_124 = arith.constant 0 : i32
      %dma_start3A_125 = tpu.memref_slice %arg6[%run_scoped3A_98, %mul3A_2, %dma_start3A_124] : memref<13x4096x16xf32, #tpu.memory_space<hbm>> -> memref<1x128x16xf32, #tpu.memory_space<hbm>>
      %dma_start3A_126 = tpu.memref_squeeze %dma_start3A_125 : memref<1x128x16xf32, #tpu.memory_space<hbm>> -> memref<128x16xf32, #tpu.memory_space<hbm>>
      %dma_start3A_127 = arith.constant 0 : i32
      %dma_start3A_128 = tpu.memref_slice %arg6[%run_scoped3A_98, %mul3A_2, %dma_start3A_127] : memref<13x4096x16xf32, #tpu.memory_space<hbm>> -> memref<1x128x16xf32, #tpu.memory_space<hbm>>
      %dma_start3A_129 = tpu.memref_squeeze %dma_start3A_128 : memref<1x128x16xf32, #tpu.memory_space<hbm>> -> memref<128x16xf32, #tpu.memory_space<hbm>>
      tpu.enqueue_dma source(%arg9 : memref<128x16xf32, #tpu.memory_space<vmem>>) target(%dma_start3A_129 : memref<128x16xf32, #tpu.memory_space<hbm>>) target_semaphore(%run_scoped3A_123 : memref<!tpu.dma_semaphore, #tpu.memory_space<semaphore_mem>>)
      %dma_wait3A_130 = arith.constant 0 : i32
      %dma_wait3A_131 = tpu.memref_slice %arg6[%run_scoped3A_98, %mul3A_2, %dma_wait3A_130] : memref<13x4096x16xf32, #tpu.memory_space<hbm>> -> memref<1x128x16xf32, #tpu.memory_space<hbm>>
      %dma_wait3A_132 = tpu.memref_squeeze %dma_wait3A_131 : memref<1x128x16xf32, #tpu.memory_space<hbm>> -> memref<128x16xf32, #tpu.memory_space<hbm>>
      %dma_wait3A_133 = arith.constant 0 : i32
      %dma_wait3A_134 = tpu.memref_slice %arg6[%run_scoped3A_98, %mul3A_2, %dma_wait3A_133] : memref<13x4096x16xf32, #tpu.memory_space<hbm>> -> memref<1x128x16xf32, #tpu.memory_space<hbm>>
      %dma_wait3A_135 = tpu.memref_squeeze %dma_wait3A_134 : memref<1x128x16xf32, #tpu.memory_space<hbm>> -> memref<128x16xf32, #tpu.memory_space<hbm>>
      tpu.wait_dma2 semaphore(%run_scoped3A_123 : memref<!tpu.dma_semaphore, #tpu.memory_space<semaphore_mem>>) src(%arg9 : memref<128x16xf32, #tpu.memory_space<vmem>>) dst(%dma_wait3A_135 : memref<128x16xf32, #tpu.memory_space<hbm>>)
      tpu.yield
    }) : () -> ()
    %add3A_99 = arith.constant 45056 : i32
    %add3A_100 = arith.addi %add3A_99, %mul3A_2 : i32
    "tpu.region"() ({
      %run_scoped3A_123 = tpu.sem_alloc : memref<!tpu.dma_semaphore, #tpu.memory_space<semaphore_mem>>
      %dma_start3A_124 = tpu.memref_slice %arg3[%add3A_100] : memref<53248xi32, #tpu.memory_space<hbm>> -> memref<128xi32, #tpu.memory_space<hbm>>
      %dma_start3A_125 = tpu.memref_slice %arg3[%add3A_100] : memref<53248xi32, #tpu.memory_space<hbm>> -> memref<128xi32, #tpu.memory_space<hbm>>
      tpu.enqueue_dma source(%dma_start3A_125 : memref<128xi32, #tpu.memory_space<hbm>>) target(%arg8 : memref<128xi32, #tpu.memory_space<vmem>>) target_semaphore(%run_scoped3A_123 : memref<!tpu.dma_semaphore, #tpu.memory_space<semaphore_mem>>)
      %dma_wait3A_126 = tpu.memref_slice %arg3[%add3A_100] : memref<53248xi32, #tpu.memory_space<hbm>> -> memref<128xi32, #tpu.memory_space<hbm>>
      %dma_wait3A_127 = tpu.memref_slice %arg3[%add3A_100] : memref<53248xi32, #tpu.memory_space<hbm>> -> memref<128xi32, #tpu.memory_space<hbm>>
      tpu.wait_dma2 semaphore(%run_scoped3A_123 : memref<!tpu.dma_semaphore, #tpu.memory_space<semaphore_mem>>) src(%dma_wait3A_127 : memref<128xi32, #tpu.memory_space<hbm>>) dst(%arg8 : memref<128xi32, #tpu.memory_space<vmem>>)
      tpu.yield
    }) : () -> ()
    %dma_start3A_101 = arith.constant 0 : i32
    %dma_start3A_102 = arith.constant 0 : i32
    %dma_start3A_103 = tpu.memref_slice %arg2[%dma_start3A_101, %dma_start3A_102] : memref<25954x16xf32, #tpu.memory_space<hbm>> -> memref<25954x16xf32, #tpu.memory_space<hbm>>
    tpu.enqueue_indirect_dma source(%dma_start3A_103 : memref<25954x16xf32, #tpu.memory_space<hbm>>) target(%arg9 : memref<128x16xf32, #tpu.memory_space<vmem>>) offsets(%arg8 : memref<128xi32, #tpu.memory_space<vmem>>) semaphore(%arg11 : memref<!tpu.dma_semaphore, #tpu.memory_space<semaphore_mem>>)
    %dma_wait3A_104 = arith.constant 0 : i32
    %dma_wait3A_105 = arith.constant 0 : i32
    %dma_wait3A_106 = tpu.memref_slice %arg2[%dma_wait3A_104, %dma_wait3A_105] : memref<25954x16xf32, #tpu.memory_space<hbm>> -> memref<25954x16xf32, #tpu.memory_space<hbm>>
    tpu.wait_indirect_dma semaphore(%arg11 : memref<!tpu.dma_semaphore, #tpu.memory_space<semaphore_mem>>) src(%dma_wait3A_106 : memref<25954x16xf32, #tpu.memory_space<hbm>>) dst(%arg9 : memref<128x16xf32, #tpu.memory_space<vmem>>)
    %run_scoped3A_107 = arith.constant 11 : i32
    "tpu.region"() ({
      %run_scoped3A_123 = tpu.sem_alloc : memref<!tpu.dma_semaphore, #tpu.memory_space<semaphore_mem>>
      %dma_start3A_124 = arith.constant 0 : i32
      %dma_start3A_125 = tpu.memref_slice %arg6[%run_scoped3A_107, %mul3A_2, %dma_start3A_124] : memref<13x4096x16xf32, #tpu.memory_space<hbm>> -> memref<1x128x16xf32, #tpu.memory_space<hbm>>
      %dma_start3A_126 = tpu.memref_squeeze %dma_start3A_125 : memref<1x128x16xf32, #tpu.memory_space<hbm>> -> memref<128x16xf32, #tpu.memory_space<hbm>>
      %dma_start3A_127 = arith.constant 0 : i32
      %dma_start3A_128 = tpu.memref_slice %arg6[%run_scoped3A_107, %mul3A_2, %dma_start3A_127] : memref<13x4096x16xf32, #tpu.memory_space<hbm>> -> memref<1x128x16xf32, #tpu.memory_space<hbm>>
      %dma_start3A_129 = tpu.memref_squeeze %dma_start3A_128 : memref<1x128x16xf32, #tpu.memory_space<hbm>> -> memref<128x16xf32, #tpu.memory_space<hbm>>
      tpu.enqueue_dma source(%arg9 : memref<128x16xf32, #tpu.memory_space<vmem>>) target(%dma_start3A_129 : memref<128x16xf32, #tpu.memory_space<hbm>>) target_semaphore(%run_scoped3A_123 : memref<!tpu.dma_semaphore, #tpu.memory_space<semaphore_mem>>)
      %dma_wait3A_130 = arith.constant 0 : i32
      %dma_wait3A_131 = tpu.memref_slice %arg6[%run_scoped3A_107, %mul3A_2, %dma_wait3A_130] : memref<13x4096x16xf32, #tpu.memory_space<hbm>> -> memref<1x128x16xf32, #tpu.memory_space<hbm>>
      %dma_wait3A_132 = tpu.memref_squeeze %dma_wait3A_131 : memref<1x128x16xf32, #tpu.memory_space<hbm>> -> memref<128x16xf32, #tpu.memory_space<hbm>>
      %dma_wait3A_133 = arith.constant 0 : i32
      %dma_wait3A_134 = tpu.memref_slice %arg6[%run_scoped3A_107, %mul3A_2, %dma_wait3A_133] : memref<13x4096x16xf32, #tpu.memory_space<hbm>> -> memref<1x128x16xf32, #tpu.memory_space<hbm>>
      %dma_wait3A_135 = tpu.memref_squeeze %dma_wait3A_134 : memref<1x128x16xf32, #tpu.memory_space<hbm>> -> memref<128x16xf32, #tpu.memory_space<hbm>>
      tpu.wait_dma2 semaphore(%run_scoped3A_123 : memref<!tpu.dma_semaphore, #tpu.memory_space<semaphore_mem>>) src(%arg9 : memref<128x16xf32, #tpu.memory_space<vmem>>) dst(%dma_wait3A_135 : memref<128x16xf32, #tpu.memory_space<hbm>>)
      tpu.yield
    }) : () -> ()
    %add3A_108 = arith.constant 49152 : i32
    %add3A_109 = arith.addi %add3A_108, %mul3A_2 : i32
    "tpu.region"() ({
      %run_scoped3A_123 = tpu.sem_alloc : memref<!tpu.dma_semaphore, #tpu.memory_space<semaphore_mem>>
      %dma_start3A_124 = tpu.memref_slice %arg3[%add3A_109] : memref<53248xi32, #tpu.memory_space<hbm>> -> memref<128xi32, #tpu.memory_space<hbm>>
      %dma_start3A_125 = tpu.memref_slice %arg3[%add3A_109] : memref<53248xi32, #tpu.memory_space<hbm>> -> memref<128xi32, #tpu.memory_space<hbm>>
      tpu.enqueue_dma source(%dma_start3A_125 : memref<128xi32, #tpu.memory_space<hbm>>) target(%arg8 : memref<128xi32, #tpu.memory_space<vmem>>) target_semaphore(%run_scoped3A_123 : memref<!tpu.dma_semaphore, #tpu.memory_space<semaphore_mem>>)
      %dma_wait3A_126 = tpu.memref_slice %arg3[%add3A_109] : memref<53248xi32, #tpu.memory_space<hbm>> -> memref<128xi32, #tpu.memory_space<hbm>>
      %dma_wait3A_127 = tpu.memref_slice %arg3[%add3A_109] : memref<53248xi32, #tpu.memory_space<hbm>> -> memref<128xi32, #tpu.memory_space<hbm>>
      tpu.wait_dma2 semaphore(%run_scoped3A_123 : memref<!tpu.dma_semaphore, #tpu.memory_space<semaphore_mem>>) src(%dma_wait3A_127 : memref<128xi32, #tpu.memory_space<hbm>>) dst(%arg8 : memref<128xi32, #tpu.memory_space<vmem>>)
      tpu.yield
    }) : () -> ()
    %dma_start3A_110 = arith.constant 0 : i32
    %dma_start3A_111 = arith.constant 0 : i32
    %dma_start3A_112 = tpu.memref_slice %arg2[%dma_start3A_110, %dma_start3A_111] : memref<25954x16xf32, #tpu.memory_space<hbm>> -> memref<25954x16xf32, #tpu.memory_space<hbm>>
    tpu.enqueue_indirect_dma source(%dma_start3A_112 : memref<25954x16xf32, #tpu.memory_space<hbm>>) target(%arg9 : memref<128x16xf32, #tpu.memory_space<vmem>>) offsets(%arg8 : memref<128xi32, #tpu.memory_space<vmem>>) semaphore(%arg11 : memref<!tpu.dma_semaphore, #tpu.memory_space<semaphore_mem>>)
    %dma_wait3A_113 = arith.constant 0 : i32
    %dma_wait3A_114 = arith.constant 0 : i32
    %dma_wait3A_115 = tpu.memref_slice %arg2[%dma_wait3A_113, %dma_wait3A_114] : memref<25954x16xf32, #tpu.memory_space<hbm>> -> memref<25954x16xf32, #tpu.memory_space<hbm>>
    tpu.wait_indirect_dma semaphore(%arg11 : memref<!tpu.dma_semaphore, #tpu.memory_space<semaphore_mem>>) src(%dma_wait3A_115 : memref<25954x16xf32, #tpu.memory_space<hbm>>) dst(%arg9 : memref<128x16xf32, #tpu.memory_space<vmem>>)
    %run_scoped3A_116 = arith.constant 12 : i32
    "tpu.region"() ({
      %run_scoped3A_123 = tpu.sem_alloc : memref<!tpu.dma_semaphore, #tpu.memory_space<semaphore_mem>>
      %dma_start3A_124 = arith.constant 0 : i32
      %dma_start3A_125 = tpu.memref_slice %arg6[%run_scoped3A_116, %mul3A_2, %dma_start3A_124] : memref<13x4096x16xf32, #tpu.memory_space<hbm>> -> memref<1x128x16xf32, #tpu.memory_space<hbm>>
      %dma_start3A_126 = tpu.memref_squeeze %dma_start3A_125 : memref<1x128x16xf32, #tpu.memory_space<hbm>> -> memref<128x16xf32, #tpu.memory_space<hbm>>
      %dma_start3A_127 = arith.constant 0 : i32
      %dma_start3A_128 = tpu.memref_slice %arg6[%run_scoped3A_116, %mul3A_2, %dma_start3A_127] : memref<13x4096x16xf32, #tpu.memory_space<hbm>> -> memref<1x128x16xf32, #tpu.memory_space<hbm>>
      %dma_start3A_129 = tpu.memref_squeeze %dma_start3A_128 : memref<1x128x16xf32, #tpu.memory_space<hbm>> -> memref<128x16xf32, #tpu.memory_space<hbm>>
      tpu.enqueue_dma source(%arg9 : memref<128x16xf32, #tpu.memory_space<vmem>>) target(%dma_start3A_129 : memref<128x16xf32, #tpu.memory_space<hbm>>) target_semaphore(%run_scoped3A_123 : memref<!tpu.dma_semaphore, #tpu.memory_space<semaphore_mem>>)
      %dma_wait3A_130 = arith.constant 0 : i32
      %dma_wait3A_131 = tpu.memref_slice %arg6[%run_scoped3A_116, %mul3A_2, %dma_wait3A_130] : memref<13x4096x16xf32, #tpu.memory_space<hbm>> -> memref<1x128x16xf32, #tpu.memory_space<hbm>>
      %dma_wait3A_132 = tpu.memref_squeeze %dma_wait3A_131 : memref<1x128x16xf32, #tpu.memory_space<hbm>> -> memref<128x16xf32, #tpu.memory_space<hbm>>
      %dma_wait3A_133 = arith.constant 0 : i32
      %dma_wait3A_134 = tpu.memref_slice %arg6[%run_scoped3A_116, %mul3A_2, %dma_wait3A_133] : memref<13x4096x16xf32, #tpu.memory_space<hbm>> -> memref<1x128x16xf32, #tpu.memory_space<hbm>>
      %dma_wait3A_135 = tpu.memref_squeeze %dma_wait3A_134 : memref<1x128x16xf32, #tpu.memory_space<hbm>> -> memref<128x16xf32, #tpu.memory_space<hbm>>
      tpu.wait_dma2 semaphore(%run_scoped3A_123 : memref<!tpu.dma_semaphore, #tpu.memory_space<semaphore_mem>>) src(%arg9 : memref<128x16xf32, #tpu.memory_space<vmem>>) dst(%dma_wait3A_135 : memref<128x16xf32, #tpu.memory_space<hbm>>)
      tpu.yield
    }) : () -> ()
    "tpu.region"() ({
      %run_scoped3A_123 = tpu.sem_alloc : memref<!tpu.dma_semaphore, #tpu.memory_space<semaphore_mem>>
      %dma_start3A_124 = tpu.memref_slice %arg5[%mul3A_2] : memref<4096xi32, #tpu.memory_space<hbm>> -> memref<128xi32, #tpu.memory_space<hbm>>
      %dma_start3A_125 = tpu.memref_slice %arg5[%mul3A_2] : memref<4096xi32, #tpu.memory_space<hbm>> -> memref<128xi32, #tpu.memory_space<hbm>>
      tpu.enqueue_dma source(%dma_start3A_125 : memref<128xi32, #tpu.memory_space<hbm>>) target(%arg8 : memref<128xi32, #tpu.memory_space<vmem>>) target_semaphore(%run_scoped3A_123 : memref<!tpu.dma_semaphore, #tpu.memory_space<semaphore_mem>>)
      %dma_wait3A_126 = tpu.memref_slice %arg5[%mul3A_2] : memref<4096xi32, #tpu.memory_space<hbm>> -> memref<128xi32, #tpu.memory_space<hbm>>
      %dma_wait3A_127 = tpu.memref_slice %arg5[%mul3A_2] : memref<4096xi32, #tpu.memory_space<hbm>> -> memref<128xi32, #tpu.memory_space<hbm>>
      tpu.wait_dma2 semaphore(%run_scoped3A_123 : memref<!tpu.dma_semaphore, #tpu.memory_space<semaphore_mem>>) src(%dma_wait3A_127 : memref<128xi32, #tpu.memory_space<hbm>>) dst(%arg8 : memref<128xi32, #tpu.memory_space<vmem>>)
      tpu.yield
    }) : () -> ()
    %dma_start3A_117 = arith.constant 0 : i32
    %dma_start3A_118 = arith.constant 0 : i32
    %dma_start3A_119 = tpu.memref_slice %arg4[%dma_start3A_117, %dma_start3A_118] : memref<5000x112xf32, #tpu.memory_space<hbm>> -> memref<5000x112xf32, #tpu.memory_space<hbm>>
    tpu.enqueue_indirect_dma source(%dma_start3A_119 : memref<5000x112xf32, #tpu.memory_space<hbm>>) target(%arg10 : memref<128x112xf32, #tpu.memory_space<vmem>>) offsets(%arg8 : memref<128xi32, #tpu.memory_space<vmem>>) semaphore(%arg11 : memref<!tpu.dma_semaphore, #tpu.memory_space<semaphore_mem>>)
    %dma_wait3A_120 = arith.constant 0 : i32
    %dma_wait3A_121 = arith.constant 0 : i32
    %dma_wait3A_122 = tpu.memref_slice %arg4[%dma_wait3A_120, %dma_wait3A_121] : memref<5000x112xf32, #tpu.memory_space<hbm>> -> memref<5000x112xf32, #tpu.memory_space<hbm>>
    tpu.wait_indirect_dma semaphore(%arg11 : memref<!tpu.dma_semaphore, #tpu.memory_space<semaphore_mem>>) src(%dma_wait3A_122 : memref<5000x112xf32, #tpu.memory_space<hbm>>) dst(%arg10 : memref<128x112xf32, #tpu.memory_space<vmem>>)
    "tpu.region"() ({
      %run_scoped3A_123 = tpu.sem_alloc : memref<!tpu.dma_semaphore, #tpu.memory_space<semaphore_mem>>
      %dma_start3A_124 = arith.constant 0 : i32
      %dma_start3A_125 = tpu.memref_slice %arg7[%mul3A_2, %dma_start3A_124] : memref<4096x112xf32, #tpu.memory_space<hbm>> -> memref<128x112xf32, #tpu.memory_space<hbm>>
      %dma_start3A_126 = arith.constant 0 : i32
      %dma_start3A_127 = tpu.memref_slice %arg7[%mul3A_2, %dma_start3A_126] : memref<4096x112xf32, #tpu.memory_space<hbm>> -> memref<128x112xf32, #tpu.memory_space<hbm>>
      tpu.enqueue_dma source(%arg10 : memref<128x112xf32, #tpu.memory_space<vmem>>) target(%dma_start3A_127 : memref<128x112xf32, #tpu.memory_space<hbm>>) target_semaphore(%run_scoped3A_123 : memref<!tpu.dma_semaphore, #tpu.memory_space<semaphore_mem>>)
      %dma_wait3A_128 = arith.constant 0 : i32
      %dma_wait3A_129 = tpu.memref_slice %arg7[%mul3A_2, %dma_wait3A_128] : memref<4096x112xf32, #tpu.memory_space<hbm>> -> memref<128x112xf32, #tpu.memory_space<hbm>>
      %dma_wait3A_130 = arith.constant 0 : i32
      %dma_wait3A_131 = tpu.memref_slice %arg7[%mul3A_2, %dma_wait3A_130] : memref<4096x112xf32, #tpu.memory_space<hbm>> -> memref<128x112xf32, #tpu.memory_space<hbm>>
      tpu.wait_dma2 semaphore(%run_scoped3A_123 : memref<!tpu.dma_semaphore, #tpu.memory_space<semaphore_mem>>) src(%arg10 : memref<128x112xf32, #tpu.memory_space<vmem>>) dst(%dma_wait3A_131 : memref<128x112xf32, #tpu.memory_space<hbm>>)
      tpu.yield
    }) : () -> ()
    return
  }
}

module attributes {stable_mosaic.version = 14 : i64} {
  func.func @_tc_body(%arg0: i32, %arg1: memref<13x128x16xf32, #tpu.memory_space<vmem>>, %arg2: memref<128x112xf32, #tpu.memory_space<vmem>>, %arg3: memref<128x30x609xf32, #tpu.memory_space<vmem>>, %arg4: memref<128x30xi32, #tpu.memory_space<vmem>>, %arg5: memref<5x16x128xf32, #tpu.memory_space<vmem>>, %arg6: memref<1x128xf32, #tpu.memory_space<vmem>>, %arg7: memref<128x32xf32, #tpu.memory_space<vmem>>, %arg8: memref<1x32xf32, #tpu.memory_space<vmem>>, %arg9: memref<8x16x128xf32, #tpu.memory_space<vmem>>, %arg10: memref<112x128xf32, #tpu.memory_space<vmem>>, %arg11: memref<864x128xf32, #tpu.memory_space<vmem>>, %arg12: memref<864x128xf32, #tpu.memory_space<vmem>>, %arg13: memref<1x128xf32, #tpu.memory_space<vmem>>, %arg14: memref<128x32xf32, #tpu.memory_space<vmem>>, %arg15: memref<1x32xf32, #tpu.memory_space<vmem>>, %arg16: memref<609x96xf32, #tpu.memory_space<vmem>>, %arg17: memref<1x32xf32, #tpu.memory_space<vmem>>, %arg18: memref<3x10xf32, #tpu.memory_space<vmem>>, %arg19: memref<3x10x32xf32, #tpu.memory_space<vmem>>, %arg20: memref<1x32xf32, #tpu.memory_space<vmem>>, %arg21: memref<64x64xf32, #tpu.memory_space<vmem>>, %arg22: memref<1x64xf32, #tpu.memory_space<vmem>>, %arg23: memref<64x1xf32, #tpu.memory_space<vmem>>, %arg24: memref<1x1xf32, #tpu.memory_space<vmem>>, %arg25: memref<128x1xf32, #tpu.memory_space<vmem>>) attributes {dimension_semantics = [#tpu.dimension_semantics<arbitrary>], iteration_bounds = array<i64: 32>, scalar_prefetch = 0 : i64, scratch_operands = 0 : i64, tpu.core_type = #tpu.core_type<tc>, window_params = [{transform_indices = @transform_0, window_bounds = array<i64: 13, 128, 16>}, {transform_indices = @transform_1, window_bounds = array<i64: 128, 112>}, {transform_indices = @transform_2, window_bounds = array<i64: 128, 30, 609>}, {transform_indices = @transform_3, window_bounds = array<i64: 128, 30>}, {pipeline_mode = #tpu.pipeline_mode<synchronous>, transform_indices = @transform_4, window_bounds = array<i64: 5, 16, 128>}, {pipeline_mode = #tpu.pipeline_mode<synchronous>, transform_indices = @transform_5, window_bounds = array<i64: 1, 128>}, {pipeline_mode = #tpu.pipeline_mode<synchronous>, transform_indices = @transform_6, window_bounds = array<i64: 128, 32>}, {pipeline_mode = #tpu.pipeline_mode<synchronous>, transform_indices = @transform_7, window_bounds = array<i64: 1, 32>}, {pipeline_mode = #tpu.pipeline_mode<synchronous>, transform_indices = @transform_8, window_bounds = array<i64: 8, 16, 128>}, {pipeline_mode = #tpu.pipeline_mode<synchronous>, transform_indices = @transform_9, window_bounds = array<i64: 112, 128>}, {pipeline_mode = #tpu.pipeline_mode<synchronous>, transform_indices = @transform_10, window_bounds = array<i64: 864, 128>}, {pipeline_mode = #tpu.pipeline_mode<synchronous>, transform_indices = @transform_11, window_bounds = array<i64: 864, 128>}, {pipeline_mode = #tpu.pipeline_mode<synchronous>, transform_indices = @transform_12, window_bounds = array<i64: 1, 128>}, {pipeline_mode = #tpu.pipeline_mode<synchronous>, transform_indices = @transform_13, window_bounds = array<i64: 128, 32>}, {pipeline_mode = #tpu.pipeline_mode<synchronous>, transform_indices = @transform_14, window_bounds = array<i64: 1, 32>}, {pipeline_mode = #tpu.pipeline_mode<synchronous>, transform_indices = @transform_15, window_bounds = array<i64: 609, 96>}, {pipeline_mode = #tpu.pipeline_mode<synchronous>, transform_indices = @transform_16, window_bounds = array<i64: 1, 32>}, {pipeline_mode = #tpu.pipeline_mode<synchronous>, transform_indices = @transform_17, window_bounds = array<i64: 3, 10>}, {pipeline_mode = #tpu.pipeline_mode<synchronous>, transform_indices = @transform_18, window_bounds = array<i64: 3, 10, 32>}, {pipeline_mode = #tpu.pipeline_mode<synchronous>, transform_indices = @transform_19, window_bounds = array<i64: 1, 32>}, {pipeline_mode = #tpu.pipeline_mode<synchronous>, transform_indices = @transform_20, window_bounds = array<i64: 64, 64>}, {pipeline_mode = #tpu.pipeline_mode<synchronous>, transform_indices = @transform_21, window_bounds = array<i64: 1, 64>}, {pipeline_mode = #tpu.pipeline_mode<synchronous>, transform_indices = @transform_22, window_bounds = array<i64: 64, 1>}, {pipeline_mode = #tpu.pipeline_mode<synchronous>, transform_indices = @transform_23, window_bounds = array<i64: 1, 1>}, {transform_indices = @transform_24, window_bounds = array<i64: 128, 1>}]} {
    %get3A = arith.constant 0 : index
    %get3A_0 = arith.constant 0 : index
    %get3A_1 = vector.load %arg13[%get3A, %get3A_0] : memref<1x128xf32, #tpu.memory_space<vmem>>, vector<1x128xf32>
    %get3A_2 = arith.constant 0 : index
    %get3A_3 = arith.constant 0 : index
    %get3A_4 = vector.load %arg2[%get3A_2, %get3A_3] : memref<128x112xf32, #tpu.memory_space<vmem>>, vector<128x112xf32>
    %get3A_5 = arith.constant 0 : index
    %get3A_6 = arith.constant 0 : index
    %get3A_7 = vector.load %arg10[%get3A_5, %get3A_6] : memref<112x128xf32, #tpu.memory_space<vmem>>, vector<112x128xf32>
    %dot_general3A = arith.constant dense<0.000000e+00> : vector<128x128xf32>
    %dot_general3A_8 = tpu.matmul %get3A_4, %get3A_7, %dot_general3A {dimension_numbers = #tpu.dot_dimension_numbers<[1], [0], [0], [1], [0, 0, 1, 1], [], []>, transpose_lhs_hint = false} : vector<128x112xf32>, vector<112x128xf32>, vector<128x128xf32> -> vector<128x128xf32>
    %add3A = vector.broadcast %get3A_1 : vector<1x128xf32> to vector<128x128xf32>
    %add3A_9 = arith.addf %add3A, %dot_general3A_8 : vector<128x128xf32>
    %get3A_10 = arith.constant 5 : index
    %get3A_11 = arith.constant 0 : index
    %get3A_12 = arith.constant 0 : index
    %get3A_13 = vector.load %arg1[%get3A_10, %get3A_11, %get3A_12] : memref<13x128x16xf32, #tpu.memory_space<vmem>>, vector<1x128x16xf32>
    %get3A_14 = vector.shape_cast %get3A_13 : vector<1x128x16xf32> to vector<128x16xf32>
    %get3A_15 = arith.constant 0 : index
    %get3A_16 = arith.constant 0 : index
    %get3A_17 = arith.constant 0 : index
    %get3A_18 = vector.load %arg9[%get3A_15, %get3A_16, %get3A_17] : memref<8x16x128xf32, #tpu.memory_space<vmem>>, vector<1x16x128xf32>
    %get3A_19 = vector.shape_cast %get3A_18 : vector<1x16x128xf32> to vector<16x128xf32>
    %dot_general3A_20 = arith.constant dense<0.000000e+00> : vector<128x128xf32>
    %dot_general3A_21 = tpu.matmul %get3A_14, %get3A_19, %dot_general3A_20 {dimension_numbers = #tpu.dot_dimension_numbers<[1], [0], [0], [1], [0, 0, 1, 1], [], []>, transpose_lhs_hint = false} : vector<128x16xf32>, vector<16x128xf32>, vector<128x128xf32> -> vector<128x128xf32>
    %add3A_22 = arith.addf %add3A_9, %dot_general3A_21 : vector<128x128xf32>
    %get3A_23 = arith.constant 6 : index
    %get3A_24 = arith.constant 0 : index
    %get3A_25 = arith.constant 0 : index
    %get3A_26 = vector.load %arg1[%get3A_23, %get3A_24, %get3A_25] : memref<13x128x16xf32, #tpu.memory_space<vmem>>, vector<1x128x16xf32>
    %get3A_27 = vector.shape_cast %get3A_26 : vector<1x128x16xf32> to vector<128x16xf32>
    %get3A_28 = arith.constant 1 : index
    %get3A_29 = arith.constant 0 : index
    %get3A_30 = arith.constant 0 : index
    %get3A_31 = vector.load %arg9[%get3A_28, %get3A_29, %get3A_30] : memref<8x16x128xf32, #tpu.memory_space<vmem>>, vector<1x16x128xf32>
    %get3A_32 = vector.shape_cast %get3A_31 : vector<1x16x128xf32> to vector<16x128xf32>
    %dot_general3A_33 = arith.constant dense<0.000000e+00> : vector<128x128xf32>
    %dot_general3A_34 = tpu.matmul %get3A_27, %get3A_32, %dot_general3A_33 {dimension_numbers = #tpu.dot_dimension_numbers<[1], [0], [0], [1], [0, 0, 1, 1], [], []>, transpose_lhs_hint = false} : vector<128x16xf32>, vector<16x128xf32>, vector<128x128xf32> -> vector<128x128xf32>
    %add3A_35 = arith.addf %add3A_22, %dot_general3A_34 : vector<128x128xf32>
    %get3A_36 = arith.constant 7 : index
    %get3A_37 = arith.constant 0 : index
    %get3A_38 = arith.constant 0 : index
    %get3A_39 = vector.load %arg1[%get3A_36, %get3A_37, %get3A_38] : memref<13x128x16xf32, #tpu.memory_space<vmem>>, vector<1x128x16xf32>
    %get3A_40 = vector.shape_cast %get3A_39 : vector<1x128x16xf32> to vector<128x16xf32>
    %get3A_41 = arith.constant 2 : index
    %get3A_42 = arith.constant 0 : index
    %get3A_43 = arith.constant 0 : index
    %get3A_44 = vector.load %arg9[%get3A_41, %get3A_42, %get3A_43] : memref<8x16x128xf32, #tpu.memory_space<vmem>>, vector<1x16x128xf32>
    %get3A_45 = vector.shape_cast %get3A_44 : vector<1x16x128xf32> to vector<16x128xf32>
    %dot_general3A_46 = arith.constant dense<0.000000e+00> : vector<128x128xf32>
    %dot_general3A_47 = tpu.matmul %get3A_40, %get3A_45, %dot_general3A_46 {dimension_numbers = #tpu.dot_dimension_numbers<[1], [0], [0], [1], [0, 0, 1, 1], [], []>, transpose_lhs_hint = false} : vector<128x16xf32>, vector<16x128xf32>, vector<128x128xf32> -> vector<128x128xf32>
    %add3A_48 = arith.addf %add3A_35, %dot_general3A_47 : vector<128x128xf32>
    %get3A_49 = arith.constant 8 : index
    %get3A_50 = arith.constant 0 : index
    %get3A_51 = arith.constant 0 : index
    %get3A_52 = vector.load %arg1[%get3A_49, %get3A_50, %get3A_51] : memref<13x128x16xf32, #tpu.memory_space<vmem>>, vector<1x128x16xf32>
    %get3A_53 = vector.shape_cast %get3A_52 : vector<1x128x16xf32> to vector<128x16xf32>
    %get3A_54 = arith.constant 3 : index
    %get3A_55 = arith.constant 0 : index
    %get3A_56 = arith.constant 0 : index
    %get3A_57 = vector.load %arg9[%get3A_54, %get3A_55, %get3A_56] : memref<8x16x128xf32, #tpu.memory_space<vmem>>, vector<1x16x128xf32>
    %get3A_58 = vector.shape_cast %get3A_57 : vector<1x16x128xf32> to vector<16x128xf32>
    %dot_general3A_59 = arith.constant dense<0.000000e+00> : vector<128x128xf32>
    %dot_general3A_60 = tpu.matmul %get3A_53, %get3A_58, %dot_general3A_59 {dimension_numbers = #tpu.dot_dimension_numbers<[1], [0], [0], [1], [0, 0, 1, 1], [], []>, transpose_lhs_hint = false} : vector<128x16xf32>, vector<16x128xf32>, vector<128x128xf32> -> vector<128x128xf32>
    %add3A_61 = arith.addf %add3A_48, %dot_general3A_60 : vector<128x128xf32>
    %get3A_62 = arith.constant 9 : index
    %get3A_63 = arith.constant 0 : index
    %get3A_64 = arith.constant 0 : index
    %get3A_65 = vector.load %arg1[%get3A_62, %get3A_63, %get3A_64] : memref<13x128x16xf32, #tpu.memory_space<vmem>>, vector<1x128x16xf32>
    %get3A_66 = vector.shape_cast %get3A_65 : vector<1x128x16xf32> to vector<128x16xf32>
    %get3A_67 = arith.constant 4 : index
    %get3A_68 = arith.constant 0 : index
    %get3A_69 = arith.constant 0 : index
    %get3A_70 = vector.load %arg9[%get3A_67, %get3A_68, %get3A_69] : memref<8x16x128xf32, #tpu.memory_space<vmem>>, vector<1x16x128xf32>
    %get3A_71 = vector.shape_cast %get3A_70 : vector<1x16x128xf32> to vector<16x128xf32>
    %dot_general3A_72 = arith.constant dense<0.000000e+00> : vector<128x128xf32>
    %dot_general3A_73 = tpu.matmul %get3A_66, %get3A_71, %dot_general3A_72 {dimension_numbers = #tpu.dot_dimension_numbers<[1], [0], [0], [1], [0, 0, 1, 1], [], []>, transpose_lhs_hint = false} : vector<128x16xf32>, vector<16x128xf32>, vector<128x128xf32> -> vector<128x128xf32>
    %add3A_74 = arith.addf %add3A_61, %dot_general3A_73 : vector<128x128xf32>
    %get3A_75 = arith.constant 10 : index
    %get3A_76 = arith.constant 0 : index
    %get3A_77 = arith.constant 0 : index
    %get3A_78 = vector.load %arg1[%get3A_75, %get3A_76, %get3A_77] : memref<13x128x16xf32, #tpu.memory_space<vmem>>, vector<1x128x16xf32>
    %get3A_79 = vector.shape_cast %get3A_78 : vector<1x128x16xf32> to vector<128x16xf32>
    %get3A_80 = arith.constant 5 : index
    %get3A_81 = arith.constant 0 : index
    %get3A_82 = arith.constant 0 : index
    %get3A_83 = vector.load %arg9[%get3A_80, %get3A_81, %get3A_82] : memref<8x16x128xf32, #tpu.memory_space<vmem>>, vector<1x16x128xf32>
    %get3A_84 = vector.shape_cast %get3A_83 : vector<1x16x128xf32> to vector<16x128xf32>
    %dot_general3A_85 = arith.constant dense<0.000000e+00> : vector<128x128xf32>
    %dot_general3A_86 = tpu.matmul %get3A_79, %get3A_84, %dot_general3A_85 {dimension_numbers = #tpu.dot_dimension_numbers<[1], [0], [0], [1], [0, 0, 1, 1], [], []>, transpose_lhs_hint = false} : vector<128x16xf32>, vector<16x128xf32>, vector<128x128xf32> -> vector<128x128xf32>
    %add3A_87 = arith.addf %add3A_74, %dot_general3A_86 : vector<128x128xf32>
    %get3A_88 = arith.constant 11 : index
    %get3A_89 = arith.constant 0 : index
    %get3A_90 = arith.constant 0 : index
    %get3A_91 = vector.load %arg1[%get3A_88, %get3A_89, %get3A_90] : memref<13x128x16xf32, #tpu.memory_space<vmem>>, vector<1x128x16xf32>
    %get3A_92 = vector.shape_cast %get3A_91 : vector<1x128x16xf32> to vector<128x16xf32>
    %get3A_93 = arith.constant 6 : index
    %get3A_94 = arith.constant 0 : index
    %get3A_95 = arith.constant 0 : index
    %get3A_96 = vector.load %arg9[%get3A_93, %get3A_94, %get3A_95] : memref<8x16x128xf32, #tpu.memory_space<vmem>>, vector<1x16x128xf32>
    %get3A_97 = vector.shape_cast %get3A_96 : vector<1x16x128xf32> to vector<16x128xf32>
    %dot_general3A_98 = arith.constant dense<0.000000e+00> : vector<128x128xf32>
    %dot_general3A_99 = tpu.matmul %get3A_92, %get3A_97, %dot_general3A_98 {dimension_numbers = #tpu.dot_dimension_numbers<[1], [0], [0], [1], [0, 0, 1, 1], [], []>, transpose_lhs_hint = false} : vector<128x16xf32>, vector<16x128xf32>, vector<128x128xf32> -> vector<128x128xf32>
    %add3A_100 = arith.addf %add3A_87, %dot_general3A_99 : vector<128x128xf32>
    %get3A_101 = arith.constant 12 : index
    %get3A_102 = arith.constant 0 : index
    %get3A_103 = arith.constant 0 : index
    %get3A_104 = vector.load %arg1[%get3A_101, %get3A_102, %get3A_103] : memref<13x128x16xf32, #tpu.memory_space<vmem>>, vector<1x128x16xf32>
    %get3A_105 = vector.shape_cast %get3A_104 : vector<1x128x16xf32> to vector<128x16xf32>
    %get3A_106 = arith.constant 7 : index
    %get3A_107 = arith.constant 0 : index
    %get3A_108 = arith.constant 0 : index
    %get3A_109 = vector.load %arg9[%get3A_106, %get3A_107, %get3A_108] : memref<8x16x128xf32, #tpu.memory_space<vmem>>, vector<1x16x128xf32>
    %get3A_110 = vector.shape_cast %get3A_109 : vector<1x16x128xf32> to vector<16x128xf32>
    %dot_general3A_111 = arith.constant dense<0.000000e+00> : vector<128x128xf32>
    %dot_general3A_112 = tpu.matmul %get3A_105, %get3A_110, %dot_general3A_111 {dimension_numbers = #tpu.dot_dimension_numbers<[1], [0], [0], [1], [0, 0, 1, 1], [], []>, transpose_lhs_hint = false} : vector<128x16xf32>, vector<16x128xf32>, vector<128x128xf32> -> vector<128x128xf32>
    %add3A_113 = arith.addf %add3A_100, %dot_general3A_112 : vector<128x128xf32>
    %get3A_114 = arith.constant 0 : index
    %get3A_115 = arith.constant 0 : index
    %get3A_116 = vector.load %arg17[%get3A_114, %get3A_115] : memref<1x32xf32, #tpu.memory_space<vmem>>, vector<1x32xf32>
    %get3A_117 = arith.constant 0 : index
    %get3A_118 = arith.constant 0 : index
    %get3A_119 = vector.load %arg16[%get3A_117, %get3A_118] : memref<609x96xf32, #tpu.memory_space<vmem>>, vector<609x96xf32>
    %get3A_120 = arith.constant 0 : index
    %get3A_121 = arith.constant 0 : index
    %get3A_122 = arith.constant 0 : index
    %get3A_123 = vector.load %arg3[%get3A_120, %get3A_121, %get3A_122] : memref<128x30x609xf32, #tpu.memory_space<vmem>>, vector<128x1x609xf32>
    %get3A_124 = vector.shape_cast %get3A_123 : vector<128x1x609xf32> to vector<128x609xf32>
    %dot_general3A_125 = arith.constant dense<0.000000e+00> : vector<128x96xf32>
    %dot_general3A_126 = tpu.matmul %get3A_124, %get3A_119, %dot_general3A_125 {dimension_numbers = #tpu.dot_dimension_numbers<[1], [0], [0], [1], [0, 0, 1, 1], [], []>, transpose_lhs_hint = false} : vector<128x609xf32>, vector<609x96xf32>, vector<128x96xf32> -> vector<128x96xf32>
    %get3A_127 = arith.constant 0 : index
    %get3A_128 = arith.constant 1 : index
    %get3A_129 = arith.constant 0 : index
    %get3A_130 = vector.load %arg3[%get3A_127, %get3A_128, %get3A_129] : memref<128x30x609xf32, #tpu.memory_space<vmem>>, vector<128x1x609xf32>
    %get3A_131 = vector.shape_cast %get3A_130 : vector<128x1x609xf32> to vector<128x609xf32>
    %dot_general3A_132 = arith.constant dense<0.000000e+00> : vector<128x96xf32>
    %dot_general3A_133 = tpu.matmul %get3A_131, %get3A_119, %dot_general3A_132 {dimension_numbers = #tpu.dot_dimension_numbers<[1], [0], [0], [1], [0, 0, 1, 1], [], []>, transpose_lhs_hint = false} : vector<128x609xf32>, vector<609x96xf32>, vector<128x96xf32> -> vector<128x96xf32>
    %get3A_134 = arith.constant 0 : index
    %get3A_135 = arith.constant 2 : index
    %get3A_136 = arith.constant 0 : index
    %get3A_137 = vector.load %arg3[%get3A_134, %get3A_135, %get3A_136] : memref<128x30x609xf32, #tpu.memory_space<vmem>>, vector<128x1x609xf32>
    %get3A_138 = vector.shape_cast %get3A_137 : vector<128x1x609xf32> to vector<128x609xf32>
    %dot_general3A_139 = arith.constant dense<0.000000e+00> : vector<128x96xf32>
    %dot_general3A_140 = tpu.matmul %get3A_138, %get3A_119, %dot_general3A_139 {dimension_numbers = #tpu.dot_dimension_numbers<[1], [0], [0], [1], [0, 0, 1, 1], [], []>, transpose_lhs_hint = false} : vector<128x609xf32>, vector<609x96xf32>, vector<128x96xf32> -> vector<128x96xf32>
    %slice3A = vector.extract_strided_slice %dot_general3A_126 {offsets = [0, 0], sizes = [128, 32], strides = [1, 1]} : vector<128x96xf32> to vector<128x32xf32>
    %slice3A_141 = vector.extract_strided_slice %dot_general3A_133 {offsets = [0, 32], sizes = [128, 32], strides = [1, 1]} : vector<128x96xf32> to vector<128x32xf32>
    %add3A_142 = arith.addf %slice3A, %slice3A_141 : vector<128x32xf32>
    %slice3A_143 = vector.extract_strided_slice %dot_general3A_140 {offsets = [0, 64], sizes = [128, 32], strides = [1, 1]} : vector<128x96xf32> to vector<128x32xf32>
    %add3A_144 = arith.addf %add3A_142, %slice3A_143 : vector<128x32xf32>
    %add3A_145 = vector.broadcast %get3A_116 : vector<1x32xf32> to vector<128x32xf32>
    %add3A_146 = arith.addf %add3A_144, %add3A_145 : vector<128x32xf32>
    %max3A = arith.constant 0.000000e+00 : f32
    %max3A_147 = vector.broadcast %max3A : f32 to vector<128x32xf32>
    %max3A_148 = arith.maximumf %add3A_146, %max3A_147 : vector<128x32xf32>
    %get3A_149 = arith.constant 0 : index
    %get3A_150 = arith.constant 3 : index
    %get3A_151 = arith.constant 0 : index
    %get3A_152 = vector.load %arg3[%get3A_149, %get3A_150, %get3A_151] : memref<128x30x609xf32, #tpu.memory_space<vmem>>, vector<128x1x609xf32>
    %get3A_153 = vector.shape_cast %get3A_152 : vector<128x1x609xf32> to vector<128x609xf32>
    %dot_general3A_154 = arith.constant dense<0.000000e+00> : vector<128x96xf32>
    %dot_general3A_155 = tpu.matmul %get3A_153, %get3A_119, %dot_general3A_154 {dimension_numbers = #tpu.dot_dimension_numbers<[1], [0], [0], [1], [0, 0, 1, 1], [], []>, transpose_lhs_hint = false} : vector<128x609xf32>, vector<609x96xf32>, vector<128x96xf32> -> vector<128x96xf32>
    %slice3A_156 = vector.extract_strided_slice %dot_general3A_133 {offsets = [0, 0], sizes = [128, 32], strides = [1, 1]} : vector<128x96xf32> to vector<128x32xf32>
    %slice3A_157 = vector.extract_strided_slice %dot_general3A_140 {offsets = [0, 32], sizes = [128, 32], strides = [1, 1]} : vector<128x96xf32> to vector<128x32xf32>
    %add3A_158 = arith.addf %slice3A_156, %slice3A_157 : vector<128x32xf32>
    %slice3A_159 = vector.extract_strided_slice %dot_general3A_155 {offsets = [0, 64], sizes = [128, 32], strides = [1, 1]} : vector<128x96xf32> to vector<128x32xf32>
    %add3A_160 = arith.addf %add3A_158, %slice3A_159 : vector<128x32xf32>
    %add3A_161 = vector.broadcast %get3A_116 : vector<1x32xf32> to vector<128x32xf32>
    %add3A_162 = arith.addf %add3A_160, %add3A_161 : vector<128x32xf32>
    %max3A_163 = arith.constant 0.000000e+00 : f32
    %max3A_164 = vector.broadcast %max3A_163 : f32 to vector<128x32xf32>
    %max3A_165 = arith.maximumf %add3A_162, %max3A_164 : vector<128x32xf32>
    %max3A_166 = arith.maximumf %max3A_148, %max3A_165 : vector<128x32xf32>
    %get3A_167 = arith.constant 0 : index
    %get3A_168 = arith.constant 0 : index
    %get3A_169 = vector.load %arg11[%get3A_167, %get3A_168] : memref<864x128xf32, #tpu.memory_space<vmem>>, vector<32x128xf32>
    %dot_general3A_170 = arith.constant dense<0.000000e+00> : vector<128x128xf32>
    %dot_general3A_171 = tpu.matmul %max3A_166, %get3A_169, %dot_general3A_170 {dimension_numbers = #tpu.dot_dimension_numbers<[1], [0], [0], [1], [0, 0, 1, 1], [], []>, transpose_lhs_hint = false} : vector<128x32xf32>, vector<32x128xf32>, vector<128x128xf32> -> vector<128x128xf32>
    %add3A_172 = arith.addf %add3A_113, %dot_general3A_171 : vector<128x128xf32>
    %get3A_173 = arith.constant 0 : index
    %get3A_174 = arith.constant 4 : index
    %get3A_175 = arith.constant 0 : index
    %get3A_176 = vector.load %arg3[%get3A_173, %get3A_174, %get3A_175] : memref<128x30x609xf32, #tpu.memory_space<vmem>>, vector<128x1x609xf32>
    %get3A_177 = vector.shape_cast %get3A_176 : vector<128x1x609xf32> to vector<128x609xf32>
    %dot_general3A_178 = arith.constant dense<0.000000e+00> : vector<128x96xf32>
    %dot_general3A_179 = tpu.matmul %get3A_177, %get3A_119, %dot_general3A_178 {dimension_numbers = #tpu.dot_dimension_numbers<[1], [0], [0], [1], [0, 0, 1, 1], [], []>, transpose_lhs_hint = false} : vector<128x609xf32>, vector<609x96xf32>, vector<128x96xf32> -> vector<128x96xf32>
    %slice3A_180 = vector.extract_strided_slice %dot_general3A_140 {offsets = [0, 0], sizes = [128, 32], strides = [1, 1]} : vector<128x96xf32> to vector<128x32xf32>
    %slice3A_181 = vector.extract_strided_slice %dot_general3A_155 {offsets = [0, 32], sizes = [128, 32], strides = [1, 1]} : vector<128x96xf32> to vector<128x32xf32>
    %add3A_182 = arith.addf %slice3A_180, %slice3A_181 : vector<128x32xf32>
    %slice3A_183 = vector.extract_strided_slice %dot_general3A_179 {offsets = [0, 64], sizes = [128, 32], strides = [1, 1]} : vector<128x96xf32> to vector<128x32xf32>
    %add3A_184 = arith.addf %add3A_182, %slice3A_183 : vector<128x32xf32>
    %add3A_185 = vector.broadcast %get3A_116 : vector<1x32xf32> to vector<128x32xf32>
    %add3A_186 = arith.addf %add3A_184, %add3A_185 : vector<128x32xf32>
    %max3A_187 = arith.constant 0.000000e+00 : f32
    %max3A_188 = vector.broadcast %max3A_187 : f32 to vector<128x32xf32>
    %max3A_189 = arith.maximumf %add3A_186, %max3A_188 : vector<128x32xf32>
    %max3A_190 = arith.maximumf %max3A_165, %max3A_189 : vector<128x32xf32>
    %get3A_191 = arith.constant 32 : index
    %get3A_192 = arith.constant 0 : index
    %get3A_193 = vector.load %arg11[%get3A_191, %get3A_192] : memref<864x128xf32, #tpu.memory_space<vmem>>, vector<32x128xf32>
    %dot_general3A_194 = arith.constant dense<0.000000e+00> : vector<128x128xf32>
    %dot_general3A_195 = tpu.matmul %max3A_190, %get3A_193, %dot_general3A_194 {dimension_numbers = #tpu.dot_dimension_numbers<[1], [0], [0], [1], [0, 0, 1, 1], [], []>, transpose_lhs_hint = false} : vector<128x32xf32>, vector<32x128xf32>, vector<128x128xf32> -> vector<128x128xf32>
    %add3A_196 = arith.addf %add3A_172, %dot_general3A_195 : vector<128x128xf32>
    %get3A_197 = arith.constant 0 : index
    %get3A_198 = arith.constant 5 : index
    %get3A_199 = arith.constant 0 : index
    %get3A_200 = vector.load %arg3[%get3A_197, %get3A_198, %get3A_199] : memref<128x30x609xf32, #tpu.memory_space<vmem>>, vector<128x1x609xf32>
    %get3A_201 = vector.shape_cast %get3A_200 : vector<128x1x609xf32> to vector<128x609xf32>
    %dot_general3A_202 = arith.constant dense<0.000000e+00> : vector<128x96xf32>
    %dot_general3A_203 = tpu.matmul %get3A_201, %get3A_119, %dot_general3A_202 {dimension_numbers = #tpu.dot_dimension_numbers<[1], [0], [0], [1], [0, 0, 1, 1], [], []>, transpose_lhs_hint = false} : vector<128x609xf32>, vector<609x96xf32>, vector<128x96xf32> -> vector<128x96xf32>
    %slice3A_204 = vector.extract_strided_slice %dot_general3A_155 {offsets = [0, 0], sizes = [128, 32], strides = [1, 1]} : vector<128x96xf32> to vector<128x32xf32>
    %slice3A_205 = vector.extract_strided_slice %dot_general3A_179 {offsets = [0, 32], sizes = [128, 32], strides = [1, 1]} : vector<128x96xf32> to vector<128x32xf32>
    %add3A_206 = arith.addf %slice3A_204, %slice3A_205 : vector<128x32xf32>
    %slice3A_207 = vector.extract_strided_slice %dot_general3A_203 {offsets = [0, 64], sizes = [128, 32], strides = [1, 1]} : vector<128x96xf32> to vector<128x32xf32>
    %add3A_208 = arith.addf %add3A_206, %slice3A_207 : vector<128x32xf32>
    %add3A_209 = vector.broadcast %get3A_116 : vector<1x32xf32> to vector<128x32xf32>
    %add3A_210 = arith.addf %add3A_208, %add3A_209 : vector<128x32xf32>
    %max3A_211 = arith.constant 0.000000e+00 : f32
    %max3A_212 = vector.broadcast %max3A_211 : f32 to vector<128x32xf32>
    %max3A_213 = arith.maximumf %add3A_210, %max3A_212 : vector<128x32xf32>
    %max3A_214 = arith.maximumf %max3A_189, %max3A_213 : vector<128x32xf32>
    %get3A_215 = arith.constant 64 : index
    %get3A_216 = arith.constant 0 : index
    %get3A_217 = vector.load %arg11[%get3A_215, %get3A_216] : memref<864x128xf32, #tpu.memory_space<vmem>>, vector<32x128xf32>
    %dot_general3A_218 = arith.constant dense<0.000000e+00> : vector<128x128xf32>
    %dot_general3A_219 = tpu.matmul %max3A_214, %get3A_217, %dot_general3A_218 {dimension_numbers = #tpu.dot_dimension_numbers<[1], [0], [0], [1], [0, 0, 1, 1], [], []>, transpose_lhs_hint = false} : vector<128x32xf32>, vector<32x128xf32>, vector<128x128xf32> -> vector<128x128xf32>
    %add3A_220 = arith.addf %add3A_196, %dot_general3A_219 : vector<128x128xf32>
    %get3A_221 = arith.constant 0 : index
    %get3A_222 = arith.constant 6 : index
    %get3A_223 = arith.constant 0 : index
    %get3A_224 = vector.load %arg3[%get3A_221, %get3A_222, %get3A_223] : memref<128x30x609xf32, #tpu.memory_space<vmem>>, vector<128x1x609xf32>
    %get3A_225 = vector.shape_cast %get3A_224 : vector<128x1x609xf32> to vector<128x609xf32>
    %dot_general3A_226 = arith.constant dense<0.000000e+00> : vector<128x96xf32>
    %dot_general3A_227 = tpu.matmul %get3A_225, %get3A_119, %dot_general3A_226 {dimension_numbers = #tpu.dot_dimension_numbers<[1], [0], [0], [1], [0, 0, 1, 1], [], []>, transpose_lhs_hint = false} : vector<128x609xf32>, vector<609x96xf32>, vector<128x96xf32> -> vector<128x96xf32>
    %slice3A_228 = vector.extract_strided_slice %dot_general3A_179 {offsets = [0, 0], sizes = [128, 32], strides = [1, 1]} : vector<128x96xf32> to vector<128x32xf32>
    %slice3A_229 = vector.extract_strided_slice %dot_general3A_203 {offsets = [0, 32], sizes = [128, 32], strides = [1, 1]} : vector<128x96xf32> to vector<128x32xf32>
    %add3A_230 = arith.addf %slice3A_228, %slice3A_229 : vector<128x32xf32>
    %slice3A_231 = vector.extract_strided_slice %dot_general3A_227 {offsets = [0, 64], sizes = [128, 32], strides = [1, 1]} : vector<128x96xf32> to vector<128x32xf32>
    %add3A_232 = arith.addf %add3A_230, %slice3A_231 : vector<128x32xf32>
    %add3A_233 = vector.broadcast %get3A_116 : vector<1x32xf32> to vector<128x32xf32>
    %add3A_234 = arith.addf %add3A_232, %add3A_233 : vector<128x32xf32>
    %max3A_235 = arith.constant 0.000000e+00 : f32
    %max3A_236 = vector.broadcast %max3A_235 : f32 to vector<128x32xf32>
    %max3A_237 = arith.maximumf %add3A_234, %max3A_236 : vector<128x32xf32>
    %max3A_238 = arith.maximumf %max3A_213, %max3A_237 : vector<128x32xf32>
    %get3A_239 = arith.constant 96 : index
    %get3A_240 = arith.constant 0 : index
    %get3A_241 = vector.load %arg11[%get3A_239, %get3A_240] : memref<864x128xf32, #tpu.memory_space<vmem>>, vector<32x128xf32>
    %dot_general3A_242 = arith.constant dense<0.000000e+00> : vector<128x128xf32>
    %dot_general3A_243 = tpu.matmul %max3A_238, %get3A_241, %dot_general3A_242 {dimension_numbers = #tpu.dot_dimension_numbers<[1], [0], [0], [1], [0, 0, 1, 1], [], []>, transpose_lhs_hint = false} : vector<128x32xf32>, vector<32x128xf32>, vector<128x128xf32> -> vector<128x128xf32>
    %add3A_244 = arith.addf %add3A_220, %dot_general3A_243 : vector<128x128xf32>
    %get3A_245 = arith.constant 0 : index
    %get3A_246 = arith.constant 7 : index
    %get3A_247 = arith.constant 0 : index
    %get3A_248 = vector.load %arg3[%get3A_245, %get3A_246, %get3A_247] : memref<128x30x609xf32, #tpu.memory_space<vmem>>, vector<128x1x609xf32>
    %get3A_249 = vector.shape_cast %get3A_248 : vector<128x1x609xf32> to vector<128x609xf32>
    %dot_general3A_250 = arith.constant dense<0.000000e+00> : vector<128x96xf32>
    %dot_general3A_251 = tpu.matmul %get3A_249, %get3A_119, %dot_general3A_250 {dimension_numbers = #tpu.dot_dimension_numbers<[1], [0], [0], [1], [0, 0, 1, 1], [], []>, transpose_lhs_hint = false} : vector<128x609xf32>, vector<609x96xf32>, vector<128x96xf32> -> vector<128x96xf32>
    %slice3A_252 = vector.extract_strided_slice %dot_general3A_203 {offsets = [0, 0], sizes = [128, 32], strides = [1, 1]} : vector<128x96xf32> to vector<128x32xf32>
    %slice3A_253 = vector.extract_strided_slice %dot_general3A_227 {offsets = [0, 32], sizes = [128, 32], strides = [1, 1]} : vector<128x96xf32> to vector<128x32xf32>
    %add3A_254 = arith.addf %slice3A_252, %slice3A_253 : vector<128x32xf32>
    %slice3A_255 = vector.extract_strided_slice %dot_general3A_251 {offsets = [0, 64], sizes = [128, 32], strides = [1, 1]} : vector<128x96xf32> to vector<128x32xf32>
    %add3A_256 = arith.addf %add3A_254, %slice3A_255 : vector<128x32xf32>
    %add3A_257 = vector.broadcast %get3A_116 : vector<1x32xf32> to vector<128x32xf32>
    %add3A_258 = arith.addf %add3A_256, %add3A_257 : vector<128x32xf32>
    %max3A_259 = arith.constant 0.000000e+00 : f32
    %max3A_260 = vector.broadcast %max3A_259 : f32 to vector<128x32xf32>
    %max3A_261 = arith.maximumf %add3A_258, %max3A_260 : vector<128x32xf32>
    %max3A_262 = arith.maximumf %max3A_237, %max3A_261 : vector<128x32xf32>
    %get3A_263 = arith.constant 128 : index
    %get3A_264 = arith.constant 0 : index
    %get3A_265 = vector.load %arg11[%get3A_263, %get3A_264] : memref<864x128xf32, #tpu.memory_space<vmem>>, vector<32x128xf32>
    %dot_general3A_266 = arith.constant dense<0.000000e+00> : vector<128x128xf32>
    %dot_general3A_267 = tpu.matmul %max3A_262, %get3A_265, %dot_general3A_266 {dimension_numbers = #tpu.dot_dimension_numbers<[1], [0], [0], [1], [0, 0, 1, 1], [], []>, transpose_lhs_hint = false} : vector<128x32xf32>, vector<32x128xf32>, vector<128x128xf32> -> vector<128x128xf32>
    %add3A_268 = arith.addf %add3A_244, %dot_general3A_267 : vector<128x128xf32>
    %get3A_269 = arith.constant 0 : index
    %get3A_270 = arith.constant 8 : index
    %get3A_271 = arith.constant 0 : index
    %get3A_272 = vector.load %arg3[%get3A_269, %get3A_270, %get3A_271] : memref<128x30x609xf32, #tpu.memory_space<vmem>>, vector<128x1x609xf32>
    %get3A_273 = vector.shape_cast %get3A_272 : vector<128x1x609xf32> to vector<128x609xf32>
    %dot_general3A_274 = arith.constant dense<0.000000e+00> : vector<128x96xf32>
    %dot_general3A_275 = tpu.matmul %get3A_273, %get3A_119, %dot_general3A_274 {dimension_numbers = #tpu.dot_dimension_numbers<[1], [0], [0], [1], [0, 0, 1, 1], [], []>, transpose_lhs_hint = false} : vector<128x609xf32>, vector<609x96xf32>, vector<128x96xf32> -> vector<128x96xf32>
    %slice3A_276 = vector.extract_strided_slice %dot_general3A_227 {offsets = [0, 0], sizes = [128, 32], strides = [1, 1]} : vector<128x96xf32> to vector<128x32xf32>
    %slice3A_277 = vector.extract_strided_slice %dot_general3A_251 {offsets = [0, 32], sizes = [128, 32], strides = [1, 1]} : vector<128x96xf32> to vector<128x32xf32>
    %add3A_278 = arith.addf %slice3A_276, %slice3A_277 : vector<128x32xf32>
    %slice3A_279 = vector.extract_strided_slice %dot_general3A_275 {offsets = [0, 64], sizes = [128, 32], strides = [1, 1]} : vector<128x96xf32> to vector<128x32xf32>
    %add3A_280 = arith.addf %add3A_278, %slice3A_279 : vector<128x32xf32>
    %add3A_281 = vector.broadcast %get3A_116 : vector<1x32xf32> to vector<128x32xf32>
    %add3A_282 = arith.addf %add3A_280, %add3A_281 : vector<128x32xf32>
    %max3A_283 = arith.constant 0.000000e+00 : f32
    %max3A_284 = vector.broadcast %max3A_283 : f32 to vector<128x32xf32>
    %max3A_285 = arith.maximumf %add3A_282, %max3A_284 : vector<128x32xf32>
    %max3A_286 = arith.maximumf %max3A_261, %max3A_285 : vector<128x32xf32>
    %get3A_287 = arith.constant 160 : index
    %get3A_288 = arith.constant 0 : index
    %get3A_289 = vector.load %arg11[%get3A_287, %get3A_288] : memref<864x128xf32, #tpu.memory_space<vmem>>, vector<32x128xf32>
    %dot_general3A_290 = arith.constant dense<0.000000e+00> : vector<128x128xf32>
    %dot_general3A_291 = tpu.matmul %max3A_286, %get3A_289, %dot_general3A_290 {dimension_numbers = #tpu.dot_dimension_numbers<[1], [0], [0], [1], [0, 0, 1, 1], [], []>, transpose_lhs_hint = false} : vector<128x32xf32>, vector<32x128xf32>, vector<128x128xf32> -> vector<128x128xf32>
    %add3A_292 = arith.addf %add3A_268, %dot_general3A_291 : vector<128x128xf32>
    %get3A_293 = arith.constant 0 : index
    %get3A_294 = arith.constant 9 : index
    %get3A_295 = arith.constant 0 : index
    %get3A_296 = vector.load %arg3[%get3A_293, %get3A_294, %get3A_295] : memref<128x30x609xf32, #tpu.memory_space<vmem>>, vector<128x1x609xf32>
    %get3A_297 = vector.shape_cast %get3A_296 : vector<128x1x609xf32> to vector<128x609xf32>
    %dot_general3A_298 = arith.constant dense<0.000000e+00> : vector<128x96xf32>
    %dot_general3A_299 = tpu.matmul %get3A_297, %get3A_119, %dot_general3A_298 {dimension_numbers = #tpu.dot_dimension_numbers<[1], [0], [0], [1], [0, 0, 1, 1], [], []>, transpose_lhs_hint = false} : vector<128x609xf32>, vector<609x96xf32>, vector<128x96xf32> -> vector<128x96xf32>
    %slice3A_300 = vector.extract_strided_slice %dot_general3A_251 {offsets = [0, 0], sizes = [128, 32], strides = [1, 1]} : vector<128x96xf32> to vector<128x32xf32>
    %slice3A_301 = vector.extract_strided_slice %dot_general3A_275 {offsets = [0, 32], sizes = [128, 32], strides = [1, 1]} : vector<128x96xf32> to vector<128x32xf32>
    %add3A_302 = arith.addf %slice3A_300, %slice3A_301 : vector<128x32xf32>
    %slice3A_303 = vector.extract_strided_slice %dot_general3A_299 {offsets = [0, 64], sizes = [128, 32], strides = [1, 1]} : vector<128x96xf32> to vector<128x32xf32>
    %add3A_304 = arith.addf %add3A_302, %slice3A_303 : vector<128x32xf32>
    %add3A_305 = vector.broadcast %get3A_116 : vector<1x32xf32> to vector<128x32xf32>
    %add3A_306 = arith.addf %add3A_304, %add3A_305 : vector<128x32xf32>
    %max3A_307 = arith.constant 0.000000e+00 : f32
    %max3A_308 = vector.broadcast %max3A_307 : f32 to vector<128x32xf32>
    %max3A_309 = arith.maximumf %add3A_306, %max3A_308 : vector<128x32xf32>
    %max3A_310 = arith.maximumf %max3A_285, %max3A_309 : vector<128x32xf32>
    %get3A_311 = arith.constant 192 : index
    %get3A_312 = arith.constant 0 : index
    %get3A_313 = vector.load %arg11[%get3A_311, %get3A_312] : memref<864x128xf32, #tpu.memory_space<vmem>>, vector<32x128xf32>
    %dot_general3A_314 = arith.constant dense<0.000000e+00> : vector<128x128xf32>
    %dot_general3A_315 = tpu.matmul %max3A_310, %get3A_313, %dot_general3A_314 {dimension_numbers = #tpu.dot_dimension_numbers<[1], [0], [0], [1], [0, 0, 1, 1], [], []>, transpose_lhs_hint = false} : vector<128x32xf32>, vector<32x128xf32>, vector<128x128xf32> -> vector<128x128xf32>
    %add3A_316 = arith.addf %add3A_292, %dot_general3A_315 : vector<128x128xf32>
    %get3A_317 = arith.constant 0 : index
    %get3A_318 = arith.constant 10 : index
    %get3A_319 = arith.constant 0 : index
    %get3A_320 = vector.load %arg3[%get3A_317, %get3A_318, %get3A_319] : memref<128x30x609xf32, #tpu.memory_space<vmem>>, vector<128x1x609xf32>
    %get3A_321 = vector.shape_cast %get3A_320 : vector<128x1x609xf32> to vector<128x609xf32>
    %dot_general3A_322 = arith.constant dense<0.000000e+00> : vector<128x96xf32>
    %dot_general3A_323 = tpu.matmul %get3A_321, %get3A_119, %dot_general3A_322 {dimension_numbers = #tpu.dot_dimension_numbers<[1], [0], [0], [1], [0, 0, 1, 1], [], []>, transpose_lhs_hint = false} : vector<128x609xf32>, vector<609x96xf32>, vector<128x96xf32> -> vector<128x96xf32>
    %slice3A_324 = vector.extract_strided_slice %dot_general3A_275 {offsets = [0, 0], sizes = [128, 32], strides = [1, 1]} : vector<128x96xf32> to vector<128x32xf32>
    %slice3A_325 = vector.extract_strided_slice %dot_general3A_299 {offsets = [0, 32], sizes = [128, 32], strides = [1, 1]} : vector<128x96xf32> to vector<128x32xf32>
    %add3A_326 = arith.addf %slice3A_324, %slice3A_325 : vector<128x32xf32>
    %slice3A_327 = vector.extract_strided_slice %dot_general3A_323 {offsets = [0, 64], sizes = [128, 32], strides = [1, 1]} : vector<128x96xf32> to vector<128x32xf32>
    %add3A_328 = arith.addf %add3A_326, %slice3A_327 : vector<128x32xf32>
    %add3A_329 = vector.broadcast %get3A_116 : vector<1x32xf32> to vector<128x32xf32>
    %add3A_330 = arith.addf %add3A_328, %add3A_329 : vector<128x32xf32>
    %max3A_331 = arith.constant 0.000000e+00 : f32
    %max3A_332 = vector.broadcast %max3A_331 : f32 to vector<128x32xf32>
    %max3A_333 = arith.maximumf %add3A_330, %max3A_332 : vector<128x32xf32>
    %max3A_334 = arith.maximumf %max3A_309, %max3A_333 : vector<128x32xf32>
    %get3A_335 = arith.constant 224 : index
    %get3A_336 = arith.constant 0 : index
    %get3A_337 = vector.load %arg11[%get3A_335, %get3A_336] : memref<864x128xf32, #tpu.memory_space<vmem>>, vector<32x128xf32>
    %dot_general3A_338 = arith.constant dense<0.000000e+00> : vector<128x128xf32>
    %dot_general3A_339 = tpu.matmul %max3A_334, %get3A_337, %dot_general3A_338 {dimension_numbers = #tpu.dot_dimension_numbers<[1], [0], [0], [1], [0, 0, 1, 1], [], []>, transpose_lhs_hint = false} : vector<128x32xf32>, vector<32x128xf32>, vector<128x128xf32> -> vector<128x128xf32>
    %add3A_340 = arith.addf %add3A_316, %dot_general3A_339 : vector<128x128xf32>
    %get3A_341 = arith.constant 0 : index
    %get3A_342 = arith.constant 11 : index
    %get3A_343 = arith.constant 0 : index
    %get3A_344 = vector.load %arg3[%get3A_341, %get3A_342, %get3A_343] : memref<128x30x609xf32, #tpu.memory_space<vmem>>, vector<128x1x609xf32>
    %get3A_345 = vector.shape_cast %get3A_344 : vector<128x1x609xf32> to vector<128x609xf32>
    %dot_general3A_346 = arith.constant dense<0.000000e+00> : vector<128x96xf32>
    %dot_general3A_347 = tpu.matmul %get3A_345, %get3A_119, %dot_general3A_346 {dimension_numbers = #tpu.dot_dimension_numbers<[1], [0], [0], [1], [0, 0, 1, 1], [], []>, transpose_lhs_hint = false} : vector<128x609xf32>, vector<609x96xf32>, vector<128x96xf32> -> vector<128x96xf32>
    %slice3A_348 = vector.extract_strided_slice %dot_general3A_299 {offsets = [0, 0], sizes = [128, 32], strides = [1, 1]} : vector<128x96xf32> to vector<128x32xf32>
    %slice3A_349 = vector.extract_strided_slice %dot_general3A_323 {offsets = [0, 32], sizes = [128, 32], strides = [1, 1]} : vector<128x96xf32> to vector<128x32xf32>
    %add3A_350 = arith.addf %slice3A_348, %slice3A_349 : vector<128x32xf32>
    %slice3A_351 = vector.extract_strided_slice %dot_general3A_347 {offsets = [0, 64], sizes = [128, 32], strides = [1, 1]} : vector<128x96xf32> to vector<128x32xf32>
    %add3A_352 = arith.addf %add3A_350, %slice3A_351 : vector<128x32xf32>
    %add3A_353 = vector.broadcast %get3A_116 : vector<1x32xf32> to vector<128x32xf32>
    %add3A_354 = arith.addf %add3A_352, %add3A_353 : vector<128x32xf32>
    %max3A_355 = arith.constant 0.000000e+00 : f32
    %max3A_356 = vector.broadcast %max3A_355 : f32 to vector<128x32xf32>
    %max3A_357 = arith.maximumf %add3A_354, %max3A_356 : vector<128x32xf32>
    %max3A_358 = arith.maximumf %max3A_333, %max3A_357 : vector<128x32xf32>
    %get3A_359 = arith.constant 256 : index
    %get3A_360 = arith.constant 0 : index
    %get3A_361 = vector.load %arg11[%get3A_359, %get3A_360] : memref<864x128xf32, #tpu.memory_space<vmem>>, vector<32x128xf32>
    %dot_general3A_362 = arith.constant dense<0.000000e+00> : vector<128x128xf32>
    %dot_general3A_363 = tpu.matmul %max3A_358, %get3A_361, %dot_general3A_362 {dimension_numbers = #tpu.dot_dimension_numbers<[1], [0], [0], [1], [0, 0, 1, 1], [], []>, transpose_lhs_hint = false} : vector<128x32xf32>, vector<32x128xf32>, vector<128x128xf32> -> vector<128x128xf32>
    %add3A_364 = arith.addf %add3A_340, %dot_general3A_363 : vector<128x128xf32>
    %get3A_365 = arith.constant 0 : index
    %get3A_366 = arith.constant 12 : index
    %get3A_367 = arith.constant 0 : index
    %get3A_368 = vector.load %arg3[%get3A_365, %get3A_366, %get3A_367] : memref<128x30x609xf32, #tpu.memory_space<vmem>>, vector<128x1x609xf32>
    %get3A_369 = vector.shape_cast %get3A_368 : vector<128x1x609xf32> to vector<128x609xf32>
    %dot_general3A_370 = arith.constant dense<0.000000e+00> : vector<128x96xf32>
    %dot_general3A_371 = tpu.matmul %get3A_369, %get3A_119, %dot_general3A_370 {dimension_numbers = #tpu.dot_dimension_numbers<[1], [0], [0], [1], [0, 0, 1, 1], [], []>, transpose_lhs_hint = false} : vector<128x609xf32>, vector<609x96xf32>, vector<128x96xf32> -> vector<128x96xf32>
    %slice3A_372 = vector.extract_strided_slice %dot_general3A_323 {offsets = [0, 0], sizes = [128, 32], strides = [1, 1]} : vector<128x96xf32> to vector<128x32xf32>
    %slice3A_373 = vector.extract_strided_slice %dot_general3A_347 {offsets = [0, 32], sizes = [128, 32], strides = [1, 1]} : vector<128x96xf32> to vector<128x32xf32>
    %add3A_374 = arith.addf %slice3A_372, %slice3A_373 : vector<128x32xf32>
    %slice3A_375 = vector.extract_strided_slice %dot_general3A_371 {offsets = [0, 64], sizes = [128, 32], strides = [1, 1]} : vector<128x96xf32> to vector<128x32xf32>
    %add3A_376 = arith.addf %add3A_374, %slice3A_375 : vector<128x32xf32>
    %add3A_377 = vector.broadcast %get3A_116 : vector<1x32xf32> to vector<128x32xf32>
    %add3A_378 = arith.addf %add3A_376, %add3A_377 : vector<128x32xf32>
    %max3A_379 = arith.constant 0.000000e+00 : f32
    %max3A_380 = vector.broadcast %max3A_379 : f32 to vector<128x32xf32>
    %max3A_381 = arith.maximumf %add3A_378, %max3A_380 : vector<128x32xf32>
    %max3A_382 = arith.maximumf %max3A_357, %max3A_381 : vector<128x32xf32>
    %get3A_383 = arith.constant 288 : index
    %get3A_384 = arith.constant 0 : index
    %get3A_385 = vector.load %arg11[%get3A_383, %get3A_384] : memref<864x128xf32, #tpu.memory_space<vmem>>, vector<32x128xf32>
    %dot_general3A_386 = arith.constant dense<0.000000e+00> : vector<128x128xf32>
    %dot_general3A_387 = tpu.matmul %max3A_382, %get3A_385, %dot_general3A_386 {dimension_numbers = #tpu.dot_dimension_numbers<[1], [0], [0], [1], [0, 0, 1, 1], [], []>, transpose_lhs_hint = false} : vector<128x32xf32>, vector<32x128xf32>, vector<128x128xf32> -> vector<128x128xf32>
    %add3A_388 = arith.addf %add3A_364, %dot_general3A_387 : vector<128x128xf32>
    %get3A_389 = arith.constant 0 : index
    %get3A_390 = arith.constant 13 : index
    %get3A_391 = arith.constant 0 : index
    %get3A_392 = vector.load %arg3[%get3A_389, %get3A_390, %get3A_391] : memref<128x30x609xf32, #tpu.memory_space<vmem>>, vector<128x1x609xf32>
    %get3A_393 = vector.shape_cast %get3A_392 : vector<128x1x609xf32> to vector<128x609xf32>
    %dot_general3A_394 = arith.constant dense<0.000000e+00> : vector<128x96xf32>
    %dot_general3A_395 = tpu.matmul %get3A_393, %get3A_119, %dot_general3A_394 {dimension_numbers = #tpu.dot_dimension_numbers<[1], [0], [0], [1], [0, 0, 1, 1], [], []>, transpose_lhs_hint = false} : vector<128x609xf32>, vector<609x96xf32>, vector<128x96xf32> -> vector<128x96xf32>
    %slice3A_396 = vector.extract_strided_slice %dot_general3A_347 {offsets = [0, 0], sizes = [128, 32], strides = [1, 1]} : vector<128x96xf32> to vector<128x32xf32>
    %slice3A_397 = vector.extract_strided_slice %dot_general3A_371 {offsets = [0, 32], sizes = [128, 32], strides = [1, 1]} : vector<128x96xf32> to vector<128x32xf32>
    %add3A_398 = arith.addf %slice3A_396, %slice3A_397 : vector<128x32xf32>
    %slice3A_399 = vector.extract_strided_slice %dot_general3A_395 {offsets = [0, 64], sizes = [128, 32], strides = [1, 1]} : vector<128x96xf32> to vector<128x32xf32>
    %add3A_400 = arith.addf %add3A_398, %slice3A_399 : vector<128x32xf32>
    %add3A_401 = vector.broadcast %get3A_116 : vector<1x32xf32> to vector<128x32xf32>
    %add3A_402 = arith.addf %add3A_400, %add3A_401 : vector<128x32xf32>
    %max3A_403 = arith.constant 0.000000e+00 : f32
    %max3A_404 = vector.broadcast %max3A_403 : f32 to vector<128x32xf32>
    %max3A_405 = arith.maximumf %add3A_402, %max3A_404 : vector<128x32xf32>
    %max3A_406 = arith.maximumf %max3A_381, %max3A_405 : vector<128x32xf32>
    %get3A_407 = arith.constant 320 : index
    %get3A_408 = arith.constant 0 : index
    %get3A_409 = vector.load %arg11[%get3A_407, %get3A_408] : memref<864x128xf32, #tpu.memory_space<vmem>>, vector<32x128xf32>
    %dot_general3A_410 = arith.constant dense<0.000000e+00> : vector<128x128xf32>
    %dot_general3A_411 = tpu.matmul %max3A_406, %get3A_409, %dot_general3A_410 {dimension_numbers = #tpu.dot_dimension_numbers<[1], [0], [0], [1], [0, 0, 1, 1], [], []>, transpose_lhs_hint = false} : vector<128x32xf32>, vector<32x128xf32>, vector<128x128xf32> -> vector<128x128xf32>
    %add3A_412 = arith.addf %add3A_388, %dot_general3A_411 : vector<128x128xf32>
    %get3A_413 = arith.constant 0 : index
    %get3A_414 = arith.constant 14 : index
    %get3A_415 = arith.constant 0 : index
    %get3A_416 = vector.load %arg3[%get3A_413, %get3A_414, %get3A_415] : memref<128x30x609xf32, #tpu.memory_space<vmem>>, vector<128x1x609xf32>
    %get3A_417 = vector.shape_cast %get3A_416 : vector<128x1x609xf32> to vector<128x609xf32>
    %dot_general3A_418 = arith.constant dense<0.000000e+00> : vector<128x96xf32>
    %dot_general3A_419 = tpu.matmul %get3A_417, %get3A_119, %dot_general3A_418 {dimension_numbers = #tpu.dot_dimension_numbers<[1], [0], [0], [1], [0, 0, 1, 1], [], []>, transpose_lhs_hint = false} : vector<128x609xf32>, vector<609x96xf32>, vector<128x96xf32> -> vector<128x96xf32>
    %slice3A_420 = vector.extract_strided_slice %dot_general3A_371 {offsets = [0, 0], sizes = [128, 32], strides = [1, 1]} : vector<128x96xf32> to vector<128x32xf32>
    %slice3A_421 = vector.extract_strided_slice %dot_general3A_395 {offsets = [0, 32], sizes = [128, 32], strides = [1, 1]} : vector<128x96xf32> to vector<128x32xf32>
    %add3A_422 = arith.addf %slice3A_420, %slice3A_421 : vector<128x32xf32>
    %slice3A_423 = vector.extract_strided_slice %dot_general3A_419 {offsets = [0, 64], sizes = [128, 32], strides = [1, 1]} : vector<128x96xf32> to vector<128x32xf32>
    %add3A_424 = arith.addf %add3A_422, %slice3A_423 : vector<128x32xf32>
    %add3A_425 = vector.broadcast %get3A_116 : vector<1x32xf32> to vector<128x32xf32>
    %add3A_426 = arith.addf %add3A_424, %add3A_425 : vector<128x32xf32>
    %max3A_427 = arith.constant 0.000000e+00 : f32
    %max3A_428 = vector.broadcast %max3A_427 : f32 to vector<128x32xf32>
    %max3A_429 = arith.maximumf %add3A_426, %max3A_428 : vector<128x32xf32>
    %max3A_430 = arith.maximumf %max3A_405, %max3A_429 : vector<128x32xf32>
    %get3A_431 = arith.constant 352 : index
    %get3A_432 = arith.constant 0 : index
    %get3A_433 = vector.load %arg11[%get3A_431, %get3A_432] : memref<864x128xf32, #tpu.memory_space<vmem>>, vector<32x128xf32>
    %dot_general3A_434 = arith.constant dense<0.000000e+00> : vector<128x128xf32>
    %dot_general3A_435 = tpu.matmul %max3A_430, %get3A_433, %dot_general3A_434 {dimension_numbers = #tpu.dot_dimension_numbers<[1], [0], [0], [1], [0, 0, 1, 1], [], []>, transpose_lhs_hint = false} : vector<128x32xf32>, vector<32x128xf32>, vector<128x128xf32> -> vector<128x128xf32>
    %add3A_436 = arith.addf %add3A_412, %dot_general3A_435 : vector<128x128xf32>
    %get3A_437 = arith.constant 0 : index
    %get3A_438 = arith.constant 15 : index
    %get3A_439 = arith.constant 0 : index
    %get3A_440 = vector.load %arg3[%get3A_437, %get3A_438, %get3A_439] : memref<128x30x609xf32, #tpu.memory_space<vmem>>, vector<128x1x609xf32>
    %get3A_441 = vector.shape_cast %get3A_440 : vector<128x1x609xf32> to vector<128x609xf32>
    %dot_general3A_442 = arith.constant dense<0.000000e+00> : vector<128x96xf32>
    %dot_general3A_443 = tpu.matmul %get3A_441, %get3A_119, %dot_general3A_442 {dimension_numbers = #tpu.dot_dimension_numbers<[1], [0], [0], [1], [0, 0, 1, 1], [], []>, transpose_lhs_hint = false} : vector<128x609xf32>, vector<609x96xf32>, vector<128x96xf32> -> vector<128x96xf32>
    %slice3A_444 = vector.extract_strided_slice %dot_general3A_395 {offsets = [0, 0], sizes = [128, 32], strides = [1, 1]} : vector<128x96xf32> to vector<128x32xf32>
    %slice3A_445 = vector.extract_strided_slice %dot_general3A_419 {offsets = [0, 32], sizes = [128, 32], strides = [1, 1]} : vector<128x96xf32> to vector<128x32xf32>
    %add3A_446 = arith.addf %slice3A_444, %slice3A_445 : vector<128x32xf32>
    %slice3A_447 = vector.extract_strided_slice %dot_general3A_443 {offsets = [0, 64], sizes = [128, 32], strides = [1, 1]} : vector<128x96xf32> to vector<128x32xf32>
    %add3A_448 = arith.addf %add3A_446, %slice3A_447 : vector<128x32xf32>
    %add3A_449 = vector.broadcast %get3A_116 : vector<1x32xf32> to vector<128x32xf32>
    %add3A_450 = arith.addf %add3A_448, %add3A_449 : vector<128x32xf32>
    %max3A_451 = arith.constant 0.000000e+00 : f32
    %max3A_452 = vector.broadcast %max3A_451 : f32 to vector<128x32xf32>
    %max3A_453 = arith.maximumf %add3A_450, %max3A_452 : vector<128x32xf32>
    %max3A_454 = arith.maximumf %max3A_429, %max3A_453 : vector<128x32xf32>
    %get3A_455 = arith.constant 384 : index
    %get3A_456 = arith.constant 0 : index
    %get3A_457 = vector.load %arg11[%get3A_455, %get3A_456] : memref<864x128xf32, #tpu.memory_space<vmem>>, vector<32x128xf32>
    %dot_general3A_458 = arith.constant dense<0.000000e+00> : vector<128x128xf32>
    %dot_general3A_459 = tpu.matmul %max3A_454, %get3A_457, %dot_general3A_458 {dimension_numbers = #tpu.dot_dimension_numbers<[1], [0], [0], [1], [0, 0, 1, 1], [], []>, transpose_lhs_hint = false} : vector<128x32xf32>, vector<32x128xf32>, vector<128x128xf32> -> vector<128x128xf32>
    %add3A_460 = arith.addf %add3A_436, %dot_general3A_459 : vector<128x128xf32>
    %get3A_461 = arith.constant 0 : index
    %get3A_462 = arith.constant 16 : index
    %get3A_463 = arith.constant 0 : index
    %get3A_464 = vector.load %arg3[%get3A_461, %get3A_462, %get3A_463] : memref<128x30x609xf32, #tpu.memory_space<vmem>>, vector<128x1x609xf32>
    %get3A_465 = vector.shape_cast %get3A_464 : vector<128x1x609xf32> to vector<128x609xf32>
    %dot_general3A_466 = arith.constant dense<0.000000e+00> : vector<128x96xf32>
    %dot_general3A_467 = tpu.matmul %get3A_465, %get3A_119, %dot_general3A_466 {dimension_numbers = #tpu.dot_dimension_numbers<[1], [0], [0], [1], [0, 0, 1, 1], [], []>, transpose_lhs_hint = false} : vector<128x609xf32>, vector<609x96xf32>, vector<128x96xf32> -> vector<128x96xf32>
    %slice3A_468 = vector.extract_strided_slice %dot_general3A_419 {offsets = [0, 0], sizes = [128, 32], strides = [1, 1]} : vector<128x96xf32> to vector<128x32xf32>
    %slice3A_469 = vector.extract_strided_slice %dot_general3A_443 {offsets = [0, 32], sizes = [128, 32], strides = [1, 1]} : vector<128x96xf32> to vector<128x32xf32>
    %add3A_470 = arith.addf %slice3A_468, %slice3A_469 : vector<128x32xf32>
    %slice3A_471 = vector.extract_strided_slice %dot_general3A_467 {offsets = [0, 64], sizes = [128, 32], strides = [1, 1]} : vector<128x96xf32> to vector<128x32xf32>
    %add3A_472 = arith.addf %add3A_470, %slice3A_471 : vector<128x32xf32>
    %add3A_473 = vector.broadcast %get3A_116 : vector<1x32xf32> to vector<128x32xf32>
    %add3A_474 = arith.addf %add3A_472, %add3A_473 : vector<128x32xf32>
    %max3A_475 = arith.constant 0.000000e+00 : f32
    %max3A_476 = vector.broadcast %max3A_475 : f32 to vector<128x32xf32>
    %max3A_477 = arith.maximumf %add3A_474, %max3A_476 : vector<128x32xf32>
    %max3A_478 = arith.maximumf %max3A_453, %max3A_477 : vector<128x32xf32>
    %get3A_479 = arith.constant 416 : index
    %get3A_480 = arith.constant 0 : index
    %get3A_481 = vector.load %arg11[%get3A_479, %get3A_480] : memref<864x128xf32, #tpu.memory_space<vmem>>, vector<32x128xf32>
    %dot_general3A_482 = arith.constant dense<0.000000e+00> : vector<128x128xf32>
    %dot_general3A_483 = tpu.matmul %max3A_478, %get3A_481, %dot_general3A_482 {dimension_numbers = #tpu.dot_dimension_numbers<[1], [0], [0], [1], [0, 0, 1, 1], [], []>, transpose_lhs_hint = false} : vector<128x32xf32>, vector<32x128xf32>, vector<128x128xf32> -> vector<128x128xf32>
    %add3A_484 = arith.addf %add3A_460, %dot_general3A_483 : vector<128x128xf32>
    %get3A_485 = arith.constant 0 : index
    %get3A_486 = arith.constant 17 : index
    %get3A_487 = arith.constant 0 : index
    %get3A_488 = vector.load %arg3[%get3A_485, %get3A_486, %get3A_487] : memref<128x30x609xf32, #tpu.memory_space<vmem>>, vector<128x1x609xf32>
    %get3A_489 = vector.shape_cast %get3A_488 : vector<128x1x609xf32> to vector<128x609xf32>
    %dot_general3A_490 = arith.constant dense<0.000000e+00> : vector<128x96xf32>
    %dot_general3A_491 = tpu.matmul %get3A_489, %get3A_119, %dot_general3A_490 {dimension_numbers = #tpu.dot_dimension_numbers<[1], [0], [0], [1], [0, 0, 1, 1], [], []>, transpose_lhs_hint = false} : vector<128x609xf32>, vector<609x96xf32>, vector<128x96xf32> -> vector<128x96xf32>
    %slice3A_492 = vector.extract_strided_slice %dot_general3A_443 {offsets = [0, 0], sizes = [128, 32], strides = [1, 1]} : vector<128x96xf32> to vector<128x32xf32>
    %slice3A_493 = vector.extract_strided_slice %dot_general3A_467 {offsets = [0, 32], sizes = [128, 32], strides = [1, 1]} : vector<128x96xf32> to vector<128x32xf32>
    %add3A_494 = arith.addf %slice3A_492, %slice3A_493 : vector<128x32xf32>
    %slice3A_495 = vector.extract_strided_slice %dot_general3A_491 {offsets = [0, 64], sizes = [128, 32], strides = [1, 1]} : vector<128x96xf32> to vector<128x32xf32>
    %add3A_496 = arith.addf %add3A_494, %slice3A_495 : vector<128x32xf32>
    %add3A_497 = vector.broadcast %get3A_116 : vector<1x32xf32> to vector<128x32xf32>
    %add3A_498 = arith.addf %add3A_496, %add3A_497 : vector<128x32xf32>
    %max3A_499 = arith.constant 0.000000e+00 : f32
    %max3A_500 = vector.broadcast %max3A_499 : f32 to vector<128x32xf32>
    %max3A_501 = arith.maximumf %add3A_498, %max3A_500 : vector<128x32xf32>
    %max3A_502 = arith.maximumf %max3A_477, %max3A_501 : vector<128x32xf32>
    %get3A_503 = arith.constant 448 : index
    %get3A_504 = arith.constant 0 : index
    %get3A_505 = vector.load %arg11[%get3A_503, %get3A_504] : memref<864x128xf32, #tpu.memory_space<vmem>>, vector<32x128xf32>
    %dot_general3A_506 = arith.constant dense<0.000000e+00> : vector<128x128xf32>
    %dot_general3A_507 = tpu.matmul %max3A_502, %get3A_505, %dot_general3A_506 {dimension_numbers = #tpu.dot_dimension_numbers<[1], [0], [0], [1], [0, 0, 1, 1], [], []>, transpose_lhs_hint = false} : vector<128x32xf32>, vector<32x128xf32>, vector<128x128xf32> -> vector<128x128xf32>
    %add3A_508 = arith.addf %add3A_484, %dot_general3A_507 : vector<128x128xf32>
    %get3A_509 = arith.constant 0 : index
    %get3A_510 = arith.constant 18 : index
    %get3A_511 = arith.constant 0 : index
    %get3A_512 = vector.load %arg3[%get3A_509, %get3A_510, %get3A_511] : memref<128x30x609xf32, #tpu.memory_space<vmem>>, vector<128x1x609xf32>
    %get3A_513 = vector.shape_cast %get3A_512 : vector<128x1x609xf32> to vector<128x609xf32>
    %dot_general3A_514 = arith.constant dense<0.000000e+00> : vector<128x96xf32>
    %dot_general3A_515 = tpu.matmul %get3A_513, %get3A_119, %dot_general3A_514 {dimension_numbers = #tpu.dot_dimension_numbers<[1], [0], [0], [1], [0, 0, 1, 1], [], []>, transpose_lhs_hint = false} : vector<128x609xf32>, vector<609x96xf32>, vector<128x96xf32> -> vector<128x96xf32>
    %slice3A_516 = vector.extract_strided_slice %dot_general3A_467 {offsets = [0, 0], sizes = [128, 32], strides = [1, 1]} : vector<128x96xf32> to vector<128x32xf32>
    %slice3A_517 = vector.extract_strided_slice %dot_general3A_491 {offsets = [0, 32], sizes = [128, 32], strides = [1, 1]} : vector<128x96xf32> to vector<128x32xf32>
    %add3A_518 = arith.addf %slice3A_516, %slice3A_517 : vector<128x32xf32>
    %slice3A_519 = vector.extract_strided_slice %dot_general3A_515 {offsets = [0, 64], sizes = [128, 32], strides = [1, 1]} : vector<128x96xf32> to vector<128x32xf32>
    %add3A_520 = arith.addf %add3A_518, %slice3A_519 : vector<128x32xf32>
    %add3A_521 = vector.broadcast %get3A_116 : vector<1x32xf32> to vector<128x32xf32>
    %add3A_522 = arith.addf %add3A_520, %add3A_521 : vector<128x32xf32>
    %max3A_523 = arith.constant 0.000000e+00 : f32
    %max3A_524 = vector.broadcast %max3A_523 : f32 to vector<128x32xf32>
    %max3A_525 = arith.maximumf %add3A_522, %max3A_524 : vector<128x32xf32>
    %max3A_526 = arith.maximumf %max3A_501, %max3A_525 : vector<128x32xf32>
    %get3A_527 = arith.constant 480 : index
    %get3A_528 = arith.constant 0 : index
    %get3A_529 = vector.load %arg11[%get3A_527, %get3A_528] : memref<864x128xf32, #tpu.memory_space<vmem>>, vector<32x128xf32>
    %dot_general3A_530 = arith.constant dense<0.000000e+00> : vector<128x128xf32>
    %dot_general3A_531 = tpu.matmul %max3A_526, %get3A_529, %dot_general3A_530 {dimension_numbers = #tpu.dot_dimension_numbers<[1], [0], [0], [1], [0, 0, 1, 1], [], []>, transpose_lhs_hint = false} : vector<128x32xf32>, vector<32x128xf32>, vector<128x128xf32> -> vector<128x128xf32>
    %add3A_532 = arith.addf %add3A_508, %dot_general3A_531 : vector<128x128xf32>
    %get3A_533 = arith.constant 0 : index
    %get3A_534 = arith.constant 19 : index
    %get3A_535 = arith.constant 0 : index
    %get3A_536 = vector.load %arg3[%get3A_533, %get3A_534, %get3A_535] : memref<128x30x609xf32, #tpu.memory_space<vmem>>, vector<128x1x609xf32>
    %get3A_537 = vector.shape_cast %get3A_536 : vector<128x1x609xf32> to vector<128x609xf32>
    %dot_general3A_538 = arith.constant dense<0.000000e+00> : vector<128x96xf32>
    %dot_general3A_539 = tpu.matmul %get3A_537, %get3A_119, %dot_general3A_538 {dimension_numbers = #tpu.dot_dimension_numbers<[1], [0], [0], [1], [0, 0, 1, 1], [], []>, transpose_lhs_hint = false} : vector<128x609xf32>, vector<609x96xf32>, vector<128x96xf32> -> vector<128x96xf32>
    %slice3A_540 = vector.extract_strided_slice %dot_general3A_491 {offsets = [0, 0], sizes = [128, 32], strides = [1, 1]} : vector<128x96xf32> to vector<128x32xf32>
    %slice3A_541 = vector.extract_strided_slice %dot_general3A_515 {offsets = [0, 32], sizes = [128, 32], strides = [1, 1]} : vector<128x96xf32> to vector<128x32xf32>
    %add3A_542 = arith.addf %slice3A_540, %slice3A_541 : vector<128x32xf32>
    %slice3A_543 = vector.extract_strided_slice %dot_general3A_539 {offsets = [0, 64], sizes = [128, 32], strides = [1, 1]} : vector<128x96xf32> to vector<128x32xf32>
    %add3A_544 = arith.addf %add3A_542, %slice3A_543 : vector<128x32xf32>
    %add3A_545 = vector.broadcast %get3A_116 : vector<1x32xf32> to vector<128x32xf32>
    %add3A_546 = arith.addf %add3A_544, %add3A_545 : vector<128x32xf32>
    %max3A_547 = arith.constant 0.000000e+00 : f32
    %max3A_548 = vector.broadcast %max3A_547 : f32 to vector<128x32xf32>
    %max3A_549 = arith.maximumf %add3A_546, %max3A_548 : vector<128x32xf32>
    %max3A_550 = arith.maximumf %max3A_525, %max3A_549 : vector<128x32xf32>
    %get3A_551 = arith.constant 512 : index
    %get3A_552 = arith.constant 0 : index
    %get3A_553 = vector.load %arg11[%get3A_551, %get3A_552] : memref<864x128xf32, #tpu.memory_space<vmem>>, vector<32x128xf32>
    %dot_general3A_554 = arith.constant dense<0.000000e+00> : vector<128x128xf32>
    %dot_general3A_555 = tpu.matmul %max3A_550, %get3A_553, %dot_general3A_554 {dimension_numbers = #tpu.dot_dimension_numbers<[1], [0], [0], [1], [0, 0, 1, 1], [], []>, transpose_lhs_hint = false} : vector<128x32xf32>, vector<32x128xf32>, vector<128x128xf32> -> vector<128x128xf32>
    %add3A_556 = arith.addf %add3A_532, %dot_general3A_555 : vector<128x128xf32>
    %get3A_557 = arith.constant 0 : index
    %get3A_558 = arith.constant 20 : index
    %get3A_559 = arith.constant 0 : index
    %get3A_560 = vector.load %arg3[%get3A_557, %get3A_558, %get3A_559] : memref<128x30x609xf32, #tpu.memory_space<vmem>>, vector<128x1x609xf32>
    %get3A_561 = vector.shape_cast %get3A_560 : vector<128x1x609xf32> to vector<128x609xf32>
    %dot_general3A_562 = arith.constant dense<0.000000e+00> : vector<128x96xf32>
    %dot_general3A_563 = tpu.matmul %get3A_561, %get3A_119, %dot_general3A_562 {dimension_numbers = #tpu.dot_dimension_numbers<[1], [0], [0], [1], [0, 0, 1, 1], [], []>, transpose_lhs_hint = false} : vector<128x609xf32>, vector<609x96xf32>, vector<128x96xf32> -> vector<128x96xf32>
    %slice3A_564 = vector.extract_strided_slice %dot_general3A_515 {offsets = [0, 0], sizes = [128, 32], strides = [1, 1]} : vector<128x96xf32> to vector<128x32xf32>
    %slice3A_565 = vector.extract_strided_slice %dot_general3A_539 {offsets = [0, 32], sizes = [128, 32], strides = [1, 1]} : vector<128x96xf32> to vector<128x32xf32>
    %add3A_566 = arith.addf %slice3A_564, %slice3A_565 : vector<128x32xf32>
    %slice3A_567 = vector.extract_strided_slice %dot_general3A_563 {offsets = [0, 64], sizes = [128, 32], strides = [1, 1]} : vector<128x96xf32> to vector<128x32xf32>
    %add3A_568 = arith.addf %add3A_566, %slice3A_567 : vector<128x32xf32>
    %add3A_569 = vector.broadcast %get3A_116 : vector<1x32xf32> to vector<128x32xf32>
    %add3A_570 = arith.addf %add3A_568, %add3A_569 : vector<128x32xf32>
    %max3A_571 = arith.constant 0.000000e+00 : f32
    %max3A_572 = vector.broadcast %max3A_571 : f32 to vector<128x32xf32>
    %max3A_573 = arith.maximumf %add3A_570, %max3A_572 : vector<128x32xf32>
    %max3A_574 = arith.maximumf %max3A_549, %max3A_573 : vector<128x32xf32>
    %get3A_575 = arith.constant 544 : index
    %get3A_576 = arith.constant 0 : index
    %get3A_577 = vector.load %arg11[%get3A_575, %get3A_576] : memref<864x128xf32, #tpu.memory_space<vmem>>, vector<32x128xf32>
    %dot_general3A_578 = arith.constant dense<0.000000e+00> : vector<128x128xf32>
    %dot_general3A_579 = tpu.matmul %max3A_574, %get3A_577, %dot_general3A_578 {dimension_numbers = #tpu.dot_dimension_numbers<[1], [0], [0], [1], [0, 0, 1, 1], [], []>, transpose_lhs_hint = false} : vector<128x32xf32>, vector<32x128xf32>, vector<128x128xf32> -> vector<128x128xf32>
    %add3A_580 = arith.addf %add3A_556, %dot_general3A_579 : vector<128x128xf32>
    %get3A_581 = arith.constant 0 : index
    %get3A_582 = arith.constant 21 : index
    %get3A_583 = arith.constant 0 : index
    %get3A_584 = vector.load %arg3[%get3A_581, %get3A_582, %get3A_583] : memref<128x30x609xf32, #tpu.memory_space<vmem>>, vector<128x1x609xf32>
    %get3A_585 = vector.shape_cast %get3A_584 : vector<128x1x609xf32> to vector<128x609xf32>
    %dot_general3A_586 = arith.constant dense<0.000000e+00> : vector<128x96xf32>
    %dot_general3A_587 = tpu.matmul %get3A_585, %get3A_119, %dot_general3A_586 {dimension_numbers = #tpu.dot_dimension_numbers<[1], [0], [0], [1], [0, 0, 1, 1], [], []>, transpose_lhs_hint = false} : vector<128x609xf32>, vector<609x96xf32>, vector<128x96xf32> -> vector<128x96xf32>
    %slice3A_588 = vector.extract_strided_slice %dot_general3A_539 {offsets = [0, 0], sizes = [128, 32], strides = [1, 1]} : vector<128x96xf32> to vector<128x32xf32>
    %slice3A_589 = vector.extract_strided_slice %dot_general3A_563 {offsets = [0, 32], sizes = [128, 32], strides = [1, 1]} : vector<128x96xf32> to vector<128x32xf32>
    %add3A_590 = arith.addf %slice3A_588, %slice3A_589 : vector<128x32xf32>
    %slice3A_591 = vector.extract_strided_slice %dot_general3A_587 {offsets = [0, 64], sizes = [128, 32], strides = [1, 1]} : vector<128x96xf32> to vector<128x32xf32>
    %add3A_592 = arith.addf %add3A_590, %slice3A_591 : vector<128x32xf32>
    %add3A_593 = vector.broadcast %get3A_116 : vector<1x32xf32> to vector<128x32xf32>
    %add3A_594 = arith.addf %add3A_592, %add3A_593 : vector<128x32xf32>
    %max3A_595 = arith.constant 0.000000e+00 : f32
    %max3A_596 = vector.broadcast %max3A_595 : f32 to vector<128x32xf32>
    %max3A_597 = arith.maximumf %add3A_594, %max3A_596 : vector<128x32xf32>
    %max3A_598 = arith.maximumf %max3A_573, %max3A_597 : vector<128x32xf32>
    %get3A_599 = arith.constant 576 : index
    %get3A_600 = arith.constant 0 : index
    %get3A_601 = vector.load %arg11[%get3A_599, %get3A_600] : memref<864x128xf32, #tpu.memory_space<vmem>>, vector<32x128xf32>
    %dot_general3A_602 = arith.constant dense<0.000000e+00> : vector<128x128xf32>
    %dot_general3A_603 = tpu.matmul %max3A_598, %get3A_601, %dot_general3A_602 {dimension_numbers = #tpu.dot_dimension_numbers<[1], [0], [0], [1], [0, 0, 1, 1], [], []>, transpose_lhs_hint = false} : vector<128x32xf32>, vector<32x128xf32>, vector<128x128xf32> -> vector<128x128xf32>
    %add3A_604 = arith.addf %add3A_580, %dot_general3A_603 : vector<128x128xf32>
    %get3A_605 = arith.constant 0 : index
    %get3A_606 = arith.constant 22 : index
    %get3A_607 = arith.constant 0 : index
    %get3A_608 = vector.load %arg3[%get3A_605, %get3A_606, %get3A_607] : memref<128x30x609xf32, #tpu.memory_space<vmem>>, vector<128x1x609xf32>
    %get3A_609 = vector.shape_cast %get3A_608 : vector<128x1x609xf32> to vector<128x609xf32>
    %dot_general3A_610 = arith.constant dense<0.000000e+00> : vector<128x96xf32>
    %dot_general3A_611 = tpu.matmul %get3A_609, %get3A_119, %dot_general3A_610 {dimension_numbers = #tpu.dot_dimension_numbers<[1], [0], [0], [1], [0, 0, 1, 1], [], []>, transpose_lhs_hint = false} : vector<128x609xf32>, vector<609x96xf32>, vector<128x96xf32> -> vector<128x96xf32>
    %slice3A_612 = vector.extract_strided_slice %dot_general3A_563 {offsets = [0, 0], sizes = [128, 32], strides = [1, 1]} : vector<128x96xf32> to vector<128x32xf32>
    %slice3A_613 = vector.extract_strided_slice %dot_general3A_587 {offsets = [0, 32], sizes = [128, 32], strides = [1, 1]} : vector<128x96xf32> to vector<128x32xf32>
    %add3A_614 = arith.addf %slice3A_612, %slice3A_613 : vector<128x32xf32>
    %slice3A_615 = vector.extract_strided_slice %dot_general3A_611 {offsets = [0, 64], sizes = [128, 32], strides = [1, 1]} : vector<128x96xf32> to vector<128x32xf32>
    %add3A_616 = arith.addf %add3A_614, %slice3A_615 : vector<128x32xf32>
    %add3A_617 = vector.broadcast %get3A_116 : vector<1x32xf32> to vector<128x32xf32>
    %add3A_618 = arith.addf %add3A_616, %add3A_617 : vector<128x32xf32>
    %max3A_619 = arith.constant 0.000000e+00 : f32
    %max3A_620 = vector.broadcast %max3A_619 : f32 to vector<128x32xf32>
    %max3A_621 = arith.maximumf %add3A_618, %max3A_620 : vector<128x32xf32>
    %max3A_622 = arith.maximumf %max3A_597, %max3A_621 : vector<128x32xf32>
    %get3A_623 = arith.constant 608 : index
    %get3A_624 = arith.constant 0 : index
    %get3A_625 = vector.load %arg11[%get3A_623, %get3A_624] : memref<864x128xf32, #tpu.memory_space<vmem>>, vector<32x128xf32>
    %dot_general3A_626 = arith.constant dense<0.000000e+00> : vector<128x128xf32>
    %dot_general3A_627 = tpu.matmul %max3A_622, %get3A_625, %dot_general3A_626 {dimension_numbers = #tpu.dot_dimension_numbers<[1], [0], [0], [1], [0, 0, 1, 1], [], []>, transpose_lhs_hint = false} : vector<128x32xf32>, vector<32x128xf32>, vector<128x128xf32> -> vector<128x128xf32>
    %add3A_628 = arith.addf %add3A_604, %dot_general3A_627 : vector<128x128xf32>
    %get3A_629 = arith.constant 0 : index
    %get3A_630 = arith.constant 23 : index
    %get3A_631 = arith.constant 0 : index
    %get3A_632 = vector.load %arg3[%get3A_629, %get3A_630, %get3A_631] : memref<128x30x609xf32, #tpu.memory_space<vmem>>, vector<128x1x609xf32>
    %get3A_633 = vector.shape_cast %get3A_632 : vector<128x1x609xf32> to vector<128x609xf32>
    %dot_general3A_634 = arith.constant dense<0.000000e+00> : vector<128x96xf32>
    %dot_general3A_635 = tpu.matmul %get3A_633, %get3A_119, %dot_general3A_634 {dimension_numbers = #tpu.dot_dimension_numbers<[1], [0], [0], [1], [0, 0, 1, 1], [], []>, transpose_lhs_hint = false} : vector<128x609xf32>, vector<609x96xf32>, vector<128x96xf32> -> vector<128x96xf32>
    %slice3A_636 = vector.extract_strided_slice %dot_general3A_587 {offsets = [0, 0], sizes = [128, 32], strides = [1, 1]} : vector<128x96xf32> to vector<128x32xf32>
    %slice3A_637 = vector.extract_strided_slice %dot_general3A_611 {offsets = [0, 32], sizes = [128, 32], strides = [1, 1]} : vector<128x96xf32> to vector<128x32xf32>
    %add3A_638 = arith.addf %slice3A_636, %slice3A_637 : vector<128x32xf32>
    %slice3A_639 = vector.extract_strided_slice %dot_general3A_635 {offsets = [0, 64], sizes = [128, 32], strides = [1, 1]} : vector<128x96xf32> to vector<128x32xf32>
    %add3A_640 = arith.addf %add3A_638, %slice3A_639 : vector<128x32xf32>
    %add3A_641 = vector.broadcast %get3A_116 : vector<1x32xf32> to vector<128x32xf32>
    %add3A_642 = arith.addf %add3A_640, %add3A_641 : vector<128x32xf32>
    %max3A_643 = arith.constant 0.000000e+00 : f32
    %max3A_644 = vector.broadcast %max3A_643 : f32 to vector<128x32xf32>
    %max3A_645 = arith.maximumf %add3A_642, %max3A_644 : vector<128x32xf32>
    %max3A_646 = arith.maximumf %max3A_621, %max3A_645 : vector<128x32xf32>
    %get3A_647 = arith.constant 640 : index
    %get3A_648 = arith.constant 0 : index
    %get3A_649 = vector.load %arg11[%get3A_647, %get3A_648] : memref<864x128xf32, #tpu.memory_space<vmem>>, vector<32x128xf32>
    %dot_general3A_650 = arith.constant dense<0.000000e+00> : vector<128x128xf32>
    %dot_general3A_651 = tpu.matmul %max3A_646, %get3A_649, %dot_general3A_650 {dimension_numbers = #tpu.dot_dimension_numbers<[1], [0], [0], [1], [0, 0, 1, 1], [], []>, transpose_lhs_hint = false} : vector<128x32xf32>, vector<32x128xf32>, vector<128x128xf32> -> vector<128x128xf32>
    %add3A_652 = arith.addf %add3A_628, %dot_general3A_651 : vector<128x128xf32>
    %get3A_653 = arith.constant 0 : index
    %get3A_654 = arith.constant 24 : index
    %get3A_655 = arith.constant 0 : index
    %get3A_656 = vector.load %arg3[%get3A_653, %get3A_654, %get3A_655] : memref<128x30x609xf32, #tpu.memory_space<vmem>>, vector<128x1x609xf32>
    %get3A_657 = vector.shape_cast %get3A_656 : vector<128x1x609xf32> to vector<128x609xf32>
    %dot_general3A_658 = arith.constant dense<0.000000e+00> : vector<128x96xf32>
    %dot_general3A_659 = tpu.matmul %get3A_657, %get3A_119, %dot_general3A_658 {dimension_numbers = #tpu.dot_dimension_numbers<[1], [0], [0], [1], [0, 0, 1, 1], [], []>, transpose_lhs_hint = false} : vector<128x609xf32>, vector<609x96xf32>, vector<128x96xf32> -> vector<128x96xf32>
    %slice3A_660 = vector.extract_strided_slice %dot_general3A_611 {offsets = [0, 0], sizes = [128, 32], strides = [1, 1]} : vector<128x96xf32> to vector<128x32xf32>
    %slice3A_661 = vector.extract_strided_slice %dot_general3A_635 {offsets = [0, 32], sizes = [128, 32], strides = [1, 1]} : vector<128x96xf32> to vector<128x32xf32>
    %add3A_662 = arith.addf %slice3A_660, %slice3A_661 : vector<128x32xf32>
    %slice3A_663 = vector.extract_strided_slice %dot_general3A_659 {offsets = [0, 64], sizes = [128, 32], strides = [1, 1]} : vector<128x96xf32> to vector<128x32xf32>
    %add3A_664 = arith.addf %add3A_662, %slice3A_663 : vector<128x32xf32>
    %add3A_665 = vector.broadcast %get3A_116 : vector<1x32xf32> to vector<128x32xf32>
    %add3A_666 = arith.addf %add3A_664, %add3A_665 : vector<128x32xf32>
    %max3A_667 = arith.constant 0.000000e+00 : f32
    %max3A_668 = vector.broadcast %max3A_667 : f32 to vector<128x32xf32>
    %max3A_669 = arith.maximumf %add3A_666, %max3A_668 : vector<128x32xf32>
    %max3A_670 = arith.maximumf %max3A_645, %max3A_669 : vector<128x32xf32>
    %get3A_671 = arith.constant 672 : index
    %get3A_672 = arith.constant 0 : index
    %get3A_673 = vector.load %arg11[%get3A_671, %get3A_672] : memref<864x128xf32, #tpu.memory_space<vmem>>, vector<32x128xf32>
    %dot_general3A_674 = arith.constant dense<0.000000e+00> : vector<128x128xf32>
    %dot_general3A_675 = tpu.matmul %max3A_670, %get3A_673, %dot_general3A_674 {dimension_numbers = #tpu.dot_dimension_numbers<[1], [0], [0], [1], [0, 0, 1, 1], [], []>, transpose_lhs_hint = false} : vector<128x32xf32>, vector<32x128xf32>, vector<128x128xf32> -> vector<128x128xf32>
    %add3A_676 = arith.addf %add3A_652, %dot_general3A_675 : vector<128x128xf32>
    %get3A_677 = arith.constant 0 : index
    %get3A_678 = arith.constant 25 : index
    %get3A_679 = arith.constant 0 : index
    %get3A_680 = vector.load %arg3[%get3A_677, %get3A_678, %get3A_679] : memref<128x30x609xf32, #tpu.memory_space<vmem>>, vector<128x1x609xf32>
    %get3A_681 = vector.shape_cast %get3A_680 : vector<128x1x609xf32> to vector<128x609xf32>
    %dot_general3A_682 = arith.constant dense<0.000000e+00> : vector<128x96xf32>
    %dot_general3A_683 = tpu.matmul %get3A_681, %get3A_119, %dot_general3A_682 {dimension_numbers = #tpu.dot_dimension_numbers<[1], [0], [0], [1], [0, 0, 1, 1], [], []>, transpose_lhs_hint = false} : vector<128x609xf32>, vector<609x96xf32>, vector<128x96xf32> -> vector<128x96xf32>
    %slice3A_684 = vector.extract_strided_slice %dot_general3A_635 {offsets = [0, 0], sizes = [128, 32], strides = [1, 1]} : vector<128x96xf32> to vector<128x32xf32>
    %slice3A_685 = vector.extract_strided_slice %dot_general3A_659 {offsets = [0, 32], sizes = [128, 32], strides = [1, 1]} : vector<128x96xf32> to vector<128x32xf32>
    %add3A_686 = arith.addf %slice3A_684, %slice3A_685 : vector<128x32xf32>
    %slice3A_687 = vector.extract_strided_slice %dot_general3A_683 {offsets = [0, 64], sizes = [128, 32], strides = [1, 1]} : vector<128x96xf32> to vector<128x32xf32>
    %add3A_688 = arith.addf %add3A_686, %slice3A_687 : vector<128x32xf32>
    %add3A_689 = vector.broadcast %get3A_116 : vector<1x32xf32> to vector<128x32xf32>
    %add3A_690 = arith.addf %add3A_688, %add3A_689 : vector<128x32xf32>
    %max3A_691 = arith.constant 0.000000e+00 : f32
    %max3A_692 = vector.broadcast %max3A_691 : f32 to vector<128x32xf32>
    %max3A_693 = arith.maximumf %add3A_690, %max3A_692 : vector<128x32xf32>
    %max3A_694 = arith.maximumf %max3A_669, %max3A_693 : vector<128x32xf32>
    %get3A_695 = arith.constant 704 : index
    %get3A_696 = arith.constant 0 : index
    %get3A_697 = vector.load %arg11[%get3A_695, %get3A_696] : memref<864x128xf32, #tpu.memory_space<vmem>>, vector<32x128xf32>
    %dot_general3A_698 = arith.constant dense<0.000000e+00> : vector<128x128xf32>
    %dot_general3A_699 = tpu.matmul %max3A_694, %get3A_697, %dot_general3A_698 {dimension_numbers = #tpu.dot_dimension_numbers<[1], [0], [0], [1], [0, 0, 1, 1], [], []>, transpose_lhs_hint = false} : vector<128x32xf32>, vector<32x128xf32>, vector<128x128xf32> -> vector<128x128xf32>
    %add3A_700 = arith.addf %add3A_676, %dot_general3A_699 : vector<128x128xf32>
    %get3A_701 = arith.constant 0 : index
    %get3A_702 = arith.constant 26 : index
    %get3A_703 = arith.constant 0 : index
    %get3A_704 = vector.load %arg3[%get3A_701, %get3A_702, %get3A_703] : memref<128x30x609xf32, #tpu.memory_space<vmem>>, vector<128x1x609xf32>
    %get3A_705 = vector.shape_cast %get3A_704 : vector<128x1x609xf32> to vector<128x609xf32>
    %dot_general3A_706 = arith.constant dense<0.000000e+00> : vector<128x96xf32>
    %dot_general3A_707 = tpu.matmul %get3A_705, %get3A_119, %dot_general3A_706 {dimension_numbers = #tpu.dot_dimension_numbers<[1], [0], [0], [1], [0, 0, 1, 1], [], []>, transpose_lhs_hint = false} : vector<128x609xf32>, vector<609x96xf32>, vector<128x96xf32> -> vector<128x96xf32>
    %slice3A_708 = vector.extract_strided_slice %dot_general3A_659 {offsets = [0, 0], sizes = [128, 32], strides = [1, 1]} : vector<128x96xf32> to vector<128x32xf32>
    %slice3A_709 = vector.extract_strided_slice %dot_general3A_683 {offsets = [0, 32], sizes = [128, 32], strides = [1, 1]} : vector<128x96xf32> to vector<128x32xf32>
    %add3A_710 = arith.addf %slice3A_708, %slice3A_709 : vector<128x32xf32>
    %slice3A_711 = vector.extract_strided_slice %dot_general3A_707 {offsets = [0, 64], sizes = [128, 32], strides = [1, 1]} : vector<128x96xf32> to vector<128x32xf32>
    %add3A_712 = arith.addf %add3A_710, %slice3A_711 : vector<128x32xf32>
    %add3A_713 = vector.broadcast %get3A_116 : vector<1x32xf32> to vector<128x32xf32>
    %add3A_714 = arith.addf %add3A_712, %add3A_713 : vector<128x32xf32>
    %max3A_715 = arith.constant 0.000000e+00 : f32
    %max3A_716 = vector.broadcast %max3A_715 : f32 to vector<128x32xf32>
    %max3A_717 = arith.maximumf %add3A_714, %max3A_716 : vector<128x32xf32>
    %max3A_718 = arith.maximumf %max3A_693, %max3A_717 : vector<128x32xf32>
    %get3A_719 = arith.constant 736 : index
    %get3A_720 = arith.constant 0 : index
    %get3A_721 = vector.load %arg11[%get3A_719, %get3A_720] : memref<864x128xf32, #tpu.memory_space<vmem>>, vector<32x128xf32>
    %dot_general3A_722 = arith.constant dense<0.000000e+00> : vector<128x128xf32>
    %dot_general3A_723 = tpu.matmul %max3A_718, %get3A_721, %dot_general3A_722 {dimension_numbers = #tpu.dot_dimension_numbers<[1], [0], [0], [1], [0, 0, 1, 1], [], []>, transpose_lhs_hint = false} : vector<128x32xf32>, vector<32x128xf32>, vector<128x128xf32> -> vector<128x128xf32>
    %add3A_724 = arith.addf %add3A_700, %dot_general3A_723 : vector<128x128xf32>
    %get3A_725 = arith.constant 0 : index
    %get3A_726 = arith.constant 27 : index
    %get3A_727 = arith.constant 0 : index
    %get3A_728 = vector.load %arg3[%get3A_725, %get3A_726, %get3A_727] : memref<128x30x609xf32, #tpu.memory_space<vmem>>, vector<128x1x609xf32>
    %get3A_729 = vector.shape_cast %get3A_728 : vector<128x1x609xf32> to vector<128x609xf32>
    %dot_general3A_730 = arith.constant dense<0.000000e+00> : vector<128x96xf32>
    %dot_general3A_731 = tpu.matmul %get3A_729, %get3A_119, %dot_general3A_730 {dimension_numbers = #tpu.dot_dimension_numbers<[1], [0], [0], [1], [0, 0, 1, 1], [], []>, transpose_lhs_hint = false} : vector<128x609xf32>, vector<609x96xf32>, vector<128x96xf32> -> vector<128x96xf32>
    %slice3A_732 = vector.extract_strided_slice %dot_general3A_683 {offsets = [0, 0], sizes = [128, 32], strides = [1, 1]} : vector<128x96xf32> to vector<128x32xf32>
    %slice3A_733 = vector.extract_strided_slice %dot_general3A_707 {offsets = [0, 32], sizes = [128, 32], strides = [1, 1]} : vector<128x96xf32> to vector<128x32xf32>
    %add3A_734 = arith.addf %slice3A_732, %slice3A_733 : vector<128x32xf32>
    %slice3A_735 = vector.extract_strided_slice %dot_general3A_731 {offsets = [0, 64], sizes = [128, 32], strides = [1, 1]} : vector<128x96xf32> to vector<128x32xf32>
    %add3A_736 = arith.addf %add3A_734, %slice3A_735 : vector<128x32xf32>
    %add3A_737 = vector.broadcast %get3A_116 : vector<1x32xf32> to vector<128x32xf32>
    %add3A_738 = arith.addf %add3A_736, %add3A_737 : vector<128x32xf32>
    %max3A_739 = arith.constant 0.000000e+00 : f32
    %max3A_740 = vector.broadcast %max3A_739 : f32 to vector<128x32xf32>
    %max3A_741 = arith.maximumf %add3A_738, %max3A_740 : vector<128x32xf32>
    %max3A_742 = arith.maximumf %max3A_717, %max3A_741 : vector<128x32xf32>
    %get3A_743 = arith.constant 768 : index
    %get3A_744 = arith.constant 0 : index
    %get3A_745 = vector.load %arg11[%get3A_743, %get3A_744] : memref<864x128xf32, #tpu.memory_space<vmem>>, vector<32x128xf32>
    %dot_general3A_746 = arith.constant dense<0.000000e+00> : vector<128x128xf32>
    %dot_general3A_747 = tpu.matmul %max3A_742, %get3A_745, %dot_general3A_746 {dimension_numbers = #tpu.dot_dimension_numbers<[1], [0], [0], [1], [0, 0, 1, 1], [], []>, transpose_lhs_hint = false} : vector<128x32xf32>, vector<32x128xf32>, vector<128x128xf32> -> vector<128x128xf32>
    %add3A_748 = arith.addf %add3A_724, %dot_general3A_747 : vector<128x128xf32>
    %get3A_749 = arith.constant 0 : index
    %get3A_750 = arith.constant 28 : index
    %get3A_751 = arith.constant 0 : index
    %get3A_752 = vector.load %arg3[%get3A_749, %get3A_750, %get3A_751] : memref<128x30x609xf32, #tpu.memory_space<vmem>>, vector<128x1x609xf32>
    %get3A_753 = vector.shape_cast %get3A_752 : vector<128x1x609xf32> to vector<128x609xf32>
    %dot_general3A_754 = arith.constant dense<0.000000e+00> : vector<128x96xf32>
    %dot_general3A_755 = tpu.matmul %get3A_753, %get3A_119, %dot_general3A_754 {dimension_numbers = #tpu.dot_dimension_numbers<[1], [0], [0], [1], [0, 0, 1, 1], [], []>, transpose_lhs_hint = false} : vector<128x609xf32>, vector<609x96xf32>, vector<128x96xf32> -> vector<128x96xf32>
    %slice3A_756 = vector.extract_strided_slice %dot_general3A_707 {offsets = [0, 0], sizes = [128, 32], strides = [1, 1]} : vector<128x96xf32> to vector<128x32xf32>
    %slice3A_757 = vector.extract_strided_slice %dot_general3A_731 {offsets = [0, 32], sizes = [128, 32], strides = [1, 1]} : vector<128x96xf32> to vector<128x32xf32>
    %add3A_758 = arith.addf %slice3A_756, %slice3A_757 : vector<128x32xf32>
    %slice3A_759 = vector.extract_strided_slice %dot_general3A_755 {offsets = [0, 64], sizes = [128, 32], strides = [1, 1]} : vector<128x96xf32> to vector<128x32xf32>
    %add3A_760 = arith.addf %add3A_758, %slice3A_759 : vector<128x32xf32>
    %add3A_761 = vector.broadcast %get3A_116 : vector<1x32xf32> to vector<128x32xf32>
    %add3A_762 = arith.addf %add3A_760, %add3A_761 : vector<128x32xf32>
    %max3A_763 = arith.constant 0.000000e+00 : f32
    %max3A_764 = vector.broadcast %max3A_763 : f32 to vector<128x32xf32>
    %max3A_765 = arith.maximumf %add3A_762, %max3A_764 : vector<128x32xf32>
    %max3A_766 = arith.maximumf %max3A_741, %max3A_765 : vector<128x32xf32>
    %get3A_767 = arith.constant 800 : index
    %get3A_768 = arith.constant 0 : index
    %get3A_769 = vector.load %arg11[%get3A_767, %get3A_768] : memref<864x128xf32, #tpu.memory_space<vmem>>, vector<32x128xf32>
    %dot_general3A_770 = arith.constant dense<0.000000e+00> : vector<128x128xf32>
    %dot_general3A_771 = tpu.matmul %max3A_766, %get3A_769, %dot_general3A_770 {dimension_numbers = #tpu.dot_dimension_numbers<[1], [0], [0], [1], [0, 0, 1, 1], [], []>, transpose_lhs_hint = false} : vector<128x32xf32>, vector<32x128xf32>, vector<128x128xf32> -> vector<128x128xf32>
    %add3A_772 = arith.addf %add3A_748, %dot_general3A_771 : vector<128x128xf32>
    %get3A_773 = arith.constant 0 : index
    %get3A_774 = arith.constant 29 : index
    %get3A_775 = arith.constant 0 : index
    %get3A_776 = vector.load %arg3[%get3A_773, %get3A_774, %get3A_775] : memref<128x30x609xf32, #tpu.memory_space<vmem>>, vector<128x1x609xf32>
    %get3A_777 = vector.shape_cast %get3A_776 : vector<128x1x609xf32> to vector<128x609xf32>
    %dot_general3A_778 = arith.constant dense<0.000000e+00> : vector<128x96xf32>
    %dot_general3A_779 = tpu.matmul %get3A_777, %get3A_119, %dot_general3A_778 {dimension_numbers = #tpu.dot_dimension_numbers<[1], [0], [0], [1], [0, 0, 1, 1], [], []>, transpose_lhs_hint = false} : vector<128x609xf32>, vector<609x96xf32>, vector<128x96xf32> -> vector<128x96xf32>
    %slice3A_780 = vector.extract_strided_slice %dot_general3A_731 {offsets = [0, 0], sizes = [128, 32], strides = [1, 1]} : vector<128x96xf32> to vector<128x32xf32>
    %slice3A_781 = vector.extract_strided_slice %dot_general3A_755 {offsets = [0, 32], sizes = [128, 32], strides = [1, 1]} : vector<128x96xf32> to vector<128x32xf32>
    %add3A_782 = arith.addf %slice3A_780, %slice3A_781 : vector<128x32xf32>
    %slice3A_783 = vector.extract_strided_slice %dot_general3A_779 {offsets = [0, 64], sizes = [128, 32], strides = [1, 1]} : vector<128x96xf32> to vector<128x32xf32>
    %add3A_784 = arith.addf %add3A_782, %slice3A_783 : vector<128x32xf32>
    %add3A_785 = vector.broadcast %get3A_116 : vector<1x32xf32> to vector<128x32xf32>
    %add3A_786 = arith.addf %add3A_784, %add3A_785 : vector<128x32xf32>
    %max3A_787 = arith.constant 0.000000e+00 : f32
    %max3A_788 = vector.broadcast %max3A_787 : f32 to vector<128x32xf32>
    %max3A_789 = arith.maximumf %add3A_786, %max3A_788 : vector<128x32xf32>
    %max3A_790 = arith.maximumf %max3A_765, %max3A_789 : vector<128x32xf32>
    %get3A_791 = arith.constant 832 : index
    %get3A_792 = arith.constant 0 : index
    %get3A_793 = vector.load %arg11[%get3A_791, %get3A_792] : memref<864x128xf32, #tpu.memory_space<vmem>>, vector<32x128xf32>
    %dot_general3A_794 = arith.constant dense<0.000000e+00> : vector<128x128xf32>
    %dot_general3A_795 = tpu.matmul %max3A_790, %get3A_793, %dot_general3A_794 {dimension_numbers = #tpu.dot_dimension_numbers<[1], [0], [0], [1], [0, 0, 1, 1], [], []>, transpose_lhs_hint = false} : vector<128x32xf32>, vector<32x128xf32>, vector<128x128xf32> -> vector<128x128xf32>
    %add3A_796 = arith.addf %add3A_772, %dot_general3A_795 : vector<128x128xf32>
    %get3A_797 = arith.constant 0 : index
    %get3A_798 = arith.constant 0 : index
    %get3A_799 = vector.load %arg18[%get3A_797, %get3A_798] : memref<3x10xf32, #tpu.memory_space<vmem>>, vector<3x10xf32>
    %get3A_800 = arith.constant 0 : index
    %get3A_801 = arith.constant 0 : index
    %get3A_802 = arith.constant 0 : index
    %get3A_803 = vector.load %arg19[%get3A_800, %get3A_801, %get3A_802] : memref<3x10x32xf32, #tpu.memory_space<vmem>>, vector<1x10x32xf32>
    %get3A_804 = vector.shape_cast %get3A_803 : vector<1x10x32xf32> to vector<10x32xf32>
    %dot_general3A_805 = arith.constant dense<0.000000e+00> : vector<3x32xf32>
    %dot_general3A_806 = tpu.matmul %get3A_799, %get3A_804, %dot_general3A_805 {dimension_numbers = #tpu.dot_dimension_numbers<[1], [0], [0], [1], [0, 0, 1, 1], [], []>, transpose_lhs_hint = false} : vector<3x10xf32>, vector<10x32xf32>, vector<3x32xf32> -> vector<3x32xf32>
    %get3A_807 = arith.constant 1 : index
    %get3A_808 = arith.constant 0 : index
    %get3A_809 = arith.constant 0 : index
    %get3A_810 = vector.load %arg19[%get3A_807, %get3A_808, %get3A_809] : memref<3x10x32xf32, #tpu.memory_space<vmem>>, vector<1x10x32xf32>
    %get3A_811 = vector.shape_cast %get3A_810 : vector<1x10x32xf32> to vector<10x32xf32>
    %dot_general3A_812 = arith.constant dense<0.000000e+00> : vector<3x32xf32>
    %dot_general3A_813 = tpu.matmul %get3A_799, %get3A_811, %dot_general3A_812 {dimension_numbers = #tpu.dot_dimension_numbers<[1], [0], [0], [1], [0, 0, 1, 1], [], []>, transpose_lhs_hint = false} : vector<3x10xf32>, vector<10x32xf32>, vector<3x32xf32> -> vector<3x32xf32>
    %get3A_814 = arith.constant 2 : index
    %get3A_815 = arith.constant 0 : index
    %get3A_816 = arith.constant 0 : index
    %get3A_817 = vector.load %arg19[%get3A_814, %get3A_815, %get3A_816] : memref<3x10x32xf32, #tpu.memory_space<vmem>>, vector<1x10x32xf32>
    %get3A_818 = vector.shape_cast %get3A_817 : vector<1x10x32xf32> to vector<10x32xf32>
    %dot_general3A_819 = arith.constant dense<0.000000e+00> : vector<3x32xf32>
    %dot_general3A_820 = tpu.matmul %get3A_799, %get3A_818, %dot_general3A_819 {dimension_numbers = #tpu.dot_dimension_numbers<[1], [0], [0], [1], [0, 0, 1, 1], [], []>, transpose_lhs_hint = false} : vector<3x10xf32>, vector<10x32xf32>, vector<3x32xf32> -> vector<3x32xf32>
    %get3A_821 = arith.constant 0 : index
    %get3A_822 = arith.constant 0 : index
    %get3A_823 = vector.load %arg20[%get3A_821, %get3A_822] : memref<1x32xf32, #tpu.memory_space<vmem>>, vector<1x32xf32>
    %get3A_824 = arith.constant 0 : index
    %get3A_825 = arith.constant 0 : index
    %get3A_826 = vector.load %arg4[%get3A_824, %get3A_825] : memref<128x30xi32, #tpu.memory_space<vmem>>, vector<128x30xi32>
    %slice3A_827 = vector.extract_strided_slice %get3A_826 {offsets = [0, 0], sizes = [128, 1], strides = [1, 1]} : vector<128x30xi32> to vector<128x1xi32>
    %eq3A = arith.constant 0 : i32
    %eq3A_828 = vector.broadcast %eq3A : i32 to vector<128x1xi32>
    %eq3A_829 = arith.cmpi eq, %slice3A_827, %eq3A_828 : vector<128x1xi32>
    %convert_element_type3A = arith.extui %eq3A_829 : vector<128x1xi1> to vector<128x1xi32>
    %convert_element_type3A_830 = arith.sitofp %convert_element_type3A : vector<128x1xi32> to vector<128x1xf32>
    %slice3A_831 = vector.extract_strided_slice %dot_general3A_806 {offsets = [0, 0], sizes = [1, 32], strides = [1, 1]} : vector<3x32xf32> to vector<1x32xf32>
    %mul3A = vector.broadcast %convert_element_type3A_830 : vector<128x1xf32> to vector<128x32xf32>
    %mul3A_832 = vector.broadcast %slice3A_831 : vector<1x32xf32> to vector<128x32xf32>
    %mul3A_833 = arith.mulf %mul3A, %mul3A_832 : vector<128x32xf32>
    %add3A_834 = vector.broadcast %get3A_823 : vector<1x32xf32> to vector<128x32xf32>
    %add3A_835 = arith.addf %add3A_834, %mul3A_833 : vector<128x32xf32>
    %eq3A_836 = arith.constant 1 : i32
    %eq3A_837 = vector.broadcast %eq3A_836 : i32 to vector<128x1xi32>
    %eq3A_838 = arith.cmpi eq, %slice3A_827, %eq3A_837 : vector<128x1xi32>
    %convert_element_type3A_839 = arith.extui %eq3A_838 : vector<128x1xi1> to vector<128x1xi32>
    %convert_element_type3A_840 = arith.sitofp %convert_element_type3A_839 : vector<128x1xi32> to vector<128x1xf32>
    %slice3A_841 = vector.extract_strided_slice %dot_general3A_806 {offsets = [1, 0], sizes = [1, 32], strides = [1, 1]} : vector<3x32xf32> to vector<1x32xf32>
    %mul3A_842 = vector.broadcast %convert_element_type3A_840 : vector<128x1xf32> to vector<128x32xf32>
    %mul3A_843 = vector.broadcast %slice3A_841 : vector<1x32xf32> to vector<128x32xf32>
    %mul3A_844 = arith.mulf %mul3A_842, %mul3A_843 : vector<128x32xf32>
    %add3A_845 = arith.addf %add3A_835, %mul3A_844 : vector<128x32xf32>
    %eq3A_846 = arith.constant 2 : i32
    %eq3A_847 = vector.broadcast %eq3A_846 : i32 to vector<128x1xi32>
    %eq3A_848 = arith.cmpi eq, %slice3A_827, %eq3A_847 : vector<128x1xi32>
    %convert_element_type3A_849 = arith.extui %eq3A_848 : vector<128x1xi1> to vector<128x1xi32>
    %convert_element_type3A_850 = arith.sitofp %convert_element_type3A_849 : vector<128x1xi32> to vector<128x1xf32>
    %slice3A_851 = vector.extract_strided_slice %dot_general3A_806 {offsets = [2, 0], sizes = [1, 32], strides = [1, 1]} : vector<3x32xf32> to vector<1x32xf32>
    %mul3A_852 = vector.broadcast %convert_element_type3A_850 : vector<128x1xf32> to vector<128x32xf32>
    %mul3A_853 = vector.broadcast %slice3A_851 : vector<1x32xf32> to vector<128x32xf32>
    %mul3A_854 = arith.mulf %mul3A_852, %mul3A_853 : vector<128x32xf32>
    %add3A_855 = arith.addf %add3A_845, %mul3A_854 : vector<128x32xf32>
    %slice3A_856 = vector.extract_strided_slice %get3A_826 {offsets = [0, 1], sizes = [128, 1], strides = [1, 1]} : vector<128x30xi32> to vector<128x1xi32>
    %eq3A_857 = arith.constant 0 : i32
    %eq3A_858 = vector.broadcast %eq3A_857 : i32 to vector<128x1xi32>
    %eq3A_859 = arith.cmpi eq, %slice3A_856, %eq3A_858 : vector<128x1xi32>
    %convert_element_type3A_860 = arith.extui %eq3A_859 : vector<128x1xi1> to vector<128x1xi32>
    %convert_element_type3A_861 = arith.sitofp %convert_element_type3A_860 : vector<128x1xi32> to vector<128x1xf32>
    %slice3A_862 = vector.extract_strided_slice %dot_general3A_813 {offsets = [0, 0], sizes = [1, 32], strides = [1, 1]} : vector<3x32xf32> to vector<1x32xf32>
    %mul3A_863 = vector.broadcast %convert_element_type3A_861 : vector<128x1xf32> to vector<128x32xf32>
    %mul3A_864 = vector.broadcast %slice3A_862 : vector<1x32xf32> to vector<128x32xf32>
    %mul3A_865 = arith.mulf %mul3A_863, %mul3A_864 : vector<128x32xf32>
    %add3A_866 = arith.addf %add3A_855, %mul3A_865 : vector<128x32xf32>
    %eq3A_867 = arith.constant 1 : i32
    %eq3A_868 = vector.broadcast %eq3A_867 : i32 to vector<128x1xi32>
    %eq3A_869 = arith.cmpi eq, %slice3A_856, %eq3A_868 : vector<128x1xi32>
    %convert_element_type3A_870 = arith.extui %eq3A_869 : vector<128x1xi1> to vector<128x1xi32>
    %convert_element_type3A_871 = arith.sitofp %convert_element_type3A_870 : vector<128x1xi32> to vector<128x1xf32>
    %slice3A_872 = vector.extract_strided_slice %dot_general3A_813 {offsets = [1, 0], sizes = [1, 32], strides = [1, 1]} : vector<3x32xf32> to vector<1x32xf32>
    %mul3A_873 = vector.broadcast %convert_element_type3A_871 : vector<128x1xf32> to vector<128x32xf32>
    %mul3A_874 = vector.broadcast %slice3A_872 : vector<1x32xf32> to vector<128x32xf32>
    %mul3A_875 = arith.mulf %mul3A_873, %mul3A_874 : vector<128x32xf32>
    %add3A_876 = arith.addf %add3A_866, %mul3A_875 : vector<128x32xf32>
    %eq3A_877 = arith.constant 2 : i32
    %eq3A_878 = vector.broadcast %eq3A_877 : i32 to vector<128x1xi32>
    %eq3A_879 = arith.cmpi eq, %slice3A_856, %eq3A_878 : vector<128x1xi32>
    %convert_element_type3A_880 = arith.extui %eq3A_879 : vector<128x1xi1> to vector<128x1xi32>
    %convert_element_type3A_881 = arith.sitofp %convert_element_type3A_880 : vector<128x1xi32> to vector<128x1xf32>
    %slice3A_882 = vector.extract_strided_slice %dot_general3A_813 {offsets = [2, 0], sizes = [1, 32], strides = [1, 1]} : vector<3x32xf32> to vector<1x32xf32>
    %mul3A_883 = vector.broadcast %convert_element_type3A_881 : vector<128x1xf32> to vector<128x32xf32>
    %mul3A_884 = vector.broadcast %slice3A_882 : vector<1x32xf32> to vector<128x32xf32>
    %mul3A_885 = arith.mulf %mul3A_883, %mul3A_884 : vector<128x32xf32>
    %add3A_886 = arith.addf %add3A_876, %mul3A_885 : vector<128x32xf32>
    %slice3A_887 = vector.extract_strided_slice %get3A_826 {offsets = [0, 2], sizes = [128, 1], strides = [1, 1]} : vector<128x30xi32> to vector<128x1xi32>
    %eq3A_888 = arith.constant 0 : i32
    %eq3A_889 = vector.broadcast %eq3A_888 : i32 to vector<128x1xi32>
    %eq3A_890 = arith.cmpi eq, %slice3A_887, %eq3A_889 : vector<128x1xi32>
    %convert_element_type3A_891 = arith.extui %eq3A_890 : vector<128x1xi1> to vector<128x1xi32>
    %convert_element_type3A_892 = arith.sitofp %convert_element_type3A_891 : vector<128x1xi32> to vector<128x1xf32>
    %slice3A_893 = vector.extract_strided_slice %dot_general3A_820 {offsets = [0, 0], sizes = [1, 32], strides = [1, 1]} : vector<3x32xf32> to vector<1x32xf32>
    %mul3A_894 = vector.broadcast %convert_element_type3A_892 : vector<128x1xf32> to vector<128x32xf32>
    %mul3A_895 = vector.broadcast %slice3A_893 : vector<1x32xf32> to vector<128x32xf32>
    %mul3A_896 = arith.mulf %mul3A_894, %mul3A_895 : vector<128x32xf32>
    %add3A_897 = arith.addf %add3A_886, %mul3A_896 : vector<128x32xf32>
    %eq3A_898 = arith.constant 1 : i32
    %eq3A_899 = vector.broadcast %eq3A_898 : i32 to vector<128x1xi32>
    %eq3A_900 = arith.cmpi eq, %slice3A_887, %eq3A_899 : vector<128x1xi32>
    %convert_element_type3A_901 = arith.extui %eq3A_900 : vector<128x1xi1> to vector<128x1xi32>
    %convert_element_type3A_902 = arith.sitofp %convert_element_type3A_901 : vector<128x1xi32> to vector<128x1xf32>
    %slice3A_903 = vector.extract_strided_slice %dot_general3A_820 {offsets = [1, 0], sizes = [1, 32], strides = [1, 1]} : vector<3x32xf32> to vector<1x32xf32>
    %mul3A_904 = vector.broadcast %convert_element_type3A_902 : vector<128x1xf32> to vector<128x32xf32>
    %mul3A_905 = vector.broadcast %slice3A_903 : vector<1x32xf32> to vector<128x32xf32>
    %mul3A_906 = arith.mulf %mul3A_904, %mul3A_905 : vector<128x32xf32>
    %add3A_907 = arith.addf %add3A_897, %mul3A_906 : vector<128x32xf32>
    %eq3A_908 = arith.constant 2 : i32
    %eq3A_909 = vector.broadcast %eq3A_908 : i32 to vector<128x1xi32>
    %eq3A_910 = arith.cmpi eq, %slice3A_887, %eq3A_909 : vector<128x1xi32>
    %convert_element_type3A_911 = arith.extui %eq3A_910 : vector<128x1xi1> to vector<128x1xi32>
    %convert_element_type3A_912 = arith.sitofp %convert_element_type3A_911 : vector<128x1xi32> to vector<128x1xf32>
    %slice3A_913 = vector.extract_strided_slice %dot_general3A_820 {offsets = [2, 0], sizes = [1, 32], strides = [1, 1]} : vector<3x32xf32> to vector<1x32xf32>
    %mul3A_914 = vector.broadcast %convert_element_type3A_912 : vector<128x1xf32> to vector<128x32xf32>
    %mul3A_915 = vector.broadcast %slice3A_913 : vector<1x32xf32> to vector<128x32xf32>
    %mul3A_916 = arith.mulf %mul3A_914, %mul3A_915 : vector<128x32xf32>
    %add3A_917 = arith.addf %add3A_907, %mul3A_916 : vector<128x32xf32>
    %max3A_918 = arith.constant 0.000000e+00 : f32
    %max3A_919 = vector.broadcast %max3A_918 : f32 to vector<128x32xf32>
    %max3A_920 = arith.maximumf %add3A_917, %max3A_919 : vector<128x32xf32>
    %slice3A_921 = vector.extract_strided_slice %get3A_826 {offsets = [0, 1], sizes = [128, 1], strides = [1, 1]} : vector<128x30xi32> to vector<128x1xi32>
    %eq3A_922 = arith.constant 0 : i32
    %eq3A_923 = vector.broadcast %eq3A_922 : i32 to vector<128x1xi32>
    %eq3A_924 = arith.cmpi eq, %slice3A_921, %eq3A_923 : vector<128x1xi32>
    %convert_element_type3A_925 = arith.extui %eq3A_924 : vector<128x1xi1> to vector<128x1xi32>
    %convert_element_type3A_926 = arith.sitofp %convert_element_type3A_925 : vector<128x1xi32> to vector<128x1xf32>
    %slice3A_927 = vector.extract_strided_slice %dot_general3A_806 {offsets = [0, 0], sizes = [1, 32], strides = [1, 1]} : vector<3x32xf32> to vector<1x32xf32>
    %mul3A_928 = vector.broadcast %convert_element_type3A_926 : vector<128x1xf32> to vector<128x32xf32>
    %mul3A_929 = vector.broadcast %slice3A_927 : vector<1x32xf32> to vector<128x32xf32>
    %mul3A_930 = arith.mulf %mul3A_928, %mul3A_929 : vector<128x32xf32>
    %add3A_931 = vector.broadcast %get3A_823 : vector<1x32xf32> to vector<128x32xf32>
    %add3A_932 = arith.addf %add3A_931, %mul3A_930 : vector<128x32xf32>
    %eq3A_933 = arith.constant 1 : i32
    %eq3A_934 = vector.broadcast %eq3A_933 : i32 to vector<128x1xi32>
    %eq3A_935 = arith.cmpi eq, %slice3A_921, %eq3A_934 : vector<128x1xi32>
    %convert_element_type3A_936 = arith.extui %eq3A_935 : vector<128x1xi1> to vector<128x1xi32>
    %convert_element_type3A_937 = arith.sitofp %convert_element_type3A_936 : vector<128x1xi32> to vector<128x1xf32>
    %slice3A_938 = vector.extract_strided_slice %dot_general3A_806 {offsets = [1, 0], sizes = [1, 32], strides = [1, 1]} : vector<3x32xf32> to vector<1x32xf32>
    %mul3A_939 = vector.broadcast %convert_element_type3A_937 : vector<128x1xf32> to vector<128x32xf32>
    %mul3A_940 = vector.broadcast %slice3A_938 : vector<1x32xf32> to vector<128x32xf32>
    %mul3A_941 = arith.mulf %mul3A_939, %mul3A_940 : vector<128x32xf32>
    %add3A_942 = arith.addf %add3A_932, %mul3A_941 : vector<128x32xf32>
    %eq3A_943 = arith.constant 2 : i32
    %eq3A_944 = vector.broadcast %eq3A_943 : i32 to vector<128x1xi32>
    %eq3A_945 = arith.cmpi eq, %slice3A_921, %eq3A_944 : vector<128x1xi32>
    %convert_element_type3A_946 = arith.extui %eq3A_945 : vector<128x1xi1> to vector<128x1xi32>
    %convert_element_type3A_947 = arith.sitofp %convert_element_type3A_946 : vector<128x1xi32> to vector<128x1xf32>
    %slice3A_948 = vector.extract_strided_slice %dot_general3A_806 {offsets = [2, 0], sizes = [1, 32], strides = [1, 1]} : vector<3x32xf32> to vector<1x32xf32>
    %mul3A_949 = vector.broadcast %convert_element_type3A_947 : vector<128x1xf32> to vector<128x32xf32>
    %mul3A_950 = vector.broadcast %slice3A_948 : vector<1x32xf32> to vector<128x32xf32>
    %mul3A_951 = arith.mulf %mul3A_949, %mul3A_950 : vector<128x32xf32>
    %add3A_952 = arith.addf %add3A_942, %mul3A_951 : vector<128x32xf32>
    %slice3A_953 = vector.extract_strided_slice %get3A_826 {offsets = [0, 2], sizes = [128, 1], strides = [1, 1]} : vector<128x30xi32> to vector<128x1xi32>
    %eq3A_954 = arith.constant 0 : i32
    %eq3A_955 = vector.broadcast %eq3A_954 : i32 to vector<128x1xi32>
    %eq3A_956 = arith.cmpi eq, %slice3A_953, %eq3A_955 : vector<128x1xi32>
    %convert_element_type3A_957 = arith.extui %eq3A_956 : vector<128x1xi1> to vector<128x1xi32>
    %convert_element_type3A_958 = arith.sitofp %convert_element_type3A_957 : vector<128x1xi32> to vector<128x1xf32>
    %slice3A_959 = vector.extract_strided_slice %dot_general3A_813 {offsets = [0, 0], sizes = [1, 32], strides = [1, 1]} : vector<3x32xf32> to vector<1x32xf32>
    %mul3A_960 = vector.broadcast %convert_element_type3A_958 : vector<128x1xf32> to vector<128x32xf32>
    %mul3A_961 = vector.broadcast %slice3A_959 : vector<1x32xf32> to vector<128x32xf32>
    %mul3A_962 = arith.mulf %mul3A_960, %mul3A_961 : vector<128x32xf32>
    %add3A_963 = arith.addf %add3A_952, %mul3A_962 : vector<128x32xf32>
    %eq3A_964 = arith.constant 1 : i32
    %eq3A_965 = vector.broadcast %eq3A_964 : i32 to vector<128x1xi32>
    %eq3A_966 = arith.cmpi eq, %slice3A_953, %eq3A_965 : vector<128x1xi32>
    %convert_element_type3A_967 = arith.extui %eq3A_966 : vector<128x1xi1> to vector<128x1xi32>
    %convert_element_type3A_968 = arith.sitofp %convert_element_type3A_967 : vector<128x1xi32> to vector<128x1xf32>
    %slice3A_969 = vector.extract_strided_slice %dot_general3A_813 {offsets = [1, 0], sizes = [1, 32], strides = [1, 1]} : vector<3x32xf32> to vector<1x32xf32>
    %mul3A_970 = vector.broadcast %convert_element_type3A_968 : vector<128x1xf32> to vector<128x32xf32>
    %mul3A_971 = vector.broadcast %slice3A_969 : vector<1x32xf32> to vector<128x32xf32>
    %mul3A_972 = arith.mulf %mul3A_970, %mul3A_971 : vector<128x32xf32>
    %add3A_973 = arith.addf %add3A_963, %mul3A_972 : vector<128x32xf32>
    %eq3A_974 = arith.constant 2 : i32
    %eq3A_975 = vector.broadcast %eq3A_974 : i32 to vector<128x1xi32>
    %eq3A_976 = arith.cmpi eq, %slice3A_953, %eq3A_975 : vector<128x1xi32>
    %convert_element_type3A_977 = arith.extui %eq3A_976 : vector<128x1xi1> to vector<128x1xi32>
    %convert_element_type3A_978 = arith.sitofp %convert_element_type3A_977 : vector<128x1xi32> to vector<128x1xf32>
    %slice3A_979 = vector.extract_strided_slice %dot_general3A_813 {offsets = [2, 0], sizes = [1, 32], strides = [1, 1]} : vector<3x32xf32> to vector<1x32xf32>
    %mul3A_980 = vector.broadcast %convert_element_type3A_978 : vector<128x1xf32> to vector<128x32xf32>
    %mul3A_981 = vector.broadcast %slice3A_979 : vector<1x32xf32> to vector<128x32xf32>
    %mul3A_982 = arith.mulf %mul3A_980, %mul3A_981 : vector<128x32xf32>
    %add3A_983 = arith.addf %add3A_973, %mul3A_982 : vector<128x32xf32>
    %slice3A_984 = vector.extract_strided_slice %get3A_826 {offsets = [0, 3], sizes = [128, 1], strides = [1, 1]} : vector<128x30xi32> to vector<128x1xi32>
    %eq3A_985 = arith.constant 0 : i32
    %eq3A_986 = vector.broadcast %eq3A_985 : i32 to vector<128x1xi32>
    %eq3A_987 = arith.cmpi eq, %slice3A_984, %eq3A_986 : vector<128x1xi32>
    %convert_element_type3A_988 = arith.extui %eq3A_987 : vector<128x1xi1> to vector<128x1xi32>
    %convert_element_type3A_989 = arith.sitofp %convert_element_type3A_988 : vector<128x1xi32> to vector<128x1xf32>
    %slice3A_990 = vector.extract_strided_slice %dot_general3A_820 {offsets = [0, 0], sizes = [1, 32], strides = [1, 1]} : vector<3x32xf32> to vector<1x32xf32>
    %mul3A_991 = vector.broadcast %convert_element_type3A_989 : vector<128x1xf32> to vector<128x32xf32>
    %mul3A_992 = vector.broadcast %slice3A_990 : vector<1x32xf32> to vector<128x32xf32>
    %mul3A_993 = arith.mulf %mul3A_991, %mul3A_992 : vector<128x32xf32>
    %add3A_994 = arith.addf %add3A_983, %mul3A_993 : vector<128x32xf32>
    %eq3A_995 = arith.constant 1 : i32
    %eq3A_996 = vector.broadcast %eq3A_995 : i32 to vector<128x1xi32>
    %eq3A_997 = arith.cmpi eq, %slice3A_984, %eq3A_996 : vector<128x1xi32>
    %convert_element_type3A_998 = arith.extui %eq3A_997 : vector<128x1xi1> to vector<128x1xi32>
    %convert_element_type3A_999 = arith.sitofp %convert_element_type3A_998 : vector<128x1xi32> to vector<128x1xf32>
    %slice3A_1000 = vector.extract_strided_slice %dot_general3A_820 {offsets = [1, 0], sizes = [1, 32], strides = [1, 1]} : vector<3x32xf32> to vector<1x32xf32>
    %mul3A_1001 = vector.broadcast %convert_element_type3A_999 : vector<128x1xf32> to vector<128x32xf32>
    %mul3A_1002 = vector.broadcast %slice3A_1000 : vector<1x32xf32> to vector<128x32xf32>
    %mul3A_1003 = arith.mulf %mul3A_1001, %mul3A_1002 : vector<128x32xf32>
    %add3A_1004 = arith.addf %add3A_994, %mul3A_1003 : vector<128x32xf32>
    %eq3A_1005 = arith.constant 2 : i32
    %eq3A_1006 = vector.broadcast %eq3A_1005 : i32 to vector<128x1xi32>
    %eq3A_1007 = arith.cmpi eq, %slice3A_984, %eq3A_1006 : vector<128x1xi32>
    %convert_element_type3A_1008 = arith.extui %eq3A_1007 : vector<128x1xi1> to vector<128x1xi32>
    %convert_element_type3A_1009 = arith.sitofp %convert_element_type3A_1008 : vector<128x1xi32> to vector<128x1xf32>
    %slice3A_1010 = vector.extract_strided_slice %dot_general3A_820 {offsets = [2, 0], sizes = [1, 32], strides = [1, 1]} : vector<3x32xf32> to vector<1x32xf32>
    %mul3A_1011 = vector.broadcast %convert_element_type3A_1009 : vector<128x1xf32> to vector<128x32xf32>
    %mul3A_1012 = vector.broadcast %slice3A_1010 : vector<1x32xf32> to vector<128x32xf32>
    %mul3A_1013 = arith.mulf %mul3A_1011, %mul3A_1012 : vector<128x32xf32>
    %add3A_1014 = arith.addf %add3A_1004, %mul3A_1013 : vector<128x32xf32>
    %max3A_1015 = arith.constant 0.000000e+00 : f32
    %max3A_1016 = vector.broadcast %max3A_1015 : f32 to vector<128x32xf32>
    %max3A_1017 = arith.maximumf %add3A_1014, %max3A_1016 : vector<128x32xf32>
    %max3A_1018 = arith.maximumf %max3A_920, %max3A_1017 : vector<128x32xf32>
    %get3A_1019 = arith.constant 0 : index
    %get3A_1020 = arith.constant 0 : index
    %get3A_1021 = vector.load %arg12[%get3A_1019, %get3A_1020] : memref<864x128xf32, #tpu.memory_space<vmem>>, vector<32x128xf32>
    %dot_general3A_1022 = arith.constant dense<0.000000e+00> : vector<128x128xf32>
    %dot_general3A_1023 = tpu.matmul %max3A_1018, %get3A_1021, %dot_general3A_1022 {dimension_numbers = #tpu.dot_dimension_numbers<[1], [0], [0], [1], [0, 0, 1, 1], [], []>, transpose_lhs_hint = false} : vector<128x32xf32>, vector<32x128xf32>, vector<128x128xf32> -> vector<128x128xf32>
    %add3A_1024 = arith.addf %add3A_796, %dot_general3A_1023 : vector<128x128xf32>
    %slice3A_1025 = vector.extract_strided_slice %get3A_826 {offsets = [0, 2], sizes = [128, 1], strides = [1, 1]} : vector<128x30xi32> to vector<128x1xi32>
    %eq3A_1026 = arith.constant 0 : i32
    %eq3A_1027 = vector.broadcast %eq3A_1026 : i32 to vector<128x1xi32>
    %eq3A_1028 = arith.cmpi eq, %slice3A_1025, %eq3A_1027 : vector<128x1xi32>
    %convert_element_type3A_1029 = arith.extui %eq3A_1028 : vector<128x1xi1> to vector<128x1xi32>
    %convert_element_type3A_1030 = arith.sitofp %convert_element_type3A_1029 : vector<128x1xi32> to vector<128x1xf32>
    %slice3A_1031 = vector.extract_strided_slice %dot_general3A_806 {offsets = [0, 0], sizes = [1, 32], strides = [1, 1]} : vector<3x32xf32> to vector<1x32xf32>
    %mul3A_1032 = vector.broadcast %convert_element_type3A_1030 : vector<128x1xf32> to vector<128x32xf32>
    %mul3A_1033 = vector.broadcast %slice3A_1031 : vector<1x32xf32> to vector<128x32xf32>
    %mul3A_1034 = arith.mulf %mul3A_1032, %mul3A_1033 : vector<128x32xf32>
    %add3A_1035 = vector.broadcast %get3A_823 : vector<1x32xf32> to vector<128x32xf32>
    %add3A_1036 = arith.addf %add3A_1035, %mul3A_1034 : vector<128x32xf32>
    %eq3A_1037 = arith.constant 1 : i32
    %eq3A_1038 = vector.broadcast %eq3A_1037 : i32 to vector<128x1xi32>
    %eq3A_1039 = arith.cmpi eq, %slice3A_1025, %eq3A_1038 : vector<128x1xi32>
    %convert_element_type3A_1040 = arith.extui %eq3A_1039 : vector<128x1xi1> to vector<128x1xi32>
    %convert_element_type3A_1041 = arith.sitofp %convert_element_type3A_1040 : vector<128x1xi32> to vector<128x1xf32>
    %slice3A_1042 = vector.extract_strided_slice %dot_general3A_806 {offsets = [1, 0], sizes = [1, 32], strides = [1, 1]} : vector<3x32xf32> to vector<1x32xf32>
    %mul3A_1043 = vector.broadcast %convert_element_type3A_1041 : vector<128x1xf32> to vector<128x32xf32>
    %mul3A_1044 = vector.broadcast %slice3A_1042 : vector<1x32xf32> to vector<128x32xf32>
    %mul3A_1045 = arith.mulf %mul3A_1043, %mul3A_1044 : vector<128x32xf32>
    %add3A_1046 = arith.addf %add3A_1036, %mul3A_1045 : vector<128x32xf32>
    %eq3A_1047 = arith.constant 2 : i32
    %eq3A_1048 = vector.broadcast %eq3A_1047 : i32 to vector<128x1xi32>
    %eq3A_1049 = arith.cmpi eq, %slice3A_1025, %eq3A_1048 : vector<128x1xi32>
    %convert_element_type3A_1050 = arith.extui %eq3A_1049 : vector<128x1xi1> to vector<128x1xi32>
    %convert_element_type3A_1051 = arith.sitofp %convert_element_type3A_1050 : vector<128x1xi32> to vector<128x1xf32>
    %slice3A_1052 = vector.extract_strided_slice %dot_general3A_806 {offsets = [2, 0], sizes = [1, 32], strides = [1, 1]} : vector<3x32xf32> to vector<1x32xf32>
    %mul3A_1053 = vector.broadcast %convert_element_type3A_1051 : vector<128x1xf32> to vector<128x32xf32>
    %mul3A_1054 = vector.broadcast %slice3A_1052 : vector<1x32xf32> to vector<128x32xf32>
    %mul3A_1055 = arith.mulf %mul3A_1053, %mul3A_1054 : vector<128x32xf32>
    %add3A_1056 = arith.addf %add3A_1046, %mul3A_1055 : vector<128x32xf32>
    %slice3A_1057 = vector.extract_strided_slice %get3A_826 {offsets = [0, 3], sizes = [128, 1], strides = [1, 1]} : vector<128x30xi32> to vector<128x1xi32>
    %eq3A_1058 = arith.constant 0 : i32
    %eq3A_1059 = vector.broadcast %eq3A_1058 : i32 to vector<128x1xi32>
    %eq3A_1060 = arith.cmpi eq, %slice3A_1057, %eq3A_1059 : vector<128x1xi32>
    %convert_element_type3A_1061 = arith.extui %eq3A_1060 : vector<128x1xi1> to vector<128x1xi32>
    %convert_element_type3A_1062 = arith.sitofp %convert_element_type3A_1061 : vector<128x1xi32> to vector<128x1xf32>
    %slice3A_1063 = vector.extract_strided_slice %dot_general3A_813 {offsets = [0, 0], sizes = [1, 32], strides = [1, 1]} : vector<3x32xf32> to vector<1x32xf32>
    %mul3A_1064 = vector.broadcast %convert_element_type3A_1062 : vector<128x1xf32> to vector<128x32xf32>
    %mul3A_1065 = vector.broadcast %slice3A_1063 : vector<1x32xf32> to vector<128x32xf32>
    %mul3A_1066 = arith.mulf %mul3A_1064, %mul3A_1065 : vector<128x32xf32>
    %add3A_1067 = arith.addf %add3A_1056, %mul3A_1066 : vector<128x32xf32>
    %eq3A_1068 = arith.constant 1 : i32
    %eq3A_1069 = vector.broadcast %eq3A_1068 : i32 to vector<128x1xi32>
    %eq3A_1070 = arith.cmpi eq, %slice3A_1057, %eq3A_1069 : vector<128x1xi32>
    %convert_element_type3A_1071 = arith.extui %eq3A_1070 : vector<128x1xi1> to vector<128x1xi32>
    %convert_element_type3A_1072 = arith.sitofp %convert_element_type3A_1071 : vector<128x1xi32> to vector<128x1xf32>
    %slice3A_1073 = vector.extract_strided_slice %dot_general3A_813 {offsets = [1, 0], sizes = [1, 32], strides = [1, 1]} : vector<3x32xf32> to vector<1x32xf32>
    %mul3A_1074 = vector.broadcast %convert_element_type3A_1072 : vector<128x1xf32> to vector<128x32xf32>
    %mul3A_1075 = vector.broadcast %slice3A_1073 : vector<1x32xf32> to vector<128x32xf32>
    %mul3A_1076 = arith.mulf %mul3A_1074, %mul3A_1075 : vector<128x32xf32>
    %add3A_1077 = arith.addf %add3A_1067, %mul3A_1076 : vector<128x32xf32>
    %eq3A_1078 = arith.constant 2 : i32
    %eq3A_1079 = vector.broadcast %eq3A_1078 : i32 to vector<128x1xi32>
    %eq3A_1080 = arith.cmpi eq, %slice3A_1057, %eq3A_1079 : vector<128x1xi32>
    %convert_element_type3A_1081 = arith.extui %eq3A_1080 : vector<128x1xi1> to vector<128x1xi32>
    %convert_element_type3A_1082 = arith.sitofp %convert_element_type3A_1081 : vector<128x1xi32> to vector<128x1xf32>
    %slice3A_1083 = vector.extract_strided_slice %dot_general3A_813 {offsets = [2, 0], sizes = [1, 32], strides = [1, 1]} : vector<3x32xf32> to vector<1x32xf32>
    %mul3A_1084 = vector.broadcast %convert_element_type3A_1082 : vector<128x1xf32> to vector<128x32xf32>
    %mul3A_1085 = vector.broadcast %slice3A_1083 : vector<1x32xf32> to vector<128x32xf32>
    %mul3A_1086 = arith.mulf %mul3A_1084, %mul3A_1085 : vector<128x32xf32>
    %add3A_1087 = arith.addf %add3A_1077, %mul3A_1086 : vector<128x32xf32>
    %slice3A_1088 = vector.extract_strided_slice %get3A_826 {offsets = [0, 4], sizes = [128, 1], strides = [1, 1]} : vector<128x30xi32> to vector<128x1xi32>
    %eq3A_1089 = arith.constant 0 : i32
    %eq3A_1090 = vector.broadcast %eq3A_1089 : i32 to vector<128x1xi32>
    %eq3A_1091 = arith.cmpi eq, %slice3A_1088, %eq3A_1090 : vector<128x1xi32>
    %convert_element_type3A_1092 = arith.extui %eq3A_1091 : vector<128x1xi1> to vector<128x1xi32>
    %convert_element_type3A_1093 = arith.sitofp %convert_element_type3A_1092 : vector<128x1xi32> to vector<128x1xf32>
    %slice3A_1094 = vector.extract_strided_slice %dot_general3A_820 {offsets = [0, 0], sizes = [1, 32], strides = [1, 1]} : vector<3x32xf32> to vector<1x32xf32>
    %mul3A_1095 = vector.broadcast %convert_element_type3A_1093 : vector<128x1xf32> to vector<128x32xf32>
    %mul3A_1096 = vector.broadcast %slice3A_1094 : vector<1x32xf32> to vector<128x32xf32>
    %mul3A_1097 = arith.mulf %mul3A_1095, %mul3A_1096 : vector<128x32xf32>
    %add3A_1098 = arith.addf %add3A_1087, %mul3A_1097 : vector<128x32xf32>
    %eq3A_1099 = arith.constant 1 : i32
    %eq3A_1100 = vector.broadcast %eq3A_1099 : i32 to vector<128x1xi32>
    %eq3A_1101 = arith.cmpi eq, %slice3A_1088, %eq3A_1100 : vector<128x1xi32>
    %convert_element_type3A_1102 = arith.extui %eq3A_1101 : vector<128x1xi1> to vector<128x1xi32>
    %convert_element_type3A_1103 = arith.sitofp %convert_element_type3A_1102 : vector<128x1xi32> to vector<128x1xf32>
    %slice3A_1104 = vector.extract_strided_slice %dot_general3A_820 {offsets = [1, 0], sizes = [1, 32], strides = [1, 1]} : vector<3x32xf32> to vector<1x32xf32>
    %mul3A_1105 = vector.broadcast %convert_element_type3A_1103 : vector<128x1xf32> to vector<128x32xf32>
    %mul3A_1106 = vector.broadcast %slice3A_1104 : vector<1x32xf32> to vector<128x32xf32>
    %mul3A_1107 = arith.mulf %mul3A_1105, %mul3A_1106 : vector<128x32xf32>
    %add3A_1108 = arith.addf %add3A_1098, %mul3A_1107 : vector<128x32xf32>
    %eq3A_1109 = arith.constant 2 : i32
    %eq3A_1110 = vector.broadcast %eq3A_1109 : i32 to vector<128x1xi32>
    %eq3A_1111 = arith.cmpi eq, %slice3A_1088, %eq3A_1110 : vector<128x1xi32>
    %convert_element_type3A_1112 = arith.extui %eq3A_1111 : vector<128x1xi1> to vector<128x1xi32>
    %convert_element_type3A_1113 = arith.sitofp %convert_element_type3A_1112 : vector<128x1xi32> to vector<128x1xf32>
    %slice3A_1114 = vector.extract_strided_slice %dot_general3A_820 {offsets = [2, 0], sizes = [1, 32], strides = [1, 1]} : vector<3x32xf32> to vector<1x32xf32>
    %mul3A_1115 = vector.broadcast %convert_element_type3A_1113 : vector<128x1xf32> to vector<128x32xf32>
    %mul3A_1116 = vector.broadcast %slice3A_1114 : vector<1x32xf32> to vector<128x32xf32>
    %mul3A_1117 = arith.mulf %mul3A_1115, %mul3A_1116 : vector<128x32xf32>
    %add3A_1118 = arith.addf %add3A_1108, %mul3A_1117 : vector<128x32xf32>
    %max3A_1119 = arith.constant 0.000000e+00 : f32
    %max3A_1120 = vector.broadcast %max3A_1119 : f32 to vector<128x32xf32>
    %max3A_1121 = arith.maximumf %add3A_1118, %max3A_1120 : vector<128x32xf32>
    %max3A_1122 = arith.maximumf %max3A_1017, %max3A_1121 : vector<128x32xf32>
    %get3A_1123 = arith.constant 32 : index
    %get3A_1124 = arith.constant 0 : index
    %get3A_1125 = vector.load %arg12[%get3A_1123, %get3A_1124] : memref<864x128xf32, #tpu.memory_space<vmem>>, vector<32x128xf32>
    %dot_general3A_1126 = arith.constant dense<0.000000e+00> : vector<128x128xf32>
    %dot_general3A_1127 = tpu.matmul %max3A_1122, %get3A_1125, %dot_general3A_1126 {dimension_numbers = #tpu.dot_dimension_numbers<[1], [0], [0], [1], [0, 0, 1, 1], [], []>, transpose_lhs_hint = false} : vector<128x32xf32>, vector<32x128xf32>, vector<128x128xf32> -> vector<128x128xf32>
    %add3A_1128 = arith.addf %add3A_1024, %dot_general3A_1127 : vector<128x128xf32>
    %slice3A_1129 = vector.extract_strided_slice %get3A_826 {offsets = [0, 3], sizes = [128, 1], strides = [1, 1]} : vector<128x30xi32> to vector<128x1xi32>
    %eq3A_1130 = arith.constant 0 : i32
    %eq3A_1131 = vector.broadcast %eq3A_1130 : i32 to vector<128x1xi32>
    %eq3A_1132 = arith.cmpi eq, %slice3A_1129, %eq3A_1131 : vector<128x1xi32>
    %convert_element_type3A_1133 = arith.extui %eq3A_1132 : vector<128x1xi1> to vector<128x1xi32>
    %convert_element_type3A_1134 = arith.sitofp %convert_element_type3A_1133 : vector<128x1xi32> to vector<128x1xf32>
    %slice3A_1135 = vector.extract_strided_slice %dot_general3A_806 {offsets = [0, 0], sizes = [1, 32], strides = [1, 1]} : vector<3x32xf32> to vector<1x32xf32>
    %mul3A_1136 = vector.broadcast %convert_element_type3A_1134 : vector<128x1xf32> to vector<128x32xf32>
    %mul3A_1137 = vector.broadcast %slice3A_1135 : vector<1x32xf32> to vector<128x32xf32>
    %mul3A_1138 = arith.mulf %mul3A_1136, %mul3A_1137 : vector<128x32xf32>
    %add3A_1139 = vector.broadcast %get3A_823 : vector<1x32xf32> to vector<128x32xf32>
    %add3A_1140 = arith.addf %add3A_1139, %mul3A_1138 : vector<128x32xf32>
    %eq3A_1141 = arith.constant 1 : i32
    %eq3A_1142 = vector.broadcast %eq3A_1141 : i32 to vector<128x1xi32>
    %eq3A_1143 = arith.cmpi eq, %slice3A_1129, %eq3A_1142 : vector<128x1xi32>
    %convert_element_type3A_1144 = arith.extui %eq3A_1143 : vector<128x1xi1> to vector<128x1xi32>
    %convert_element_type3A_1145 = arith.sitofp %convert_element_type3A_1144 : vector<128x1xi32> to vector<128x1xf32>
    %slice3A_1146 = vector.extract_strided_slice %dot_general3A_806 {offsets = [1, 0], sizes = [1, 32], strides = [1, 1]} : vector<3x32xf32> to vector<1x32xf32>
    %mul3A_1147 = vector.broadcast %convert_element_type3A_1145 : vector<128x1xf32> to vector<128x32xf32>
    %mul3A_1148 = vector.broadcast %slice3A_1146 : vector<1x32xf32> to vector<128x32xf32>
    %mul3A_1149 = arith.mulf %mul3A_1147, %mul3A_1148 : vector<128x32xf32>
    %add3A_1150 = arith.addf %add3A_1140, %mul3A_1149 : vector<128x32xf32>
    %eq3A_1151 = arith.constant 2 : i32
    %eq3A_1152 = vector.broadcast %eq3A_1151 : i32 to vector<128x1xi32>
    %eq3A_1153 = arith.cmpi eq, %slice3A_1129, %eq3A_1152 : vector<128x1xi32>
    %convert_element_type3A_1154 = arith.extui %eq3A_1153 : vector<128x1xi1> to vector<128x1xi32>
    %convert_element_type3A_1155 = arith.sitofp %convert_element_type3A_1154 : vector<128x1xi32> to vector<128x1xf32>
    %slice3A_1156 = vector.extract_strided_slice %dot_general3A_806 {offsets = [2, 0], sizes = [1, 32], strides = [1, 1]} : vector<3x32xf32> to vector<1x32xf32>
    %mul3A_1157 = vector.broadcast %convert_element_type3A_1155 : vector<128x1xf32> to vector<128x32xf32>
    %mul3A_1158 = vector.broadcast %slice3A_1156 : vector<1x32xf32> to vector<128x32xf32>
    %mul3A_1159 = arith.mulf %mul3A_1157, %mul3A_1158 : vector<128x32xf32>
    %add3A_1160 = arith.addf %add3A_1150, %mul3A_1159 : vector<128x32xf32>
    %slice3A_1161 = vector.extract_strided_slice %get3A_826 {offsets = [0, 4], sizes = [128, 1], strides = [1, 1]} : vector<128x30xi32> to vector<128x1xi32>
    %eq3A_1162 = arith.constant 0 : i32
    %eq3A_1163 = vector.broadcast %eq3A_1162 : i32 to vector<128x1xi32>
    %eq3A_1164 = arith.cmpi eq, %slice3A_1161, %eq3A_1163 : vector<128x1xi32>
    %convert_element_type3A_1165 = arith.extui %eq3A_1164 : vector<128x1xi1> to vector<128x1xi32>
    %convert_element_type3A_1166 = arith.sitofp %convert_element_type3A_1165 : vector<128x1xi32> to vector<128x1xf32>
    %slice3A_1167 = vector.extract_strided_slice %dot_general3A_813 {offsets = [0, 0], sizes = [1, 32], strides = [1, 1]} : vector<3x32xf32> to vector<1x32xf32>
    %mul3A_1168 = vector.broadcast %convert_element_type3A_1166 : vector<128x1xf32> to vector<128x32xf32>
    %mul3A_1169 = vector.broadcast %slice3A_1167 : vector<1x32xf32> to vector<128x32xf32>
    %mul3A_1170 = arith.mulf %mul3A_1168, %mul3A_1169 : vector<128x32xf32>
    %add3A_1171 = arith.addf %add3A_1160, %mul3A_1170 : vector<128x32xf32>
    %eq3A_1172 = arith.constant 1 : i32
    %eq3A_1173 = vector.broadcast %eq3A_1172 : i32 to vector<128x1xi32>
    %eq3A_1174 = arith.cmpi eq, %slice3A_1161, %eq3A_1173 : vector<128x1xi32>
    %convert_element_type3A_1175 = arith.extui %eq3A_1174 : vector<128x1xi1> to vector<128x1xi32>
    %convert_element_type3A_1176 = arith.sitofp %convert_element_type3A_1175 : vector<128x1xi32> to vector<128x1xf32>
    %slice3A_1177 = vector.extract_strided_slice %dot_general3A_813 {offsets = [1, 0], sizes = [1, 32], strides = [1, 1]} : vector<3x32xf32> to vector<1x32xf32>
    %mul3A_1178 = vector.broadcast %convert_element_type3A_1176 : vector<128x1xf32> to vector<128x32xf32>
    %mul3A_1179 = vector.broadcast %slice3A_1177 : vector<1x32xf32> to vector<128x32xf32>
    %mul3A_1180 = arith.mulf %mul3A_1178, %mul3A_1179 : vector<128x32xf32>
    %add3A_1181 = arith.addf %add3A_1171, %mul3A_1180 : vector<128x32xf32>
    %eq3A_1182 = arith.constant 2 : i32
    %eq3A_1183 = vector.broadcast %eq3A_1182 : i32 to vector<128x1xi32>
    %eq3A_1184 = arith.cmpi eq, %slice3A_1161, %eq3A_1183 : vector<128x1xi32>
    %convert_element_type3A_1185 = arith.extui %eq3A_1184 : vector<128x1xi1> to vector<128x1xi32>
    %convert_element_type3A_1186 = arith.sitofp %convert_element_type3A_1185 : vector<128x1xi32> to vector<128x1xf32>
    %slice3A_1187 = vector.extract_strided_slice %dot_general3A_813 {offsets = [2, 0], sizes = [1, 32], strides = [1, 1]} : vector<3x32xf32> to vector<1x32xf32>
    %mul3A_1188 = vector.broadcast %convert_element_type3A_1186 : vector<128x1xf32> to vector<128x32xf32>
    %mul3A_1189 = vector.broadcast %slice3A_1187 : vector<1x32xf32> to vector<128x32xf32>
    %mul3A_1190 = arith.mulf %mul3A_1188, %mul3A_1189 : vector<128x32xf32>
    %add3A_1191 = arith.addf %add3A_1181, %mul3A_1190 : vector<128x32xf32>
    %slice3A_1192 = vector.extract_strided_slice %get3A_826 {offsets = [0, 5], sizes = [128, 1], strides = [1, 1]} : vector<128x30xi32> to vector<128x1xi32>
    %eq3A_1193 = arith.constant 0 : i32
    %eq3A_1194 = vector.broadcast %eq3A_1193 : i32 to vector<128x1xi32>
    %eq3A_1195 = arith.cmpi eq, %slice3A_1192, %eq3A_1194 : vector<128x1xi32>
    %convert_element_type3A_1196 = arith.extui %eq3A_1195 : vector<128x1xi1> to vector<128x1xi32>
    %convert_element_type3A_1197 = arith.sitofp %convert_element_type3A_1196 : vector<128x1xi32> to vector<128x1xf32>
    %slice3A_1198 = vector.extract_strided_slice %dot_general3A_820 {offsets = [0, 0], sizes = [1, 32], strides = [1, 1]} : vector<3x32xf32> to vector<1x32xf32>
    %mul3A_1199 = vector.broadcast %convert_element_type3A_1197 : vector<128x1xf32> to vector<128x32xf32>
    %mul3A_1200 = vector.broadcast %slice3A_1198 : vector<1x32xf32> to vector<128x32xf32>
    %mul3A_1201 = arith.mulf %mul3A_1199, %mul3A_1200 : vector<128x32xf32>
    %add3A_1202 = arith.addf %add3A_1191, %mul3A_1201 : vector<128x32xf32>
    %eq3A_1203 = arith.constant 1 : i32
    %eq3A_1204 = vector.broadcast %eq3A_1203 : i32 to vector<128x1xi32>
    %eq3A_1205 = arith.cmpi eq, %slice3A_1192, %eq3A_1204 : vector<128x1xi32>
    %convert_element_type3A_1206 = arith.extui %eq3A_1205 : vector<128x1xi1> to vector<128x1xi32>
    %convert_element_type3A_1207 = arith.sitofp %convert_element_type3A_1206 : vector<128x1xi32> to vector<128x1xf32>
    %slice3A_1208 = vector.extract_strided_slice %dot_general3A_820 {offsets = [1, 0], sizes = [1, 32], strides = [1, 1]} : vector<3x32xf32> to vector<1x32xf32>
    %mul3A_1209 = vector.broadcast %convert_element_type3A_1207 : vector<128x1xf32> to vector<128x32xf32>
    %mul3A_1210 = vector.broadcast %slice3A_1208 : vector<1x32xf32> to vector<128x32xf32>
    %mul3A_1211 = arith.mulf %mul3A_1209, %mul3A_1210 : vector<128x32xf32>
    %add3A_1212 = arith.addf %add3A_1202, %mul3A_1211 : vector<128x32xf32>
    %eq3A_1213 = arith.constant 2 : i32
    %eq3A_1214 = vector.broadcast %eq3A_1213 : i32 to vector<128x1xi32>
    %eq3A_1215 = arith.cmpi eq, %slice3A_1192, %eq3A_1214 : vector<128x1xi32>
    %convert_element_type3A_1216 = arith.extui %eq3A_1215 : vector<128x1xi1> to vector<128x1xi32>
    %convert_element_type3A_1217 = arith.sitofp %convert_element_type3A_1216 : vector<128x1xi32> to vector<128x1xf32>
    %slice3A_1218 = vector.extract_strided_slice %dot_general3A_820 {offsets = [2, 0], sizes = [1, 32], strides = [1, 1]} : vector<3x32xf32> to vector<1x32xf32>
    %mul3A_1219 = vector.broadcast %convert_element_type3A_1217 : vector<128x1xf32> to vector<128x32xf32>
    %mul3A_1220 = vector.broadcast %slice3A_1218 : vector<1x32xf32> to vector<128x32xf32>
    %mul3A_1221 = arith.mulf %mul3A_1219, %mul3A_1220 : vector<128x32xf32>
    %add3A_1222 = arith.addf %add3A_1212, %mul3A_1221 : vector<128x32xf32>
    %max3A_1223 = arith.constant 0.000000e+00 : f32
    %max3A_1224 = vector.broadcast %max3A_1223 : f32 to vector<128x32xf32>
    %max3A_1225 = arith.maximumf %add3A_1222, %max3A_1224 : vector<128x32xf32>
    %max3A_1226 = arith.maximumf %max3A_1121, %max3A_1225 : vector<128x32xf32>
    %get3A_1227 = arith.constant 64 : index
    %get3A_1228 = arith.constant 0 : index
    %get3A_1229 = vector.load %arg12[%get3A_1227, %get3A_1228] : memref<864x128xf32, #tpu.memory_space<vmem>>, vector<32x128xf32>
    %dot_general3A_1230 = arith.constant dense<0.000000e+00> : vector<128x128xf32>
    %dot_general3A_1231 = tpu.matmul %max3A_1226, %get3A_1229, %dot_general3A_1230 {dimension_numbers = #tpu.dot_dimension_numbers<[1], [0], [0], [1], [0, 0, 1, 1], [], []>, transpose_lhs_hint = false} : vector<128x32xf32>, vector<32x128xf32>, vector<128x128xf32> -> vector<128x128xf32>
    %add3A_1232 = arith.addf %add3A_1128, %dot_general3A_1231 : vector<128x128xf32>
    %slice3A_1233 = vector.extract_strided_slice %get3A_826 {offsets = [0, 4], sizes = [128, 1], strides = [1, 1]} : vector<128x30xi32> to vector<128x1xi32>
    %eq3A_1234 = arith.constant 0 : i32
    %eq3A_1235 = vector.broadcast %eq3A_1234 : i32 to vector<128x1xi32>
    %eq3A_1236 = arith.cmpi eq, %slice3A_1233, %eq3A_1235 : vector<128x1xi32>
    %convert_element_type3A_1237 = arith.extui %eq3A_1236 : vector<128x1xi1> to vector<128x1xi32>
    %convert_element_type3A_1238 = arith.sitofp %convert_element_type3A_1237 : vector<128x1xi32> to vector<128x1xf32>
    %slice3A_1239 = vector.extract_strided_slice %dot_general3A_806 {offsets = [0, 0], sizes = [1, 32], strides = [1, 1]} : vector<3x32xf32> to vector<1x32xf32>
    %mul3A_1240 = vector.broadcast %convert_element_type3A_1238 : vector<128x1xf32> to vector<128x32xf32>
    %mul3A_1241 = vector.broadcast %slice3A_1239 : vector<1x32xf32> to vector<128x32xf32>
    %mul3A_1242 = arith.mulf %mul3A_1240, %mul3A_1241 : vector<128x32xf32>
    %add3A_1243 = vector.broadcast %get3A_823 : vector<1x32xf32> to vector<128x32xf32>
    %add3A_1244 = arith.addf %add3A_1243, %mul3A_1242 : vector<128x32xf32>
    %eq3A_1245 = arith.constant 1 : i32
    %eq3A_1246 = vector.broadcast %eq3A_1245 : i32 to vector<128x1xi32>
    %eq3A_1247 = arith.cmpi eq, %slice3A_1233, %eq3A_1246 : vector<128x1xi32>
    %convert_element_type3A_1248 = arith.extui %eq3A_1247 : vector<128x1xi1> to vector<128x1xi32>
    %convert_element_type3A_1249 = arith.sitofp %convert_element_type3A_1248 : vector<128x1xi32> to vector<128x1xf32>
    %slice3A_1250 = vector.extract_strided_slice %dot_general3A_806 {offsets = [1, 0], sizes = [1, 32], strides = [1, 1]} : vector<3x32xf32> to vector<1x32xf32>
    %mul3A_1251 = vector.broadcast %convert_element_type3A_1249 : vector<128x1xf32> to vector<128x32xf32>
    %mul3A_1252 = vector.broadcast %slice3A_1250 : vector<1x32xf32> to vector<128x32xf32>
    %mul3A_1253 = arith.mulf %mul3A_1251, %mul3A_1252 : vector<128x32xf32>
    %add3A_1254 = arith.addf %add3A_1244, %mul3A_1253 : vector<128x32xf32>
    %eq3A_1255 = arith.constant 2 : i32
    %eq3A_1256 = vector.broadcast %eq3A_1255 : i32 to vector<128x1xi32>
    %eq3A_1257 = arith.cmpi eq, %slice3A_1233, %eq3A_1256 : vector<128x1xi32>
    %convert_element_type3A_1258 = arith.extui %eq3A_1257 : vector<128x1xi1> to vector<128x1xi32>
    %convert_element_type3A_1259 = arith.sitofp %convert_element_type3A_1258 : vector<128x1xi32> to vector<128x1xf32>
    %slice3A_1260 = vector.extract_strided_slice %dot_general3A_806 {offsets = [2, 0], sizes = [1, 32], strides = [1, 1]} : vector<3x32xf32> to vector<1x32xf32>
    %mul3A_1261 = vector.broadcast %convert_element_type3A_1259 : vector<128x1xf32> to vector<128x32xf32>
    %mul3A_1262 = vector.broadcast %slice3A_1260 : vector<1x32xf32> to vector<128x32xf32>
    %mul3A_1263 = arith.mulf %mul3A_1261, %mul3A_1262 : vector<128x32xf32>
    %add3A_1264 = arith.addf %add3A_1254, %mul3A_1263 : vector<128x32xf32>
    %slice3A_1265 = vector.extract_strided_slice %get3A_826 {offsets = [0, 5], sizes = [128, 1], strides = [1, 1]} : vector<128x30xi32> to vector<128x1xi32>
    %eq3A_1266 = arith.constant 0 : i32
    %eq3A_1267 = vector.broadcast %eq3A_1266 : i32 to vector<128x1xi32>
    %eq3A_1268 = arith.cmpi eq, %slice3A_1265, %eq3A_1267 : vector<128x1xi32>
    %convert_element_type3A_1269 = arith.extui %eq3A_1268 : vector<128x1xi1> to vector<128x1xi32>
    %convert_element_type3A_1270 = arith.sitofp %convert_element_type3A_1269 : vector<128x1xi32> to vector<128x1xf32>
    %slice3A_1271 = vector.extract_strided_slice %dot_general3A_813 {offsets = [0, 0], sizes = [1, 32], strides = [1, 1]} : vector<3x32xf32> to vector<1x32xf32>
    %mul3A_1272 = vector.broadcast %convert_element_type3A_1270 : vector<128x1xf32> to vector<128x32xf32>
    %mul3A_1273 = vector.broadcast %slice3A_1271 : vector<1x32xf32> to vector<128x32xf32>
    %mul3A_1274 = arith.mulf %mul3A_1272, %mul3A_1273 : vector<128x32xf32>
    %add3A_1275 = arith.addf %add3A_1264, %mul3A_1274 : vector<128x32xf32>
    %eq3A_1276 = arith.constant 1 : i32
    %eq3A_1277 = vector.broadcast %eq3A_1276 : i32 to vector<128x1xi32>
    %eq3A_1278 = arith.cmpi eq, %slice3A_1265, %eq3A_1277 : vector<128x1xi32>
    %convert_element_type3A_1279 = arith.extui %eq3A_1278 : vector<128x1xi1> to vector<128x1xi32>
    %convert_element_type3A_1280 = arith.sitofp %convert_element_type3A_1279 : vector<128x1xi32> to vector<128x1xf32>
    %slice3A_1281 = vector.extract_strided_slice %dot_general3A_813 {offsets = [1, 0], sizes = [1, 32], strides = [1, 1]} : vector<3x32xf32> to vector<1x32xf32>
    %mul3A_1282 = vector.broadcast %convert_element_type3A_1280 : vector<128x1xf32> to vector<128x32xf32>
    %mul3A_1283 = vector.broadcast %slice3A_1281 : vector<1x32xf32> to vector<128x32xf32>
    %mul3A_1284 = arith.mulf %mul3A_1282, %mul3A_1283 : vector<128x32xf32>
    %add3A_1285 = arith.addf %add3A_1275, %mul3A_1284 : vector<128x32xf32>
    %eq3A_1286 = arith.constant 2 : i32
    %eq3A_1287 = vector.broadcast %eq3A_1286 : i32 to vector<128x1xi32>
    %eq3A_1288 = arith.cmpi eq, %slice3A_1265, %eq3A_1287 : vector<128x1xi32>
    %convert_element_type3A_1289 = arith.extui %eq3A_1288 : vector<128x1xi1> to vector<128x1xi32>
    %convert_element_type3A_1290 = arith.sitofp %convert_element_type3A_1289 : vector<128x1xi32> to vector<128x1xf32>
    %slice3A_1291 = vector.extract_strided_slice %dot_general3A_813 {offsets = [2, 0], sizes = [1, 32], strides = [1, 1]} : vector<3x32xf32> to vector<1x32xf32>
    %mul3A_1292 = vector.broadcast %convert_element_type3A_1290 : vector<128x1xf32> to vector<128x32xf32>
    %mul3A_1293 = vector.broadcast %slice3A_1291 : vector<1x32xf32> to vector<128x32xf32>
    %mul3A_1294 = arith.mulf %mul3A_1292, %mul3A_1293 : vector<128x32xf32>
    %add3A_1295 = arith.addf %add3A_1285, %mul3A_1294 : vector<128x32xf32>
    %slice3A_1296 = vector.extract_strided_slice %get3A_826 {offsets = [0, 6], sizes = [128, 1], strides = [1, 1]} : vector<128x30xi32> to vector<128x1xi32>
    %eq3A_1297 = arith.constant 0 : i32
    %eq3A_1298 = vector.broadcast %eq3A_1297 : i32 to vector<128x1xi32>
    %eq3A_1299 = arith.cmpi eq, %slice3A_1296, %eq3A_1298 : vector<128x1xi32>
    %convert_element_type3A_1300 = arith.extui %eq3A_1299 : vector<128x1xi1> to vector<128x1xi32>
    %convert_element_type3A_1301 = arith.sitofp %convert_element_type3A_1300 : vector<128x1xi32> to vector<128x1xf32>
    %slice3A_1302 = vector.extract_strided_slice %dot_general3A_820 {offsets = [0, 0], sizes = [1, 32], strides = [1, 1]} : vector<3x32xf32> to vector<1x32xf32>
    %mul3A_1303 = vector.broadcast %convert_element_type3A_1301 : vector<128x1xf32> to vector<128x32xf32>
    %mul3A_1304 = vector.broadcast %slice3A_1302 : vector<1x32xf32> to vector<128x32xf32>
    %mul3A_1305 = arith.mulf %mul3A_1303, %mul3A_1304 : vector<128x32xf32>
    %add3A_1306 = arith.addf %add3A_1295, %mul3A_1305 : vector<128x32xf32>
    %eq3A_1307 = arith.constant 1 : i32
    %eq3A_1308 = vector.broadcast %eq3A_1307 : i32 to vector<128x1xi32>
    %eq3A_1309 = arith.cmpi eq, %slice3A_1296, %eq3A_1308 : vector<128x1xi32>
    %convert_element_type3A_1310 = arith.extui %eq3A_1309 : vector<128x1xi1> to vector<128x1xi32>
    %convert_element_type3A_1311 = arith.sitofp %convert_element_type3A_1310 : vector<128x1xi32> to vector<128x1xf32>
    %slice3A_1312 = vector.extract_strided_slice %dot_general3A_820 {offsets = [1, 0], sizes = [1, 32], strides = [1, 1]} : vector<3x32xf32> to vector<1x32xf32>
    %mul3A_1313 = vector.broadcast %convert_element_type3A_1311 : vector<128x1xf32> to vector<128x32xf32>
    %mul3A_1314 = vector.broadcast %slice3A_1312 : vector<1x32xf32> to vector<128x32xf32>
    %mul3A_1315 = arith.mulf %mul3A_1313, %mul3A_1314 : vector<128x32xf32>
    %add3A_1316 = arith.addf %add3A_1306, %mul3A_1315 : vector<128x32xf32>
    %eq3A_1317 = arith.constant 2 : i32
    %eq3A_1318 = vector.broadcast %eq3A_1317 : i32 to vector<128x1xi32>
    %eq3A_1319 = arith.cmpi eq, %slice3A_1296, %eq3A_1318 : vector<128x1xi32>
    %convert_element_type3A_1320 = arith.extui %eq3A_1319 : vector<128x1xi1> to vector<128x1xi32>
    %convert_element_type3A_1321 = arith.sitofp %convert_element_type3A_1320 : vector<128x1xi32> to vector<128x1xf32>
    %slice3A_1322 = vector.extract_strided_slice %dot_general3A_820 {offsets = [2, 0], sizes = [1, 32], strides = [1, 1]} : vector<3x32xf32> to vector<1x32xf32>
    %mul3A_1323 = vector.broadcast %convert_element_type3A_1321 : vector<128x1xf32> to vector<128x32xf32>
    %mul3A_1324 = vector.broadcast %slice3A_1322 : vector<1x32xf32> to vector<128x32xf32>
    %mul3A_1325 = arith.mulf %mul3A_1323, %mul3A_1324 : vector<128x32xf32>
    %add3A_1326 = arith.addf %add3A_1316, %mul3A_1325 : vector<128x32xf32>
    %max3A_1327 = arith.constant 0.000000e+00 : f32
    %max3A_1328 = vector.broadcast %max3A_1327 : f32 to vector<128x32xf32>
    %max3A_1329 = arith.maximumf %add3A_1326, %max3A_1328 : vector<128x32xf32>
    %max3A_1330 = arith.maximumf %max3A_1225, %max3A_1329 : vector<128x32xf32>
    %get3A_1331 = arith.constant 96 : index
    %get3A_1332 = arith.constant 0 : index
    %get3A_1333 = vector.load %arg12[%get3A_1331, %get3A_1332] : memref<864x128xf32, #tpu.memory_space<vmem>>, vector<32x128xf32>
    %dot_general3A_1334 = arith.constant dense<0.000000e+00> : vector<128x128xf32>
    %dot_general3A_1335 = tpu.matmul %max3A_1330, %get3A_1333, %dot_general3A_1334 {dimension_numbers = #tpu.dot_dimension_numbers<[1], [0], [0], [1], [0, 0, 1, 1], [], []>, transpose_lhs_hint = false} : vector<128x32xf32>, vector<32x128xf32>, vector<128x128xf32> -> vector<128x128xf32>
    %add3A_1336 = arith.addf %add3A_1232, %dot_general3A_1335 : vector<128x128xf32>
    %slice3A_1337 = vector.extract_strided_slice %get3A_826 {offsets = [0, 5], sizes = [128, 1], strides = [1, 1]} : vector<128x30xi32> to vector<128x1xi32>
    %eq3A_1338 = arith.constant 0 : i32
    %eq3A_1339 = vector.broadcast %eq3A_1338 : i32 to vector<128x1xi32>
    %eq3A_1340 = arith.cmpi eq, %slice3A_1337, %eq3A_1339 : vector<128x1xi32>
    %convert_element_type3A_1341 = arith.extui %eq3A_1340 : vector<128x1xi1> to vector<128x1xi32>
    %convert_element_type3A_1342 = arith.sitofp %convert_element_type3A_1341 : vector<128x1xi32> to vector<128x1xf32>
    %slice3A_1343 = vector.extract_strided_slice %dot_general3A_806 {offsets = [0, 0], sizes = [1, 32], strides = [1, 1]} : vector<3x32xf32> to vector<1x32xf32>
    %mul3A_1344 = vector.broadcast %convert_element_type3A_1342 : vector<128x1xf32> to vector<128x32xf32>
    %mul3A_1345 = vector.broadcast %slice3A_1343 : vector<1x32xf32> to vector<128x32xf32>
    %mul3A_1346 = arith.mulf %mul3A_1344, %mul3A_1345 : vector<128x32xf32>
    %add3A_1347 = vector.broadcast %get3A_823 : vector<1x32xf32> to vector<128x32xf32>
    %add3A_1348 = arith.addf %add3A_1347, %mul3A_1346 : vector<128x32xf32>
    %eq3A_1349 = arith.constant 1 : i32
    %eq3A_1350 = vector.broadcast %eq3A_1349 : i32 to vector<128x1xi32>
    %eq3A_1351 = arith.cmpi eq, %slice3A_1337, %eq3A_1350 : vector<128x1xi32>
    %convert_element_type3A_1352 = arith.extui %eq3A_1351 : vector<128x1xi1> to vector<128x1xi32>
    %convert_element_type3A_1353 = arith.sitofp %convert_element_type3A_1352 : vector<128x1xi32> to vector<128x1xf32>
    %slice3A_1354 = vector.extract_strided_slice %dot_general3A_806 {offsets = [1, 0], sizes = [1, 32], strides = [1, 1]} : vector<3x32xf32> to vector<1x32xf32>
    %mul3A_1355 = vector.broadcast %convert_element_type3A_1353 : vector<128x1xf32> to vector<128x32xf32>
    %mul3A_1356 = vector.broadcast %slice3A_1354 : vector<1x32xf32> to vector<128x32xf32>
    %mul3A_1357 = arith.mulf %mul3A_1355, %mul3A_1356 : vector<128x32xf32>
    %add3A_1358 = arith.addf %add3A_1348, %mul3A_1357 : vector<128x32xf32>
    %eq3A_1359 = arith.constant 2 : i32
    %eq3A_1360 = vector.broadcast %eq3A_1359 : i32 to vector<128x1xi32>
    %eq3A_1361 = arith.cmpi eq, %slice3A_1337, %eq3A_1360 : vector<128x1xi32>
    %convert_element_type3A_1362 = arith.extui %eq3A_1361 : vector<128x1xi1> to vector<128x1xi32>
    %convert_element_type3A_1363 = arith.sitofp %convert_element_type3A_1362 : vector<128x1xi32> to vector<128x1xf32>
    %slice3A_1364 = vector.extract_strided_slice %dot_general3A_806 {offsets = [2, 0], sizes = [1, 32], strides = [1, 1]} : vector<3x32xf32> to vector<1x32xf32>
    %mul3A_1365 = vector.broadcast %convert_element_type3A_1363 : vector<128x1xf32> to vector<128x32xf32>
    %mul3A_1366 = vector.broadcast %slice3A_1364 : vector<1x32xf32> to vector<128x32xf32>
    %mul3A_1367 = arith.mulf %mul3A_1365, %mul3A_1366 : vector<128x32xf32>
    %add3A_1368 = arith.addf %add3A_1358, %mul3A_1367 : vector<128x32xf32>
    %slice3A_1369 = vector.extract_strided_slice %get3A_826 {offsets = [0, 6], sizes = [128, 1], strides = [1, 1]} : vector<128x30xi32> to vector<128x1xi32>
    %eq3A_1370 = arith.constant 0 : i32
    %eq3A_1371 = vector.broadcast %eq3A_1370 : i32 to vector<128x1xi32>
    %eq3A_1372 = arith.cmpi eq, %slice3A_1369, %eq3A_1371 : vector<128x1xi32>
    %convert_element_type3A_1373 = arith.extui %eq3A_1372 : vector<128x1xi1> to vector<128x1xi32>
    %convert_element_type3A_1374 = arith.sitofp %convert_element_type3A_1373 : vector<128x1xi32> to vector<128x1xf32>
    %slice3A_1375 = vector.extract_strided_slice %dot_general3A_813 {offsets = [0, 0], sizes = [1, 32], strides = [1, 1]} : vector<3x32xf32> to vector<1x32xf32>
    %mul3A_1376 = vector.broadcast %convert_element_type3A_1374 : vector<128x1xf32> to vector<128x32xf32>
    %mul3A_1377 = vector.broadcast %slice3A_1375 : vector<1x32xf32> to vector<128x32xf32>
    %mul3A_1378 = arith.mulf %mul3A_1376, %mul3A_1377 : vector<128x32xf32>
    %add3A_1379 = arith.addf %add3A_1368, %mul3A_1378 : vector<128x32xf32>
    %eq3A_1380 = arith.constant 1 : i32
    %eq3A_1381 = vector.broadcast %eq3A_1380 : i32 to vector<128x1xi32>
    %eq3A_1382 = arith.cmpi eq, %slice3A_1369, %eq3A_1381 : vector<128x1xi32>
    %convert_element_type3A_1383 = arith.extui %eq3A_1382 : vector<128x1xi1> to vector<128x1xi32>
    %convert_element_type3A_1384 = arith.sitofp %convert_element_type3A_1383 : vector<128x1xi32> to vector<128x1xf32>
    %slice3A_1385 = vector.extract_strided_slice %dot_general3A_813 {offsets = [1, 0], sizes = [1, 32], strides = [1, 1]} : vector<3x32xf32> to vector<1x32xf32>
    %mul3A_1386 = vector.broadcast %convert_element_type3A_1384 : vector<128x1xf32> to vector<128x32xf32>
    %mul3A_1387 = vector.broadcast %slice3A_1385 : vector<1x32xf32> to vector<128x32xf32>
    %mul3A_1388 = arith.mulf %mul3A_1386, %mul3A_1387 : vector<128x32xf32>
    %add3A_1389 = arith.addf %add3A_1379, %mul3A_1388 : vector<128x32xf32>
    %eq3A_1390 = arith.constant 2 : i32
    %eq3A_1391 = vector.broadcast %eq3A_1390 : i32 to vector<128x1xi32>
    %eq3A_1392 = arith.cmpi eq, %slice3A_1369, %eq3A_1391 : vector<128x1xi32>
    %convert_element_type3A_1393 = arith.extui %eq3A_1392 : vector<128x1xi1> to vector<128x1xi32>
    %convert_element_type3A_1394 = arith.sitofp %convert_element_type3A_1393 : vector<128x1xi32> to vector<128x1xf32>
    %slice3A_1395 = vector.extract_strided_slice %dot_general3A_813 {offsets = [2, 0], sizes = [1, 32], strides = [1, 1]} : vector<3x32xf32> to vector<1x32xf32>
    %mul3A_1396 = vector.broadcast %convert_element_type3A_1394 : vector<128x1xf32> to vector<128x32xf32>
    %mul3A_1397 = vector.broadcast %slice3A_1395 : vector<1x32xf32> to vector<128x32xf32>
    %mul3A_1398 = arith.mulf %mul3A_1396, %mul3A_1397 : vector<128x32xf32>
    %add3A_1399 = arith.addf %add3A_1389, %mul3A_1398 : vector<128x32xf32>
    %slice3A_1400 = vector.extract_strided_slice %get3A_826 {offsets = [0, 7], sizes = [128, 1], strides = [1, 1]} : vector<128x30xi32> to vector<128x1xi32>
    %eq3A_1401 = arith.constant 0 : i32
    %eq3A_1402 = vector.broadcast %eq3A_1401 : i32 to vector<128x1xi32>
    %eq3A_1403 = arith.cmpi eq, %slice3A_1400, %eq3A_1402 : vector<128x1xi32>
    %convert_element_type3A_1404 = arith.extui %eq3A_1403 : vector<128x1xi1> to vector<128x1xi32>
    %convert_element_type3A_1405 = arith.sitofp %convert_element_type3A_1404 : vector<128x1xi32> to vector<128x1xf32>
    %slice3A_1406 = vector.extract_strided_slice %dot_general3A_820 {offsets = [0, 0], sizes = [1, 32], strides = [1, 1]} : vector<3x32xf32> to vector<1x32xf32>
    %mul3A_1407 = vector.broadcast %convert_element_type3A_1405 : vector<128x1xf32> to vector<128x32xf32>
    %mul3A_1408 = vector.broadcast %slice3A_1406 : vector<1x32xf32> to vector<128x32xf32>
    %mul3A_1409 = arith.mulf %mul3A_1407, %mul3A_1408 : vector<128x32xf32>
    %add3A_1410 = arith.addf %add3A_1399, %mul3A_1409 : vector<128x32xf32>
    %eq3A_1411 = arith.constant 1 : i32
    %eq3A_1412 = vector.broadcast %eq3A_1411 : i32 to vector<128x1xi32>
    %eq3A_1413 = arith.cmpi eq, %slice3A_1400, %eq3A_1412 : vector<128x1xi32>
    %convert_element_type3A_1414 = arith.extui %eq3A_1413 : vector<128x1xi1> to vector<128x1xi32>
    %convert_element_type3A_1415 = arith.sitofp %convert_element_type3A_1414 : vector<128x1xi32> to vector<128x1xf32>
    %slice3A_1416 = vector.extract_strided_slice %dot_general3A_820 {offsets = [1, 0], sizes = [1, 32], strides = [1, 1]} : vector<3x32xf32> to vector<1x32xf32>
    %mul3A_1417 = vector.broadcast %convert_element_type3A_1415 : vector<128x1xf32> to vector<128x32xf32>
    %mul3A_1418 = vector.broadcast %slice3A_1416 : vector<1x32xf32> to vector<128x32xf32>
    %mul3A_1419 = arith.mulf %mul3A_1417, %mul3A_1418 : vector<128x32xf32>
    %add3A_1420 = arith.addf %add3A_1410, %mul3A_1419 : vector<128x32xf32>
    %eq3A_1421 = arith.constant 2 : i32
    %eq3A_1422 = vector.broadcast %eq3A_1421 : i32 to vector<128x1xi32>
    %eq3A_1423 = arith.cmpi eq, %slice3A_1400, %eq3A_1422 : vector<128x1xi32>
    %convert_element_type3A_1424 = arith.extui %eq3A_1423 : vector<128x1xi1> to vector<128x1xi32>
    %convert_element_type3A_1425 = arith.sitofp %convert_element_type3A_1424 : vector<128x1xi32> to vector<128x1xf32>
    %slice3A_1426 = vector.extract_strided_slice %dot_general3A_820 {offsets = [2, 0], sizes = [1, 32], strides = [1, 1]} : vector<3x32xf32> to vector<1x32xf32>
    %mul3A_1427 = vector.broadcast %convert_element_type3A_1425 : vector<128x1xf32> to vector<128x32xf32>
    %mul3A_1428 = vector.broadcast %slice3A_1426 : vector<1x32xf32> to vector<128x32xf32>
    %mul3A_1429 = arith.mulf %mul3A_1427, %mul3A_1428 : vector<128x32xf32>
    %add3A_1430 = arith.addf %add3A_1420, %mul3A_1429 : vector<128x32xf32>
    %max3A_1431 = arith.constant 0.000000e+00 : f32
    %max3A_1432 = vector.broadcast %max3A_1431 : f32 to vector<128x32xf32>
    %max3A_1433 = arith.maximumf %add3A_1430, %max3A_1432 : vector<128x32xf32>
    %max3A_1434 = arith.maximumf %max3A_1329, %max3A_1433 : vector<128x32xf32>
    %get3A_1435 = arith.constant 128 : index
    %get3A_1436 = arith.constant 0 : index
    %get3A_1437 = vector.load %arg12[%get3A_1435, %get3A_1436] : memref<864x128xf32, #tpu.memory_space<vmem>>, vector<32x128xf32>
    %dot_general3A_1438 = arith.constant dense<0.000000e+00> : vector<128x128xf32>
    %dot_general3A_1439 = tpu.matmul %max3A_1434, %get3A_1437, %dot_general3A_1438 {dimension_numbers = #tpu.dot_dimension_numbers<[1], [0], [0], [1], [0, 0, 1, 1], [], []>, transpose_lhs_hint = false} : vector<128x32xf32>, vector<32x128xf32>, vector<128x128xf32> -> vector<128x128xf32>
    %add3A_1440 = arith.addf %add3A_1336, %dot_general3A_1439 : vector<128x128xf32>
    %slice3A_1441 = vector.extract_strided_slice %get3A_826 {offsets = [0, 6], sizes = [128, 1], strides = [1, 1]} : vector<128x30xi32> to vector<128x1xi32>
    %eq3A_1442 = arith.constant 0 : i32
    %eq3A_1443 = vector.broadcast %eq3A_1442 : i32 to vector<128x1xi32>
    %eq3A_1444 = arith.cmpi eq, %slice3A_1441, %eq3A_1443 : vector<128x1xi32>
    %convert_element_type3A_1445 = arith.extui %eq3A_1444 : vector<128x1xi1> to vector<128x1xi32>
    %convert_element_type3A_1446 = arith.sitofp %convert_element_type3A_1445 : vector<128x1xi32> to vector<128x1xf32>
    %slice3A_1447 = vector.extract_strided_slice %dot_general3A_806 {offsets = [0, 0], sizes = [1, 32], strides = [1, 1]} : vector<3x32xf32> to vector<1x32xf32>
    %mul3A_1448 = vector.broadcast %convert_element_type3A_1446 : vector<128x1xf32> to vector<128x32xf32>
    %mul3A_1449 = vector.broadcast %slice3A_1447 : vector<1x32xf32> to vector<128x32xf32>
    %mul3A_1450 = arith.mulf %mul3A_1448, %mul3A_1449 : vector<128x32xf32>
    %add3A_1451 = vector.broadcast %get3A_823 : vector<1x32xf32> to vector<128x32xf32>
    %add3A_1452 = arith.addf %add3A_1451, %mul3A_1450 : vector<128x32xf32>
    %eq3A_1453 = arith.constant 1 : i32
    %eq3A_1454 = vector.broadcast %eq3A_1453 : i32 to vector<128x1xi32>
    %eq3A_1455 = arith.cmpi eq, %slice3A_1441, %eq3A_1454 : vector<128x1xi32>
    %convert_element_type3A_1456 = arith.extui %eq3A_1455 : vector<128x1xi1> to vector<128x1xi32>
    %convert_element_type3A_1457 = arith.sitofp %convert_element_type3A_1456 : vector<128x1xi32> to vector<128x1xf32>
    %slice3A_1458 = vector.extract_strided_slice %dot_general3A_806 {offsets = [1, 0], sizes = [1, 32], strides = [1, 1]} : vector<3x32xf32> to vector<1x32xf32>
    %mul3A_1459 = vector.broadcast %convert_element_type3A_1457 : vector<128x1xf32> to vector<128x32xf32>
    %mul3A_1460 = vector.broadcast %slice3A_1458 : vector<1x32xf32> to vector<128x32xf32>
    %mul3A_1461 = arith.mulf %mul3A_1459, %mul3A_1460 : vector<128x32xf32>
    %add3A_1462 = arith.addf %add3A_1452, %mul3A_1461 : vector<128x32xf32>
    %eq3A_1463 = arith.constant 2 : i32
    %eq3A_1464 = vector.broadcast %eq3A_1463 : i32 to vector<128x1xi32>
    %eq3A_1465 = arith.cmpi eq, %slice3A_1441, %eq3A_1464 : vector<128x1xi32>
    %convert_element_type3A_1466 = arith.extui %eq3A_1465 : vector<128x1xi1> to vector<128x1xi32>
    %convert_element_type3A_1467 = arith.sitofp %convert_element_type3A_1466 : vector<128x1xi32> to vector<128x1xf32>
    %slice3A_1468 = vector.extract_strided_slice %dot_general3A_806 {offsets = [2, 0], sizes = [1, 32], strides = [1, 1]} : vector<3x32xf32> to vector<1x32xf32>
    %mul3A_1469 = vector.broadcast %convert_element_type3A_1467 : vector<128x1xf32> to vector<128x32xf32>
    %mul3A_1470 = vector.broadcast %slice3A_1468 : vector<1x32xf32> to vector<128x32xf32>
    %mul3A_1471 = arith.mulf %mul3A_1469, %mul3A_1470 : vector<128x32xf32>
    %add3A_1472 = arith.addf %add3A_1462, %mul3A_1471 : vector<128x32xf32>
    %slice3A_1473 = vector.extract_strided_slice %get3A_826 {offsets = [0, 7], sizes = [128, 1], strides = [1, 1]} : vector<128x30xi32> to vector<128x1xi32>
    %eq3A_1474 = arith.constant 0 : i32
    %eq3A_1475 = vector.broadcast %eq3A_1474 : i32 to vector<128x1xi32>
    %eq3A_1476 = arith.cmpi eq, %slice3A_1473, %eq3A_1475 : vector<128x1xi32>
    %convert_element_type3A_1477 = arith.extui %eq3A_1476 : vector<128x1xi1> to vector<128x1xi32>
    %convert_element_type3A_1478 = arith.sitofp %convert_element_type3A_1477 : vector<128x1xi32> to vector<128x1xf32>
    %slice3A_1479 = vector.extract_strided_slice %dot_general3A_813 {offsets = [0, 0], sizes = [1, 32], strides = [1, 1]} : vector<3x32xf32> to vector<1x32xf32>
    %mul3A_1480 = vector.broadcast %convert_element_type3A_1478 : vector<128x1xf32> to vector<128x32xf32>
    %mul3A_1481 = vector.broadcast %slice3A_1479 : vector<1x32xf32> to vector<128x32xf32>
    %mul3A_1482 = arith.mulf %mul3A_1480, %mul3A_1481 : vector<128x32xf32>
    %add3A_1483 = arith.addf %add3A_1472, %mul3A_1482 : vector<128x32xf32>
    %eq3A_1484 = arith.constant 1 : i32
    %eq3A_1485 = vector.broadcast %eq3A_1484 : i32 to vector<128x1xi32>
    %eq3A_1486 = arith.cmpi eq, %slice3A_1473, %eq3A_1485 : vector<128x1xi32>
    %convert_element_type3A_1487 = arith.extui %eq3A_1486 : vector<128x1xi1> to vector<128x1xi32>
    %convert_element_type3A_1488 = arith.sitofp %convert_element_type3A_1487 : vector<128x1xi32> to vector<128x1xf32>
    %slice3A_1489 = vector.extract_strided_slice %dot_general3A_813 {offsets = [1, 0], sizes = [1, 32], strides = [1, 1]} : vector<3x32xf32> to vector<1x32xf32>
    %mul3A_1490 = vector.broadcast %convert_element_type3A_1488 : vector<128x1xf32> to vector<128x32xf32>
    %mul3A_1491 = vector.broadcast %slice3A_1489 : vector<1x32xf32> to vector<128x32xf32>
    %mul3A_1492 = arith.mulf %mul3A_1490, %mul3A_1491 : vector<128x32xf32>
    %add3A_1493 = arith.addf %add3A_1483, %mul3A_1492 : vector<128x32xf32>
    %eq3A_1494 = arith.constant 2 : i32
    %eq3A_1495 = vector.broadcast %eq3A_1494 : i32 to vector<128x1xi32>
    %eq3A_1496 = arith.cmpi eq, %slice3A_1473, %eq3A_1495 : vector<128x1xi32>
    %convert_element_type3A_1497 = arith.extui %eq3A_1496 : vector<128x1xi1> to vector<128x1xi32>
    %convert_element_type3A_1498 = arith.sitofp %convert_element_type3A_1497 : vector<128x1xi32> to vector<128x1xf32>
    %slice3A_1499 = vector.extract_strided_slice %dot_general3A_813 {offsets = [2, 0], sizes = [1, 32], strides = [1, 1]} : vector<3x32xf32> to vector<1x32xf32>
    %mul3A_1500 = vector.broadcast %convert_element_type3A_1498 : vector<128x1xf32> to vector<128x32xf32>
    %mul3A_1501 = vector.broadcast %slice3A_1499 : vector<1x32xf32> to vector<128x32xf32>
    %mul3A_1502 = arith.mulf %mul3A_1500, %mul3A_1501 : vector<128x32xf32>
    %add3A_1503 = arith.addf %add3A_1493, %mul3A_1502 : vector<128x32xf32>
    %slice3A_1504 = vector.extract_strided_slice %get3A_826 {offsets = [0, 8], sizes = [128, 1], strides = [1, 1]} : vector<128x30xi32> to vector<128x1xi32>
    %eq3A_1505 = arith.constant 0 : i32
    %eq3A_1506 = vector.broadcast %eq3A_1505 : i32 to vector<128x1xi32>
    %eq3A_1507 = arith.cmpi eq, %slice3A_1504, %eq3A_1506 : vector<128x1xi32>
    %convert_element_type3A_1508 = arith.extui %eq3A_1507 : vector<128x1xi1> to vector<128x1xi32>
    %convert_element_type3A_1509 = arith.sitofp %convert_element_type3A_1508 : vector<128x1xi32> to vector<128x1xf32>
    %slice3A_1510 = vector.extract_strided_slice %dot_general3A_820 {offsets = [0, 0], sizes = [1, 32], strides = [1, 1]} : vector<3x32xf32> to vector<1x32xf32>
    %mul3A_1511 = vector.broadcast %convert_element_type3A_1509 : vector<128x1xf32> to vector<128x32xf32>
    %mul3A_1512 = vector.broadcast %slice3A_1510 : vector<1x32xf32> to vector<128x32xf32>
    %mul3A_1513 = arith.mulf %mul3A_1511, %mul3A_1512 : vector<128x32xf32>
    %add3A_1514 = arith.addf %add3A_1503, %mul3A_1513 : vector<128x32xf32>
    %eq3A_1515 = arith.constant 1 : i32
    %eq3A_1516 = vector.broadcast %eq3A_1515 : i32 to vector<128x1xi32>
    %eq3A_1517 = arith.cmpi eq, %slice3A_1504, %eq3A_1516 : vector<128x1xi32>
    %convert_element_type3A_1518 = arith.extui %eq3A_1517 : vector<128x1xi1> to vector<128x1xi32>
    %convert_element_type3A_1519 = arith.sitofp %convert_element_type3A_1518 : vector<128x1xi32> to vector<128x1xf32>
    %slice3A_1520 = vector.extract_strided_slice %dot_general3A_820 {offsets = [1, 0], sizes = [1, 32], strides = [1, 1]} : vector<3x32xf32> to vector<1x32xf32>
    %mul3A_1521 = vector.broadcast %convert_element_type3A_1519 : vector<128x1xf32> to vector<128x32xf32>
    %mul3A_1522 = vector.broadcast %slice3A_1520 : vector<1x32xf32> to vector<128x32xf32>
    %mul3A_1523 = arith.mulf %mul3A_1521, %mul3A_1522 : vector<128x32xf32>
    %add3A_1524 = arith.addf %add3A_1514, %mul3A_1523 : vector<128x32xf32>
    %eq3A_1525 = arith.constant 2 : i32
    %eq3A_1526 = vector.broadcast %eq3A_1525 : i32 to vector<128x1xi32>
    %eq3A_1527 = arith.cmpi eq, %slice3A_1504, %eq3A_1526 : vector<128x1xi32>
    %convert_element_type3A_1528 = arith.extui %eq3A_1527 : vector<128x1xi1> to vector<128x1xi32>
    %convert_element_type3A_1529 = arith.sitofp %convert_element_type3A_1528 : vector<128x1xi32> to vector<128x1xf32>
    %slice3A_1530 = vector.extract_strided_slice %dot_general3A_820 {offsets = [2, 0], sizes = [1, 32], strides = [1, 1]} : vector<3x32xf32> to vector<1x32xf32>
    %mul3A_1531 = vector.broadcast %convert_element_type3A_1529 : vector<128x1xf32> to vector<128x32xf32>
    %mul3A_1532 = vector.broadcast %slice3A_1530 : vector<1x32xf32> to vector<128x32xf32>
    %mul3A_1533 = arith.mulf %mul3A_1531, %mul3A_1532 : vector<128x32xf32>
    %add3A_1534 = arith.addf %add3A_1524, %mul3A_1533 : vector<128x32xf32>
    %max3A_1535 = arith.constant 0.000000e+00 : f32
    %max3A_1536 = vector.broadcast %max3A_1535 : f32 to vector<128x32xf32>
    %max3A_1537 = arith.maximumf %add3A_1534, %max3A_1536 : vector<128x32xf32>
    %max3A_1538 = arith.maximumf %max3A_1433, %max3A_1537 : vector<128x32xf32>
    %get3A_1539 = arith.constant 160 : index
    %get3A_1540 = arith.constant 0 : index
    %get3A_1541 = vector.load %arg12[%get3A_1539, %get3A_1540] : memref<864x128xf32, #tpu.memory_space<vmem>>, vector<32x128xf32>
    %dot_general3A_1542 = arith.constant dense<0.000000e+00> : vector<128x128xf32>
    %dot_general3A_1543 = tpu.matmul %max3A_1538, %get3A_1541, %dot_general3A_1542 {dimension_numbers = #tpu.dot_dimension_numbers<[1], [0], [0], [1], [0, 0, 1, 1], [], []>, transpose_lhs_hint = false} : vector<128x32xf32>, vector<32x128xf32>, vector<128x128xf32> -> vector<128x128xf32>
    %add3A_1544 = arith.addf %add3A_1440, %dot_general3A_1543 : vector<128x128xf32>
    %slice3A_1545 = vector.extract_strided_slice %get3A_826 {offsets = [0, 7], sizes = [128, 1], strides = [1, 1]} : vector<128x30xi32> to vector<128x1xi32>
    %eq3A_1546 = arith.constant 0 : i32
    %eq3A_1547 = vector.broadcast %eq3A_1546 : i32 to vector<128x1xi32>
    %eq3A_1548 = arith.cmpi eq, %slice3A_1545, %eq3A_1547 : vector<128x1xi32>
    %convert_element_type3A_1549 = arith.extui %eq3A_1548 : vector<128x1xi1> to vector<128x1xi32>
    %convert_element_type3A_1550 = arith.sitofp %convert_element_type3A_1549 : vector<128x1xi32> to vector<128x1xf32>
    %slice3A_1551 = vector.extract_strided_slice %dot_general3A_806 {offsets = [0, 0], sizes = [1, 32], strides = [1, 1]} : vector<3x32xf32> to vector<1x32xf32>
    %mul3A_1552 = vector.broadcast %convert_element_type3A_1550 : vector<128x1xf32> to vector<128x32xf32>
    %mul3A_1553 = vector.broadcast %slice3A_1551 : vector<1x32xf32> to vector<128x32xf32>
    %mul3A_1554 = arith.mulf %mul3A_1552, %mul3A_1553 : vector<128x32xf32>
    %add3A_1555 = vector.broadcast %get3A_823 : vector<1x32xf32> to vector<128x32xf32>
    %add3A_1556 = arith.addf %add3A_1555, %mul3A_1554 : vector<128x32xf32>
    %eq3A_1557 = arith.constant 1 : i32
    %eq3A_1558 = vector.broadcast %eq3A_1557 : i32 to vector<128x1xi32>
    %eq3A_1559 = arith.cmpi eq, %slice3A_1545, %eq3A_1558 : vector<128x1xi32>
    %convert_element_type3A_1560 = arith.extui %eq3A_1559 : vector<128x1xi1> to vector<128x1xi32>
    %convert_element_type3A_1561 = arith.sitofp %convert_element_type3A_1560 : vector<128x1xi32> to vector<128x1xf32>
    %slice3A_1562 = vector.extract_strided_slice %dot_general3A_806 {offsets = [1, 0], sizes = [1, 32], strides = [1, 1]} : vector<3x32xf32> to vector<1x32xf32>
    %mul3A_1563 = vector.broadcast %convert_element_type3A_1561 : vector<128x1xf32> to vector<128x32xf32>
    %mul3A_1564 = vector.broadcast %slice3A_1562 : vector<1x32xf32> to vector<128x32xf32>
    %mul3A_1565 = arith.mulf %mul3A_1563, %mul3A_1564 : vector<128x32xf32>
    %add3A_1566 = arith.addf %add3A_1556, %mul3A_1565 : vector<128x32xf32>
    %eq3A_1567 = arith.constant 2 : i32
    %eq3A_1568 = vector.broadcast %eq3A_1567 : i32 to vector<128x1xi32>
    %eq3A_1569 = arith.cmpi eq, %slice3A_1545, %eq3A_1568 : vector<128x1xi32>
    %convert_element_type3A_1570 = arith.extui %eq3A_1569 : vector<128x1xi1> to vector<128x1xi32>
    %convert_element_type3A_1571 = arith.sitofp %convert_element_type3A_1570 : vector<128x1xi32> to vector<128x1xf32>
    %slice3A_1572 = vector.extract_strided_slice %dot_general3A_806 {offsets = [2, 0], sizes = [1, 32], strides = [1, 1]} : vector<3x32xf32> to vector<1x32xf32>
    %mul3A_1573 = vector.broadcast %convert_element_type3A_1571 : vector<128x1xf32> to vector<128x32xf32>
    %mul3A_1574 = vector.broadcast %slice3A_1572 : vector<1x32xf32> to vector<128x32xf32>
    %mul3A_1575 = arith.mulf %mul3A_1573, %mul3A_1574 : vector<128x32xf32>
    %add3A_1576 = arith.addf %add3A_1566, %mul3A_1575 : vector<128x32xf32>
    %slice3A_1577 = vector.extract_strided_slice %get3A_826 {offsets = [0, 8], sizes = [128, 1], strides = [1, 1]} : vector<128x30xi32> to vector<128x1xi32>
    %eq3A_1578 = arith.constant 0 : i32
    %eq3A_1579 = vector.broadcast %eq3A_1578 : i32 to vector<128x1xi32>
    %eq3A_1580 = arith.cmpi eq, %slice3A_1577, %eq3A_1579 : vector<128x1xi32>
    %convert_element_type3A_1581 = arith.extui %eq3A_1580 : vector<128x1xi1> to vector<128x1xi32>
    %convert_element_type3A_1582 = arith.sitofp %convert_element_type3A_1581 : vector<128x1xi32> to vector<128x1xf32>
    %slice3A_1583 = vector.extract_strided_slice %dot_general3A_813 {offsets = [0, 0], sizes = [1, 32], strides = [1, 1]} : vector<3x32xf32> to vector<1x32xf32>
    %mul3A_1584 = vector.broadcast %convert_element_type3A_1582 : vector<128x1xf32> to vector<128x32xf32>
    %mul3A_1585 = vector.broadcast %slice3A_1583 : vector<1x32xf32> to vector<128x32xf32>
    %mul3A_1586 = arith.mulf %mul3A_1584, %mul3A_1585 : vector<128x32xf32>
    %add3A_1587 = arith.addf %add3A_1576, %mul3A_1586 : vector<128x32xf32>
    %eq3A_1588 = arith.constant 1 : i32
    %eq3A_1589 = vector.broadcast %eq3A_1588 : i32 to vector<128x1xi32>
    %eq3A_1590 = arith.cmpi eq, %slice3A_1577, %eq3A_1589 : vector<128x1xi32>
    %convert_element_type3A_1591 = arith.extui %eq3A_1590 : vector<128x1xi1> to vector<128x1xi32>
    %convert_element_type3A_1592 = arith.sitofp %convert_element_type3A_1591 : vector<128x1xi32> to vector<128x1xf32>
    %slice3A_1593 = vector.extract_strided_slice %dot_general3A_813 {offsets = [1, 0], sizes = [1, 32], strides = [1, 1]} : vector<3x32xf32> to vector<1x32xf32>
    %mul3A_1594 = vector.broadcast %convert_element_type3A_1592 : vector<128x1xf32> to vector<128x32xf32>
    %mul3A_1595 = vector.broadcast %slice3A_1593 : vector<1x32xf32> to vector<128x32xf32>
    %mul3A_1596 = arith.mulf %mul3A_1594, %mul3A_1595 : vector<128x32xf32>
    %add3A_1597 = arith.addf %add3A_1587, %mul3A_1596 : vector<128x32xf32>
    %eq3A_1598 = arith.constant 2 : i32
    %eq3A_1599 = vector.broadcast %eq3A_1598 : i32 to vector<128x1xi32>
    %eq3A_1600 = arith.cmpi eq, %slice3A_1577, %eq3A_1599 : vector<128x1xi32>
    %convert_element_type3A_1601 = arith.extui %eq3A_1600 : vector<128x1xi1> to vector<128x1xi32>
    %convert_element_type3A_1602 = arith.sitofp %convert_element_type3A_1601 : vector<128x1xi32> to vector<128x1xf32>
    %slice3A_1603 = vector.extract_strided_slice %dot_general3A_813 {offsets = [2, 0], sizes = [1, 32], strides = [1, 1]} : vector<3x32xf32> to vector<1x32xf32>
    %mul3A_1604 = vector.broadcast %convert_element_type3A_1602 : vector<128x1xf32> to vector<128x32xf32>
    %mul3A_1605 = vector.broadcast %slice3A_1603 : vector<1x32xf32> to vector<128x32xf32>
    %mul3A_1606 = arith.mulf %mul3A_1604, %mul3A_1605 : vector<128x32xf32>
    %add3A_1607 = arith.addf %add3A_1597, %mul3A_1606 : vector<128x32xf32>
    %slice3A_1608 = vector.extract_strided_slice %get3A_826 {offsets = [0, 9], sizes = [128, 1], strides = [1, 1]} : vector<128x30xi32> to vector<128x1xi32>
    %eq3A_1609 = arith.constant 0 : i32
    %eq3A_1610 = vector.broadcast %eq3A_1609 : i32 to vector<128x1xi32>
    %eq3A_1611 = arith.cmpi eq, %slice3A_1608, %eq3A_1610 : vector<128x1xi32>
    %convert_element_type3A_1612 = arith.extui %eq3A_1611 : vector<128x1xi1> to vector<128x1xi32>
    %convert_element_type3A_1613 = arith.sitofp %convert_element_type3A_1612 : vector<128x1xi32> to vector<128x1xf32>
    %slice3A_1614 = vector.extract_strided_slice %dot_general3A_820 {offsets = [0, 0], sizes = [1, 32], strides = [1, 1]} : vector<3x32xf32> to vector<1x32xf32>
    %mul3A_1615 = vector.broadcast %convert_element_type3A_1613 : vector<128x1xf32> to vector<128x32xf32>
    %mul3A_1616 = vector.broadcast %slice3A_1614 : vector<1x32xf32> to vector<128x32xf32>
    %mul3A_1617 = arith.mulf %mul3A_1615, %mul3A_1616 : vector<128x32xf32>
    %add3A_1618 = arith.addf %add3A_1607, %mul3A_1617 : vector<128x32xf32>
    %eq3A_1619 = arith.constant 1 : i32
    %eq3A_1620 = vector.broadcast %eq3A_1619 : i32 to vector<128x1xi32>
    %eq3A_1621 = arith.cmpi eq, %slice3A_1608, %eq3A_1620 : vector<128x1xi32>
    %convert_element_type3A_1622 = arith.extui %eq3A_1621 : vector<128x1xi1> to vector<128x1xi32>
    %convert_element_type3A_1623 = arith.sitofp %convert_element_type3A_1622 : vector<128x1xi32> to vector<128x1xf32>
    %slice3A_1624 = vector.extract_strided_slice %dot_general3A_820 {offsets = [1, 0], sizes = [1, 32], strides = [1, 1]} : vector<3x32xf32> to vector<1x32xf32>
    %mul3A_1625 = vector.broadcast %convert_element_type3A_1623 : vector<128x1xf32> to vector<128x32xf32>
    %mul3A_1626 = vector.broadcast %slice3A_1624 : vector<1x32xf32> to vector<128x32xf32>
    %mul3A_1627 = arith.mulf %mul3A_1625, %mul3A_1626 : vector<128x32xf32>
    %add3A_1628 = arith.addf %add3A_1618, %mul3A_1627 : vector<128x32xf32>
    %eq3A_1629 = arith.constant 2 : i32
    %eq3A_1630 = vector.broadcast %eq3A_1629 : i32 to vector<128x1xi32>
    %eq3A_1631 = arith.cmpi eq, %slice3A_1608, %eq3A_1630 : vector<128x1xi32>
    %convert_element_type3A_1632 = arith.extui %eq3A_1631 : vector<128x1xi1> to vector<128x1xi32>
    %convert_element_type3A_1633 = arith.sitofp %convert_element_type3A_1632 : vector<128x1xi32> to vector<128x1xf32>
    %slice3A_1634 = vector.extract_strided_slice %dot_general3A_820 {offsets = [2, 0], sizes = [1, 32], strides = [1, 1]} : vector<3x32xf32> to vector<1x32xf32>
    %mul3A_1635 = vector.broadcast %convert_element_type3A_1633 : vector<128x1xf32> to vector<128x32xf32>
    %mul3A_1636 = vector.broadcast %slice3A_1634 : vector<1x32xf32> to vector<128x32xf32>
    %mul3A_1637 = arith.mulf %mul3A_1635, %mul3A_1636 : vector<128x32xf32>
    %add3A_1638 = arith.addf %add3A_1628, %mul3A_1637 : vector<128x32xf32>
    %max3A_1639 = arith.constant 0.000000e+00 : f32
    %max3A_1640 = vector.broadcast %max3A_1639 : f32 to vector<128x32xf32>
    %max3A_1641 = arith.maximumf %add3A_1638, %max3A_1640 : vector<128x32xf32>
    %max3A_1642 = arith.maximumf %max3A_1537, %max3A_1641 : vector<128x32xf32>
    %get3A_1643 = arith.constant 192 : index
    %get3A_1644 = arith.constant 0 : index
    %get3A_1645 = vector.load %arg12[%get3A_1643, %get3A_1644] : memref<864x128xf32, #tpu.memory_space<vmem>>, vector<32x128xf32>
    %dot_general3A_1646 = arith.constant dense<0.000000e+00> : vector<128x128xf32>
    %dot_general3A_1647 = tpu.matmul %max3A_1642, %get3A_1645, %dot_general3A_1646 {dimension_numbers = #tpu.dot_dimension_numbers<[1], [0], [0], [1], [0, 0, 1, 1], [], []>, transpose_lhs_hint = false} : vector<128x32xf32>, vector<32x128xf32>, vector<128x128xf32> -> vector<128x128xf32>
    %add3A_1648 = arith.addf %add3A_1544, %dot_general3A_1647 : vector<128x128xf32>
    %slice3A_1649 = vector.extract_strided_slice %get3A_826 {offsets = [0, 8], sizes = [128, 1], strides = [1, 1]} : vector<128x30xi32> to vector<128x1xi32>
    %eq3A_1650 = arith.constant 0 : i32
    %eq3A_1651 = vector.broadcast %eq3A_1650 : i32 to vector<128x1xi32>
    %eq3A_1652 = arith.cmpi eq, %slice3A_1649, %eq3A_1651 : vector<128x1xi32>
    %convert_element_type3A_1653 = arith.extui %eq3A_1652 : vector<128x1xi1> to vector<128x1xi32>
    %convert_element_type3A_1654 = arith.sitofp %convert_element_type3A_1653 : vector<128x1xi32> to vector<128x1xf32>
    %slice3A_1655 = vector.extract_strided_slice %dot_general3A_806 {offsets = [0, 0], sizes = [1, 32], strides = [1, 1]} : vector<3x32xf32> to vector<1x32xf32>
    %mul3A_1656 = vector.broadcast %convert_element_type3A_1654 : vector<128x1xf32> to vector<128x32xf32>
    %mul3A_1657 = vector.broadcast %slice3A_1655 : vector<1x32xf32> to vector<128x32xf32>
    %mul3A_1658 = arith.mulf %mul3A_1656, %mul3A_1657 : vector<128x32xf32>
    %add3A_1659 = vector.broadcast %get3A_823 : vector<1x32xf32> to vector<128x32xf32>
    %add3A_1660 = arith.addf %add3A_1659, %mul3A_1658 : vector<128x32xf32>
    %eq3A_1661 = arith.constant 1 : i32
    %eq3A_1662 = vector.broadcast %eq3A_1661 : i32 to vector<128x1xi32>
    %eq3A_1663 = arith.cmpi eq, %slice3A_1649, %eq3A_1662 : vector<128x1xi32>
    %convert_element_type3A_1664 = arith.extui %eq3A_1663 : vector<128x1xi1> to vector<128x1xi32>
    %convert_element_type3A_1665 = arith.sitofp %convert_element_type3A_1664 : vector<128x1xi32> to vector<128x1xf32>
    %slice3A_1666 = vector.extract_strided_slice %dot_general3A_806 {offsets = [1, 0], sizes = [1, 32], strides = [1, 1]} : vector<3x32xf32> to vector<1x32xf32>
    %mul3A_1667 = vector.broadcast %convert_element_type3A_1665 : vector<128x1xf32> to vector<128x32xf32>
    %mul3A_1668 = vector.broadcast %slice3A_1666 : vector<1x32xf32> to vector<128x32xf32>
    %mul3A_1669 = arith.mulf %mul3A_1667, %mul3A_1668 : vector<128x32xf32>
    %add3A_1670 = arith.addf %add3A_1660, %mul3A_1669 : vector<128x32xf32>
    %eq3A_1671 = arith.constant 2 : i32
    %eq3A_1672 = vector.broadcast %eq3A_1671 : i32 to vector<128x1xi32>
    %eq3A_1673 = arith.cmpi eq, %slice3A_1649, %eq3A_1672 : vector<128x1xi32>
    %convert_element_type3A_1674 = arith.extui %eq3A_1673 : vector<128x1xi1> to vector<128x1xi32>
    %convert_element_type3A_1675 = arith.sitofp %convert_element_type3A_1674 : vector<128x1xi32> to vector<128x1xf32>
    %slice3A_1676 = vector.extract_strided_slice %dot_general3A_806 {offsets = [2, 0], sizes = [1, 32], strides = [1, 1]} : vector<3x32xf32> to vector<1x32xf32>
    %mul3A_1677 = vector.broadcast %convert_element_type3A_1675 : vector<128x1xf32> to vector<128x32xf32>
    %mul3A_1678 = vector.broadcast %slice3A_1676 : vector<1x32xf32> to vector<128x32xf32>
    %mul3A_1679 = arith.mulf %mul3A_1677, %mul3A_1678 : vector<128x32xf32>
    %add3A_1680 = arith.addf %add3A_1670, %mul3A_1679 : vector<128x32xf32>
    %slice3A_1681 = vector.extract_strided_slice %get3A_826 {offsets = [0, 9], sizes = [128, 1], strides = [1, 1]} : vector<128x30xi32> to vector<128x1xi32>
    %eq3A_1682 = arith.constant 0 : i32
    %eq3A_1683 = vector.broadcast %eq3A_1682 : i32 to vector<128x1xi32>
    %eq3A_1684 = arith.cmpi eq, %slice3A_1681, %eq3A_1683 : vector<128x1xi32>
    %convert_element_type3A_1685 = arith.extui %eq3A_1684 : vector<128x1xi1> to vector<128x1xi32>
    %convert_element_type3A_1686 = arith.sitofp %convert_element_type3A_1685 : vector<128x1xi32> to vector<128x1xf32>
    %slice3A_1687 = vector.extract_strided_slice %dot_general3A_813 {offsets = [0, 0], sizes = [1, 32], strides = [1, 1]} : vector<3x32xf32> to vector<1x32xf32>
    %mul3A_1688 = vector.broadcast %convert_element_type3A_1686 : vector<128x1xf32> to vector<128x32xf32>
    %mul3A_1689 = vector.broadcast %slice3A_1687 : vector<1x32xf32> to vector<128x32xf32>
    %mul3A_1690 = arith.mulf %mul3A_1688, %mul3A_1689 : vector<128x32xf32>
    %add3A_1691 = arith.addf %add3A_1680, %mul3A_1690 : vector<128x32xf32>
    %eq3A_1692 = arith.constant 1 : i32
    %eq3A_1693 = vector.broadcast %eq3A_1692 : i32 to vector<128x1xi32>
    %eq3A_1694 = arith.cmpi eq, %slice3A_1681, %eq3A_1693 : vector<128x1xi32>
    %convert_element_type3A_1695 = arith.extui %eq3A_1694 : vector<128x1xi1> to vector<128x1xi32>
    %convert_element_type3A_1696 = arith.sitofp %convert_element_type3A_1695 : vector<128x1xi32> to vector<128x1xf32>
    %slice3A_1697 = vector.extract_strided_slice %dot_general3A_813 {offsets = [1, 0], sizes = [1, 32], strides = [1, 1]} : vector<3x32xf32> to vector<1x32xf32>
    %mul3A_1698 = vector.broadcast %convert_element_type3A_1696 : vector<128x1xf32> to vector<128x32xf32>
    %mul3A_1699 = vector.broadcast %slice3A_1697 : vector<1x32xf32> to vector<128x32xf32>
    %mul3A_1700 = arith.mulf %mul3A_1698, %mul3A_1699 : vector<128x32xf32>
    %add3A_1701 = arith.addf %add3A_1691, %mul3A_1700 : vector<128x32xf32>
    %eq3A_1702 = arith.constant 2 : i32
    %eq3A_1703 = vector.broadcast %eq3A_1702 : i32 to vector<128x1xi32>
    %eq3A_1704 = arith.cmpi eq, %slice3A_1681, %eq3A_1703 : vector<128x1xi32>
    %convert_element_type3A_1705 = arith.extui %eq3A_1704 : vector<128x1xi1> to vector<128x1xi32>
    %convert_element_type3A_1706 = arith.sitofp %convert_element_type3A_1705 : vector<128x1xi32> to vector<128x1xf32>
    %slice3A_1707 = vector.extract_strided_slice %dot_general3A_813 {offsets = [2, 0], sizes = [1, 32], strides = [1, 1]} : vector<3x32xf32> to vector<1x32xf32>
    %mul3A_1708 = vector.broadcast %convert_element_type3A_1706 : vector<128x1xf32> to vector<128x32xf32>
    %mul3A_1709 = vector.broadcast %slice3A_1707 : vector<1x32xf32> to vector<128x32xf32>
    %mul3A_1710 = arith.mulf %mul3A_1708, %mul3A_1709 : vector<128x32xf32>
    %add3A_1711 = arith.addf %add3A_1701, %mul3A_1710 : vector<128x32xf32>
    %slice3A_1712 = vector.extract_strided_slice %get3A_826 {offsets = [0, 10], sizes = [128, 1], strides = [1, 1]} : vector<128x30xi32> to vector<128x1xi32>
    %eq3A_1713 = arith.constant 0 : i32
    %eq3A_1714 = vector.broadcast %eq3A_1713 : i32 to vector<128x1xi32>
    %eq3A_1715 = arith.cmpi eq, %slice3A_1712, %eq3A_1714 : vector<128x1xi32>
    %convert_element_type3A_1716 = arith.extui %eq3A_1715 : vector<128x1xi1> to vector<128x1xi32>
    %convert_element_type3A_1717 = arith.sitofp %convert_element_type3A_1716 : vector<128x1xi32> to vector<128x1xf32>
    %slice3A_1718 = vector.extract_strided_slice %dot_general3A_820 {offsets = [0, 0], sizes = [1, 32], strides = [1, 1]} : vector<3x32xf32> to vector<1x32xf32>
    %mul3A_1719 = vector.broadcast %convert_element_type3A_1717 : vector<128x1xf32> to vector<128x32xf32>
    %mul3A_1720 = vector.broadcast %slice3A_1718 : vector<1x32xf32> to vector<128x32xf32>
    %mul3A_1721 = arith.mulf %mul3A_1719, %mul3A_1720 : vector<128x32xf32>
    %add3A_1722 = arith.addf %add3A_1711, %mul3A_1721 : vector<128x32xf32>
    %eq3A_1723 = arith.constant 1 : i32
    %eq3A_1724 = vector.broadcast %eq3A_1723 : i32 to vector<128x1xi32>
    %eq3A_1725 = arith.cmpi eq, %slice3A_1712, %eq3A_1724 : vector<128x1xi32>
    %convert_element_type3A_1726 = arith.extui %eq3A_1725 : vector<128x1xi1> to vector<128x1xi32>
    %convert_element_type3A_1727 = arith.sitofp %convert_element_type3A_1726 : vector<128x1xi32> to vector<128x1xf32>
    %slice3A_1728 = vector.extract_strided_slice %dot_general3A_820 {offsets = [1, 0], sizes = [1, 32], strides = [1, 1]} : vector<3x32xf32> to vector<1x32xf32>
    %mul3A_1729 = vector.broadcast %convert_element_type3A_1727 : vector<128x1xf32> to vector<128x32xf32>
    %mul3A_1730 = vector.broadcast %slice3A_1728 : vector<1x32xf32> to vector<128x32xf32>
    %mul3A_1731 = arith.mulf %mul3A_1729, %mul3A_1730 : vector<128x32xf32>
    %add3A_1732 = arith.addf %add3A_1722, %mul3A_1731 : vector<128x32xf32>
    %eq3A_1733 = arith.constant 2 : i32
    %eq3A_1734 = vector.broadcast %eq3A_1733 : i32 to vector<128x1xi32>
    %eq3A_1735 = arith.cmpi eq, %slice3A_1712, %eq3A_1734 : vector<128x1xi32>
    %convert_element_type3A_1736 = arith.extui %eq3A_1735 : vector<128x1xi1> to vector<128x1xi32>
    %convert_element_type3A_1737 = arith.sitofp %convert_element_type3A_1736 : vector<128x1xi32> to vector<128x1xf32>
    %slice3A_1738 = vector.extract_strided_slice %dot_general3A_820 {offsets = [2, 0], sizes = [1, 32], strides = [1, 1]} : vector<3x32xf32> to vector<1x32xf32>
    %mul3A_1739 = vector.broadcast %convert_element_type3A_1737 : vector<128x1xf32> to vector<128x32xf32>
    %mul3A_1740 = vector.broadcast %slice3A_1738 : vector<1x32xf32> to vector<128x32xf32>
    %mul3A_1741 = arith.mulf %mul3A_1739, %mul3A_1740 : vector<128x32xf32>
    %add3A_1742 = arith.addf %add3A_1732, %mul3A_1741 : vector<128x32xf32>
    %max3A_1743 = arith.constant 0.000000e+00 : f32
    %max3A_1744 = vector.broadcast %max3A_1743 : f32 to vector<128x32xf32>
    %max3A_1745 = arith.maximumf %add3A_1742, %max3A_1744 : vector<128x32xf32>
    %max3A_1746 = arith.maximumf %max3A_1641, %max3A_1745 : vector<128x32xf32>
    %get3A_1747 = arith.constant 224 : index
    %get3A_1748 = arith.constant 0 : index
    %get3A_1749 = vector.load %arg12[%get3A_1747, %get3A_1748] : memref<864x128xf32, #tpu.memory_space<vmem>>, vector<32x128xf32>
    %dot_general3A_1750 = arith.constant dense<0.000000e+00> : vector<128x128xf32>
    %dot_general3A_1751 = tpu.matmul %max3A_1746, %get3A_1749, %dot_general3A_1750 {dimension_numbers = #tpu.dot_dimension_numbers<[1], [0], [0], [1], [0, 0, 1, 1], [], []>, transpose_lhs_hint = false} : vector<128x32xf32>, vector<32x128xf32>, vector<128x128xf32> -> vector<128x128xf32>
    %add3A_1752 = arith.addf %add3A_1648, %dot_general3A_1751 : vector<128x128xf32>
    %slice3A_1753 = vector.extract_strided_slice %get3A_826 {offsets = [0, 9], sizes = [128, 1], strides = [1, 1]} : vector<128x30xi32> to vector<128x1xi32>
    %eq3A_1754 = arith.constant 0 : i32
    %eq3A_1755 = vector.broadcast %eq3A_1754 : i32 to vector<128x1xi32>
    %eq3A_1756 = arith.cmpi eq, %slice3A_1753, %eq3A_1755 : vector<128x1xi32>
    %convert_element_type3A_1757 = arith.extui %eq3A_1756 : vector<128x1xi1> to vector<128x1xi32>
    %convert_element_type3A_1758 = arith.sitofp %convert_element_type3A_1757 : vector<128x1xi32> to vector<128x1xf32>
    %slice3A_1759 = vector.extract_strided_slice %dot_general3A_806 {offsets = [0, 0], sizes = [1, 32], strides = [1, 1]} : vector<3x32xf32> to vector<1x32xf32>
    %mul3A_1760 = vector.broadcast %convert_element_type3A_1758 : vector<128x1xf32> to vector<128x32xf32>
    %mul3A_1761 = vector.broadcast %slice3A_1759 : vector<1x32xf32> to vector<128x32xf32>
    %mul3A_1762 = arith.mulf %mul3A_1760, %mul3A_1761 : vector<128x32xf32>
    %add3A_1763 = vector.broadcast %get3A_823 : vector<1x32xf32> to vector<128x32xf32>
    %add3A_1764 = arith.addf %add3A_1763, %mul3A_1762 : vector<128x32xf32>
    %eq3A_1765 = arith.constant 1 : i32
    %eq3A_1766 = vector.broadcast %eq3A_1765 : i32 to vector<128x1xi32>
    %eq3A_1767 = arith.cmpi eq, %slice3A_1753, %eq3A_1766 : vector<128x1xi32>
    %convert_element_type3A_1768 = arith.extui %eq3A_1767 : vector<128x1xi1> to vector<128x1xi32>
    %convert_element_type3A_1769 = arith.sitofp %convert_element_type3A_1768 : vector<128x1xi32> to vector<128x1xf32>
    %slice3A_1770 = vector.extract_strided_slice %dot_general3A_806 {offsets = [1, 0], sizes = [1, 32], strides = [1, 1]} : vector<3x32xf32> to vector<1x32xf32>
    %mul3A_1771 = vector.broadcast %convert_element_type3A_1769 : vector<128x1xf32> to vector<128x32xf32>
    %mul3A_1772 = vector.broadcast %slice3A_1770 : vector<1x32xf32> to vector<128x32xf32>
    %mul3A_1773 = arith.mulf %mul3A_1771, %mul3A_1772 : vector<128x32xf32>
    %add3A_1774 = arith.addf %add3A_1764, %mul3A_1773 : vector<128x32xf32>
    %eq3A_1775 = arith.constant 2 : i32
    %eq3A_1776 = vector.broadcast %eq3A_1775 : i32 to vector<128x1xi32>
    %eq3A_1777 = arith.cmpi eq, %slice3A_1753, %eq3A_1776 : vector<128x1xi32>
    %convert_element_type3A_1778 = arith.extui %eq3A_1777 : vector<128x1xi1> to vector<128x1xi32>
    %convert_element_type3A_1779 = arith.sitofp %convert_element_type3A_1778 : vector<128x1xi32> to vector<128x1xf32>
    %slice3A_1780 = vector.extract_strided_slice %dot_general3A_806 {offsets = [2, 0], sizes = [1, 32], strides = [1, 1]} : vector<3x32xf32> to vector<1x32xf32>
    %mul3A_1781 = vector.broadcast %convert_element_type3A_1779 : vector<128x1xf32> to vector<128x32xf32>
    %mul3A_1782 = vector.broadcast %slice3A_1780 : vector<1x32xf32> to vector<128x32xf32>
    %mul3A_1783 = arith.mulf %mul3A_1781, %mul3A_1782 : vector<128x32xf32>
    %add3A_1784 = arith.addf %add3A_1774, %mul3A_1783 : vector<128x32xf32>
    %slice3A_1785 = vector.extract_strided_slice %get3A_826 {offsets = [0, 10], sizes = [128, 1], strides = [1, 1]} : vector<128x30xi32> to vector<128x1xi32>
    %eq3A_1786 = arith.constant 0 : i32
    %eq3A_1787 = vector.broadcast %eq3A_1786 : i32 to vector<128x1xi32>
    %eq3A_1788 = arith.cmpi eq, %slice3A_1785, %eq3A_1787 : vector<128x1xi32>
    %convert_element_type3A_1789 = arith.extui %eq3A_1788 : vector<128x1xi1> to vector<128x1xi32>
    %convert_element_type3A_1790 = arith.sitofp %convert_element_type3A_1789 : vector<128x1xi32> to vector<128x1xf32>
    %slice3A_1791 = vector.extract_strided_slice %dot_general3A_813 {offsets = [0, 0], sizes = [1, 32], strides = [1, 1]} : vector<3x32xf32> to vector<1x32xf32>
    %mul3A_1792 = vector.broadcast %convert_element_type3A_1790 : vector<128x1xf32> to vector<128x32xf32>
    %mul3A_1793 = vector.broadcast %slice3A_1791 : vector<1x32xf32> to vector<128x32xf32>
    %mul3A_1794 = arith.mulf %mul3A_1792, %mul3A_1793 : vector<128x32xf32>
    %add3A_1795 = arith.addf %add3A_1784, %mul3A_1794 : vector<128x32xf32>
    %eq3A_1796 = arith.constant 1 : i32
    %eq3A_1797 = vector.broadcast %eq3A_1796 : i32 to vector<128x1xi32>
    %eq3A_1798 = arith.cmpi eq, %slice3A_1785, %eq3A_1797 : vector<128x1xi32>
    %convert_element_type3A_1799 = arith.extui %eq3A_1798 : vector<128x1xi1> to vector<128x1xi32>
    %convert_element_type3A_1800 = arith.sitofp %convert_element_type3A_1799 : vector<128x1xi32> to vector<128x1xf32>
    %slice3A_1801 = vector.extract_strided_slice %dot_general3A_813 {offsets = [1, 0], sizes = [1, 32], strides = [1, 1]} : vector<3x32xf32> to vector<1x32xf32>
    %mul3A_1802 = vector.broadcast %convert_element_type3A_1800 : vector<128x1xf32> to vector<128x32xf32>
    %mul3A_1803 = vector.broadcast %slice3A_1801 : vector<1x32xf32> to vector<128x32xf32>
    %mul3A_1804 = arith.mulf %mul3A_1802, %mul3A_1803 : vector<128x32xf32>
    %add3A_1805 = arith.addf %add3A_1795, %mul3A_1804 : vector<128x32xf32>
    %eq3A_1806 = arith.constant 2 : i32
    %eq3A_1807 = vector.broadcast %eq3A_1806 : i32 to vector<128x1xi32>
    %eq3A_1808 = arith.cmpi eq, %slice3A_1785, %eq3A_1807 : vector<128x1xi32>
    %convert_element_type3A_1809 = arith.extui %eq3A_1808 : vector<128x1xi1> to vector<128x1xi32>
    %convert_element_type3A_1810 = arith.sitofp %convert_element_type3A_1809 : vector<128x1xi32> to vector<128x1xf32>
    %slice3A_1811 = vector.extract_strided_slice %dot_general3A_813 {offsets = [2, 0], sizes = [1, 32], strides = [1, 1]} : vector<3x32xf32> to vector<1x32xf32>
    %mul3A_1812 = vector.broadcast %convert_element_type3A_1810 : vector<128x1xf32> to vector<128x32xf32>
    %mul3A_1813 = vector.broadcast %slice3A_1811 : vector<1x32xf32> to vector<128x32xf32>
    %mul3A_1814 = arith.mulf %mul3A_1812, %mul3A_1813 : vector<128x32xf32>
    %add3A_1815 = arith.addf %add3A_1805, %mul3A_1814 : vector<128x32xf32>
    %slice3A_1816 = vector.extract_strided_slice %get3A_826 {offsets = [0, 11], sizes = [128, 1], strides = [1, 1]} : vector<128x30xi32> to vector<128x1xi32>
    %eq3A_1817 = arith.constant 0 : i32
    %eq3A_1818 = vector.broadcast %eq3A_1817 : i32 to vector<128x1xi32>
    %eq3A_1819 = arith.cmpi eq, %slice3A_1816, %eq3A_1818 : vector<128x1xi32>
    %convert_element_type3A_1820 = arith.extui %eq3A_1819 : vector<128x1xi1> to vector<128x1xi32>
    %convert_element_type3A_1821 = arith.sitofp %convert_element_type3A_1820 : vector<128x1xi32> to vector<128x1xf32>
    %slice3A_1822 = vector.extract_strided_slice %dot_general3A_820 {offsets = [0, 0], sizes = [1, 32], strides = [1, 1]} : vector<3x32xf32> to vector<1x32xf32>
    %mul3A_1823 = vector.broadcast %convert_element_type3A_1821 : vector<128x1xf32> to vector<128x32xf32>
    %mul3A_1824 = vector.broadcast %slice3A_1822 : vector<1x32xf32> to vector<128x32xf32>
    %mul3A_1825 = arith.mulf %mul3A_1823, %mul3A_1824 : vector<128x32xf32>
    %add3A_1826 = arith.addf %add3A_1815, %mul3A_1825 : vector<128x32xf32>
    %eq3A_1827 = arith.constant 1 : i32
    %eq3A_1828 = vector.broadcast %eq3A_1827 : i32 to vector<128x1xi32>
    %eq3A_1829 = arith.cmpi eq, %slice3A_1816, %eq3A_1828 : vector<128x1xi32>
    %convert_element_type3A_1830 = arith.extui %eq3A_1829 : vector<128x1xi1> to vector<128x1xi32>
    %convert_element_type3A_1831 = arith.sitofp %convert_element_type3A_1830 : vector<128x1xi32> to vector<128x1xf32>
    %slice3A_1832 = vector.extract_strided_slice %dot_general3A_820 {offsets = [1, 0], sizes = [1, 32], strides = [1, 1]} : vector<3x32xf32> to vector<1x32xf32>
    %mul3A_1833 = vector.broadcast %convert_element_type3A_1831 : vector<128x1xf32> to vector<128x32xf32>
    %mul3A_1834 = vector.broadcast %slice3A_1832 : vector<1x32xf32> to vector<128x32xf32>
    %mul3A_1835 = arith.mulf %mul3A_1833, %mul3A_1834 : vector<128x32xf32>
    %add3A_1836 = arith.addf %add3A_1826, %mul3A_1835 : vector<128x32xf32>
    %eq3A_1837 = arith.constant 2 : i32
    %eq3A_1838 = vector.broadcast %eq3A_1837 : i32 to vector<128x1xi32>
    %eq3A_1839 = arith.cmpi eq, %slice3A_1816, %eq3A_1838 : vector<128x1xi32>
    %convert_element_type3A_1840 = arith.extui %eq3A_1839 : vector<128x1xi1> to vector<128x1xi32>
    %convert_element_type3A_1841 = arith.sitofp %convert_element_type3A_1840 : vector<128x1xi32> to vector<128x1xf32>
    %slice3A_1842 = vector.extract_strided_slice %dot_general3A_820 {offsets = [2, 0], sizes = [1, 32], strides = [1, 1]} : vector<3x32xf32> to vector<1x32xf32>
    %mul3A_1843 = vector.broadcast %convert_element_type3A_1841 : vector<128x1xf32> to vector<128x32xf32>
    %mul3A_1844 = vector.broadcast %slice3A_1842 : vector<1x32xf32> to vector<128x32xf32>
    %mul3A_1845 = arith.mulf %mul3A_1843, %mul3A_1844 : vector<128x32xf32>
    %add3A_1846 = arith.addf %add3A_1836, %mul3A_1845 : vector<128x32xf32>
    %max3A_1847 = arith.constant 0.000000e+00 : f32
    %max3A_1848 = vector.broadcast %max3A_1847 : f32 to vector<128x32xf32>
    %max3A_1849 = arith.maximumf %add3A_1846, %max3A_1848 : vector<128x32xf32>
    %max3A_1850 = arith.maximumf %max3A_1745, %max3A_1849 : vector<128x32xf32>
    %get3A_1851 = arith.constant 256 : index
    %get3A_1852 = arith.constant 0 : index
    %get3A_1853 = vector.load %arg12[%get3A_1851, %get3A_1852] : memref<864x128xf32, #tpu.memory_space<vmem>>, vector<32x128xf32>
    %dot_general3A_1854 = arith.constant dense<0.000000e+00> : vector<128x128xf32>
    %dot_general3A_1855 = tpu.matmul %max3A_1850, %get3A_1853, %dot_general3A_1854 {dimension_numbers = #tpu.dot_dimension_numbers<[1], [0], [0], [1], [0, 0, 1, 1], [], []>, transpose_lhs_hint = false} : vector<128x32xf32>, vector<32x128xf32>, vector<128x128xf32> -> vector<128x128xf32>
    %add3A_1856 = arith.addf %add3A_1752, %dot_general3A_1855 : vector<128x128xf32>
    %slice3A_1857 = vector.extract_strided_slice %get3A_826 {offsets = [0, 10], sizes = [128, 1], strides = [1, 1]} : vector<128x30xi32> to vector<128x1xi32>
    %eq3A_1858 = arith.constant 0 : i32
    %eq3A_1859 = vector.broadcast %eq3A_1858 : i32 to vector<128x1xi32>
    %eq3A_1860 = arith.cmpi eq, %slice3A_1857, %eq3A_1859 : vector<128x1xi32>
    %convert_element_type3A_1861 = arith.extui %eq3A_1860 : vector<128x1xi1> to vector<128x1xi32>
    %convert_element_type3A_1862 = arith.sitofp %convert_element_type3A_1861 : vector<128x1xi32> to vector<128x1xf32>
    %slice3A_1863 = vector.extract_strided_slice %dot_general3A_806 {offsets = [0, 0], sizes = [1, 32], strides = [1, 1]} : vector<3x32xf32> to vector<1x32xf32>
    %mul3A_1864 = vector.broadcast %convert_element_type3A_1862 : vector<128x1xf32> to vector<128x32xf32>
    %mul3A_1865 = vector.broadcast %slice3A_1863 : vector<1x32xf32> to vector<128x32xf32>
    %mul3A_1866 = arith.mulf %mul3A_1864, %mul3A_1865 : vector<128x32xf32>
    %add3A_1867 = vector.broadcast %get3A_823 : vector<1x32xf32> to vector<128x32xf32>
    %add3A_1868 = arith.addf %add3A_1867, %mul3A_1866 : vector<128x32xf32>
    %eq3A_1869 = arith.constant 1 : i32
    %eq3A_1870 = vector.broadcast %eq3A_1869 : i32 to vector<128x1xi32>
    %eq3A_1871 = arith.cmpi eq, %slice3A_1857, %eq3A_1870 : vector<128x1xi32>
    %convert_element_type3A_1872 = arith.extui %eq3A_1871 : vector<128x1xi1> to vector<128x1xi32>
    %convert_element_type3A_1873 = arith.sitofp %convert_element_type3A_1872 : vector<128x1xi32> to vector<128x1xf32>
    %slice3A_1874 = vector.extract_strided_slice %dot_general3A_806 {offsets = [1, 0], sizes = [1, 32], strides = [1, 1]} : vector<3x32xf32> to vector<1x32xf32>
    %mul3A_1875 = vector.broadcast %convert_element_type3A_1873 : vector<128x1xf32> to vector<128x32xf32>
    %mul3A_1876 = vector.broadcast %slice3A_1874 : vector<1x32xf32> to vector<128x32xf32>
    %mul3A_1877 = arith.mulf %mul3A_1875, %mul3A_1876 : vector<128x32xf32>
    %add3A_1878 = arith.addf %add3A_1868, %mul3A_1877 : vector<128x32xf32>
    %eq3A_1879 = arith.constant 2 : i32
    %eq3A_1880 = vector.broadcast %eq3A_1879 : i32 to vector<128x1xi32>
    %eq3A_1881 = arith.cmpi eq, %slice3A_1857, %eq3A_1880 : vector<128x1xi32>
    %convert_element_type3A_1882 = arith.extui %eq3A_1881 : vector<128x1xi1> to vector<128x1xi32>
    %convert_element_type3A_1883 = arith.sitofp %convert_element_type3A_1882 : vector<128x1xi32> to vector<128x1xf32>
    %slice3A_1884 = vector.extract_strided_slice %dot_general3A_806 {offsets = [2, 0], sizes = [1, 32], strides = [1, 1]} : vector<3x32xf32> to vector<1x32xf32>
    %mul3A_1885 = vector.broadcast %convert_element_type3A_1883 : vector<128x1xf32> to vector<128x32xf32>
    %mul3A_1886 = vector.broadcast %slice3A_1884 : vector<1x32xf32> to vector<128x32xf32>
    %mul3A_1887 = arith.mulf %mul3A_1885, %mul3A_1886 : vector<128x32xf32>
    %add3A_1888 = arith.addf %add3A_1878, %mul3A_1887 : vector<128x32xf32>
    %slice3A_1889 = vector.extract_strided_slice %get3A_826 {offsets = [0, 11], sizes = [128, 1], strides = [1, 1]} : vector<128x30xi32> to vector<128x1xi32>
    %eq3A_1890 = arith.constant 0 : i32
    %eq3A_1891 = vector.broadcast %eq3A_1890 : i32 to vector<128x1xi32>
    %eq3A_1892 = arith.cmpi eq, %slice3A_1889, %eq3A_1891 : vector<128x1xi32>
    %convert_element_type3A_1893 = arith.extui %eq3A_1892 : vector<128x1xi1> to vector<128x1xi32>
    %convert_element_type3A_1894 = arith.sitofp %convert_element_type3A_1893 : vector<128x1xi32> to vector<128x1xf32>
    %slice3A_1895 = vector.extract_strided_slice %dot_general3A_813 {offsets = [0, 0], sizes = [1, 32], strides = [1, 1]} : vector<3x32xf32> to vector<1x32xf32>
    %mul3A_1896 = vector.broadcast %convert_element_type3A_1894 : vector<128x1xf32> to vector<128x32xf32>
    %mul3A_1897 = vector.broadcast %slice3A_1895 : vector<1x32xf32> to vector<128x32xf32>
    %mul3A_1898 = arith.mulf %mul3A_1896, %mul3A_1897 : vector<128x32xf32>
    %add3A_1899 = arith.addf %add3A_1888, %mul3A_1898 : vector<128x32xf32>
    %eq3A_1900 = arith.constant 1 : i32
    %eq3A_1901 = vector.broadcast %eq3A_1900 : i32 to vector<128x1xi32>
    %eq3A_1902 = arith.cmpi eq, %slice3A_1889, %eq3A_1901 : vector<128x1xi32>
    %convert_element_type3A_1903 = arith.extui %eq3A_1902 : vector<128x1xi1> to vector<128x1xi32>
    %convert_element_type3A_1904 = arith.sitofp %convert_element_type3A_1903 : vector<128x1xi32> to vector<128x1xf32>
    %slice3A_1905 = vector.extract_strided_slice %dot_general3A_813 {offsets = [1, 0], sizes = [1, 32], strides = [1, 1]} : vector<3x32xf32> to vector<1x32xf32>
    %mul3A_1906 = vector.broadcast %convert_element_type3A_1904 : vector<128x1xf32> to vector<128x32xf32>
    %mul3A_1907 = vector.broadcast %slice3A_1905 : vector<1x32xf32> to vector<128x32xf32>
    %mul3A_1908 = arith.mulf %mul3A_1906, %mul3A_1907 : vector<128x32xf32>
    %add3A_1909 = arith.addf %add3A_1899, %mul3A_1908 : vector<128x32xf32>
    %eq3A_1910 = arith.constant 2 : i32
    %eq3A_1911 = vector.broadcast %eq3A_1910 : i32 to vector<128x1xi32>
    %eq3A_1912 = arith.cmpi eq, %slice3A_1889, %eq3A_1911 : vector<128x1xi32>
    %convert_element_type3A_1913 = arith.extui %eq3A_1912 : vector<128x1xi1> to vector<128x1xi32>
    %convert_element_type3A_1914 = arith.sitofp %convert_element_type3A_1913 : vector<128x1xi32> to vector<128x1xf32>
    %slice3A_1915 = vector.extract_strided_slice %dot_general3A_813 {offsets = [2, 0], sizes = [1, 32], strides = [1, 1]} : vector<3x32xf32> to vector<1x32xf32>
    %mul3A_1916 = vector.broadcast %convert_element_type3A_1914 : vector<128x1xf32> to vector<128x32xf32>
    %mul3A_1917 = vector.broadcast %slice3A_1915 : vector<1x32xf32> to vector<128x32xf32>
    %mul3A_1918 = arith.mulf %mul3A_1916, %mul3A_1917 : vector<128x32xf32>
    %add3A_1919 = arith.addf %add3A_1909, %mul3A_1918 : vector<128x32xf32>
    %slice3A_1920 = vector.extract_strided_slice %get3A_826 {offsets = [0, 12], sizes = [128, 1], strides = [1, 1]} : vector<128x30xi32> to vector<128x1xi32>
    %eq3A_1921 = arith.constant 0 : i32
    %eq3A_1922 = vector.broadcast %eq3A_1921 : i32 to vector<128x1xi32>
    %eq3A_1923 = arith.cmpi eq, %slice3A_1920, %eq3A_1922 : vector<128x1xi32>
    %convert_element_type3A_1924 = arith.extui %eq3A_1923 : vector<128x1xi1> to vector<128x1xi32>
    %convert_element_type3A_1925 = arith.sitofp %convert_element_type3A_1924 : vector<128x1xi32> to vector<128x1xf32>
    %slice3A_1926 = vector.extract_strided_slice %dot_general3A_820 {offsets = [0, 0], sizes = [1, 32], strides = [1, 1]} : vector<3x32xf32> to vector<1x32xf32>
    %mul3A_1927 = vector.broadcast %convert_element_type3A_1925 : vector<128x1xf32> to vector<128x32xf32>
    %mul3A_1928 = vector.broadcast %slice3A_1926 : vector<1x32xf32> to vector<128x32xf32>
    %mul3A_1929 = arith.mulf %mul3A_1927, %mul3A_1928 : vector<128x32xf32>
    %add3A_1930 = arith.addf %add3A_1919, %mul3A_1929 : vector<128x32xf32>
    %eq3A_1931 = arith.constant 1 : i32
    %eq3A_1932 = vector.broadcast %eq3A_1931 : i32 to vector<128x1xi32>
    %eq3A_1933 = arith.cmpi eq, %slice3A_1920, %eq3A_1932 : vector<128x1xi32>
    %convert_element_type3A_1934 = arith.extui %eq3A_1933 : vector<128x1xi1> to vector<128x1xi32>
    %convert_element_type3A_1935 = arith.sitofp %convert_element_type3A_1934 : vector<128x1xi32> to vector<128x1xf32>
    %slice3A_1936 = vector.extract_strided_slice %dot_general3A_820 {offsets = [1, 0], sizes = [1, 32], strides = [1, 1]} : vector<3x32xf32> to vector<1x32xf32>
    %mul3A_1937 = vector.broadcast %convert_element_type3A_1935 : vector<128x1xf32> to vector<128x32xf32>
    %mul3A_1938 = vector.broadcast %slice3A_1936 : vector<1x32xf32> to vector<128x32xf32>
    %mul3A_1939 = arith.mulf %mul3A_1937, %mul3A_1938 : vector<128x32xf32>
    %add3A_1940 = arith.addf %add3A_1930, %mul3A_1939 : vector<128x32xf32>
    %eq3A_1941 = arith.constant 2 : i32
    %eq3A_1942 = vector.broadcast %eq3A_1941 : i32 to vector<128x1xi32>
    %eq3A_1943 = arith.cmpi eq, %slice3A_1920, %eq3A_1942 : vector<128x1xi32>
    %convert_element_type3A_1944 = arith.extui %eq3A_1943 : vector<128x1xi1> to vector<128x1xi32>
    %convert_element_type3A_1945 = arith.sitofp %convert_element_type3A_1944 : vector<128x1xi32> to vector<128x1xf32>
    %slice3A_1946 = vector.extract_strided_slice %dot_general3A_820 {offsets = [2, 0], sizes = [1, 32], strides = [1, 1]} : vector<3x32xf32> to vector<1x32xf32>
    %mul3A_1947 = vector.broadcast %convert_element_type3A_1945 : vector<128x1xf32> to vector<128x32xf32>
    %mul3A_1948 = vector.broadcast %slice3A_1946 : vector<1x32xf32> to vector<128x32xf32>
    %mul3A_1949 = arith.mulf %mul3A_1947, %mul3A_1948 : vector<128x32xf32>
    %add3A_1950 = arith.addf %add3A_1940, %mul3A_1949 : vector<128x32xf32>
    %max3A_1951 = arith.constant 0.000000e+00 : f32
    %max3A_1952 = vector.broadcast %max3A_1951 : f32 to vector<128x32xf32>
    %max3A_1953 = arith.maximumf %add3A_1950, %max3A_1952 : vector<128x32xf32>
    %max3A_1954 = arith.maximumf %max3A_1849, %max3A_1953 : vector<128x32xf32>
    %get3A_1955 = arith.constant 288 : index
    %get3A_1956 = arith.constant 0 : index
    %get3A_1957 = vector.load %arg12[%get3A_1955, %get3A_1956] : memref<864x128xf32, #tpu.memory_space<vmem>>, vector<32x128xf32>
    %dot_general3A_1958 = arith.constant dense<0.000000e+00> : vector<128x128xf32>
    %dot_general3A_1959 = tpu.matmul %max3A_1954, %get3A_1957, %dot_general3A_1958 {dimension_numbers = #tpu.dot_dimension_numbers<[1], [0], [0], [1], [0, 0, 1, 1], [], []>, transpose_lhs_hint = false} : vector<128x32xf32>, vector<32x128xf32>, vector<128x128xf32> -> vector<128x128xf32>
    %add3A_1960 = arith.addf %add3A_1856, %dot_general3A_1959 : vector<128x128xf32>
    %slice3A_1961 = vector.extract_strided_slice %get3A_826 {offsets = [0, 11], sizes = [128, 1], strides = [1, 1]} : vector<128x30xi32> to vector<128x1xi32>
    %eq3A_1962 = arith.constant 0 : i32
    %eq3A_1963 = vector.broadcast %eq3A_1962 : i32 to vector<128x1xi32>
    %eq3A_1964 = arith.cmpi eq, %slice3A_1961, %eq3A_1963 : vector<128x1xi32>
    %convert_element_type3A_1965 = arith.extui %eq3A_1964 : vector<128x1xi1> to vector<128x1xi32>
    %convert_element_type3A_1966 = arith.sitofp %convert_element_type3A_1965 : vector<128x1xi32> to vector<128x1xf32>
    %slice3A_1967 = vector.extract_strided_slice %dot_general3A_806 {offsets = [0, 0], sizes = [1, 32], strides = [1, 1]} : vector<3x32xf32> to vector<1x32xf32>
    %mul3A_1968 = vector.broadcast %convert_element_type3A_1966 : vector<128x1xf32> to vector<128x32xf32>
    %mul3A_1969 = vector.broadcast %slice3A_1967 : vector<1x32xf32> to vector<128x32xf32>
    %mul3A_1970 = arith.mulf %mul3A_1968, %mul3A_1969 : vector<128x32xf32>
    %add3A_1971 = vector.broadcast %get3A_823 : vector<1x32xf32> to vector<128x32xf32>
    %add3A_1972 = arith.addf %add3A_1971, %mul3A_1970 : vector<128x32xf32>
    %eq3A_1973 = arith.constant 1 : i32
    %eq3A_1974 = vector.broadcast %eq3A_1973 : i32 to vector<128x1xi32>
    %eq3A_1975 = arith.cmpi eq, %slice3A_1961, %eq3A_1974 : vector<128x1xi32>
    %convert_element_type3A_1976 = arith.extui %eq3A_1975 : vector<128x1xi1> to vector<128x1xi32>
    %convert_element_type3A_1977 = arith.sitofp %convert_element_type3A_1976 : vector<128x1xi32> to vector<128x1xf32>
    %slice3A_1978 = vector.extract_strided_slice %dot_general3A_806 {offsets = [1, 0], sizes = [1, 32], strides = [1, 1]} : vector<3x32xf32> to vector<1x32xf32>
    %mul3A_1979 = vector.broadcast %convert_element_type3A_1977 : vector<128x1xf32> to vector<128x32xf32>
    %mul3A_1980 = vector.broadcast %slice3A_1978 : vector<1x32xf32> to vector<128x32xf32>
    %mul3A_1981 = arith.mulf %mul3A_1979, %mul3A_1980 : vector<128x32xf32>
    %add3A_1982 = arith.addf %add3A_1972, %mul3A_1981 : vector<128x32xf32>
    %eq3A_1983 = arith.constant 2 : i32
    %eq3A_1984 = vector.broadcast %eq3A_1983 : i32 to vector<128x1xi32>
    %eq3A_1985 = arith.cmpi eq, %slice3A_1961, %eq3A_1984 : vector<128x1xi32>
    %convert_element_type3A_1986 = arith.extui %eq3A_1985 : vector<128x1xi1> to vector<128x1xi32>
    %convert_element_type3A_1987 = arith.sitofp %convert_element_type3A_1986 : vector<128x1xi32> to vector<128x1xf32>
    %slice3A_1988 = vector.extract_strided_slice %dot_general3A_806 {offsets = [2, 0], sizes = [1, 32], strides = [1, 1]} : vector<3x32xf32> to vector<1x32xf32>
    %mul3A_1989 = vector.broadcast %convert_element_type3A_1987 : vector<128x1xf32> to vector<128x32xf32>
    %mul3A_1990 = vector.broadcast %slice3A_1988 : vector<1x32xf32> to vector<128x32xf32>
    %mul3A_1991 = arith.mulf %mul3A_1989, %mul3A_1990 : vector<128x32xf32>
    %add3A_1992 = arith.addf %add3A_1982, %mul3A_1991 : vector<128x32xf32>
    %slice3A_1993 = vector.extract_strided_slice %get3A_826 {offsets = [0, 12], sizes = [128, 1], strides = [1, 1]} : vector<128x30xi32> to vector<128x1xi32>
    %eq3A_1994 = arith.constant 0 : i32
    %eq3A_1995 = vector.broadcast %eq3A_1994 : i32 to vector<128x1xi32>
    %eq3A_1996 = arith.cmpi eq, %slice3A_1993, %eq3A_1995 : vector<128x1xi32>
    %convert_element_type3A_1997 = arith.extui %eq3A_1996 : vector<128x1xi1> to vector<128x1xi32>
    %convert_element_type3A_1998 = arith.sitofp %convert_element_type3A_1997 : vector<128x1xi32> to vector<128x1xf32>
    %slice3A_1999 = vector.extract_strided_slice %dot_general3A_813 {offsets = [0, 0], sizes = [1, 32], strides = [1, 1]} : vector<3x32xf32> to vector<1x32xf32>
    %mul3A_2000 = vector.broadcast %convert_element_type3A_1998 : vector<128x1xf32> to vector<128x32xf32>
    %mul3A_2001 = vector.broadcast %slice3A_1999 : vector<1x32xf32> to vector<128x32xf32>
    %mul3A_2002 = arith.mulf %mul3A_2000, %mul3A_2001 : vector<128x32xf32>
    %add3A_2003 = arith.addf %add3A_1992, %mul3A_2002 : vector<128x32xf32>
    %eq3A_2004 = arith.constant 1 : i32
    %eq3A_2005 = vector.broadcast %eq3A_2004 : i32 to vector<128x1xi32>
    %eq3A_2006 = arith.cmpi eq, %slice3A_1993, %eq3A_2005 : vector<128x1xi32>
    %convert_element_type3A_2007 = arith.extui %eq3A_2006 : vector<128x1xi1> to vector<128x1xi32>
    %convert_element_type3A_2008 = arith.sitofp %convert_element_type3A_2007 : vector<128x1xi32> to vector<128x1xf32>
    %slice3A_2009 = vector.extract_strided_slice %dot_general3A_813 {offsets = [1, 0], sizes = [1, 32], strides = [1, 1]} : vector<3x32xf32> to vector<1x32xf32>
    %mul3A_2010 = vector.broadcast %convert_element_type3A_2008 : vector<128x1xf32> to vector<128x32xf32>
    %mul3A_2011 = vector.broadcast %slice3A_2009 : vector<1x32xf32> to vector<128x32xf32>
    %mul3A_2012 = arith.mulf %mul3A_2010, %mul3A_2011 : vector<128x32xf32>
    %add3A_2013 = arith.addf %add3A_2003, %mul3A_2012 : vector<128x32xf32>
    %eq3A_2014 = arith.constant 2 : i32
    %eq3A_2015 = vector.broadcast %eq3A_2014 : i32 to vector<128x1xi32>
    %eq3A_2016 = arith.cmpi eq, %slice3A_1993, %eq3A_2015 : vector<128x1xi32>
    %convert_element_type3A_2017 = arith.extui %eq3A_2016 : vector<128x1xi1> to vector<128x1xi32>
    %convert_element_type3A_2018 = arith.sitofp %convert_element_type3A_2017 : vector<128x1xi32> to vector<128x1xf32>
    %slice3A_2019 = vector.extract_strided_slice %dot_general3A_813 {offsets = [2, 0], sizes = [1, 32], strides = [1, 1]} : vector<3x32xf32> to vector<1x32xf32>
    %mul3A_2020 = vector.broadcast %convert_element_type3A_2018 : vector<128x1xf32> to vector<128x32xf32>
    %mul3A_2021 = vector.broadcast %slice3A_2019 : vector<1x32xf32> to vector<128x32xf32>
    %mul3A_2022 = arith.mulf %mul3A_2020, %mul3A_2021 : vector<128x32xf32>
    %add3A_2023 = arith.addf %add3A_2013, %mul3A_2022 : vector<128x32xf32>
    %slice3A_2024 = vector.extract_strided_slice %get3A_826 {offsets = [0, 13], sizes = [128, 1], strides = [1, 1]} : vector<128x30xi32> to vector<128x1xi32>
    %eq3A_2025 = arith.constant 0 : i32
    %eq3A_2026 = vector.broadcast %eq3A_2025 : i32 to vector<128x1xi32>
    %eq3A_2027 = arith.cmpi eq, %slice3A_2024, %eq3A_2026 : vector<128x1xi32>
    %convert_element_type3A_2028 = arith.extui %eq3A_2027 : vector<128x1xi1> to vector<128x1xi32>
    %convert_element_type3A_2029 = arith.sitofp %convert_element_type3A_2028 : vector<128x1xi32> to vector<128x1xf32>
    %slice3A_2030 = vector.extract_strided_slice %dot_general3A_820 {offsets = [0, 0], sizes = [1, 32], strides = [1, 1]} : vector<3x32xf32> to vector<1x32xf32>
    %mul3A_2031 = vector.broadcast %convert_element_type3A_2029 : vector<128x1xf32> to vector<128x32xf32>
    %mul3A_2032 = vector.broadcast %slice3A_2030 : vector<1x32xf32> to vector<128x32xf32>
    %mul3A_2033 = arith.mulf %mul3A_2031, %mul3A_2032 : vector<128x32xf32>
    %add3A_2034 = arith.addf %add3A_2023, %mul3A_2033 : vector<128x32xf32>
    %eq3A_2035 = arith.constant 1 : i32
    %eq3A_2036 = vector.broadcast %eq3A_2035 : i32 to vector<128x1xi32>
    %eq3A_2037 = arith.cmpi eq, %slice3A_2024, %eq3A_2036 : vector<128x1xi32>
    %convert_element_type3A_2038 = arith.extui %eq3A_2037 : vector<128x1xi1> to vector<128x1xi32>
    %convert_element_type3A_2039 = arith.sitofp %convert_element_type3A_2038 : vector<128x1xi32> to vector<128x1xf32>
    %slice3A_2040 = vector.extract_strided_slice %dot_general3A_820 {offsets = [1, 0], sizes = [1, 32], strides = [1, 1]} : vector<3x32xf32> to vector<1x32xf32>
    %mul3A_2041 = vector.broadcast %convert_element_type3A_2039 : vector<128x1xf32> to vector<128x32xf32>
    %mul3A_2042 = vector.broadcast %slice3A_2040 : vector<1x32xf32> to vector<128x32xf32>
    %mul3A_2043 = arith.mulf %mul3A_2041, %mul3A_2042 : vector<128x32xf32>
    %add3A_2044 = arith.addf %add3A_2034, %mul3A_2043 : vector<128x32xf32>
    %eq3A_2045 = arith.constant 2 : i32
    %eq3A_2046 = vector.broadcast %eq3A_2045 : i32 to vector<128x1xi32>
    %eq3A_2047 = arith.cmpi eq, %slice3A_2024, %eq3A_2046 : vector<128x1xi32>
    %convert_element_type3A_2048 = arith.extui %eq3A_2047 : vector<128x1xi1> to vector<128x1xi32>
    %convert_element_type3A_2049 = arith.sitofp %convert_element_type3A_2048 : vector<128x1xi32> to vector<128x1xf32>
    %slice3A_2050 = vector.extract_strided_slice %dot_general3A_820 {offsets = [2, 0], sizes = [1, 32], strides = [1, 1]} : vector<3x32xf32> to vector<1x32xf32>
    %mul3A_2051 = vector.broadcast %convert_element_type3A_2049 : vector<128x1xf32> to vector<128x32xf32>
    %mul3A_2052 = vector.broadcast %slice3A_2050 : vector<1x32xf32> to vector<128x32xf32>
    %mul3A_2053 = arith.mulf %mul3A_2051, %mul3A_2052 : vector<128x32xf32>
    %add3A_2054 = arith.addf %add3A_2044, %mul3A_2053 : vector<128x32xf32>
    %max3A_2055 = arith.constant 0.000000e+00 : f32
    %max3A_2056 = vector.broadcast %max3A_2055 : f32 to vector<128x32xf32>
    %max3A_2057 = arith.maximumf %add3A_2054, %max3A_2056 : vector<128x32xf32>
    %max3A_2058 = arith.maximumf %max3A_1953, %max3A_2057 : vector<128x32xf32>
    %get3A_2059 = arith.constant 320 : index
    %get3A_2060 = arith.constant 0 : index
    %get3A_2061 = vector.load %arg12[%get3A_2059, %get3A_2060] : memref<864x128xf32, #tpu.memory_space<vmem>>, vector<32x128xf32>
    %dot_general3A_2062 = arith.constant dense<0.000000e+00> : vector<128x128xf32>
    %dot_general3A_2063 = tpu.matmul %max3A_2058, %get3A_2061, %dot_general3A_2062 {dimension_numbers = #tpu.dot_dimension_numbers<[1], [0], [0], [1], [0, 0, 1, 1], [], []>, transpose_lhs_hint = false} : vector<128x32xf32>, vector<32x128xf32>, vector<128x128xf32> -> vector<128x128xf32>
    %add3A_2064 = arith.addf %add3A_1960, %dot_general3A_2063 : vector<128x128xf32>
    %slice3A_2065 = vector.extract_strided_slice %get3A_826 {offsets = [0, 12], sizes = [128, 1], strides = [1, 1]} : vector<128x30xi32> to vector<128x1xi32>
    %eq3A_2066 = arith.constant 0 : i32
    %eq3A_2067 = vector.broadcast %eq3A_2066 : i32 to vector<128x1xi32>
    %eq3A_2068 = arith.cmpi eq, %slice3A_2065, %eq3A_2067 : vector<128x1xi32>
    %convert_element_type3A_2069 = arith.extui %eq3A_2068 : vector<128x1xi1> to vector<128x1xi32>
    %convert_element_type3A_2070 = arith.sitofp %convert_element_type3A_2069 : vector<128x1xi32> to vector<128x1xf32>
    %slice3A_2071 = vector.extract_strided_slice %dot_general3A_806 {offsets = [0, 0], sizes = [1, 32], strides = [1, 1]} : vector<3x32xf32> to vector<1x32xf32>
    %mul3A_2072 = vector.broadcast %convert_element_type3A_2070 : vector<128x1xf32> to vector<128x32xf32>
    %mul3A_2073 = vector.broadcast %slice3A_2071 : vector<1x32xf32> to vector<128x32xf32>
    %mul3A_2074 = arith.mulf %mul3A_2072, %mul3A_2073 : vector<128x32xf32>
    %add3A_2075 = vector.broadcast %get3A_823 : vector<1x32xf32> to vector<128x32xf32>
    %add3A_2076 = arith.addf %add3A_2075, %mul3A_2074 : vector<128x32xf32>
    %eq3A_2077 = arith.constant 1 : i32
    %eq3A_2078 = vector.broadcast %eq3A_2077 : i32 to vector<128x1xi32>
    %eq3A_2079 = arith.cmpi eq, %slice3A_2065, %eq3A_2078 : vector<128x1xi32>
    %convert_element_type3A_2080 = arith.extui %eq3A_2079 : vector<128x1xi1> to vector<128x1xi32>
    %convert_element_type3A_2081 = arith.sitofp %convert_element_type3A_2080 : vector<128x1xi32> to vector<128x1xf32>
    %slice3A_2082 = vector.extract_strided_slice %dot_general3A_806 {offsets = [1, 0], sizes = [1, 32], strides = [1, 1]} : vector<3x32xf32> to vector<1x32xf32>
    %mul3A_2083 = vector.broadcast %convert_element_type3A_2081 : vector<128x1xf32> to vector<128x32xf32>
    %mul3A_2084 = vector.broadcast %slice3A_2082 : vector<1x32xf32> to vector<128x32xf32>
    %mul3A_2085 = arith.mulf %mul3A_2083, %mul3A_2084 : vector<128x32xf32>
    %add3A_2086 = arith.addf %add3A_2076, %mul3A_2085 : vector<128x32xf32>
    %eq3A_2087 = arith.constant 2 : i32
    %eq3A_2088 = vector.broadcast %eq3A_2087 : i32 to vector<128x1xi32>
    %eq3A_2089 = arith.cmpi eq, %slice3A_2065, %eq3A_2088 : vector<128x1xi32>
    %convert_element_type3A_2090 = arith.extui %eq3A_2089 : vector<128x1xi1> to vector<128x1xi32>
    %convert_element_type3A_2091 = arith.sitofp %convert_element_type3A_2090 : vector<128x1xi32> to vector<128x1xf32>
    %slice3A_2092 = vector.extract_strided_slice %dot_general3A_806 {offsets = [2, 0], sizes = [1, 32], strides = [1, 1]} : vector<3x32xf32> to vector<1x32xf32>
    %mul3A_2093 = vector.broadcast %convert_element_type3A_2091 : vector<128x1xf32> to vector<128x32xf32>
    %mul3A_2094 = vector.broadcast %slice3A_2092 : vector<1x32xf32> to vector<128x32xf32>
    %mul3A_2095 = arith.mulf %mul3A_2093, %mul3A_2094 : vector<128x32xf32>
    %add3A_2096 = arith.addf %add3A_2086, %mul3A_2095 : vector<128x32xf32>
    %slice3A_2097 = vector.extract_strided_slice %get3A_826 {offsets = [0, 13], sizes = [128, 1], strides = [1, 1]} : vector<128x30xi32> to vector<128x1xi32>
    %eq3A_2098 = arith.constant 0 : i32
    %eq3A_2099 = vector.broadcast %eq3A_2098 : i32 to vector<128x1xi32>
    %eq3A_2100 = arith.cmpi eq, %slice3A_2097, %eq3A_2099 : vector<128x1xi32>
    %convert_element_type3A_2101 = arith.extui %eq3A_2100 : vector<128x1xi1> to vector<128x1xi32>
    %convert_element_type3A_2102 = arith.sitofp %convert_element_type3A_2101 : vector<128x1xi32> to vector<128x1xf32>
    %slice3A_2103 = vector.extract_strided_slice %dot_general3A_813 {offsets = [0, 0], sizes = [1, 32], strides = [1, 1]} : vector<3x32xf32> to vector<1x32xf32>
    %mul3A_2104 = vector.broadcast %convert_element_type3A_2102 : vector<128x1xf32> to vector<128x32xf32>
    %mul3A_2105 = vector.broadcast %slice3A_2103 : vector<1x32xf32> to vector<128x32xf32>
    %mul3A_2106 = arith.mulf %mul3A_2104, %mul3A_2105 : vector<128x32xf32>
    %add3A_2107 = arith.addf %add3A_2096, %mul3A_2106 : vector<128x32xf32>
    %eq3A_2108 = arith.constant 1 : i32
    %eq3A_2109 = vector.broadcast %eq3A_2108 : i32 to vector<128x1xi32>
    %eq3A_2110 = arith.cmpi eq, %slice3A_2097, %eq3A_2109 : vector<128x1xi32>
    %convert_element_type3A_2111 = arith.extui %eq3A_2110 : vector<128x1xi1> to vector<128x1xi32>
    %convert_element_type3A_2112 = arith.sitofp %convert_element_type3A_2111 : vector<128x1xi32> to vector<128x1xf32>
    %slice3A_2113 = vector.extract_strided_slice %dot_general3A_813 {offsets = [1, 0], sizes = [1, 32], strides = [1, 1]} : vector<3x32xf32> to vector<1x32xf32>
    %mul3A_2114 = vector.broadcast %convert_element_type3A_2112 : vector<128x1xf32> to vector<128x32xf32>
    %mul3A_2115 = vector.broadcast %slice3A_2113 : vector<1x32xf32> to vector<128x32xf32>
    %mul3A_2116 = arith.mulf %mul3A_2114, %mul3A_2115 : vector<128x32xf32>
    %add3A_2117 = arith.addf %add3A_2107, %mul3A_2116 : vector<128x32xf32>
    %eq3A_2118 = arith.constant 2 : i32
    %eq3A_2119 = vector.broadcast %eq3A_2118 : i32 to vector<128x1xi32>
    %eq3A_2120 = arith.cmpi eq, %slice3A_2097, %eq3A_2119 : vector<128x1xi32>
    %convert_element_type3A_2121 = arith.extui %eq3A_2120 : vector<128x1xi1> to vector<128x1xi32>
    %convert_element_type3A_2122 = arith.sitofp %convert_element_type3A_2121 : vector<128x1xi32> to vector<128x1xf32>
    %slice3A_2123 = vector.extract_strided_slice %dot_general3A_813 {offsets = [2, 0], sizes = [1, 32], strides = [1, 1]} : vector<3x32xf32> to vector<1x32xf32>
    %mul3A_2124 = vector.broadcast %convert_element_type3A_2122 : vector<128x1xf32> to vector<128x32xf32>
    %mul3A_2125 = vector.broadcast %slice3A_2123 : vector<1x32xf32> to vector<128x32xf32>
    %mul3A_2126 = arith.mulf %mul3A_2124, %mul3A_2125 : vector<128x32xf32>
    %add3A_2127 = arith.addf %add3A_2117, %mul3A_2126 : vector<128x32xf32>
    %slice3A_2128 = vector.extract_strided_slice %get3A_826 {offsets = [0, 14], sizes = [128, 1], strides = [1, 1]} : vector<128x30xi32> to vector<128x1xi32>
    %eq3A_2129 = arith.constant 0 : i32
    %eq3A_2130 = vector.broadcast %eq3A_2129 : i32 to vector<128x1xi32>
    %eq3A_2131 = arith.cmpi eq, %slice3A_2128, %eq3A_2130 : vector<128x1xi32>
    %convert_element_type3A_2132 = arith.extui %eq3A_2131 : vector<128x1xi1> to vector<128x1xi32>
    %convert_element_type3A_2133 = arith.sitofp %convert_element_type3A_2132 : vector<128x1xi32> to vector<128x1xf32>
    %slice3A_2134 = vector.extract_strided_slice %dot_general3A_820 {offsets = [0, 0], sizes = [1, 32], strides = [1, 1]} : vector<3x32xf32> to vector<1x32xf32>
    %mul3A_2135 = vector.broadcast %convert_element_type3A_2133 : vector<128x1xf32> to vector<128x32xf32>
    %mul3A_2136 = vector.broadcast %slice3A_2134 : vector<1x32xf32> to vector<128x32xf32>
    %mul3A_2137 = arith.mulf %mul3A_2135, %mul3A_2136 : vector<128x32xf32>
    %add3A_2138 = arith.addf %add3A_2127, %mul3A_2137 : vector<128x32xf32>
    %eq3A_2139 = arith.constant 1 : i32
    %eq3A_2140 = vector.broadcast %eq3A_2139 : i32 to vector<128x1xi32>
    %eq3A_2141 = arith.cmpi eq, %slice3A_2128, %eq3A_2140 : vector<128x1xi32>
    %convert_element_type3A_2142 = arith.extui %eq3A_2141 : vector<128x1xi1> to vector<128x1xi32>
    %convert_element_type3A_2143 = arith.sitofp %convert_element_type3A_2142 : vector<128x1xi32> to vector<128x1xf32>
    %slice3A_2144 = vector.extract_strided_slice %dot_general3A_820 {offsets = [1, 0], sizes = [1, 32], strides = [1, 1]} : vector<3x32xf32> to vector<1x32xf32>
    %mul3A_2145 = vector.broadcast %convert_element_type3A_2143 : vector<128x1xf32> to vector<128x32xf32>
    %mul3A_2146 = vector.broadcast %slice3A_2144 : vector<1x32xf32> to vector<128x32xf32>
    %mul3A_2147 = arith.mulf %mul3A_2145, %mul3A_2146 : vector<128x32xf32>
    %add3A_2148 = arith.addf %add3A_2138, %mul3A_2147 : vector<128x32xf32>
    %eq3A_2149 = arith.constant 2 : i32
    %eq3A_2150 = vector.broadcast %eq3A_2149 : i32 to vector<128x1xi32>
    %eq3A_2151 = arith.cmpi eq, %slice3A_2128, %eq3A_2150 : vector<128x1xi32>
    %convert_element_type3A_2152 = arith.extui %eq3A_2151 : vector<128x1xi1> to vector<128x1xi32>
    %convert_element_type3A_2153 = arith.sitofp %convert_element_type3A_2152 : vector<128x1xi32> to vector<128x1xf32>
    %slice3A_2154 = vector.extract_strided_slice %dot_general3A_820 {offsets = [2, 0], sizes = [1, 32], strides = [1, 1]} : vector<3x32xf32> to vector<1x32xf32>
    %mul3A_2155 = vector.broadcast %convert_element_type3A_2153 : vector<128x1xf32> to vector<128x32xf32>
    %mul3A_2156 = vector.broadcast %slice3A_2154 : vector<1x32xf32> to vector<128x32xf32>
    %mul3A_2157 = arith.mulf %mul3A_2155, %mul3A_2156 : vector<128x32xf32>
    %add3A_2158 = arith.addf %add3A_2148, %mul3A_2157 : vector<128x32xf32>
    %max3A_2159 = arith.constant 0.000000e+00 : f32
    %max3A_2160 = vector.broadcast %max3A_2159 : f32 to vector<128x32xf32>
    %max3A_2161 = arith.maximumf %add3A_2158, %max3A_2160 : vector<128x32xf32>
    %max3A_2162 = arith.maximumf %max3A_2057, %max3A_2161 : vector<128x32xf32>
    %get3A_2163 = arith.constant 352 : index
    %get3A_2164 = arith.constant 0 : index
    %get3A_2165 = vector.load %arg12[%get3A_2163, %get3A_2164] : memref<864x128xf32, #tpu.memory_space<vmem>>, vector<32x128xf32>
    %dot_general3A_2166 = arith.constant dense<0.000000e+00> : vector<128x128xf32>
    %dot_general3A_2167 = tpu.matmul %max3A_2162, %get3A_2165, %dot_general3A_2166 {dimension_numbers = #tpu.dot_dimension_numbers<[1], [0], [0], [1], [0, 0, 1, 1], [], []>, transpose_lhs_hint = false} : vector<128x32xf32>, vector<32x128xf32>, vector<128x128xf32> -> vector<128x128xf32>
    %add3A_2168 = arith.addf %add3A_2064, %dot_general3A_2167 : vector<128x128xf32>
    %slice3A_2169 = vector.extract_strided_slice %get3A_826 {offsets = [0, 13], sizes = [128, 1], strides = [1, 1]} : vector<128x30xi32> to vector<128x1xi32>
    %eq3A_2170 = arith.constant 0 : i32
    %eq3A_2171 = vector.broadcast %eq3A_2170 : i32 to vector<128x1xi32>
    %eq3A_2172 = arith.cmpi eq, %slice3A_2169, %eq3A_2171 : vector<128x1xi32>
    %convert_element_type3A_2173 = arith.extui %eq3A_2172 : vector<128x1xi1> to vector<128x1xi32>
    %convert_element_type3A_2174 = arith.sitofp %convert_element_type3A_2173 : vector<128x1xi32> to vector<128x1xf32>
    %slice3A_2175 = vector.extract_strided_slice %dot_general3A_806 {offsets = [0, 0], sizes = [1, 32], strides = [1, 1]} : vector<3x32xf32> to vector<1x32xf32>
    %mul3A_2176 = vector.broadcast %convert_element_type3A_2174 : vector<128x1xf32> to vector<128x32xf32>
    %mul3A_2177 = vector.broadcast %slice3A_2175 : vector<1x32xf32> to vector<128x32xf32>
    %mul3A_2178 = arith.mulf %mul3A_2176, %mul3A_2177 : vector<128x32xf32>
    %add3A_2179 = vector.broadcast %get3A_823 : vector<1x32xf32> to vector<128x32xf32>
    %add3A_2180 = arith.addf %add3A_2179, %mul3A_2178 : vector<128x32xf32>
    %eq3A_2181 = arith.constant 1 : i32
    %eq3A_2182 = vector.broadcast %eq3A_2181 : i32 to vector<128x1xi32>
    %eq3A_2183 = arith.cmpi eq, %slice3A_2169, %eq3A_2182 : vector<128x1xi32>
    %convert_element_type3A_2184 = arith.extui %eq3A_2183 : vector<128x1xi1> to vector<128x1xi32>
    %convert_element_type3A_2185 = arith.sitofp %convert_element_type3A_2184 : vector<128x1xi32> to vector<128x1xf32>
    %slice3A_2186 = vector.extract_strided_slice %dot_general3A_806 {offsets = [1, 0], sizes = [1, 32], strides = [1, 1]} : vector<3x32xf32> to vector<1x32xf32>
    %mul3A_2187 = vector.broadcast %convert_element_type3A_2185 : vector<128x1xf32> to vector<128x32xf32>
    %mul3A_2188 = vector.broadcast %slice3A_2186 : vector<1x32xf32> to vector<128x32xf32>
    %mul3A_2189 = arith.mulf %mul3A_2187, %mul3A_2188 : vector<128x32xf32>
    %add3A_2190 = arith.addf %add3A_2180, %mul3A_2189 : vector<128x32xf32>
    %eq3A_2191 = arith.constant 2 : i32
    %eq3A_2192 = vector.broadcast %eq3A_2191 : i32 to vector<128x1xi32>
    %eq3A_2193 = arith.cmpi eq, %slice3A_2169, %eq3A_2192 : vector<128x1xi32>
    %convert_element_type3A_2194 = arith.extui %eq3A_2193 : vector<128x1xi1> to vector<128x1xi32>
    %convert_element_type3A_2195 = arith.sitofp %convert_element_type3A_2194 : vector<128x1xi32> to vector<128x1xf32>
    %slice3A_2196 = vector.extract_strided_slice %dot_general3A_806 {offsets = [2, 0], sizes = [1, 32], strides = [1, 1]} : vector<3x32xf32> to vector<1x32xf32>
    %mul3A_2197 = vector.broadcast %convert_element_type3A_2195 : vector<128x1xf32> to vector<128x32xf32>
    %mul3A_2198 = vector.broadcast %slice3A_2196 : vector<1x32xf32> to vector<128x32xf32>
    %mul3A_2199 = arith.mulf %mul3A_2197, %mul3A_2198 : vector<128x32xf32>
    %add3A_2200 = arith.addf %add3A_2190, %mul3A_2199 : vector<128x32xf32>
    %slice3A_2201 = vector.extract_strided_slice %get3A_826 {offsets = [0, 14], sizes = [128, 1], strides = [1, 1]} : vector<128x30xi32> to vector<128x1xi32>
    %eq3A_2202 = arith.constant 0 : i32
    %eq3A_2203 = vector.broadcast %eq3A_2202 : i32 to vector<128x1xi32>
    %eq3A_2204 = arith.cmpi eq, %slice3A_2201, %eq3A_2203 : vector<128x1xi32>
    %convert_element_type3A_2205 = arith.extui %eq3A_2204 : vector<128x1xi1> to vector<128x1xi32>
    %convert_element_type3A_2206 = arith.sitofp %convert_element_type3A_2205 : vector<128x1xi32> to vector<128x1xf32>
    %slice3A_2207 = vector.extract_strided_slice %dot_general3A_813 {offsets = [0, 0], sizes = [1, 32], strides = [1, 1]} : vector<3x32xf32> to vector<1x32xf32>
    %mul3A_2208 = vector.broadcast %convert_element_type3A_2206 : vector<128x1xf32> to vector<128x32xf32>
    %mul3A_2209 = vector.broadcast %slice3A_2207 : vector<1x32xf32> to vector<128x32xf32>
    %mul3A_2210 = arith.mulf %mul3A_2208, %mul3A_2209 : vector<128x32xf32>
    %add3A_2211 = arith.addf %add3A_2200, %mul3A_2210 : vector<128x32xf32>
    %eq3A_2212 = arith.constant 1 : i32
    %eq3A_2213 = vector.broadcast %eq3A_2212 : i32 to vector<128x1xi32>
    %eq3A_2214 = arith.cmpi eq, %slice3A_2201, %eq3A_2213 : vector<128x1xi32>
    %convert_element_type3A_2215 = arith.extui %eq3A_2214 : vector<128x1xi1> to vector<128x1xi32>
    %convert_element_type3A_2216 = arith.sitofp %convert_element_type3A_2215 : vector<128x1xi32> to vector<128x1xf32>
    %slice3A_2217 = vector.extract_strided_slice %dot_general3A_813 {offsets = [1, 0], sizes = [1, 32], strides = [1, 1]} : vector<3x32xf32> to vector<1x32xf32>
    %mul3A_2218 = vector.broadcast %convert_element_type3A_2216 : vector<128x1xf32> to vector<128x32xf32>
    %mul3A_2219 = vector.broadcast %slice3A_2217 : vector<1x32xf32> to vector<128x32xf32>
    %mul3A_2220 = arith.mulf %mul3A_2218, %mul3A_2219 : vector<128x32xf32>
    %add3A_2221 = arith.addf %add3A_2211, %mul3A_2220 : vector<128x32xf32>
    %eq3A_2222 = arith.constant 2 : i32
    %eq3A_2223 = vector.broadcast %eq3A_2222 : i32 to vector<128x1xi32>
    %eq3A_2224 = arith.cmpi eq, %slice3A_2201, %eq3A_2223 : vector<128x1xi32>
    %convert_element_type3A_2225 = arith.extui %eq3A_2224 : vector<128x1xi1> to vector<128x1xi32>
    %convert_element_type3A_2226 = arith.sitofp %convert_element_type3A_2225 : vector<128x1xi32> to vector<128x1xf32>
    %slice3A_2227 = vector.extract_strided_slice %dot_general3A_813 {offsets = [2, 0], sizes = [1, 32], strides = [1, 1]} : vector<3x32xf32> to vector<1x32xf32>
    %mul3A_2228 = vector.broadcast %convert_element_type3A_2226 : vector<128x1xf32> to vector<128x32xf32>
    %mul3A_2229 = vector.broadcast %slice3A_2227 : vector<1x32xf32> to vector<128x32xf32>
    %mul3A_2230 = arith.mulf %mul3A_2228, %mul3A_2229 : vector<128x32xf32>
    %add3A_2231 = arith.addf %add3A_2221, %mul3A_2230 : vector<128x32xf32>
    %slice3A_2232 = vector.extract_strided_slice %get3A_826 {offsets = [0, 15], sizes = [128, 1], strides = [1, 1]} : vector<128x30xi32> to vector<128x1xi32>
    %eq3A_2233 = arith.constant 0 : i32
    %eq3A_2234 = vector.broadcast %eq3A_2233 : i32 to vector<128x1xi32>
    %eq3A_2235 = arith.cmpi eq, %slice3A_2232, %eq3A_2234 : vector<128x1xi32>
    %convert_element_type3A_2236 = arith.extui %eq3A_2235 : vector<128x1xi1> to vector<128x1xi32>
    %convert_element_type3A_2237 = arith.sitofp %convert_element_type3A_2236 : vector<128x1xi32> to vector<128x1xf32>
    %slice3A_2238 = vector.extract_strided_slice %dot_general3A_820 {offsets = [0, 0], sizes = [1, 32], strides = [1, 1]} : vector<3x32xf32> to vector<1x32xf32>
    %mul3A_2239 = vector.broadcast %convert_element_type3A_2237 : vector<128x1xf32> to vector<128x32xf32>
    %mul3A_2240 = vector.broadcast %slice3A_2238 : vector<1x32xf32> to vector<128x32xf32>
    %mul3A_2241 = arith.mulf %mul3A_2239, %mul3A_2240 : vector<128x32xf32>
    %add3A_2242 = arith.addf %add3A_2231, %mul3A_2241 : vector<128x32xf32>
    %eq3A_2243 = arith.constant 1 : i32
    %eq3A_2244 = vector.broadcast %eq3A_2243 : i32 to vector<128x1xi32>
    %eq3A_2245 = arith.cmpi eq, %slice3A_2232, %eq3A_2244 : vector<128x1xi32>
    %convert_element_type3A_2246 = arith.extui %eq3A_2245 : vector<128x1xi1> to vector<128x1xi32>
    %convert_element_type3A_2247 = arith.sitofp %convert_element_type3A_2246 : vector<128x1xi32> to vector<128x1xf32>
    %slice3A_2248 = vector.extract_strided_slice %dot_general3A_820 {offsets = [1, 0], sizes = [1, 32], strides = [1, 1]} : vector<3x32xf32> to vector<1x32xf32>
    %mul3A_2249 = vector.broadcast %convert_element_type3A_2247 : vector<128x1xf32> to vector<128x32xf32>
    %mul3A_2250 = vector.broadcast %slice3A_2248 : vector<1x32xf32> to vector<128x32xf32>
    %mul3A_2251 = arith.mulf %mul3A_2249, %mul3A_2250 : vector<128x32xf32>
    %add3A_2252 = arith.addf %add3A_2242, %mul3A_2251 : vector<128x32xf32>
    %eq3A_2253 = arith.constant 2 : i32
    %eq3A_2254 = vector.broadcast %eq3A_2253 : i32 to vector<128x1xi32>
    %eq3A_2255 = arith.cmpi eq, %slice3A_2232, %eq3A_2254 : vector<128x1xi32>
    %convert_element_type3A_2256 = arith.extui %eq3A_2255 : vector<128x1xi1> to vector<128x1xi32>
    %convert_element_type3A_2257 = arith.sitofp %convert_element_type3A_2256 : vector<128x1xi32> to vector<128x1xf32>
    %slice3A_2258 = vector.extract_strided_slice %dot_general3A_820 {offsets = [2, 0], sizes = [1, 32], strides = [1, 1]} : vector<3x32xf32> to vector<1x32xf32>
    %mul3A_2259 = vector.broadcast %convert_element_type3A_2257 : vector<128x1xf32> to vector<128x32xf32>
    %mul3A_2260 = vector.broadcast %slice3A_2258 : vector<1x32xf32> to vector<128x32xf32>
    %mul3A_2261 = arith.mulf %mul3A_2259, %mul3A_2260 : vector<128x32xf32>
    %add3A_2262 = arith.addf %add3A_2252, %mul3A_2261 : vector<128x32xf32>
    %max3A_2263 = arith.constant 0.000000e+00 : f32
    %max3A_2264 = vector.broadcast %max3A_2263 : f32 to vector<128x32xf32>
    %max3A_2265 = arith.maximumf %add3A_2262, %max3A_2264 : vector<128x32xf32>
    %max3A_2266 = arith.maximumf %max3A_2161, %max3A_2265 : vector<128x32xf32>
    %get3A_2267 = arith.constant 384 : index
    %get3A_2268 = arith.constant 0 : index
    %get3A_2269 = vector.load %arg12[%get3A_2267, %get3A_2268] : memref<864x128xf32, #tpu.memory_space<vmem>>, vector<32x128xf32>
    %dot_general3A_2270 = arith.constant dense<0.000000e+00> : vector<128x128xf32>
    %dot_general3A_2271 = tpu.matmul %max3A_2266, %get3A_2269, %dot_general3A_2270 {dimension_numbers = #tpu.dot_dimension_numbers<[1], [0], [0], [1], [0, 0, 1, 1], [], []>, transpose_lhs_hint = false} : vector<128x32xf32>, vector<32x128xf32>, vector<128x128xf32> -> vector<128x128xf32>
    %add3A_2272 = arith.addf %add3A_2168, %dot_general3A_2271 : vector<128x128xf32>
    %slice3A_2273 = vector.extract_strided_slice %get3A_826 {offsets = [0, 14], sizes = [128, 1], strides = [1, 1]} : vector<128x30xi32> to vector<128x1xi32>
    %eq3A_2274 = arith.constant 0 : i32
    %eq3A_2275 = vector.broadcast %eq3A_2274 : i32 to vector<128x1xi32>
    %eq3A_2276 = arith.cmpi eq, %slice3A_2273, %eq3A_2275 : vector<128x1xi32>
    %convert_element_type3A_2277 = arith.extui %eq3A_2276 : vector<128x1xi1> to vector<128x1xi32>
    %convert_element_type3A_2278 = arith.sitofp %convert_element_type3A_2277 : vector<128x1xi32> to vector<128x1xf32>
    %slice3A_2279 = vector.extract_strided_slice %dot_general3A_806 {offsets = [0, 0], sizes = [1, 32], strides = [1, 1]} : vector<3x32xf32> to vector<1x32xf32>
    %mul3A_2280 = vector.broadcast %convert_element_type3A_2278 : vector<128x1xf32> to vector<128x32xf32>
    %mul3A_2281 = vector.broadcast %slice3A_2279 : vector<1x32xf32> to vector<128x32xf32>
    %mul3A_2282 = arith.mulf %mul3A_2280, %mul3A_2281 : vector<128x32xf32>
    %add3A_2283 = vector.broadcast %get3A_823 : vector<1x32xf32> to vector<128x32xf32>
    %add3A_2284 = arith.addf %add3A_2283, %mul3A_2282 : vector<128x32xf32>
    %eq3A_2285 = arith.constant 1 : i32
    %eq3A_2286 = vector.broadcast %eq3A_2285 : i32 to vector<128x1xi32>
    %eq3A_2287 = arith.cmpi eq, %slice3A_2273, %eq3A_2286 : vector<128x1xi32>
    %convert_element_type3A_2288 = arith.extui %eq3A_2287 : vector<128x1xi1> to vector<128x1xi32>
    %convert_element_type3A_2289 = arith.sitofp %convert_element_type3A_2288 : vector<128x1xi32> to vector<128x1xf32>
    %slice3A_2290 = vector.extract_strided_slice %dot_general3A_806 {offsets = [1, 0], sizes = [1, 32], strides = [1, 1]} : vector<3x32xf32> to vector<1x32xf32>
    %mul3A_2291 = vector.broadcast %convert_element_type3A_2289 : vector<128x1xf32> to vector<128x32xf32>
    %mul3A_2292 = vector.broadcast %slice3A_2290 : vector<1x32xf32> to vector<128x32xf32>
    %mul3A_2293 = arith.mulf %mul3A_2291, %mul3A_2292 : vector<128x32xf32>
    %add3A_2294 = arith.addf %add3A_2284, %mul3A_2293 : vector<128x32xf32>
    %eq3A_2295 = arith.constant 2 : i32
    %eq3A_2296 = vector.broadcast %eq3A_2295 : i32 to vector<128x1xi32>
    %eq3A_2297 = arith.cmpi eq, %slice3A_2273, %eq3A_2296 : vector<128x1xi32>
    %convert_element_type3A_2298 = arith.extui %eq3A_2297 : vector<128x1xi1> to vector<128x1xi32>
    %convert_element_type3A_2299 = arith.sitofp %convert_element_type3A_2298 : vector<128x1xi32> to vector<128x1xf32>
    %slice3A_2300 = vector.extract_strided_slice %dot_general3A_806 {offsets = [2, 0], sizes = [1, 32], strides = [1, 1]} : vector<3x32xf32> to vector<1x32xf32>
    %mul3A_2301 = vector.broadcast %convert_element_type3A_2299 : vector<128x1xf32> to vector<128x32xf32>
    %mul3A_2302 = vector.broadcast %slice3A_2300 : vector<1x32xf32> to vector<128x32xf32>
    %mul3A_2303 = arith.mulf %mul3A_2301, %mul3A_2302 : vector<128x32xf32>
    %add3A_2304 = arith.addf %add3A_2294, %mul3A_2303 : vector<128x32xf32>
    %slice3A_2305 = vector.extract_strided_slice %get3A_826 {offsets = [0, 15], sizes = [128, 1], strides = [1, 1]} : vector<128x30xi32> to vector<128x1xi32>
    %eq3A_2306 = arith.constant 0 : i32
    %eq3A_2307 = vector.broadcast %eq3A_2306 : i32 to vector<128x1xi32>
    %eq3A_2308 = arith.cmpi eq, %slice3A_2305, %eq3A_2307 : vector<128x1xi32>
    %convert_element_type3A_2309 = arith.extui %eq3A_2308 : vector<128x1xi1> to vector<128x1xi32>
    %convert_element_type3A_2310 = arith.sitofp %convert_element_type3A_2309 : vector<128x1xi32> to vector<128x1xf32>
    %slice3A_2311 = vector.extract_strided_slice %dot_general3A_813 {offsets = [0, 0], sizes = [1, 32], strides = [1, 1]} : vector<3x32xf32> to vector<1x32xf32>
    %mul3A_2312 = vector.broadcast %convert_element_type3A_2310 : vector<128x1xf32> to vector<128x32xf32>
    %mul3A_2313 = vector.broadcast %slice3A_2311 : vector<1x32xf32> to vector<128x32xf32>
    %mul3A_2314 = arith.mulf %mul3A_2312, %mul3A_2313 : vector<128x32xf32>
    %add3A_2315 = arith.addf %add3A_2304, %mul3A_2314 : vector<128x32xf32>
    %eq3A_2316 = arith.constant 1 : i32
    %eq3A_2317 = vector.broadcast %eq3A_2316 : i32 to vector<128x1xi32>
    %eq3A_2318 = arith.cmpi eq, %slice3A_2305, %eq3A_2317 : vector<128x1xi32>
    %convert_element_type3A_2319 = arith.extui %eq3A_2318 : vector<128x1xi1> to vector<128x1xi32>
    %convert_element_type3A_2320 = arith.sitofp %convert_element_type3A_2319 : vector<128x1xi32> to vector<128x1xf32>
    %slice3A_2321 = vector.extract_strided_slice %dot_general3A_813 {offsets = [1, 0], sizes = [1, 32], strides = [1, 1]} : vector<3x32xf32> to vector<1x32xf32>
    %mul3A_2322 = vector.broadcast %convert_element_type3A_2320 : vector<128x1xf32> to vector<128x32xf32>
    %mul3A_2323 = vector.broadcast %slice3A_2321 : vector<1x32xf32> to vector<128x32xf32>
    %mul3A_2324 = arith.mulf %mul3A_2322, %mul3A_2323 : vector<128x32xf32>
    %add3A_2325 = arith.addf %add3A_2315, %mul3A_2324 : vector<128x32xf32>
    %eq3A_2326 = arith.constant 2 : i32
    %eq3A_2327 = vector.broadcast %eq3A_2326 : i32 to vector<128x1xi32>
    %eq3A_2328 = arith.cmpi eq, %slice3A_2305, %eq3A_2327 : vector<128x1xi32>
    %convert_element_type3A_2329 = arith.extui %eq3A_2328 : vector<128x1xi1> to vector<128x1xi32>
    %convert_element_type3A_2330 = arith.sitofp %convert_element_type3A_2329 : vector<128x1xi32> to vector<128x1xf32>
    %slice3A_2331 = vector.extract_strided_slice %dot_general3A_813 {offsets = [2, 0], sizes = [1, 32], strides = [1, 1]} : vector<3x32xf32> to vector<1x32xf32>
    %mul3A_2332 = vector.broadcast %convert_element_type3A_2330 : vector<128x1xf32> to vector<128x32xf32>
    %mul3A_2333 = vector.broadcast %slice3A_2331 : vector<1x32xf32> to vector<128x32xf32>
    %mul3A_2334 = arith.mulf %mul3A_2332, %mul3A_2333 : vector<128x32xf32>
    %add3A_2335 = arith.addf %add3A_2325, %mul3A_2334 : vector<128x32xf32>
    %slice3A_2336 = vector.extract_strided_slice %get3A_826 {offsets = [0, 16], sizes = [128, 1], strides = [1, 1]} : vector<128x30xi32> to vector<128x1xi32>
    %eq3A_2337 = arith.constant 0 : i32
    %eq3A_2338 = vector.broadcast %eq3A_2337 : i32 to vector<128x1xi32>
    %eq3A_2339 = arith.cmpi eq, %slice3A_2336, %eq3A_2338 : vector<128x1xi32>
    %convert_element_type3A_2340 = arith.extui %eq3A_2339 : vector<128x1xi1> to vector<128x1xi32>
    %convert_element_type3A_2341 = arith.sitofp %convert_element_type3A_2340 : vector<128x1xi32> to vector<128x1xf32>
    %slice3A_2342 = vector.extract_strided_slice %dot_general3A_820 {offsets = [0, 0], sizes = [1, 32], strides = [1, 1]} : vector<3x32xf32> to vector<1x32xf32>
    %mul3A_2343 = vector.broadcast %convert_element_type3A_2341 : vector<128x1xf32> to vector<128x32xf32>
    %mul3A_2344 = vector.broadcast %slice3A_2342 : vector<1x32xf32> to vector<128x32xf32>
    %mul3A_2345 = arith.mulf %mul3A_2343, %mul3A_2344 : vector<128x32xf32>
    %add3A_2346 = arith.addf %add3A_2335, %mul3A_2345 : vector<128x32xf32>
    %eq3A_2347 = arith.constant 1 : i32
    %eq3A_2348 = vector.broadcast %eq3A_2347 : i32 to vector<128x1xi32>
    %eq3A_2349 = arith.cmpi eq, %slice3A_2336, %eq3A_2348 : vector<128x1xi32>
    %convert_element_type3A_2350 = arith.extui %eq3A_2349 : vector<128x1xi1> to vector<128x1xi32>
    %convert_element_type3A_2351 = arith.sitofp %convert_element_type3A_2350 : vector<128x1xi32> to vector<128x1xf32>
    %slice3A_2352 = vector.extract_strided_slice %dot_general3A_820 {offsets = [1, 0], sizes = [1, 32], strides = [1, 1]} : vector<3x32xf32> to vector<1x32xf32>
    %mul3A_2353 = vector.broadcast %convert_element_type3A_2351 : vector<128x1xf32> to vector<128x32xf32>
    %mul3A_2354 = vector.broadcast %slice3A_2352 : vector<1x32xf32> to vector<128x32xf32>
    %mul3A_2355 = arith.mulf %mul3A_2353, %mul3A_2354 : vector<128x32xf32>
    %add3A_2356 = arith.addf %add3A_2346, %mul3A_2355 : vector<128x32xf32>
    %eq3A_2357 = arith.constant 2 : i32
    %eq3A_2358 = vector.broadcast %eq3A_2357 : i32 to vector<128x1xi32>
    %eq3A_2359 = arith.cmpi eq, %slice3A_2336, %eq3A_2358 : vector<128x1xi32>
    %convert_element_type3A_2360 = arith.extui %eq3A_2359 : vector<128x1xi1> to vector<128x1xi32>
    %convert_element_type3A_2361 = arith.sitofp %convert_element_type3A_2360 : vector<128x1xi32> to vector<128x1xf32>
    %slice3A_2362 = vector.extract_strided_slice %dot_general3A_820 {offsets = [2, 0], sizes = [1, 32], strides = [1, 1]} : vector<3x32xf32> to vector<1x32xf32>
    %mul3A_2363 = vector.broadcast %convert_element_type3A_2361 : vector<128x1xf32> to vector<128x32xf32>
    %mul3A_2364 = vector.broadcast %slice3A_2362 : vector<1x32xf32> to vector<128x32xf32>
    %mul3A_2365 = arith.mulf %mul3A_2363, %mul3A_2364 : vector<128x32xf32>
    %add3A_2366 = arith.addf %add3A_2356, %mul3A_2365 : vector<128x32xf32>
    %max3A_2367 = arith.constant 0.000000e+00 : f32
    %max3A_2368 = vector.broadcast %max3A_2367 : f32 to vector<128x32xf32>
    %max3A_2369 = arith.maximumf %add3A_2366, %max3A_2368 : vector<128x32xf32>
    %max3A_2370 = arith.maximumf %max3A_2265, %max3A_2369 : vector<128x32xf32>
    %get3A_2371 = arith.constant 416 : index
    %get3A_2372 = arith.constant 0 : index
    %get3A_2373 = vector.load %arg12[%get3A_2371, %get3A_2372] : memref<864x128xf32, #tpu.memory_space<vmem>>, vector<32x128xf32>
    %dot_general3A_2374 = arith.constant dense<0.000000e+00> : vector<128x128xf32>
    %dot_general3A_2375 = tpu.matmul %max3A_2370, %get3A_2373, %dot_general3A_2374 {dimension_numbers = #tpu.dot_dimension_numbers<[1], [0], [0], [1], [0, 0, 1, 1], [], []>, transpose_lhs_hint = false} : vector<128x32xf32>, vector<32x128xf32>, vector<128x128xf32> -> vector<128x128xf32>
    %add3A_2376 = arith.addf %add3A_2272, %dot_general3A_2375 : vector<128x128xf32>
    %slice3A_2377 = vector.extract_strided_slice %get3A_826 {offsets = [0, 15], sizes = [128, 1], strides = [1, 1]} : vector<128x30xi32> to vector<128x1xi32>
    %eq3A_2378 = arith.constant 0 : i32
    %eq3A_2379 = vector.broadcast %eq3A_2378 : i32 to vector<128x1xi32>
    %eq3A_2380 = arith.cmpi eq, %slice3A_2377, %eq3A_2379 : vector<128x1xi32>
    %convert_element_type3A_2381 = arith.extui %eq3A_2380 : vector<128x1xi1> to vector<128x1xi32>
    %convert_element_type3A_2382 = arith.sitofp %convert_element_type3A_2381 : vector<128x1xi32> to vector<128x1xf32>
    %slice3A_2383 = vector.extract_strided_slice %dot_general3A_806 {offsets = [0, 0], sizes = [1, 32], strides = [1, 1]} : vector<3x32xf32> to vector<1x32xf32>
    %mul3A_2384 = vector.broadcast %convert_element_type3A_2382 : vector<128x1xf32> to vector<128x32xf32>
    %mul3A_2385 = vector.broadcast %slice3A_2383 : vector<1x32xf32> to vector<128x32xf32>
    %mul3A_2386 = arith.mulf %mul3A_2384, %mul3A_2385 : vector<128x32xf32>
    %add3A_2387 = vector.broadcast %get3A_823 : vector<1x32xf32> to vector<128x32xf32>
    %add3A_2388 = arith.addf %add3A_2387, %mul3A_2386 : vector<128x32xf32>
    %eq3A_2389 = arith.constant 1 : i32
    %eq3A_2390 = vector.broadcast %eq3A_2389 : i32 to vector<128x1xi32>
    %eq3A_2391 = arith.cmpi eq, %slice3A_2377, %eq3A_2390 : vector<128x1xi32>
    %convert_element_type3A_2392 = arith.extui %eq3A_2391 : vector<128x1xi1> to vector<128x1xi32>
    %convert_element_type3A_2393 = arith.sitofp %convert_element_type3A_2392 : vector<128x1xi32> to vector<128x1xf32>
    %slice3A_2394 = vector.extract_strided_slice %dot_general3A_806 {offsets = [1, 0], sizes = [1, 32], strides = [1, 1]} : vector<3x32xf32> to vector<1x32xf32>
    %mul3A_2395 = vector.broadcast %convert_element_type3A_2393 : vector<128x1xf32> to vector<128x32xf32>
    %mul3A_2396 = vector.broadcast %slice3A_2394 : vector<1x32xf32> to vector<128x32xf32>
    %mul3A_2397 = arith.mulf %mul3A_2395, %mul3A_2396 : vector<128x32xf32>
    %add3A_2398 = arith.addf %add3A_2388, %mul3A_2397 : vector<128x32xf32>
    %eq3A_2399 = arith.constant 2 : i32
    %eq3A_2400 = vector.broadcast %eq3A_2399 : i32 to vector<128x1xi32>
    %eq3A_2401 = arith.cmpi eq, %slice3A_2377, %eq3A_2400 : vector<128x1xi32>
    %convert_element_type3A_2402 = arith.extui %eq3A_2401 : vector<128x1xi1> to vector<128x1xi32>
    %convert_element_type3A_2403 = arith.sitofp %convert_element_type3A_2402 : vector<128x1xi32> to vector<128x1xf32>
    %slice3A_2404 = vector.extract_strided_slice %dot_general3A_806 {offsets = [2, 0], sizes = [1, 32], strides = [1, 1]} : vector<3x32xf32> to vector<1x32xf32>
    %mul3A_2405 = vector.broadcast %convert_element_type3A_2403 : vector<128x1xf32> to vector<128x32xf32>
    %mul3A_2406 = vector.broadcast %slice3A_2404 : vector<1x32xf32> to vector<128x32xf32>
    %mul3A_2407 = arith.mulf %mul3A_2405, %mul3A_2406 : vector<128x32xf32>
    %add3A_2408 = arith.addf %add3A_2398, %mul3A_2407 : vector<128x32xf32>
    %slice3A_2409 = vector.extract_strided_slice %get3A_826 {offsets = [0, 16], sizes = [128, 1], strides = [1, 1]} : vector<128x30xi32> to vector<128x1xi32>
    %eq3A_2410 = arith.constant 0 : i32
    %eq3A_2411 = vector.broadcast %eq3A_2410 : i32 to vector<128x1xi32>
    %eq3A_2412 = arith.cmpi eq, %slice3A_2409, %eq3A_2411 : vector<128x1xi32>
    %convert_element_type3A_2413 = arith.extui %eq3A_2412 : vector<128x1xi1> to vector<128x1xi32>
    %convert_element_type3A_2414 = arith.sitofp %convert_element_type3A_2413 : vector<128x1xi32> to vector<128x1xf32>
    %slice3A_2415 = vector.extract_strided_slice %dot_general3A_813 {offsets = [0, 0], sizes = [1, 32], strides = [1, 1]} : vector<3x32xf32> to vector<1x32xf32>
    %mul3A_2416 = vector.broadcast %convert_element_type3A_2414 : vector<128x1xf32> to vector<128x32xf32>
    %mul3A_2417 = vector.broadcast %slice3A_2415 : vector<1x32xf32> to vector<128x32xf32>
    %mul3A_2418 = arith.mulf %mul3A_2416, %mul3A_2417 : vector<128x32xf32>
    %add3A_2419 = arith.addf %add3A_2408, %mul3A_2418 : vector<128x32xf32>
    %eq3A_2420 = arith.constant 1 : i32
    %eq3A_2421 = vector.broadcast %eq3A_2420 : i32 to vector<128x1xi32>
    %eq3A_2422 = arith.cmpi eq, %slice3A_2409, %eq3A_2421 : vector<128x1xi32>
    %convert_element_type3A_2423 = arith.extui %eq3A_2422 : vector<128x1xi1> to vector<128x1xi32>
    %convert_element_type3A_2424 = arith.sitofp %convert_element_type3A_2423 : vector<128x1xi32> to vector<128x1xf32>
    %slice3A_2425 = vector.extract_strided_slice %dot_general3A_813 {offsets = [1, 0], sizes = [1, 32], strides = [1, 1]} : vector<3x32xf32> to vector<1x32xf32>
    %mul3A_2426 = vector.broadcast %convert_element_type3A_2424 : vector<128x1xf32> to vector<128x32xf32>
    %mul3A_2427 = vector.broadcast %slice3A_2425 : vector<1x32xf32> to vector<128x32xf32>
    %mul3A_2428 = arith.mulf %mul3A_2426, %mul3A_2427 : vector<128x32xf32>
    %add3A_2429 = arith.addf %add3A_2419, %mul3A_2428 : vector<128x32xf32>
    %eq3A_2430 = arith.constant 2 : i32
    %eq3A_2431 = vector.broadcast %eq3A_2430 : i32 to vector<128x1xi32>
    %eq3A_2432 = arith.cmpi eq, %slice3A_2409, %eq3A_2431 : vector<128x1xi32>
    %convert_element_type3A_2433 = arith.extui %eq3A_2432 : vector<128x1xi1> to vector<128x1xi32>
    %convert_element_type3A_2434 = arith.sitofp %convert_element_type3A_2433 : vector<128x1xi32> to vector<128x1xf32>
    %slice3A_2435 = vector.extract_strided_slice %dot_general3A_813 {offsets = [2, 0], sizes = [1, 32], strides = [1, 1]} : vector<3x32xf32> to vector<1x32xf32>
    %mul3A_2436 = vector.broadcast %convert_element_type3A_2434 : vector<128x1xf32> to vector<128x32xf32>
    %mul3A_2437 = vector.broadcast %slice3A_2435 : vector<1x32xf32> to vector<128x32xf32>
    %mul3A_2438 = arith.mulf %mul3A_2436, %mul3A_2437 : vector<128x32xf32>
    %add3A_2439 = arith.addf %add3A_2429, %mul3A_2438 : vector<128x32xf32>
    %slice3A_2440 = vector.extract_strided_slice %get3A_826 {offsets = [0, 17], sizes = [128, 1], strides = [1, 1]} : vector<128x30xi32> to vector<128x1xi32>
    %eq3A_2441 = arith.constant 0 : i32
    %eq3A_2442 = vector.broadcast %eq3A_2441 : i32 to vector<128x1xi32>
    %eq3A_2443 = arith.cmpi eq, %slice3A_2440, %eq3A_2442 : vector<128x1xi32>
    %convert_element_type3A_2444 = arith.extui %eq3A_2443 : vector<128x1xi1> to vector<128x1xi32>
    %convert_element_type3A_2445 = arith.sitofp %convert_element_type3A_2444 : vector<128x1xi32> to vector<128x1xf32>
    %slice3A_2446 = vector.extract_strided_slice %dot_general3A_820 {offsets = [0, 0], sizes = [1, 32], strides = [1, 1]} : vector<3x32xf32> to vector<1x32xf32>
    %mul3A_2447 = vector.broadcast %convert_element_type3A_2445 : vector<128x1xf32> to vector<128x32xf32>
    %mul3A_2448 = vector.broadcast %slice3A_2446 : vector<1x32xf32> to vector<128x32xf32>
    %mul3A_2449 = arith.mulf %mul3A_2447, %mul3A_2448 : vector<128x32xf32>
    %add3A_2450 = arith.addf %add3A_2439, %mul3A_2449 : vector<128x32xf32>
    %eq3A_2451 = arith.constant 1 : i32
    %eq3A_2452 = vector.broadcast %eq3A_2451 : i32 to vector<128x1xi32>
    %eq3A_2453 = arith.cmpi eq, %slice3A_2440, %eq3A_2452 : vector<128x1xi32>
    %convert_element_type3A_2454 = arith.extui %eq3A_2453 : vector<128x1xi1> to vector<128x1xi32>
    %convert_element_type3A_2455 = arith.sitofp %convert_element_type3A_2454 : vector<128x1xi32> to vector<128x1xf32>
    %slice3A_2456 = vector.extract_strided_slice %dot_general3A_820 {offsets = [1, 0], sizes = [1, 32], strides = [1, 1]} : vector<3x32xf32> to vector<1x32xf32>
    %mul3A_2457 = vector.broadcast %convert_element_type3A_2455 : vector<128x1xf32> to vector<128x32xf32>
    %mul3A_2458 = vector.broadcast %slice3A_2456 : vector<1x32xf32> to vector<128x32xf32>
    %mul3A_2459 = arith.mulf %mul3A_2457, %mul3A_2458 : vector<128x32xf32>
    %add3A_2460 = arith.addf %add3A_2450, %mul3A_2459 : vector<128x32xf32>
    %eq3A_2461 = arith.constant 2 : i32
    %eq3A_2462 = vector.broadcast %eq3A_2461 : i32 to vector<128x1xi32>
    %eq3A_2463 = arith.cmpi eq, %slice3A_2440, %eq3A_2462 : vector<128x1xi32>
    %convert_element_type3A_2464 = arith.extui %eq3A_2463 : vector<128x1xi1> to vector<128x1xi32>
    %convert_element_type3A_2465 = arith.sitofp %convert_element_type3A_2464 : vector<128x1xi32> to vector<128x1xf32>
    %slice3A_2466 = vector.extract_strided_slice %dot_general3A_820 {offsets = [2, 0], sizes = [1, 32], strides = [1, 1]} : vector<3x32xf32> to vector<1x32xf32>
    %mul3A_2467 = vector.broadcast %convert_element_type3A_2465 : vector<128x1xf32> to vector<128x32xf32>
    %mul3A_2468 = vector.broadcast %slice3A_2466 : vector<1x32xf32> to vector<128x32xf32>
    %mul3A_2469 = arith.mulf %mul3A_2467, %mul3A_2468 : vector<128x32xf32>
    %add3A_2470 = arith.addf %add3A_2460, %mul3A_2469 : vector<128x32xf32>
    %max3A_2471 = arith.constant 0.000000e+00 : f32
    %max3A_2472 = vector.broadcast %max3A_2471 : f32 to vector<128x32xf32>
    %max3A_2473 = arith.maximumf %add3A_2470, %max3A_2472 : vector<128x32xf32>
    %max3A_2474 = arith.maximumf %max3A_2369, %max3A_2473 : vector<128x32xf32>
    %get3A_2475 = arith.constant 448 : index
    %get3A_2476 = arith.constant 0 : index
    %get3A_2477 = vector.load %arg12[%get3A_2475, %get3A_2476] : memref<864x128xf32, #tpu.memory_space<vmem>>, vector<32x128xf32>
    %dot_general3A_2478 = arith.constant dense<0.000000e+00> : vector<128x128xf32>
    %dot_general3A_2479 = tpu.matmul %max3A_2474, %get3A_2477, %dot_general3A_2478 {dimension_numbers = #tpu.dot_dimension_numbers<[1], [0], [0], [1], [0, 0, 1, 1], [], []>, transpose_lhs_hint = false} : vector<128x32xf32>, vector<32x128xf32>, vector<128x128xf32> -> vector<128x128xf32>
    %add3A_2480 = arith.addf %add3A_2376, %dot_general3A_2479 : vector<128x128xf32>
    %slice3A_2481 = vector.extract_strided_slice %get3A_826 {offsets = [0, 16], sizes = [128, 1], strides = [1, 1]} : vector<128x30xi32> to vector<128x1xi32>
    %eq3A_2482 = arith.constant 0 : i32
    %eq3A_2483 = vector.broadcast %eq3A_2482 : i32 to vector<128x1xi32>
    %eq3A_2484 = arith.cmpi eq, %slice3A_2481, %eq3A_2483 : vector<128x1xi32>
    %convert_element_type3A_2485 = arith.extui %eq3A_2484 : vector<128x1xi1> to vector<128x1xi32>
    %convert_element_type3A_2486 = arith.sitofp %convert_element_type3A_2485 : vector<128x1xi32> to vector<128x1xf32>
    %slice3A_2487 = vector.extract_strided_slice %dot_general3A_806 {offsets = [0, 0], sizes = [1, 32], strides = [1, 1]} : vector<3x32xf32> to vector<1x32xf32>
    %mul3A_2488 = vector.broadcast %convert_element_type3A_2486 : vector<128x1xf32> to vector<128x32xf32>
    %mul3A_2489 = vector.broadcast %slice3A_2487 : vector<1x32xf32> to vector<128x32xf32>
    %mul3A_2490 = arith.mulf %mul3A_2488, %mul3A_2489 : vector<128x32xf32>
    %add3A_2491 = vector.broadcast %get3A_823 : vector<1x32xf32> to vector<128x32xf32>
    %add3A_2492 = arith.addf %add3A_2491, %mul3A_2490 : vector<128x32xf32>
    %eq3A_2493 = arith.constant 1 : i32
    %eq3A_2494 = vector.broadcast %eq3A_2493 : i32 to vector<128x1xi32>
    %eq3A_2495 = arith.cmpi eq, %slice3A_2481, %eq3A_2494 : vector<128x1xi32>
    %convert_element_type3A_2496 = arith.extui %eq3A_2495 : vector<128x1xi1> to vector<128x1xi32>
    %convert_element_type3A_2497 = arith.sitofp %convert_element_type3A_2496 : vector<128x1xi32> to vector<128x1xf32>
    %slice3A_2498 = vector.extract_strided_slice %dot_general3A_806 {offsets = [1, 0], sizes = [1, 32], strides = [1, 1]} : vector<3x32xf32> to vector<1x32xf32>
    %mul3A_2499 = vector.broadcast %convert_element_type3A_2497 : vector<128x1xf32> to vector<128x32xf32>
    %mul3A_2500 = vector.broadcast %slice3A_2498 : vector<1x32xf32> to vector<128x32xf32>
    %mul3A_2501 = arith.mulf %mul3A_2499, %mul3A_2500 : vector<128x32xf32>
    %add3A_2502 = arith.addf %add3A_2492, %mul3A_2501 : vector<128x32xf32>
    %eq3A_2503 = arith.constant 2 : i32
    %eq3A_2504 = vector.broadcast %eq3A_2503 : i32 to vector<128x1xi32>
    %eq3A_2505 = arith.cmpi eq, %slice3A_2481, %eq3A_2504 : vector<128x1xi32>
    %convert_element_type3A_2506 = arith.extui %eq3A_2505 : vector<128x1xi1> to vector<128x1xi32>
    %convert_element_type3A_2507 = arith.sitofp %convert_element_type3A_2506 : vector<128x1xi32> to vector<128x1xf32>
    %slice3A_2508 = vector.extract_strided_slice %dot_general3A_806 {offsets = [2, 0], sizes = [1, 32], strides = [1, 1]} : vector<3x32xf32> to vector<1x32xf32>
    %mul3A_2509 = vector.broadcast %convert_element_type3A_2507 : vector<128x1xf32> to vector<128x32xf32>
    %mul3A_2510 = vector.broadcast %slice3A_2508 : vector<1x32xf32> to vector<128x32xf32>
    %mul3A_2511 = arith.mulf %mul3A_2509, %mul3A_2510 : vector<128x32xf32>
    %add3A_2512 = arith.addf %add3A_2502, %mul3A_2511 : vector<128x32xf32>
    %slice3A_2513 = vector.extract_strided_slice %get3A_826 {offsets = [0, 17], sizes = [128, 1], strides = [1, 1]} : vector<128x30xi32> to vector<128x1xi32>
    %eq3A_2514 = arith.constant 0 : i32
    %eq3A_2515 = vector.broadcast %eq3A_2514 : i32 to vector<128x1xi32>
    %eq3A_2516 = arith.cmpi eq, %slice3A_2513, %eq3A_2515 : vector<128x1xi32>
    %convert_element_type3A_2517 = arith.extui %eq3A_2516 : vector<128x1xi1> to vector<128x1xi32>
    %convert_element_type3A_2518 = arith.sitofp %convert_element_type3A_2517 : vector<128x1xi32> to vector<128x1xf32>
    %slice3A_2519 = vector.extract_strided_slice %dot_general3A_813 {offsets = [0, 0], sizes = [1, 32], strides = [1, 1]} : vector<3x32xf32> to vector<1x32xf32>
    %mul3A_2520 = vector.broadcast %convert_element_type3A_2518 : vector<128x1xf32> to vector<128x32xf32>
    %mul3A_2521 = vector.broadcast %slice3A_2519 : vector<1x32xf32> to vector<128x32xf32>
    %mul3A_2522 = arith.mulf %mul3A_2520, %mul3A_2521 : vector<128x32xf32>
    %add3A_2523 = arith.addf %add3A_2512, %mul3A_2522 : vector<128x32xf32>
    %eq3A_2524 = arith.constant 1 : i32
    %eq3A_2525 = vector.broadcast %eq3A_2524 : i32 to vector<128x1xi32>
    %eq3A_2526 = arith.cmpi eq, %slice3A_2513, %eq3A_2525 : vector<128x1xi32>
    %convert_element_type3A_2527 = arith.extui %eq3A_2526 : vector<128x1xi1> to vector<128x1xi32>
    %convert_element_type3A_2528 = arith.sitofp %convert_element_type3A_2527 : vector<128x1xi32> to vector<128x1xf32>
    %slice3A_2529 = vector.extract_strided_slice %dot_general3A_813 {offsets = [1, 0], sizes = [1, 32], strides = [1, 1]} : vector<3x32xf32> to vector<1x32xf32>
    %mul3A_2530 = vector.broadcast %convert_element_type3A_2528 : vector<128x1xf32> to vector<128x32xf32>
    %mul3A_2531 = vector.broadcast %slice3A_2529 : vector<1x32xf32> to vector<128x32xf32>
    %mul3A_2532 = arith.mulf %mul3A_2530, %mul3A_2531 : vector<128x32xf32>
    %add3A_2533 = arith.addf %add3A_2523, %mul3A_2532 : vector<128x32xf32>
    %eq3A_2534 = arith.constant 2 : i32
    %eq3A_2535 = vector.broadcast %eq3A_2534 : i32 to vector<128x1xi32>
    %eq3A_2536 = arith.cmpi eq, %slice3A_2513, %eq3A_2535 : vector<128x1xi32>
    %convert_element_type3A_2537 = arith.extui %eq3A_2536 : vector<128x1xi1> to vector<128x1xi32>
    %convert_element_type3A_2538 = arith.sitofp %convert_element_type3A_2537 : vector<128x1xi32> to vector<128x1xf32>
    %slice3A_2539 = vector.extract_strided_slice %dot_general3A_813 {offsets = [2, 0], sizes = [1, 32], strides = [1, 1]} : vector<3x32xf32> to vector<1x32xf32>
    %mul3A_2540 = vector.broadcast %convert_element_type3A_2538 : vector<128x1xf32> to vector<128x32xf32>
    %mul3A_2541 = vector.broadcast %slice3A_2539 : vector<1x32xf32> to vector<128x32xf32>
    %mul3A_2542 = arith.mulf %mul3A_2540, %mul3A_2541 : vector<128x32xf32>
    %add3A_2543 = arith.addf %add3A_2533, %mul3A_2542 : vector<128x32xf32>
    %slice3A_2544 = vector.extract_strided_slice %get3A_826 {offsets = [0, 18], sizes = [128, 1], strides = [1, 1]} : vector<128x30xi32> to vector<128x1xi32>
    %eq3A_2545 = arith.constant 0 : i32
    %eq3A_2546 = vector.broadcast %eq3A_2545 : i32 to vector<128x1xi32>
    %eq3A_2547 = arith.cmpi eq, %slice3A_2544, %eq3A_2546 : vector<128x1xi32>
    %convert_element_type3A_2548 = arith.extui %eq3A_2547 : vector<128x1xi1> to vector<128x1xi32>
    %convert_element_type3A_2549 = arith.sitofp %convert_element_type3A_2548 : vector<128x1xi32> to vector<128x1xf32>
    %slice3A_2550 = vector.extract_strided_slice %dot_general3A_820 {offsets = [0, 0], sizes = [1, 32], strides = [1, 1]} : vector<3x32xf32> to vector<1x32xf32>
    %mul3A_2551 = vector.broadcast %convert_element_type3A_2549 : vector<128x1xf32> to vector<128x32xf32>
    %mul3A_2552 = vector.broadcast %slice3A_2550 : vector<1x32xf32> to vector<128x32xf32>
    %mul3A_2553 = arith.mulf %mul3A_2551, %mul3A_2552 : vector<128x32xf32>
    %add3A_2554 = arith.addf %add3A_2543, %mul3A_2553 : vector<128x32xf32>
    %eq3A_2555 = arith.constant 1 : i32
    %eq3A_2556 = vector.broadcast %eq3A_2555 : i32 to vector<128x1xi32>
    %eq3A_2557 = arith.cmpi eq, %slice3A_2544, %eq3A_2556 : vector<128x1xi32>
    %convert_element_type3A_2558 = arith.extui %eq3A_2557 : vector<128x1xi1> to vector<128x1xi32>
    %convert_element_type3A_2559 = arith.sitofp %convert_element_type3A_2558 : vector<128x1xi32> to vector<128x1xf32>
    %slice3A_2560 = vector.extract_strided_slice %dot_general3A_820 {offsets = [1, 0], sizes = [1, 32], strides = [1, 1]} : vector<3x32xf32> to vector<1x32xf32>
    %mul3A_2561 = vector.broadcast %convert_element_type3A_2559 : vector<128x1xf32> to vector<128x32xf32>
    %mul3A_2562 = vector.broadcast %slice3A_2560 : vector<1x32xf32> to vector<128x32xf32>
    %mul3A_2563 = arith.mulf %mul3A_2561, %mul3A_2562 : vector<128x32xf32>
    %add3A_2564 = arith.addf %add3A_2554, %mul3A_2563 : vector<128x32xf32>
    %eq3A_2565 = arith.constant 2 : i32
    %eq3A_2566 = vector.broadcast %eq3A_2565 : i32 to vector<128x1xi32>
    %eq3A_2567 = arith.cmpi eq, %slice3A_2544, %eq3A_2566 : vector<128x1xi32>
    %convert_element_type3A_2568 = arith.extui %eq3A_2567 : vector<128x1xi1> to vector<128x1xi32>
    %convert_element_type3A_2569 = arith.sitofp %convert_element_type3A_2568 : vector<128x1xi32> to vector<128x1xf32>
    %slice3A_2570 = vector.extract_strided_slice %dot_general3A_820 {offsets = [2, 0], sizes = [1, 32], strides = [1, 1]} : vector<3x32xf32> to vector<1x32xf32>
    %mul3A_2571 = vector.broadcast %convert_element_type3A_2569 : vector<128x1xf32> to vector<128x32xf32>
    %mul3A_2572 = vector.broadcast %slice3A_2570 : vector<1x32xf32> to vector<128x32xf32>
    %mul3A_2573 = arith.mulf %mul3A_2571, %mul3A_2572 : vector<128x32xf32>
    %add3A_2574 = arith.addf %add3A_2564, %mul3A_2573 : vector<128x32xf32>
    %max3A_2575 = arith.constant 0.000000e+00 : f32
    %max3A_2576 = vector.broadcast %max3A_2575 : f32 to vector<128x32xf32>
    %max3A_2577 = arith.maximumf %add3A_2574, %max3A_2576 : vector<128x32xf32>
    %max3A_2578 = arith.maximumf %max3A_2473, %max3A_2577 : vector<128x32xf32>
    %get3A_2579 = arith.constant 480 : index
    %get3A_2580 = arith.constant 0 : index
    %get3A_2581 = vector.load %arg12[%get3A_2579, %get3A_2580] : memref<864x128xf32, #tpu.memory_space<vmem>>, vector<32x128xf32>
    %dot_general3A_2582 = arith.constant dense<0.000000e+00> : vector<128x128xf32>
    %dot_general3A_2583 = tpu.matmul %max3A_2578, %get3A_2581, %dot_general3A_2582 {dimension_numbers = #tpu.dot_dimension_numbers<[1], [0], [0], [1], [0, 0, 1, 1], [], []>, transpose_lhs_hint = false} : vector<128x32xf32>, vector<32x128xf32>, vector<128x128xf32> -> vector<128x128xf32>
    %add3A_2584 = arith.addf %add3A_2480, %dot_general3A_2583 : vector<128x128xf32>
    %slice3A_2585 = vector.extract_strided_slice %get3A_826 {offsets = [0, 17], sizes = [128, 1], strides = [1, 1]} : vector<128x30xi32> to vector<128x1xi32>
    %eq3A_2586 = arith.constant 0 : i32
    %eq3A_2587 = vector.broadcast %eq3A_2586 : i32 to vector<128x1xi32>
    %eq3A_2588 = arith.cmpi eq, %slice3A_2585, %eq3A_2587 : vector<128x1xi32>
    %convert_element_type3A_2589 = arith.extui %eq3A_2588 : vector<128x1xi1> to vector<128x1xi32>
    %convert_element_type3A_2590 = arith.sitofp %convert_element_type3A_2589 : vector<128x1xi32> to vector<128x1xf32>
    %slice3A_2591 = vector.extract_strided_slice %dot_general3A_806 {offsets = [0, 0], sizes = [1, 32], strides = [1, 1]} : vector<3x32xf32> to vector<1x32xf32>
    %mul3A_2592 = vector.broadcast %convert_element_type3A_2590 : vector<128x1xf32> to vector<128x32xf32>
    %mul3A_2593 = vector.broadcast %slice3A_2591 : vector<1x32xf32> to vector<128x32xf32>
    %mul3A_2594 = arith.mulf %mul3A_2592, %mul3A_2593 : vector<128x32xf32>
    %add3A_2595 = vector.broadcast %get3A_823 : vector<1x32xf32> to vector<128x32xf32>
    %add3A_2596 = arith.addf %add3A_2595, %mul3A_2594 : vector<128x32xf32>
    %eq3A_2597 = arith.constant 1 : i32
    %eq3A_2598 = vector.broadcast %eq3A_2597 : i32 to vector<128x1xi32>
    %eq3A_2599 = arith.cmpi eq, %slice3A_2585, %eq3A_2598 : vector<128x1xi32>
    %convert_element_type3A_2600 = arith.extui %eq3A_2599 : vector<128x1xi1> to vector<128x1xi32>
    %convert_element_type3A_2601 = arith.sitofp %convert_element_type3A_2600 : vector<128x1xi32> to vector<128x1xf32>
    %slice3A_2602 = vector.extract_strided_slice %dot_general3A_806 {offsets = [1, 0], sizes = [1, 32], strides = [1, 1]} : vector<3x32xf32> to vector<1x32xf32>
    %mul3A_2603 = vector.broadcast %convert_element_type3A_2601 : vector<128x1xf32> to vector<128x32xf32>
    %mul3A_2604 = vector.broadcast %slice3A_2602 : vector<1x32xf32> to vector<128x32xf32>
    %mul3A_2605 = arith.mulf %mul3A_2603, %mul3A_2604 : vector<128x32xf32>
    %add3A_2606 = arith.addf %add3A_2596, %mul3A_2605 : vector<128x32xf32>
    %eq3A_2607 = arith.constant 2 : i32
    %eq3A_2608 = vector.broadcast %eq3A_2607 : i32 to vector<128x1xi32>
    %eq3A_2609 = arith.cmpi eq, %slice3A_2585, %eq3A_2608 : vector<128x1xi32>
    %convert_element_type3A_2610 = arith.extui %eq3A_2609 : vector<128x1xi1> to vector<128x1xi32>
    %convert_element_type3A_2611 = arith.sitofp %convert_element_type3A_2610 : vector<128x1xi32> to vector<128x1xf32>
    %slice3A_2612 = vector.extract_strided_slice %dot_general3A_806 {offsets = [2, 0], sizes = [1, 32], strides = [1, 1]} : vector<3x32xf32> to vector<1x32xf32>
    %mul3A_2613 = vector.broadcast %convert_element_type3A_2611 : vector<128x1xf32> to vector<128x32xf32>
    %mul3A_2614 = vector.broadcast %slice3A_2612 : vector<1x32xf32> to vector<128x32xf32>
    %mul3A_2615 = arith.mulf %mul3A_2613, %mul3A_2614 : vector<128x32xf32>
    %add3A_2616 = arith.addf %add3A_2606, %mul3A_2615 : vector<128x32xf32>
    %slice3A_2617 = vector.extract_strided_slice %get3A_826 {offsets = [0, 18], sizes = [128, 1], strides = [1, 1]} : vector<128x30xi32> to vector<128x1xi32>
    %eq3A_2618 = arith.constant 0 : i32
    %eq3A_2619 = vector.broadcast %eq3A_2618 : i32 to vector<128x1xi32>
    %eq3A_2620 = arith.cmpi eq, %slice3A_2617, %eq3A_2619 : vector<128x1xi32>
    %convert_element_type3A_2621 = arith.extui %eq3A_2620 : vector<128x1xi1> to vector<128x1xi32>
    %convert_element_type3A_2622 = arith.sitofp %convert_element_type3A_2621 : vector<128x1xi32> to vector<128x1xf32>
    %slice3A_2623 = vector.extract_strided_slice %dot_general3A_813 {offsets = [0, 0], sizes = [1, 32], strides = [1, 1]} : vector<3x32xf32> to vector<1x32xf32>
    %mul3A_2624 = vector.broadcast %convert_element_type3A_2622 : vector<128x1xf32> to vector<128x32xf32>
    %mul3A_2625 = vector.broadcast %slice3A_2623 : vector<1x32xf32> to vector<128x32xf32>
    %mul3A_2626 = arith.mulf %mul3A_2624, %mul3A_2625 : vector<128x32xf32>
    %add3A_2627 = arith.addf %add3A_2616, %mul3A_2626 : vector<128x32xf32>
    %eq3A_2628 = arith.constant 1 : i32
    %eq3A_2629 = vector.broadcast %eq3A_2628 : i32 to vector<128x1xi32>
    %eq3A_2630 = arith.cmpi eq, %slice3A_2617, %eq3A_2629 : vector<128x1xi32>
    %convert_element_type3A_2631 = arith.extui %eq3A_2630 : vector<128x1xi1> to vector<128x1xi32>
    %convert_element_type3A_2632 = arith.sitofp %convert_element_type3A_2631 : vector<128x1xi32> to vector<128x1xf32>
    %slice3A_2633 = vector.extract_strided_slice %dot_general3A_813 {offsets = [1, 0], sizes = [1, 32], strides = [1, 1]} : vector<3x32xf32> to vector<1x32xf32>
    %mul3A_2634 = vector.broadcast %convert_element_type3A_2632 : vector<128x1xf32> to vector<128x32xf32>
    %mul3A_2635 = vector.broadcast %slice3A_2633 : vector<1x32xf32> to vector<128x32xf32>
    %mul3A_2636 = arith.mulf %mul3A_2634, %mul3A_2635 : vector<128x32xf32>
    %add3A_2637 = arith.addf %add3A_2627, %mul3A_2636 : vector<128x32xf32>
    %eq3A_2638 = arith.constant 2 : i32
    %eq3A_2639 = vector.broadcast %eq3A_2638 : i32 to vector<128x1xi32>
    %eq3A_2640 = arith.cmpi eq, %slice3A_2617, %eq3A_2639 : vector<128x1xi32>
    %convert_element_type3A_2641 = arith.extui %eq3A_2640 : vector<128x1xi1> to vector<128x1xi32>
    %convert_element_type3A_2642 = arith.sitofp %convert_element_type3A_2641 : vector<128x1xi32> to vector<128x1xf32>
    %slice3A_2643 = vector.extract_strided_slice %dot_general3A_813 {offsets = [2, 0], sizes = [1, 32], strides = [1, 1]} : vector<3x32xf32> to vector<1x32xf32>
    %mul3A_2644 = vector.broadcast %convert_element_type3A_2642 : vector<128x1xf32> to vector<128x32xf32>
    %mul3A_2645 = vector.broadcast %slice3A_2643 : vector<1x32xf32> to vector<128x32xf32>
    %mul3A_2646 = arith.mulf %mul3A_2644, %mul3A_2645 : vector<128x32xf32>
    %add3A_2647 = arith.addf %add3A_2637, %mul3A_2646 : vector<128x32xf32>
    %slice3A_2648 = vector.extract_strided_slice %get3A_826 {offsets = [0, 19], sizes = [128, 1], strides = [1, 1]} : vector<128x30xi32> to vector<128x1xi32>
    %eq3A_2649 = arith.constant 0 : i32
    %eq3A_2650 = vector.broadcast %eq3A_2649 : i32 to vector<128x1xi32>
    %eq3A_2651 = arith.cmpi eq, %slice3A_2648, %eq3A_2650 : vector<128x1xi32>
    %convert_element_type3A_2652 = arith.extui %eq3A_2651 : vector<128x1xi1> to vector<128x1xi32>
    %convert_element_type3A_2653 = arith.sitofp %convert_element_type3A_2652 : vector<128x1xi32> to vector<128x1xf32>
    %slice3A_2654 = vector.extract_strided_slice %dot_general3A_820 {offsets = [0, 0], sizes = [1, 32], strides = [1, 1]} : vector<3x32xf32> to vector<1x32xf32>
    %mul3A_2655 = vector.broadcast %convert_element_type3A_2653 : vector<128x1xf32> to vector<128x32xf32>
    %mul3A_2656 = vector.broadcast %slice3A_2654 : vector<1x32xf32> to vector<128x32xf32>
    %mul3A_2657 = arith.mulf %mul3A_2655, %mul3A_2656 : vector<128x32xf32>
    %add3A_2658 = arith.addf %add3A_2647, %mul3A_2657 : vector<128x32xf32>
    %eq3A_2659 = arith.constant 1 : i32
    %eq3A_2660 = vector.broadcast %eq3A_2659 : i32 to vector<128x1xi32>
    %eq3A_2661 = arith.cmpi eq, %slice3A_2648, %eq3A_2660 : vector<128x1xi32>
    %convert_element_type3A_2662 = arith.extui %eq3A_2661 : vector<128x1xi1> to vector<128x1xi32>
    %convert_element_type3A_2663 = arith.sitofp %convert_element_type3A_2662 : vector<128x1xi32> to vector<128x1xf32>
    %slice3A_2664 = vector.extract_strided_slice %dot_general3A_820 {offsets = [1, 0], sizes = [1, 32], strides = [1, 1]} : vector<3x32xf32> to vector<1x32xf32>
    %mul3A_2665 = vector.broadcast %convert_element_type3A_2663 : vector<128x1xf32> to vector<128x32xf32>
    %mul3A_2666 = vector.broadcast %slice3A_2664 : vector<1x32xf32> to vector<128x32xf32>
    %mul3A_2667 = arith.mulf %mul3A_2665, %mul3A_2666 : vector<128x32xf32>
    %add3A_2668 = arith.addf %add3A_2658, %mul3A_2667 : vector<128x32xf32>
    %eq3A_2669 = arith.constant 2 : i32
    %eq3A_2670 = vector.broadcast %eq3A_2669 : i32 to vector<128x1xi32>
    %eq3A_2671 = arith.cmpi eq, %slice3A_2648, %eq3A_2670 : vector<128x1xi32>
    %convert_element_type3A_2672 = arith.extui %eq3A_2671 : vector<128x1xi1> to vector<128x1xi32>
    %convert_element_type3A_2673 = arith.sitofp %convert_element_type3A_2672 : vector<128x1xi32> to vector<128x1xf32>
    %slice3A_2674 = vector.extract_strided_slice %dot_general3A_820 {offsets = [2, 0], sizes = [1, 32], strides = [1, 1]} : vector<3x32xf32> to vector<1x32xf32>
    %mul3A_2675 = vector.broadcast %convert_element_type3A_2673 : vector<128x1xf32> to vector<128x32xf32>
    %mul3A_2676 = vector.broadcast %slice3A_2674 : vector<1x32xf32> to vector<128x32xf32>
    %mul3A_2677 = arith.mulf %mul3A_2675, %mul3A_2676 : vector<128x32xf32>
    %add3A_2678 = arith.addf %add3A_2668, %mul3A_2677 : vector<128x32xf32>
    %max3A_2679 = arith.constant 0.000000e+00 : f32
    %max3A_2680 = vector.broadcast %max3A_2679 : f32 to vector<128x32xf32>
    %max3A_2681 = arith.maximumf %add3A_2678, %max3A_2680 : vector<128x32xf32>
    %max3A_2682 = arith.maximumf %max3A_2577, %max3A_2681 : vector<128x32xf32>
    %get3A_2683 = arith.constant 512 : index
    %get3A_2684 = arith.constant 0 : index
    %get3A_2685 = vector.load %arg12[%get3A_2683, %get3A_2684] : memref<864x128xf32, #tpu.memory_space<vmem>>, vector<32x128xf32>
    %dot_general3A_2686 = arith.constant dense<0.000000e+00> : vector<128x128xf32>
    %dot_general3A_2687 = tpu.matmul %max3A_2682, %get3A_2685, %dot_general3A_2686 {dimension_numbers = #tpu.dot_dimension_numbers<[1], [0], [0], [1], [0, 0, 1, 1], [], []>, transpose_lhs_hint = false} : vector<128x32xf32>, vector<32x128xf32>, vector<128x128xf32> -> vector<128x128xf32>
    %add3A_2688 = arith.addf %add3A_2584, %dot_general3A_2687 : vector<128x128xf32>
    %slice3A_2689 = vector.extract_strided_slice %get3A_826 {offsets = [0, 18], sizes = [128, 1], strides = [1, 1]} : vector<128x30xi32> to vector<128x1xi32>
    %eq3A_2690 = arith.constant 0 : i32
    %eq3A_2691 = vector.broadcast %eq3A_2690 : i32 to vector<128x1xi32>
    %eq3A_2692 = arith.cmpi eq, %slice3A_2689, %eq3A_2691 : vector<128x1xi32>
    %convert_element_type3A_2693 = arith.extui %eq3A_2692 : vector<128x1xi1> to vector<128x1xi32>
    %convert_element_type3A_2694 = arith.sitofp %convert_element_type3A_2693 : vector<128x1xi32> to vector<128x1xf32>
    %slice3A_2695 = vector.extract_strided_slice %dot_general3A_806 {offsets = [0, 0], sizes = [1, 32], strides = [1, 1]} : vector<3x32xf32> to vector<1x32xf32>
    %mul3A_2696 = vector.broadcast %convert_element_type3A_2694 : vector<128x1xf32> to vector<128x32xf32>
    %mul3A_2697 = vector.broadcast %slice3A_2695 : vector<1x32xf32> to vector<128x32xf32>
    %mul3A_2698 = arith.mulf %mul3A_2696, %mul3A_2697 : vector<128x32xf32>
    %add3A_2699 = vector.broadcast %get3A_823 : vector<1x32xf32> to vector<128x32xf32>
    %add3A_2700 = arith.addf %add3A_2699, %mul3A_2698 : vector<128x32xf32>
    %eq3A_2701 = arith.constant 1 : i32
    %eq3A_2702 = vector.broadcast %eq3A_2701 : i32 to vector<128x1xi32>
    %eq3A_2703 = arith.cmpi eq, %slice3A_2689, %eq3A_2702 : vector<128x1xi32>
    %convert_element_type3A_2704 = arith.extui %eq3A_2703 : vector<128x1xi1> to vector<128x1xi32>
    %convert_element_type3A_2705 = arith.sitofp %convert_element_type3A_2704 : vector<128x1xi32> to vector<128x1xf32>
    %slice3A_2706 = vector.extract_strided_slice %dot_general3A_806 {offsets = [1, 0], sizes = [1, 32], strides = [1, 1]} : vector<3x32xf32> to vector<1x32xf32>
    %mul3A_2707 = vector.broadcast %convert_element_type3A_2705 : vector<128x1xf32> to vector<128x32xf32>
    %mul3A_2708 = vector.broadcast %slice3A_2706 : vector<1x32xf32> to vector<128x32xf32>
    %mul3A_2709 = arith.mulf %mul3A_2707, %mul3A_2708 : vector<128x32xf32>
    %add3A_2710 = arith.addf %add3A_2700, %mul3A_2709 : vector<128x32xf32>
    %eq3A_2711 = arith.constant 2 : i32
    %eq3A_2712 = vector.broadcast %eq3A_2711 : i32 to vector<128x1xi32>
    %eq3A_2713 = arith.cmpi eq, %slice3A_2689, %eq3A_2712 : vector<128x1xi32>
    %convert_element_type3A_2714 = arith.extui %eq3A_2713 : vector<128x1xi1> to vector<128x1xi32>
    %convert_element_type3A_2715 = arith.sitofp %convert_element_type3A_2714 : vector<128x1xi32> to vector<128x1xf32>
    %slice3A_2716 = vector.extract_strided_slice %dot_general3A_806 {offsets = [2, 0], sizes = [1, 32], strides = [1, 1]} : vector<3x32xf32> to vector<1x32xf32>
    %mul3A_2717 = vector.broadcast %convert_element_type3A_2715 : vector<128x1xf32> to vector<128x32xf32>
    %mul3A_2718 = vector.broadcast %slice3A_2716 : vector<1x32xf32> to vector<128x32xf32>
    %mul3A_2719 = arith.mulf %mul3A_2717, %mul3A_2718 : vector<128x32xf32>
    %add3A_2720 = arith.addf %add3A_2710, %mul3A_2719 : vector<128x32xf32>
    %slice3A_2721 = vector.extract_strided_slice %get3A_826 {offsets = [0, 19], sizes = [128, 1], strides = [1, 1]} : vector<128x30xi32> to vector<128x1xi32>
    %eq3A_2722 = arith.constant 0 : i32
    %eq3A_2723 = vector.broadcast %eq3A_2722 : i32 to vector<128x1xi32>
    %eq3A_2724 = arith.cmpi eq, %slice3A_2721, %eq3A_2723 : vector<128x1xi32>
    %convert_element_type3A_2725 = arith.extui %eq3A_2724 : vector<128x1xi1> to vector<128x1xi32>
    %convert_element_type3A_2726 = arith.sitofp %convert_element_type3A_2725 : vector<128x1xi32> to vector<128x1xf32>
    %slice3A_2727 = vector.extract_strided_slice %dot_general3A_813 {offsets = [0, 0], sizes = [1, 32], strides = [1, 1]} : vector<3x32xf32> to vector<1x32xf32>
    %mul3A_2728 = vector.broadcast %convert_element_type3A_2726 : vector<128x1xf32> to vector<128x32xf32>
    %mul3A_2729 = vector.broadcast %slice3A_2727 : vector<1x32xf32> to vector<128x32xf32>
    %mul3A_2730 = arith.mulf %mul3A_2728, %mul3A_2729 : vector<128x32xf32>
    %add3A_2731 = arith.addf %add3A_2720, %mul3A_2730 : vector<128x32xf32>
    %eq3A_2732 = arith.constant 1 : i32
    %eq3A_2733 = vector.broadcast %eq3A_2732 : i32 to vector<128x1xi32>
    %eq3A_2734 = arith.cmpi eq, %slice3A_2721, %eq3A_2733 : vector<128x1xi32>
    %convert_element_type3A_2735 = arith.extui %eq3A_2734 : vector<128x1xi1> to vector<128x1xi32>
    %convert_element_type3A_2736 = arith.sitofp %convert_element_type3A_2735 : vector<128x1xi32> to vector<128x1xf32>
    %slice3A_2737 = vector.extract_strided_slice %dot_general3A_813 {offsets = [1, 0], sizes = [1, 32], strides = [1, 1]} : vector<3x32xf32> to vector<1x32xf32>
    %mul3A_2738 = vector.broadcast %convert_element_type3A_2736 : vector<128x1xf32> to vector<128x32xf32>
    %mul3A_2739 = vector.broadcast %slice3A_2737 : vector<1x32xf32> to vector<128x32xf32>
    %mul3A_2740 = arith.mulf %mul3A_2738, %mul3A_2739 : vector<128x32xf32>
    %add3A_2741 = arith.addf %add3A_2731, %mul3A_2740 : vector<128x32xf32>
    %eq3A_2742 = arith.constant 2 : i32
    %eq3A_2743 = vector.broadcast %eq3A_2742 : i32 to vector<128x1xi32>
    %eq3A_2744 = arith.cmpi eq, %slice3A_2721, %eq3A_2743 : vector<128x1xi32>
    %convert_element_type3A_2745 = arith.extui %eq3A_2744 : vector<128x1xi1> to vector<128x1xi32>
    %convert_element_type3A_2746 = arith.sitofp %convert_element_type3A_2745 : vector<128x1xi32> to vector<128x1xf32>
    %slice3A_2747 = vector.extract_strided_slice %dot_general3A_813 {offsets = [2, 0], sizes = [1, 32], strides = [1, 1]} : vector<3x32xf32> to vector<1x32xf32>
    %mul3A_2748 = vector.broadcast %convert_element_type3A_2746 : vector<128x1xf32> to vector<128x32xf32>
    %mul3A_2749 = vector.broadcast %slice3A_2747 : vector<1x32xf32> to vector<128x32xf32>
    %mul3A_2750 = arith.mulf %mul3A_2748, %mul3A_2749 : vector<128x32xf32>
    %add3A_2751 = arith.addf %add3A_2741, %mul3A_2750 : vector<128x32xf32>
    %slice3A_2752 = vector.extract_strided_slice %get3A_826 {offsets = [0, 20], sizes = [128, 1], strides = [1, 1]} : vector<128x30xi32> to vector<128x1xi32>
    %eq3A_2753 = arith.constant 0 : i32
    %eq3A_2754 = vector.broadcast %eq3A_2753 : i32 to vector<128x1xi32>
    %eq3A_2755 = arith.cmpi eq, %slice3A_2752, %eq3A_2754 : vector<128x1xi32>
    %convert_element_type3A_2756 = arith.extui %eq3A_2755 : vector<128x1xi1> to vector<128x1xi32>
    %convert_element_type3A_2757 = arith.sitofp %convert_element_type3A_2756 : vector<128x1xi32> to vector<128x1xf32>
    %slice3A_2758 = vector.extract_strided_slice %dot_general3A_820 {offsets = [0, 0], sizes = [1, 32], strides = [1, 1]} : vector<3x32xf32> to vector<1x32xf32>
    %mul3A_2759 = vector.broadcast %convert_element_type3A_2757 : vector<128x1xf32> to vector<128x32xf32>
    %mul3A_2760 = vector.broadcast %slice3A_2758 : vector<1x32xf32> to vector<128x32xf32>
    %mul3A_2761 = arith.mulf %mul3A_2759, %mul3A_2760 : vector<128x32xf32>
    %add3A_2762 = arith.addf %add3A_2751, %mul3A_2761 : vector<128x32xf32>
    %eq3A_2763 = arith.constant 1 : i32
    %eq3A_2764 = vector.broadcast %eq3A_2763 : i32 to vector<128x1xi32>
    %eq3A_2765 = arith.cmpi eq, %slice3A_2752, %eq3A_2764 : vector<128x1xi32>
    %convert_element_type3A_2766 = arith.extui %eq3A_2765 : vector<128x1xi1> to vector<128x1xi32>
    %convert_element_type3A_2767 = arith.sitofp %convert_element_type3A_2766 : vector<128x1xi32> to vector<128x1xf32>
    %slice3A_2768 = vector.extract_strided_slice %dot_general3A_820 {offsets = [1, 0], sizes = [1, 32], strides = [1, 1]} : vector<3x32xf32> to vector<1x32xf32>
    %mul3A_2769 = vector.broadcast %convert_element_type3A_2767 : vector<128x1xf32> to vector<128x32xf32>
    %mul3A_2770 = vector.broadcast %slice3A_2768 : vector<1x32xf32> to vector<128x32xf32>
    %mul3A_2771 = arith.mulf %mul3A_2769, %mul3A_2770 : vector<128x32xf32>
    %add3A_2772 = arith.addf %add3A_2762, %mul3A_2771 : vector<128x32xf32>
    %eq3A_2773 = arith.constant 2 : i32
    %eq3A_2774 = vector.broadcast %eq3A_2773 : i32 to vector<128x1xi32>
    %eq3A_2775 = arith.cmpi eq, %slice3A_2752, %eq3A_2774 : vector<128x1xi32>
    %convert_element_type3A_2776 = arith.extui %eq3A_2775 : vector<128x1xi1> to vector<128x1xi32>
    %convert_element_type3A_2777 = arith.sitofp %convert_element_type3A_2776 : vector<128x1xi32> to vector<128x1xf32>
    %slice3A_2778 = vector.extract_strided_slice %dot_general3A_820 {offsets = [2, 0], sizes = [1, 32], strides = [1, 1]} : vector<3x32xf32> to vector<1x32xf32>
    %mul3A_2779 = vector.broadcast %convert_element_type3A_2777 : vector<128x1xf32> to vector<128x32xf32>
    %mul3A_2780 = vector.broadcast %slice3A_2778 : vector<1x32xf32> to vector<128x32xf32>
    %mul3A_2781 = arith.mulf %mul3A_2779, %mul3A_2780 : vector<128x32xf32>
    %add3A_2782 = arith.addf %add3A_2772, %mul3A_2781 : vector<128x32xf32>
    %max3A_2783 = arith.constant 0.000000e+00 : f32
    %max3A_2784 = vector.broadcast %max3A_2783 : f32 to vector<128x32xf32>
    %max3A_2785 = arith.maximumf %add3A_2782, %max3A_2784 : vector<128x32xf32>
    %max3A_2786 = arith.maximumf %max3A_2681, %max3A_2785 : vector<128x32xf32>
    %get3A_2787 = arith.constant 544 : index
    %get3A_2788 = arith.constant 0 : index
    %get3A_2789 = vector.load %arg12[%get3A_2787, %get3A_2788] : memref<864x128xf32, #tpu.memory_space<vmem>>, vector<32x128xf32>
    %dot_general3A_2790 = arith.constant dense<0.000000e+00> : vector<128x128xf32>
    %dot_general3A_2791 = tpu.matmul %max3A_2786, %get3A_2789, %dot_general3A_2790 {dimension_numbers = #tpu.dot_dimension_numbers<[1], [0], [0], [1], [0, 0, 1, 1], [], []>, transpose_lhs_hint = false} : vector<128x32xf32>, vector<32x128xf32>, vector<128x128xf32> -> vector<128x128xf32>
    %add3A_2792 = arith.addf %add3A_2688, %dot_general3A_2791 : vector<128x128xf32>
    %slice3A_2793 = vector.extract_strided_slice %get3A_826 {offsets = [0, 19], sizes = [128, 1], strides = [1, 1]} : vector<128x30xi32> to vector<128x1xi32>
    %eq3A_2794 = arith.constant 0 : i32
    %eq3A_2795 = vector.broadcast %eq3A_2794 : i32 to vector<128x1xi32>
    %eq3A_2796 = arith.cmpi eq, %slice3A_2793, %eq3A_2795 : vector<128x1xi32>
    %convert_element_type3A_2797 = arith.extui %eq3A_2796 : vector<128x1xi1> to vector<128x1xi32>
    %convert_element_type3A_2798 = arith.sitofp %convert_element_type3A_2797 : vector<128x1xi32> to vector<128x1xf32>
    %slice3A_2799 = vector.extract_strided_slice %dot_general3A_806 {offsets = [0, 0], sizes = [1, 32], strides = [1, 1]} : vector<3x32xf32> to vector<1x32xf32>
    %mul3A_2800 = vector.broadcast %convert_element_type3A_2798 : vector<128x1xf32> to vector<128x32xf32>
    %mul3A_2801 = vector.broadcast %slice3A_2799 : vector<1x32xf32> to vector<128x32xf32>
    %mul3A_2802 = arith.mulf %mul3A_2800, %mul3A_2801 : vector<128x32xf32>
    %add3A_2803 = vector.broadcast %get3A_823 : vector<1x32xf32> to vector<128x32xf32>
    %add3A_2804 = arith.addf %add3A_2803, %mul3A_2802 : vector<128x32xf32>
    %eq3A_2805 = arith.constant 1 : i32
    %eq3A_2806 = vector.broadcast %eq3A_2805 : i32 to vector<128x1xi32>
    %eq3A_2807 = arith.cmpi eq, %slice3A_2793, %eq3A_2806 : vector<128x1xi32>
    %convert_element_type3A_2808 = arith.extui %eq3A_2807 : vector<128x1xi1> to vector<128x1xi32>
    %convert_element_type3A_2809 = arith.sitofp %convert_element_type3A_2808 : vector<128x1xi32> to vector<128x1xf32>
    %slice3A_2810 = vector.extract_strided_slice %dot_general3A_806 {offsets = [1, 0], sizes = [1, 32], strides = [1, 1]} : vector<3x32xf32> to vector<1x32xf32>
    %mul3A_2811 = vector.broadcast %convert_element_type3A_2809 : vector<128x1xf32> to vector<128x32xf32>
    %mul3A_2812 = vector.broadcast %slice3A_2810 : vector<1x32xf32> to vector<128x32xf32>
    %mul3A_2813 = arith.mulf %mul3A_2811, %mul3A_2812 : vector<128x32xf32>
    %add3A_2814 = arith.addf %add3A_2804, %mul3A_2813 : vector<128x32xf32>
    %eq3A_2815 = arith.constant 2 : i32
    %eq3A_2816 = vector.broadcast %eq3A_2815 : i32 to vector<128x1xi32>
    %eq3A_2817 = arith.cmpi eq, %slice3A_2793, %eq3A_2816 : vector<128x1xi32>
    %convert_element_type3A_2818 = arith.extui %eq3A_2817 : vector<128x1xi1> to vector<128x1xi32>
    %convert_element_type3A_2819 = arith.sitofp %convert_element_type3A_2818 : vector<128x1xi32> to vector<128x1xf32>
    %slice3A_2820 = vector.extract_strided_slice %dot_general3A_806 {offsets = [2, 0], sizes = [1, 32], strides = [1, 1]} : vector<3x32xf32> to vector<1x32xf32>
    %mul3A_2821 = vector.broadcast %convert_element_type3A_2819 : vector<128x1xf32> to vector<128x32xf32>
    %mul3A_2822 = vector.broadcast %slice3A_2820 : vector<1x32xf32> to vector<128x32xf32>
    %mul3A_2823 = arith.mulf %mul3A_2821, %mul3A_2822 : vector<128x32xf32>
    %add3A_2824 = arith.addf %add3A_2814, %mul3A_2823 : vector<128x32xf32>
    %slice3A_2825 = vector.extract_strided_slice %get3A_826 {offsets = [0, 20], sizes = [128, 1], strides = [1, 1]} : vector<128x30xi32> to vector<128x1xi32>
    %eq3A_2826 = arith.constant 0 : i32
    %eq3A_2827 = vector.broadcast %eq3A_2826 : i32 to vector<128x1xi32>
    %eq3A_2828 = arith.cmpi eq, %slice3A_2825, %eq3A_2827 : vector<128x1xi32>
    %convert_element_type3A_2829 = arith.extui %eq3A_2828 : vector<128x1xi1> to vector<128x1xi32>
    %convert_element_type3A_2830 = arith.sitofp %convert_element_type3A_2829 : vector<128x1xi32> to vector<128x1xf32>
    %slice3A_2831 = vector.extract_strided_slice %dot_general3A_813 {offsets = [0, 0], sizes = [1, 32], strides = [1, 1]} : vector<3x32xf32> to vector<1x32xf32>
    %mul3A_2832 = vector.broadcast %convert_element_type3A_2830 : vector<128x1xf32> to vector<128x32xf32>
    %mul3A_2833 = vector.broadcast %slice3A_2831 : vector<1x32xf32> to vector<128x32xf32>
    %mul3A_2834 = arith.mulf %mul3A_2832, %mul3A_2833 : vector<128x32xf32>
    %add3A_2835 = arith.addf %add3A_2824, %mul3A_2834 : vector<128x32xf32>
    %eq3A_2836 = arith.constant 1 : i32
    %eq3A_2837 = vector.broadcast %eq3A_2836 : i32 to vector<128x1xi32>
    %eq3A_2838 = arith.cmpi eq, %slice3A_2825, %eq3A_2837 : vector<128x1xi32>
    %convert_element_type3A_2839 = arith.extui %eq3A_2838 : vector<128x1xi1> to vector<128x1xi32>
    %convert_element_type3A_2840 = arith.sitofp %convert_element_type3A_2839 : vector<128x1xi32> to vector<128x1xf32>
    %slice3A_2841 = vector.extract_strided_slice %dot_general3A_813 {offsets = [1, 0], sizes = [1, 32], strides = [1, 1]} : vector<3x32xf32> to vector<1x32xf32>
    %mul3A_2842 = vector.broadcast %convert_element_type3A_2840 : vector<128x1xf32> to vector<128x32xf32>
    %mul3A_2843 = vector.broadcast %slice3A_2841 : vector<1x32xf32> to vector<128x32xf32>
    %mul3A_2844 = arith.mulf %mul3A_2842, %mul3A_2843 : vector<128x32xf32>
    %add3A_2845 = arith.addf %add3A_2835, %mul3A_2844 : vector<128x32xf32>
    %eq3A_2846 = arith.constant 2 : i32
    %eq3A_2847 = vector.broadcast %eq3A_2846 : i32 to vector<128x1xi32>
    %eq3A_2848 = arith.cmpi eq, %slice3A_2825, %eq3A_2847 : vector<128x1xi32>
    %convert_element_type3A_2849 = arith.extui %eq3A_2848 : vector<128x1xi1> to vector<128x1xi32>
    %convert_element_type3A_2850 = arith.sitofp %convert_element_type3A_2849 : vector<128x1xi32> to vector<128x1xf32>
    %slice3A_2851 = vector.extract_strided_slice %dot_general3A_813 {offsets = [2, 0], sizes = [1, 32], strides = [1, 1]} : vector<3x32xf32> to vector<1x32xf32>
    %mul3A_2852 = vector.broadcast %convert_element_type3A_2850 : vector<128x1xf32> to vector<128x32xf32>
    %mul3A_2853 = vector.broadcast %slice3A_2851 : vector<1x32xf32> to vector<128x32xf32>
    %mul3A_2854 = arith.mulf %mul3A_2852, %mul3A_2853 : vector<128x32xf32>
    %add3A_2855 = arith.addf %add3A_2845, %mul3A_2854 : vector<128x32xf32>
    %slice3A_2856 = vector.extract_strided_slice %get3A_826 {offsets = [0, 21], sizes = [128, 1], strides = [1, 1]} : vector<128x30xi32> to vector<128x1xi32>
    %eq3A_2857 = arith.constant 0 : i32
    %eq3A_2858 = vector.broadcast %eq3A_2857 : i32 to vector<128x1xi32>
    %eq3A_2859 = arith.cmpi eq, %slice3A_2856, %eq3A_2858 : vector<128x1xi32>
    %convert_element_type3A_2860 = arith.extui %eq3A_2859 : vector<128x1xi1> to vector<128x1xi32>
    %convert_element_type3A_2861 = arith.sitofp %convert_element_type3A_2860 : vector<128x1xi32> to vector<128x1xf32>
    %slice3A_2862 = vector.extract_strided_slice %dot_general3A_820 {offsets = [0, 0], sizes = [1, 32], strides = [1, 1]} : vector<3x32xf32> to vector<1x32xf32>
    %mul3A_2863 = vector.broadcast %convert_element_type3A_2861 : vector<128x1xf32> to vector<128x32xf32>
    %mul3A_2864 = vector.broadcast %slice3A_2862 : vector<1x32xf32> to vector<128x32xf32>
    %mul3A_2865 = arith.mulf %mul3A_2863, %mul3A_2864 : vector<128x32xf32>
    %add3A_2866 = arith.addf %add3A_2855, %mul3A_2865 : vector<128x32xf32>
    %eq3A_2867 = arith.constant 1 : i32
    %eq3A_2868 = vector.broadcast %eq3A_2867 : i32 to vector<128x1xi32>
    %eq3A_2869 = arith.cmpi eq, %slice3A_2856, %eq3A_2868 : vector<128x1xi32>
    %convert_element_type3A_2870 = arith.extui %eq3A_2869 : vector<128x1xi1> to vector<128x1xi32>
    %convert_element_type3A_2871 = arith.sitofp %convert_element_type3A_2870 : vector<128x1xi32> to vector<128x1xf32>
    %slice3A_2872 = vector.extract_strided_slice %dot_general3A_820 {offsets = [1, 0], sizes = [1, 32], strides = [1, 1]} : vector<3x32xf32> to vector<1x32xf32>
    %mul3A_2873 = vector.broadcast %convert_element_type3A_2871 : vector<128x1xf32> to vector<128x32xf32>
    %mul3A_2874 = vector.broadcast %slice3A_2872 : vector<1x32xf32> to vector<128x32xf32>
    %mul3A_2875 = arith.mulf %mul3A_2873, %mul3A_2874 : vector<128x32xf32>
    %add3A_2876 = arith.addf %add3A_2866, %mul3A_2875 : vector<128x32xf32>
    %eq3A_2877 = arith.constant 2 : i32
    %eq3A_2878 = vector.broadcast %eq3A_2877 : i32 to vector<128x1xi32>
    %eq3A_2879 = arith.cmpi eq, %slice3A_2856, %eq3A_2878 : vector<128x1xi32>
    %convert_element_type3A_2880 = arith.extui %eq3A_2879 : vector<128x1xi1> to vector<128x1xi32>
    %convert_element_type3A_2881 = arith.sitofp %convert_element_type3A_2880 : vector<128x1xi32> to vector<128x1xf32>
    %slice3A_2882 = vector.extract_strided_slice %dot_general3A_820 {offsets = [2, 0], sizes = [1, 32], strides = [1, 1]} : vector<3x32xf32> to vector<1x32xf32>
    %mul3A_2883 = vector.broadcast %convert_element_type3A_2881 : vector<128x1xf32> to vector<128x32xf32>
    %mul3A_2884 = vector.broadcast %slice3A_2882 : vector<1x32xf32> to vector<128x32xf32>
    %mul3A_2885 = arith.mulf %mul3A_2883, %mul3A_2884 : vector<128x32xf32>
    %add3A_2886 = arith.addf %add3A_2876, %mul3A_2885 : vector<128x32xf32>
    %max3A_2887 = arith.constant 0.000000e+00 : f32
    %max3A_2888 = vector.broadcast %max3A_2887 : f32 to vector<128x32xf32>
    %max3A_2889 = arith.maximumf %add3A_2886, %max3A_2888 : vector<128x32xf32>
    %max3A_2890 = arith.maximumf %max3A_2785, %max3A_2889 : vector<128x32xf32>
    %get3A_2891 = arith.constant 576 : index
    %get3A_2892 = arith.constant 0 : index
    %get3A_2893 = vector.load %arg12[%get3A_2891, %get3A_2892] : memref<864x128xf32, #tpu.memory_space<vmem>>, vector<32x128xf32>
    %dot_general3A_2894 = arith.constant dense<0.000000e+00> : vector<128x128xf32>
    %dot_general3A_2895 = tpu.matmul %max3A_2890, %get3A_2893, %dot_general3A_2894 {dimension_numbers = #tpu.dot_dimension_numbers<[1], [0], [0], [1], [0, 0, 1, 1], [], []>, transpose_lhs_hint = false} : vector<128x32xf32>, vector<32x128xf32>, vector<128x128xf32> -> vector<128x128xf32>
    %add3A_2896 = arith.addf %add3A_2792, %dot_general3A_2895 : vector<128x128xf32>
    %slice3A_2897 = vector.extract_strided_slice %get3A_826 {offsets = [0, 20], sizes = [128, 1], strides = [1, 1]} : vector<128x30xi32> to vector<128x1xi32>
    %eq3A_2898 = arith.constant 0 : i32
    %eq3A_2899 = vector.broadcast %eq3A_2898 : i32 to vector<128x1xi32>
    %eq3A_2900 = arith.cmpi eq, %slice3A_2897, %eq3A_2899 : vector<128x1xi32>
    %convert_element_type3A_2901 = arith.extui %eq3A_2900 : vector<128x1xi1> to vector<128x1xi32>
    %convert_element_type3A_2902 = arith.sitofp %convert_element_type3A_2901 : vector<128x1xi32> to vector<128x1xf32>
    %slice3A_2903 = vector.extract_strided_slice %dot_general3A_806 {offsets = [0, 0], sizes = [1, 32], strides = [1, 1]} : vector<3x32xf32> to vector<1x32xf32>
    %mul3A_2904 = vector.broadcast %convert_element_type3A_2902 : vector<128x1xf32> to vector<128x32xf32>
    %mul3A_2905 = vector.broadcast %slice3A_2903 : vector<1x32xf32> to vector<128x32xf32>
    %mul3A_2906 = arith.mulf %mul3A_2904, %mul3A_2905 : vector<128x32xf32>
    %add3A_2907 = vector.broadcast %get3A_823 : vector<1x32xf32> to vector<128x32xf32>
    %add3A_2908 = arith.addf %add3A_2907, %mul3A_2906 : vector<128x32xf32>
    %eq3A_2909 = arith.constant 1 : i32
    %eq3A_2910 = vector.broadcast %eq3A_2909 : i32 to vector<128x1xi32>
    %eq3A_2911 = arith.cmpi eq, %slice3A_2897, %eq3A_2910 : vector<128x1xi32>
    %convert_element_type3A_2912 = arith.extui %eq3A_2911 : vector<128x1xi1> to vector<128x1xi32>
    %convert_element_type3A_2913 = arith.sitofp %convert_element_type3A_2912 : vector<128x1xi32> to vector<128x1xf32>
    %slice3A_2914 = vector.extract_strided_slice %dot_general3A_806 {offsets = [1, 0], sizes = [1, 32], strides = [1, 1]} : vector<3x32xf32> to vector<1x32xf32>
    %mul3A_2915 = vector.broadcast %convert_element_type3A_2913 : vector<128x1xf32> to vector<128x32xf32>
    %mul3A_2916 = vector.broadcast %slice3A_2914 : vector<1x32xf32> to vector<128x32xf32>
    %mul3A_2917 = arith.mulf %mul3A_2915, %mul3A_2916 : vector<128x32xf32>
    %add3A_2918 = arith.addf %add3A_2908, %mul3A_2917 : vector<128x32xf32>
    %eq3A_2919 = arith.constant 2 : i32
    %eq3A_2920 = vector.broadcast %eq3A_2919 : i32 to vector<128x1xi32>
    %eq3A_2921 = arith.cmpi eq, %slice3A_2897, %eq3A_2920 : vector<128x1xi32>
    %convert_element_type3A_2922 = arith.extui %eq3A_2921 : vector<128x1xi1> to vector<128x1xi32>
    %convert_element_type3A_2923 = arith.sitofp %convert_element_type3A_2922 : vector<128x1xi32> to vector<128x1xf32>
    %slice3A_2924 = vector.extract_strided_slice %dot_general3A_806 {offsets = [2, 0], sizes = [1, 32], strides = [1, 1]} : vector<3x32xf32> to vector<1x32xf32>
    %mul3A_2925 = vector.broadcast %convert_element_type3A_2923 : vector<128x1xf32> to vector<128x32xf32>
    %mul3A_2926 = vector.broadcast %slice3A_2924 : vector<1x32xf32> to vector<128x32xf32>
    %mul3A_2927 = arith.mulf %mul3A_2925, %mul3A_2926 : vector<128x32xf32>
    %add3A_2928 = arith.addf %add3A_2918, %mul3A_2927 : vector<128x32xf32>
    %slice3A_2929 = vector.extract_strided_slice %get3A_826 {offsets = [0, 21], sizes = [128, 1], strides = [1, 1]} : vector<128x30xi32> to vector<128x1xi32>
    %eq3A_2930 = arith.constant 0 : i32
    %eq3A_2931 = vector.broadcast %eq3A_2930 : i32 to vector<128x1xi32>
    %eq3A_2932 = arith.cmpi eq, %slice3A_2929, %eq3A_2931 : vector<128x1xi32>
    %convert_element_type3A_2933 = arith.extui %eq3A_2932 : vector<128x1xi1> to vector<128x1xi32>
    %convert_element_type3A_2934 = arith.sitofp %convert_element_type3A_2933 : vector<128x1xi32> to vector<128x1xf32>
    %slice3A_2935 = vector.extract_strided_slice %dot_general3A_813 {offsets = [0, 0], sizes = [1, 32], strides = [1, 1]} : vector<3x32xf32> to vector<1x32xf32>
    %mul3A_2936 = vector.broadcast %convert_element_type3A_2934 : vector<128x1xf32> to vector<128x32xf32>
    %mul3A_2937 = vector.broadcast %slice3A_2935 : vector<1x32xf32> to vector<128x32xf32>
    %mul3A_2938 = arith.mulf %mul3A_2936, %mul3A_2937 : vector<128x32xf32>
    %add3A_2939 = arith.addf %add3A_2928, %mul3A_2938 : vector<128x32xf32>
    %eq3A_2940 = arith.constant 1 : i32
    %eq3A_2941 = vector.broadcast %eq3A_2940 : i32 to vector<128x1xi32>
    %eq3A_2942 = arith.cmpi eq, %slice3A_2929, %eq3A_2941 : vector<128x1xi32>
    %convert_element_type3A_2943 = arith.extui %eq3A_2942 : vector<128x1xi1> to vector<128x1xi32>
    %convert_element_type3A_2944 = arith.sitofp %convert_element_type3A_2943 : vector<128x1xi32> to vector<128x1xf32>
    %slice3A_2945 = vector.extract_strided_slice %dot_general3A_813 {offsets = [1, 0], sizes = [1, 32], strides = [1, 1]} : vector<3x32xf32> to vector<1x32xf32>
    %mul3A_2946 = vector.broadcast %convert_element_type3A_2944 : vector<128x1xf32> to vector<128x32xf32>
    %mul3A_2947 = vector.broadcast %slice3A_2945 : vector<1x32xf32> to vector<128x32xf32>
    %mul3A_2948 = arith.mulf %mul3A_2946, %mul3A_2947 : vector<128x32xf32>
    %add3A_2949 = arith.addf %add3A_2939, %mul3A_2948 : vector<128x32xf32>
    %eq3A_2950 = arith.constant 2 : i32
    %eq3A_2951 = vector.broadcast %eq3A_2950 : i32 to vector<128x1xi32>
    %eq3A_2952 = arith.cmpi eq, %slice3A_2929, %eq3A_2951 : vector<128x1xi32>
    %convert_element_type3A_2953 = arith.extui %eq3A_2952 : vector<128x1xi1> to vector<128x1xi32>
    %convert_element_type3A_2954 = arith.sitofp %convert_element_type3A_2953 : vector<128x1xi32> to vector<128x1xf32>
    %slice3A_2955 = vector.extract_strided_slice %dot_general3A_813 {offsets = [2, 0], sizes = [1, 32], strides = [1, 1]} : vector<3x32xf32> to vector<1x32xf32>
    %mul3A_2956 = vector.broadcast %convert_element_type3A_2954 : vector<128x1xf32> to vector<128x32xf32>
    %mul3A_2957 = vector.broadcast %slice3A_2955 : vector<1x32xf32> to vector<128x32xf32>
    %mul3A_2958 = arith.mulf %mul3A_2956, %mul3A_2957 : vector<128x32xf32>
    %add3A_2959 = arith.addf %add3A_2949, %mul3A_2958 : vector<128x32xf32>
    %slice3A_2960 = vector.extract_strided_slice %get3A_826 {offsets = [0, 22], sizes = [128, 1], strides = [1, 1]} : vector<128x30xi32> to vector<128x1xi32>
    %eq3A_2961 = arith.constant 0 : i32
    %eq3A_2962 = vector.broadcast %eq3A_2961 : i32 to vector<128x1xi32>
    %eq3A_2963 = arith.cmpi eq, %slice3A_2960, %eq3A_2962 : vector<128x1xi32>
    %convert_element_type3A_2964 = arith.extui %eq3A_2963 : vector<128x1xi1> to vector<128x1xi32>
    %convert_element_type3A_2965 = arith.sitofp %convert_element_type3A_2964 : vector<128x1xi32> to vector<128x1xf32>
    %slice3A_2966 = vector.extract_strided_slice %dot_general3A_820 {offsets = [0, 0], sizes = [1, 32], strides = [1, 1]} : vector<3x32xf32> to vector<1x32xf32>
    %mul3A_2967 = vector.broadcast %convert_element_type3A_2965 : vector<128x1xf32> to vector<128x32xf32>
    %mul3A_2968 = vector.broadcast %slice3A_2966 : vector<1x32xf32> to vector<128x32xf32>
    %mul3A_2969 = arith.mulf %mul3A_2967, %mul3A_2968 : vector<128x32xf32>
    %add3A_2970 = arith.addf %add3A_2959, %mul3A_2969 : vector<128x32xf32>
    %eq3A_2971 = arith.constant 1 : i32
    %eq3A_2972 = vector.broadcast %eq3A_2971 : i32 to vector<128x1xi32>
    %eq3A_2973 = arith.cmpi eq, %slice3A_2960, %eq3A_2972 : vector<128x1xi32>
    %convert_element_type3A_2974 = arith.extui %eq3A_2973 : vector<128x1xi1> to vector<128x1xi32>
    %convert_element_type3A_2975 = arith.sitofp %convert_element_type3A_2974 : vector<128x1xi32> to vector<128x1xf32>
    %slice3A_2976 = vector.extract_strided_slice %dot_general3A_820 {offsets = [1, 0], sizes = [1, 32], strides = [1, 1]} : vector<3x32xf32> to vector<1x32xf32>
    %mul3A_2977 = vector.broadcast %convert_element_type3A_2975 : vector<128x1xf32> to vector<128x32xf32>
    %mul3A_2978 = vector.broadcast %slice3A_2976 : vector<1x32xf32> to vector<128x32xf32>
    %mul3A_2979 = arith.mulf %mul3A_2977, %mul3A_2978 : vector<128x32xf32>
    %add3A_2980 = arith.addf %add3A_2970, %mul3A_2979 : vector<128x32xf32>
    %eq3A_2981 = arith.constant 2 : i32
    %eq3A_2982 = vector.broadcast %eq3A_2981 : i32 to vector<128x1xi32>
    %eq3A_2983 = arith.cmpi eq, %slice3A_2960, %eq3A_2982 : vector<128x1xi32>
    %convert_element_type3A_2984 = arith.extui %eq3A_2983 : vector<128x1xi1> to vector<128x1xi32>
    %convert_element_type3A_2985 = arith.sitofp %convert_element_type3A_2984 : vector<128x1xi32> to vector<128x1xf32>
    %slice3A_2986 = vector.extract_strided_slice %dot_general3A_820 {offsets = [2, 0], sizes = [1, 32], strides = [1, 1]} : vector<3x32xf32> to vector<1x32xf32>
    %mul3A_2987 = vector.broadcast %convert_element_type3A_2985 : vector<128x1xf32> to vector<128x32xf32>
    %mul3A_2988 = vector.broadcast %slice3A_2986 : vector<1x32xf32> to vector<128x32xf32>
    %mul3A_2989 = arith.mulf %mul3A_2987, %mul3A_2988 : vector<128x32xf32>
    %add3A_2990 = arith.addf %add3A_2980, %mul3A_2989 : vector<128x32xf32>
    %max3A_2991 = arith.constant 0.000000e+00 : f32
    %max3A_2992 = vector.broadcast %max3A_2991 : f32 to vector<128x32xf32>
    %max3A_2993 = arith.maximumf %add3A_2990, %max3A_2992 : vector<128x32xf32>
    %max3A_2994 = arith.maximumf %max3A_2889, %max3A_2993 : vector<128x32xf32>
    %get3A_2995 = arith.constant 608 : index
    %get3A_2996 = arith.constant 0 : index
    %get3A_2997 = vector.load %arg12[%get3A_2995, %get3A_2996] : memref<864x128xf32, #tpu.memory_space<vmem>>, vector<32x128xf32>
    %dot_general3A_2998 = arith.constant dense<0.000000e+00> : vector<128x128xf32>
    %dot_general3A_2999 = tpu.matmul %max3A_2994, %get3A_2997, %dot_general3A_2998 {dimension_numbers = #tpu.dot_dimension_numbers<[1], [0], [0], [1], [0, 0, 1, 1], [], []>, transpose_lhs_hint = false} : vector<128x32xf32>, vector<32x128xf32>, vector<128x128xf32> -> vector<128x128xf32>
    %add3A_3000 = arith.addf %add3A_2896, %dot_general3A_2999 : vector<128x128xf32>
    %slice3A_3001 = vector.extract_strided_slice %get3A_826 {offsets = [0, 21], sizes = [128, 1], strides = [1, 1]} : vector<128x30xi32> to vector<128x1xi32>
    %eq3A_3002 = arith.constant 0 : i32
    %eq3A_3003 = vector.broadcast %eq3A_3002 : i32 to vector<128x1xi32>
    %eq3A_3004 = arith.cmpi eq, %slice3A_3001, %eq3A_3003 : vector<128x1xi32>
    %convert_element_type3A_3005 = arith.extui %eq3A_3004 : vector<128x1xi1> to vector<128x1xi32>
    %convert_element_type3A_3006 = arith.sitofp %convert_element_type3A_3005 : vector<128x1xi32> to vector<128x1xf32>
    %slice3A_3007 = vector.extract_strided_slice %dot_general3A_806 {offsets = [0, 0], sizes = [1, 32], strides = [1, 1]} : vector<3x32xf32> to vector<1x32xf32>
    %mul3A_3008 = vector.broadcast %convert_element_type3A_3006 : vector<128x1xf32> to vector<128x32xf32>
    %mul3A_3009 = vector.broadcast %slice3A_3007 : vector<1x32xf32> to vector<128x32xf32>
    %mul3A_3010 = arith.mulf %mul3A_3008, %mul3A_3009 : vector<128x32xf32>
    %add3A_3011 = vector.broadcast %get3A_823 : vector<1x32xf32> to vector<128x32xf32>
    %add3A_3012 = arith.addf %add3A_3011, %mul3A_3010 : vector<128x32xf32>
    %eq3A_3013 = arith.constant 1 : i32
    %eq3A_3014 = vector.broadcast %eq3A_3013 : i32 to vector<128x1xi32>
    %eq3A_3015 = arith.cmpi eq, %slice3A_3001, %eq3A_3014 : vector<128x1xi32>
    %convert_element_type3A_3016 = arith.extui %eq3A_3015 : vector<128x1xi1> to vector<128x1xi32>
    %convert_element_type3A_3017 = arith.sitofp %convert_element_type3A_3016 : vector<128x1xi32> to vector<128x1xf32>
    %slice3A_3018 = vector.extract_strided_slice %dot_general3A_806 {offsets = [1, 0], sizes = [1, 32], strides = [1, 1]} : vector<3x32xf32> to vector<1x32xf32>
    %mul3A_3019 = vector.broadcast %convert_element_type3A_3017 : vector<128x1xf32> to vector<128x32xf32>
    %mul3A_3020 = vector.broadcast %slice3A_3018 : vector<1x32xf32> to vector<128x32xf32>
    %mul3A_3021 = arith.mulf %mul3A_3019, %mul3A_3020 : vector<128x32xf32>
    %add3A_3022 = arith.addf %add3A_3012, %mul3A_3021 : vector<128x32xf32>
    %eq3A_3023 = arith.constant 2 : i32
    %eq3A_3024 = vector.broadcast %eq3A_3023 : i32 to vector<128x1xi32>
    %eq3A_3025 = arith.cmpi eq, %slice3A_3001, %eq3A_3024 : vector<128x1xi32>
    %convert_element_type3A_3026 = arith.extui %eq3A_3025 : vector<128x1xi1> to vector<128x1xi32>
    %convert_element_type3A_3027 = arith.sitofp %convert_element_type3A_3026 : vector<128x1xi32> to vector<128x1xf32>
    %slice3A_3028 = vector.extract_strided_slice %dot_general3A_806 {offsets = [2, 0], sizes = [1, 32], strides = [1, 1]} : vector<3x32xf32> to vector<1x32xf32>
    %mul3A_3029 = vector.broadcast %convert_element_type3A_3027 : vector<128x1xf32> to vector<128x32xf32>
    %mul3A_3030 = vector.broadcast %slice3A_3028 : vector<1x32xf32> to vector<128x32xf32>
    %mul3A_3031 = arith.mulf %mul3A_3029, %mul3A_3030 : vector<128x32xf32>
    %add3A_3032 = arith.addf %add3A_3022, %mul3A_3031 : vector<128x32xf32>
    %slice3A_3033 = vector.extract_strided_slice %get3A_826 {offsets = [0, 22], sizes = [128, 1], strides = [1, 1]} : vector<128x30xi32> to vector<128x1xi32>
    %eq3A_3034 = arith.constant 0 : i32
    %eq3A_3035 = vector.broadcast %eq3A_3034 : i32 to vector<128x1xi32>
    %eq3A_3036 = arith.cmpi eq, %slice3A_3033, %eq3A_3035 : vector<128x1xi32>
    %convert_element_type3A_3037 = arith.extui %eq3A_3036 : vector<128x1xi1> to vector<128x1xi32>
    %convert_element_type3A_3038 = arith.sitofp %convert_element_type3A_3037 : vector<128x1xi32> to vector<128x1xf32>
    %slice3A_3039 = vector.extract_strided_slice %dot_general3A_813 {offsets = [0, 0], sizes = [1, 32], strides = [1, 1]} : vector<3x32xf32> to vector<1x32xf32>
    %mul3A_3040 = vector.broadcast %convert_element_type3A_3038 : vector<128x1xf32> to vector<128x32xf32>
    %mul3A_3041 = vector.broadcast %slice3A_3039 : vector<1x32xf32> to vector<128x32xf32>
    %mul3A_3042 = arith.mulf %mul3A_3040, %mul3A_3041 : vector<128x32xf32>
    %add3A_3043 = arith.addf %add3A_3032, %mul3A_3042 : vector<128x32xf32>
    %eq3A_3044 = arith.constant 1 : i32
    %eq3A_3045 = vector.broadcast %eq3A_3044 : i32 to vector<128x1xi32>
    %eq3A_3046 = arith.cmpi eq, %slice3A_3033, %eq3A_3045 : vector<128x1xi32>
    %convert_element_type3A_3047 = arith.extui %eq3A_3046 : vector<128x1xi1> to vector<128x1xi32>
    %convert_element_type3A_3048 = arith.sitofp %convert_element_type3A_3047 : vector<128x1xi32> to vector<128x1xf32>
    %slice3A_3049 = vector.extract_strided_slice %dot_general3A_813 {offsets = [1, 0], sizes = [1, 32], strides = [1, 1]} : vector<3x32xf32> to vector<1x32xf32>
    %mul3A_3050 = vector.broadcast %convert_element_type3A_3048 : vector<128x1xf32> to vector<128x32xf32>
    %mul3A_3051 = vector.broadcast %slice3A_3049 : vector<1x32xf32> to vector<128x32xf32>
    %mul3A_3052 = arith.mulf %mul3A_3050, %mul3A_3051 : vector<128x32xf32>
    %add3A_3053 = arith.addf %add3A_3043, %mul3A_3052 : vector<128x32xf32>
    %eq3A_3054 = arith.constant 2 : i32
    %eq3A_3055 = vector.broadcast %eq3A_3054 : i32 to vector<128x1xi32>
    %eq3A_3056 = arith.cmpi eq, %slice3A_3033, %eq3A_3055 : vector<128x1xi32>
    %convert_element_type3A_3057 = arith.extui %eq3A_3056 : vector<128x1xi1> to vector<128x1xi32>
    %convert_element_type3A_3058 = arith.sitofp %convert_element_type3A_3057 : vector<128x1xi32> to vector<128x1xf32>
    %slice3A_3059 = vector.extract_strided_slice %dot_general3A_813 {offsets = [2, 0], sizes = [1, 32], strides = [1, 1]} : vector<3x32xf32> to vector<1x32xf32>
    %mul3A_3060 = vector.broadcast %convert_element_type3A_3058 : vector<128x1xf32> to vector<128x32xf32>
    %mul3A_3061 = vector.broadcast %slice3A_3059 : vector<1x32xf32> to vector<128x32xf32>
    %mul3A_3062 = arith.mulf %mul3A_3060, %mul3A_3061 : vector<128x32xf32>
    %add3A_3063 = arith.addf %add3A_3053, %mul3A_3062 : vector<128x32xf32>
    %slice3A_3064 = vector.extract_strided_slice %get3A_826 {offsets = [0, 23], sizes = [128, 1], strides = [1, 1]} : vector<128x30xi32> to vector<128x1xi32>
    %eq3A_3065 = arith.constant 0 : i32
    %eq3A_3066 = vector.broadcast %eq3A_3065 : i32 to vector<128x1xi32>
    %eq3A_3067 = arith.cmpi eq, %slice3A_3064, %eq3A_3066 : vector<128x1xi32>
    %convert_element_type3A_3068 = arith.extui %eq3A_3067 : vector<128x1xi1> to vector<128x1xi32>
    %convert_element_type3A_3069 = arith.sitofp %convert_element_type3A_3068 : vector<128x1xi32> to vector<128x1xf32>
    %slice3A_3070 = vector.extract_strided_slice %dot_general3A_820 {offsets = [0, 0], sizes = [1, 32], strides = [1, 1]} : vector<3x32xf32> to vector<1x32xf32>
    %mul3A_3071 = vector.broadcast %convert_element_type3A_3069 : vector<128x1xf32> to vector<128x32xf32>
    %mul3A_3072 = vector.broadcast %slice3A_3070 : vector<1x32xf32> to vector<128x32xf32>
    %mul3A_3073 = arith.mulf %mul3A_3071, %mul3A_3072 : vector<128x32xf32>
    %add3A_3074 = arith.addf %add3A_3063, %mul3A_3073 : vector<128x32xf32>
    %eq3A_3075 = arith.constant 1 : i32
    %eq3A_3076 = vector.broadcast %eq3A_3075 : i32 to vector<128x1xi32>
    %eq3A_3077 = arith.cmpi eq, %slice3A_3064, %eq3A_3076 : vector<128x1xi32>
    %convert_element_type3A_3078 = arith.extui %eq3A_3077 : vector<128x1xi1> to vector<128x1xi32>
    %convert_element_type3A_3079 = arith.sitofp %convert_element_type3A_3078 : vector<128x1xi32> to vector<128x1xf32>
    %slice3A_3080 = vector.extract_strided_slice %dot_general3A_820 {offsets = [1, 0], sizes = [1, 32], strides = [1, 1]} : vector<3x32xf32> to vector<1x32xf32>
    %mul3A_3081 = vector.broadcast %convert_element_type3A_3079 : vector<128x1xf32> to vector<128x32xf32>
    %mul3A_3082 = vector.broadcast %slice3A_3080 : vector<1x32xf32> to vector<128x32xf32>
    %mul3A_3083 = arith.mulf %mul3A_3081, %mul3A_3082 : vector<128x32xf32>
    %add3A_3084 = arith.addf %add3A_3074, %mul3A_3083 : vector<128x32xf32>
    %eq3A_3085 = arith.constant 2 : i32
    %eq3A_3086 = vector.broadcast %eq3A_3085 : i32 to vector<128x1xi32>
    %eq3A_3087 = arith.cmpi eq, %slice3A_3064, %eq3A_3086 : vector<128x1xi32>
    %convert_element_type3A_3088 = arith.extui %eq3A_3087 : vector<128x1xi1> to vector<128x1xi32>
    %convert_element_type3A_3089 = arith.sitofp %convert_element_type3A_3088 : vector<128x1xi32> to vector<128x1xf32>
    %slice3A_3090 = vector.extract_strided_slice %dot_general3A_820 {offsets = [2, 0], sizes = [1, 32], strides = [1, 1]} : vector<3x32xf32> to vector<1x32xf32>
    %mul3A_3091 = vector.broadcast %convert_element_type3A_3089 : vector<128x1xf32> to vector<128x32xf32>
    %mul3A_3092 = vector.broadcast %slice3A_3090 : vector<1x32xf32> to vector<128x32xf32>
    %mul3A_3093 = arith.mulf %mul3A_3091, %mul3A_3092 : vector<128x32xf32>
    %add3A_3094 = arith.addf %add3A_3084, %mul3A_3093 : vector<128x32xf32>
    %max3A_3095 = arith.constant 0.000000e+00 : f32
    %max3A_3096 = vector.broadcast %max3A_3095 : f32 to vector<128x32xf32>
    %max3A_3097 = arith.maximumf %add3A_3094, %max3A_3096 : vector<128x32xf32>
    %max3A_3098 = arith.maximumf %max3A_2993, %max3A_3097 : vector<128x32xf32>
    %get3A_3099 = arith.constant 640 : index
    %get3A_3100 = arith.constant 0 : index
    %get3A_3101 = vector.load %arg12[%get3A_3099, %get3A_3100] : memref<864x128xf32, #tpu.memory_space<vmem>>, vector<32x128xf32>
    %dot_general3A_3102 = arith.constant dense<0.000000e+00> : vector<128x128xf32>
    %dot_general3A_3103 = tpu.matmul %max3A_3098, %get3A_3101, %dot_general3A_3102 {dimension_numbers = #tpu.dot_dimension_numbers<[1], [0], [0], [1], [0, 0, 1, 1], [], []>, transpose_lhs_hint = false} : vector<128x32xf32>, vector<32x128xf32>, vector<128x128xf32> -> vector<128x128xf32>
    %add3A_3104 = arith.addf %add3A_3000, %dot_general3A_3103 : vector<128x128xf32>
    %slice3A_3105 = vector.extract_strided_slice %get3A_826 {offsets = [0, 22], sizes = [128, 1], strides = [1, 1]} : vector<128x30xi32> to vector<128x1xi32>
    %eq3A_3106 = arith.constant 0 : i32
    %eq3A_3107 = vector.broadcast %eq3A_3106 : i32 to vector<128x1xi32>
    %eq3A_3108 = arith.cmpi eq, %slice3A_3105, %eq3A_3107 : vector<128x1xi32>
    %convert_element_type3A_3109 = arith.extui %eq3A_3108 : vector<128x1xi1> to vector<128x1xi32>
    %convert_element_type3A_3110 = arith.sitofp %convert_element_type3A_3109 : vector<128x1xi32> to vector<128x1xf32>
    %slice3A_3111 = vector.extract_strided_slice %dot_general3A_806 {offsets = [0, 0], sizes = [1, 32], strides = [1, 1]} : vector<3x32xf32> to vector<1x32xf32>
    %mul3A_3112 = vector.broadcast %convert_element_type3A_3110 : vector<128x1xf32> to vector<128x32xf32>
    %mul3A_3113 = vector.broadcast %slice3A_3111 : vector<1x32xf32> to vector<128x32xf32>
    %mul3A_3114 = arith.mulf %mul3A_3112, %mul3A_3113 : vector<128x32xf32>
    %add3A_3115 = vector.broadcast %get3A_823 : vector<1x32xf32> to vector<128x32xf32>
    %add3A_3116 = arith.addf %add3A_3115, %mul3A_3114 : vector<128x32xf32>
    %eq3A_3117 = arith.constant 1 : i32
    %eq3A_3118 = vector.broadcast %eq3A_3117 : i32 to vector<128x1xi32>
    %eq3A_3119 = arith.cmpi eq, %slice3A_3105, %eq3A_3118 : vector<128x1xi32>
    %convert_element_type3A_3120 = arith.extui %eq3A_3119 : vector<128x1xi1> to vector<128x1xi32>
    %convert_element_type3A_3121 = arith.sitofp %convert_element_type3A_3120 : vector<128x1xi32> to vector<128x1xf32>
    %slice3A_3122 = vector.extract_strided_slice %dot_general3A_806 {offsets = [1, 0], sizes = [1, 32], strides = [1, 1]} : vector<3x32xf32> to vector<1x32xf32>
    %mul3A_3123 = vector.broadcast %convert_element_type3A_3121 : vector<128x1xf32> to vector<128x32xf32>
    %mul3A_3124 = vector.broadcast %slice3A_3122 : vector<1x32xf32> to vector<128x32xf32>
    %mul3A_3125 = arith.mulf %mul3A_3123, %mul3A_3124 : vector<128x32xf32>
    %add3A_3126 = arith.addf %add3A_3116, %mul3A_3125 : vector<128x32xf32>
    %eq3A_3127 = arith.constant 2 : i32
    %eq3A_3128 = vector.broadcast %eq3A_3127 : i32 to vector<128x1xi32>
    %eq3A_3129 = arith.cmpi eq, %slice3A_3105, %eq3A_3128 : vector<128x1xi32>
    %convert_element_type3A_3130 = arith.extui %eq3A_3129 : vector<128x1xi1> to vector<128x1xi32>
    %convert_element_type3A_3131 = arith.sitofp %convert_element_type3A_3130 : vector<128x1xi32> to vector<128x1xf32>
    %slice3A_3132 = vector.extract_strided_slice %dot_general3A_806 {offsets = [2, 0], sizes = [1, 32], strides = [1, 1]} : vector<3x32xf32> to vector<1x32xf32>
    %mul3A_3133 = vector.broadcast %convert_element_type3A_3131 : vector<128x1xf32> to vector<128x32xf32>
    %mul3A_3134 = vector.broadcast %slice3A_3132 : vector<1x32xf32> to vector<128x32xf32>
    %mul3A_3135 = arith.mulf %mul3A_3133, %mul3A_3134 : vector<128x32xf32>
    %add3A_3136 = arith.addf %add3A_3126, %mul3A_3135 : vector<128x32xf32>
    %slice3A_3137 = vector.extract_strided_slice %get3A_826 {offsets = [0, 23], sizes = [128, 1], strides = [1, 1]} : vector<128x30xi32> to vector<128x1xi32>
    %eq3A_3138 = arith.constant 0 : i32
    %eq3A_3139 = vector.broadcast %eq3A_3138 : i32 to vector<128x1xi32>
    %eq3A_3140 = arith.cmpi eq, %slice3A_3137, %eq3A_3139 : vector<128x1xi32>
    %convert_element_type3A_3141 = arith.extui %eq3A_3140 : vector<128x1xi1> to vector<128x1xi32>
    %convert_element_type3A_3142 = arith.sitofp %convert_element_type3A_3141 : vector<128x1xi32> to vector<128x1xf32>
    %slice3A_3143 = vector.extract_strided_slice %dot_general3A_813 {offsets = [0, 0], sizes = [1, 32], strides = [1, 1]} : vector<3x32xf32> to vector<1x32xf32>
    %mul3A_3144 = vector.broadcast %convert_element_type3A_3142 : vector<128x1xf32> to vector<128x32xf32>
    %mul3A_3145 = vector.broadcast %slice3A_3143 : vector<1x32xf32> to vector<128x32xf32>
    %mul3A_3146 = arith.mulf %mul3A_3144, %mul3A_3145 : vector<128x32xf32>
    %add3A_3147 = arith.addf %add3A_3136, %mul3A_3146 : vector<128x32xf32>
    %eq3A_3148 = arith.constant 1 : i32
    %eq3A_3149 = vector.broadcast %eq3A_3148 : i32 to vector<128x1xi32>
    %eq3A_3150 = arith.cmpi eq, %slice3A_3137, %eq3A_3149 : vector<128x1xi32>
    %convert_element_type3A_3151 = arith.extui %eq3A_3150 : vector<128x1xi1> to vector<128x1xi32>
    %convert_element_type3A_3152 = arith.sitofp %convert_element_type3A_3151 : vector<128x1xi32> to vector<128x1xf32>
    %slice3A_3153 = vector.extract_strided_slice %dot_general3A_813 {offsets = [1, 0], sizes = [1, 32], strides = [1, 1]} : vector<3x32xf32> to vector<1x32xf32>
    %mul3A_3154 = vector.broadcast %convert_element_type3A_3152 : vector<128x1xf32> to vector<128x32xf32>
    %mul3A_3155 = vector.broadcast %slice3A_3153 : vector<1x32xf32> to vector<128x32xf32>
    %mul3A_3156 = arith.mulf %mul3A_3154, %mul3A_3155 : vector<128x32xf32>
    %add3A_3157 = arith.addf %add3A_3147, %mul3A_3156 : vector<128x32xf32>
    %eq3A_3158 = arith.constant 2 : i32
    %eq3A_3159 = vector.broadcast %eq3A_3158 : i32 to vector<128x1xi32>
    %eq3A_3160 = arith.cmpi eq, %slice3A_3137, %eq3A_3159 : vector<128x1xi32>
    %convert_element_type3A_3161 = arith.extui %eq3A_3160 : vector<128x1xi1> to vector<128x1xi32>
    %convert_element_type3A_3162 = arith.sitofp %convert_element_type3A_3161 : vector<128x1xi32> to vector<128x1xf32>
    %slice3A_3163 = vector.extract_strided_slice %dot_general3A_813 {offsets = [2, 0], sizes = [1, 32], strides = [1, 1]} : vector<3x32xf32> to vector<1x32xf32>
    %mul3A_3164 = vector.broadcast %convert_element_type3A_3162 : vector<128x1xf32> to vector<128x32xf32>
    %mul3A_3165 = vector.broadcast %slice3A_3163 : vector<1x32xf32> to vector<128x32xf32>
    %mul3A_3166 = arith.mulf %mul3A_3164, %mul3A_3165 : vector<128x32xf32>
    %add3A_3167 = arith.addf %add3A_3157, %mul3A_3166 : vector<128x32xf32>
    %slice3A_3168 = vector.extract_strided_slice %get3A_826 {offsets = [0, 24], sizes = [128, 1], strides = [1, 1]} : vector<128x30xi32> to vector<128x1xi32>
    %eq3A_3169 = arith.constant 0 : i32
    %eq3A_3170 = vector.broadcast %eq3A_3169 : i32 to vector<128x1xi32>
    %eq3A_3171 = arith.cmpi eq, %slice3A_3168, %eq3A_3170 : vector<128x1xi32>
    %convert_element_type3A_3172 = arith.extui %eq3A_3171 : vector<128x1xi1> to vector<128x1xi32>
    %convert_element_type3A_3173 = arith.sitofp %convert_element_type3A_3172 : vector<128x1xi32> to vector<128x1xf32>
    %slice3A_3174 = vector.extract_strided_slice %dot_general3A_820 {offsets = [0, 0], sizes = [1, 32], strides = [1, 1]} : vector<3x32xf32> to vector<1x32xf32>
    %mul3A_3175 = vector.broadcast %convert_element_type3A_3173 : vector<128x1xf32> to vector<128x32xf32>
    %mul3A_3176 = vector.broadcast %slice3A_3174 : vector<1x32xf32> to vector<128x32xf32>
    %mul3A_3177 = arith.mulf %mul3A_3175, %mul3A_3176 : vector<128x32xf32>
    %add3A_3178 = arith.addf %add3A_3167, %mul3A_3177 : vector<128x32xf32>
    %eq3A_3179 = arith.constant 1 : i32
    %eq3A_3180 = vector.broadcast %eq3A_3179 : i32 to vector<128x1xi32>
    %eq3A_3181 = arith.cmpi eq, %slice3A_3168, %eq3A_3180 : vector<128x1xi32>
    %convert_element_type3A_3182 = arith.extui %eq3A_3181 : vector<128x1xi1> to vector<128x1xi32>
    %convert_element_type3A_3183 = arith.sitofp %convert_element_type3A_3182 : vector<128x1xi32> to vector<128x1xf32>
    %slice3A_3184 = vector.extract_strided_slice %dot_general3A_820 {offsets = [1, 0], sizes = [1, 32], strides = [1, 1]} : vector<3x32xf32> to vector<1x32xf32>
    %mul3A_3185 = vector.broadcast %convert_element_type3A_3183 : vector<128x1xf32> to vector<128x32xf32>
    %mul3A_3186 = vector.broadcast %slice3A_3184 : vector<1x32xf32> to vector<128x32xf32>
    %mul3A_3187 = arith.mulf %mul3A_3185, %mul3A_3186 : vector<128x32xf32>
    %add3A_3188 = arith.addf %add3A_3178, %mul3A_3187 : vector<128x32xf32>
    %eq3A_3189 = arith.constant 2 : i32
    %eq3A_3190 = vector.broadcast %eq3A_3189 : i32 to vector<128x1xi32>
    %eq3A_3191 = arith.cmpi eq, %slice3A_3168, %eq3A_3190 : vector<128x1xi32>
    %convert_element_type3A_3192 = arith.extui %eq3A_3191 : vector<128x1xi1> to vector<128x1xi32>
    %convert_element_type3A_3193 = arith.sitofp %convert_element_type3A_3192 : vector<128x1xi32> to vector<128x1xf32>
    %slice3A_3194 = vector.extract_strided_slice %dot_general3A_820 {offsets = [2, 0], sizes = [1, 32], strides = [1, 1]} : vector<3x32xf32> to vector<1x32xf32>
    %mul3A_3195 = vector.broadcast %convert_element_type3A_3193 : vector<128x1xf32> to vector<128x32xf32>
    %mul3A_3196 = vector.broadcast %slice3A_3194 : vector<1x32xf32> to vector<128x32xf32>
    %mul3A_3197 = arith.mulf %mul3A_3195, %mul3A_3196 : vector<128x32xf32>
    %add3A_3198 = arith.addf %add3A_3188, %mul3A_3197 : vector<128x32xf32>
    %max3A_3199 = arith.constant 0.000000e+00 : f32
    %max3A_3200 = vector.broadcast %max3A_3199 : f32 to vector<128x32xf32>
    %max3A_3201 = arith.maximumf %add3A_3198, %max3A_3200 : vector<128x32xf32>
    %max3A_3202 = arith.maximumf %max3A_3097, %max3A_3201 : vector<128x32xf32>
    %get3A_3203 = arith.constant 672 : index
    %get3A_3204 = arith.constant 0 : index
    %get3A_3205 = vector.load %arg12[%get3A_3203, %get3A_3204] : memref<864x128xf32, #tpu.memory_space<vmem>>, vector<32x128xf32>
    %dot_general3A_3206 = arith.constant dense<0.000000e+00> : vector<128x128xf32>
    %dot_general3A_3207 = tpu.matmul %max3A_3202, %get3A_3205, %dot_general3A_3206 {dimension_numbers = #tpu.dot_dimension_numbers<[1], [0], [0], [1], [0, 0, 1, 1], [], []>, transpose_lhs_hint = false} : vector<128x32xf32>, vector<32x128xf32>, vector<128x128xf32> -> vector<128x128xf32>
    %add3A_3208 = arith.addf %add3A_3104, %dot_general3A_3207 : vector<128x128xf32>
    %slice3A_3209 = vector.extract_strided_slice %get3A_826 {offsets = [0, 23], sizes = [128, 1], strides = [1, 1]} : vector<128x30xi32> to vector<128x1xi32>
    %eq3A_3210 = arith.constant 0 : i32
    %eq3A_3211 = vector.broadcast %eq3A_3210 : i32 to vector<128x1xi32>
    %eq3A_3212 = arith.cmpi eq, %slice3A_3209, %eq3A_3211 : vector<128x1xi32>
    %convert_element_type3A_3213 = arith.extui %eq3A_3212 : vector<128x1xi1> to vector<128x1xi32>
    %convert_element_type3A_3214 = arith.sitofp %convert_element_type3A_3213 : vector<128x1xi32> to vector<128x1xf32>
    %slice3A_3215 = vector.extract_strided_slice %dot_general3A_806 {offsets = [0, 0], sizes = [1, 32], strides = [1, 1]} : vector<3x32xf32> to vector<1x32xf32>
    %mul3A_3216 = vector.broadcast %convert_element_type3A_3214 : vector<128x1xf32> to vector<128x32xf32>
    %mul3A_3217 = vector.broadcast %slice3A_3215 : vector<1x32xf32> to vector<128x32xf32>
    %mul3A_3218 = arith.mulf %mul3A_3216, %mul3A_3217 : vector<128x32xf32>
    %add3A_3219 = vector.broadcast %get3A_823 : vector<1x32xf32> to vector<128x32xf32>
    %add3A_3220 = arith.addf %add3A_3219, %mul3A_3218 : vector<128x32xf32>
    %eq3A_3221 = arith.constant 1 : i32
    %eq3A_3222 = vector.broadcast %eq3A_3221 : i32 to vector<128x1xi32>
    %eq3A_3223 = arith.cmpi eq, %slice3A_3209, %eq3A_3222 : vector<128x1xi32>
    %convert_element_type3A_3224 = arith.extui %eq3A_3223 : vector<128x1xi1> to vector<128x1xi32>
    %convert_element_type3A_3225 = arith.sitofp %convert_element_type3A_3224 : vector<128x1xi32> to vector<128x1xf32>
    %slice3A_3226 = vector.extract_strided_slice %dot_general3A_806 {offsets = [1, 0], sizes = [1, 32], strides = [1, 1]} : vector<3x32xf32> to vector<1x32xf32>
    %mul3A_3227 = vector.broadcast %convert_element_type3A_3225 : vector<128x1xf32> to vector<128x32xf32>
    %mul3A_3228 = vector.broadcast %slice3A_3226 : vector<1x32xf32> to vector<128x32xf32>
    %mul3A_3229 = arith.mulf %mul3A_3227, %mul3A_3228 : vector<128x32xf32>
    %add3A_3230 = arith.addf %add3A_3220, %mul3A_3229 : vector<128x32xf32>
    %eq3A_3231 = arith.constant 2 : i32
    %eq3A_3232 = vector.broadcast %eq3A_3231 : i32 to vector<128x1xi32>
    %eq3A_3233 = arith.cmpi eq, %slice3A_3209, %eq3A_3232 : vector<128x1xi32>
    %convert_element_type3A_3234 = arith.extui %eq3A_3233 : vector<128x1xi1> to vector<128x1xi32>
    %convert_element_type3A_3235 = arith.sitofp %convert_element_type3A_3234 : vector<128x1xi32> to vector<128x1xf32>
    %slice3A_3236 = vector.extract_strided_slice %dot_general3A_806 {offsets = [2, 0], sizes = [1, 32], strides = [1, 1]} : vector<3x32xf32> to vector<1x32xf32>
    %mul3A_3237 = vector.broadcast %convert_element_type3A_3235 : vector<128x1xf32> to vector<128x32xf32>
    %mul3A_3238 = vector.broadcast %slice3A_3236 : vector<1x32xf32> to vector<128x32xf32>
    %mul3A_3239 = arith.mulf %mul3A_3237, %mul3A_3238 : vector<128x32xf32>
    %add3A_3240 = arith.addf %add3A_3230, %mul3A_3239 : vector<128x32xf32>
    %slice3A_3241 = vector.extract_strided_slice %get3A_826 {offsets = [0, 24], sizes = [128, 1], strides = [1, 1]} : vector<128x30xi32> to vector<128x1xi32>
    %eq3A_3242 = arith.constant 0 : i32
    %eq3A_3243 = vector.broadcast %eq3A_3242 : i32 to vector<128x1xi32>
    %eq3A_3244 = arith.cmpi eq, %slice3A_3241, %eq3A_3243 : vector<128x1xi32>
    %convert_element_type3A_3245 = arith.extui %eq3A_3244 : vector<128x1xi1> to vector<128x1xi32>
    %convert_element_type3A_3246 = arith.sitofp %convert_element_type3A_3245 : vector<128x1xi32> to vector<128x1xf32>
    %slice3A_3247 = vector.extract_strided_slice %dot_general3A_813 {offsets = [0, 0], sizes = [1, 32], strides = [1, 1]} : vector<3x32xf32> to vector<1x32xf32>
    %mul3A_3248 = vector.broadcast %convert_element_type3A_3246 : vector<128x1xf32> to vector<128x32xf32>
    %mul3A_3249 = vector.broadcast %slice3A_3247 : vector<1x32xf32> to vector<128x32xf32>
    %mul3A_3250 = arith.mulf %mul3A_3248, %mul3A_3249 : vector<128x32xf32>
    %add3A_3251 = arith.addf %add3A_3240, %mul3A_3250 : vector<128x32xf32>
    %eq3A_3252 = arith.constant 1 : i32
    %eq3A_3253 = vector.broadcast %eq3A_3252 : i32 to vector<128x1xi32>
    %eq3A_3254 = arith.cmpi eq, %slice3A_3241, %eq3A_3253 : vector<128x1xi32>
    %convert_element_type3A_3255 = arith.extui %eq3A_3254 : vector<128x1xi1> to vector<128x1xi32>
    %convert_element_type3A_3256 = arith.sitofp %convert_element_type3A_3255 : vector<128x1xi32> to vector<128x1xf32>
    %slice3A_3257 = vector.extract_strided_slice %dot_general3A_813 {offsets = [1, 0], sizes = [1, 32], strides = [1, 1]} : vector<3x32xf32> to vector<1x32xf32>
    %mul3A_3258 = vector.broadcast %convert_element_type3A_3256 : vector<128x1xf32> to vector<128x32xf32>
    %mul3A_3259 = vector.broadcast %slice3A_3257 : vector<1x32xf32> to vector<128x32xf32>
    %mul3A_3260 = arith.mulf %mul3A_3258, %mul3A_3259 : vector<128x32xf32>
    %add3A_3261 = arith.addf %add3A_3251, %mul3A_3260 : vector<128x32xf32>
    %eq3A_3262 = arith.constant 2 : i32
    %eq3A_3263 = vector.broadcast %eq3A_3262 : i32 to vector<128x1xi32>
    %eq3A_3264 = arith.cmpi eq, %slice3A_3241, %eq3A_3263 : vector<128x1xi32>
    %convert_element_type3A_3265 = arith.extui %eq3A_3264 : vector<128x1xi1> to vector<128x1xi32>
    %convert_element_type3A_3266 = arith.sitofp %convert_element_type3A_3265 : vector<128x1xi32> to vector<128x1xf32>
    %slice3A_3267 = vector.extract_strided_slice %dot_general3A_813 {offsets = [2, 0], sizes = [1, 32], strides = [1, 1]} : vector<3x32xf32> to vector<1x32xf32>
    %mul3A_3268 = vector.broadcast %convert_element_type3A_3266 : vector<128x1xf32> to vector<128x32xf32>
    %mul3A_3269 = vector.broadcast %slice3A_3267 : vector<1x32xf32> to vector<128x32xf32>
    %mul3A_3270 = arith.mulf %mul3A_3268, %mul3A_3269 : vector<128x32xf32>
    %add3A_3271 = arith.addf %add3A_3261, %mul3A_3270 : vector<128x32xf32>
    %slice3A_3272 = vector.extract_strided_slice %get3A_826 {offsets = [0, 25], sizes = [128, 1], strides = [1, 1]} : vector<128x30xi32> to vector<128x1xi32>
    %eq3A_3273 = arith.constant 0 : i32
    %eq3A_3274 = vector.broadcast %eq3A_3273 : i32 to vector<128x1xi32>
    %eq3A_3275 = arith.cmpi eq, %slice3A_3272, %eq3A_3274 : vector<128x1xi32>
    %convert_element_type3A_3276 = arith.extui %eq3A_3275 : vector<128x1xi1> to vector<128x1xi32>
    %convert_element_type3A_3277 = arith.sitofp %convert_element_type3A_3276 : vector<128x1xi32> to vector<128x1xf32>
    %slice3A_3278 = vector.extract_strided_slice %dot_general3A_820 {offsets = [0, 0], sizes = [1, 32], strides = [1, 1]} : vector<3x32xf32> to vector<1x32xf32>
    %mul3A_3279 = vector.broadcast %convert_element_type3A_3277 : vector<128x1xf32> to vector<128x32xf32>
    %mul3A_3280 = vector.broadcast %slice3A_3278 : vector<1x32xf32> to vector<128x32xf32>
    %mul3A_3281 = arith.mulf %mul3A_3279, %mul3A_3280 : vector<128x32xf32>
    %add3A_3282 = arith.addf %add3A_3271, %mul3A_3281 : vector<128x32xf32>
    %eq3A_3283 = arith.constant 1 : i32
    %eq3A_3284 = vector.broadcast %eq3A_3283 : i32 to vector<128x1xi32>
    %eq3A_3285 = arith.cmpi eq, %slice3A_3272, %eq3A_3284 : vector<128x1xi32>
    %convert_element_type3A_3286 = arith.extui %eq3A_3285 : vector<128x1xi1> to vector<128x1xi32>
    %convert_element_type3A_3287 = arith.sitofp %convert_element_type3A_3286 : vector<128x1xi32> to vector<128x1xf32>
    %slice3A_3288 = vector.extract_strided_slice %dot_general3A_820 {offsets = [1, 0], sizes = [1, 32], strides = [1, 1]} : vector<3x32xf32> to vector<1x32xf32>
    %mul3A_3289 = vector.broadcast %convert_element_type3A_3287 : vector<128x1xf32> to vector<128x32xf32>
    %mul3A_3290 = vector.broadcast %slice3A_3288 : vector<1x32xf32> to vector<128x32xf32>
    %mul3A_3291 = arith.mulf %mul3A_3289, %mul3A_3290 : vector<128x32xf32>
    %add3A_3292 = arith.addf %add3A_3282, %mul3A_3291 : vector<128x32xf32>
    %eq3A_3293 = arith.constant 2 : i32
    %eq3A_3294 = vector.broadcast %eq3A_3293 : i32 to vector<128x1xi32>
    %eq3A_3295 = arith.cmpi eq, %slice3A_3272, %eq3A_3294 : vector<128x1xi32>
    %convert_element_type3A_3296 = arith.extui %eq3A_3295 : vector<128x1xi1> to vector<128x1xi32>
    %convert_element_type3A_3297 = arith.sitofp %convert_element_type3A_3296 : vector<128x1xi32> to vector<128x1xf32>
    %slice3A_3298 = vector.extract_strided_slice %dot_general3A_820 {offsets = [2, 0], sizes = [1, 32], strides = [1, 1]} : vector<3x32xf32> to vector<1x32xf32>
    %mul3A_3299 = vector.broadcast %convert_element_type3A_3297 : vector<128x1xf32> to vector<128x32xf32>
    %mul3A_3300 = vector.broadcast %slice3A_3298 : vector<1x32xf32> to vector<128x32xf32>
    %mul3A_3301 = arith.mulf %mul3A_3299, %mul3A_3300 : vector<128x32xf32>
    %add3A_3302 = arith.addf %add3A_3292, %mul3A_3301 : vector<128x32xf32>
    %max3A_3303 = arith.constant 0.000000e+00 : f32
    %max3A_3304 = vector.broadcast %max3A_3303 : f32 to vector<128x32xf32>
    %max3A_3305 = arith.maximumf %add3A_3302, %max3A_3304 : vector<128x32xf32>
    %max3A_3306 = arith.maximumf %max3A_3201, %max3A_3305 : vector<128x32xf32>
    %get3A_3307 = arith.constant 704 : index
    %get3A_3308 = arith.constant 0 : index
    %get3A_3309 = vector.load %arg12[%get3A_3307, %get3A_3308] : memref<864x128xf32, #tpu.memory_space<vmem>>, vector<32x128xf32>
    %dot_general3A_3310 = arith.constant dense<0.000000e+00> : vector<128x128xf32>
    %dot_general3A_3311 = tpu.matmul %max3A_3306, %get3A_3309, %dot_general3A_3310 {dimension_numbers = #tpu.dot_dimension_numbers<[1], [0], [0], [1], [0, 0, 1, 1], [], []>, transpose_lhs_hint = false} : vector<128x32xf32>, vector<32x128xf32>, vector<128x128xf32> -> vector<128x128xf32>
    %add3A_3312 = arith.addf %add3A_3208, %dot_general3A_3311 : vector<128x128xf32>
    %slice3A_3313 = vector.extract_strided_slice %get3A_826 {offsets = [0, 24], sizes = [128, 1], strides = [1, 1]} : vector<128x30xi32> to vector<128x1xi32>
    %eq3A_3314 = arith.constant 0 : i32
    %eq3A_3315 = vector.broadcast %eq3A_3314 : i32 to vector<128x1xi32>
    %eq3A_3316 = arith.cmpi eq, %slice3A_3313, %eq3A_3315 : vector<128x1xi32>
    %convert_element_type3A_3317 = arith.extui %eq3A_3316 : vector<128x1xi1> to vector<128x1xi32>
    %convert_element_type3A_3318 = arith.sitofp %convert_element_type3A_3317 : vector<128x1xi32> to vector<128x1xf32>
    %slice3A_3319 = vector.extract_strided_slice %dot_general3A_806 {offsets = [0, 0], sizes = [1, 32], strides = [1, 1]} : vector<3x32xf32> to vector<1x32xf32>
    %mul3A_3320 = vector.broadcast %convert_element_type3A_3318 : vector<128x1xf32> to vector<128x32xf32>
    %mul3A_3321 = vector.broadcast %slice3A_3319 : vector<1x32xf32> to vector<128x32xf32>
    %mul3A_3322 = arith.mulf %mul3A_3320, %mul3A_3321 : vector<128x32xf32>
    %add3A_3323 = vector.broadcast %get3A_823 : vector<1x32xf32> to vector<128x32xf32>
    %add3A_3324 = arith.addf %add3A_3323, %mul3A_3322 : vector<128x32xf32>
    %eq3A_3325 = arith.constant 1 : i32
    %eq3A_3326 = vector.broadcast %eq3A_3325 : i32 to vector<128x1xi32>
    %eq3A_3327 = arith.cmpi eq, %slice3A_3313, %eq3A_3326 : vector<128x1xi32>
    %convert_element_type3A_3328 = arith.extui %eq3A_3327 : vector<128x1xi1> to vector<128x1xi32>
    %convert_element_type3A_3329 = arith.sitofp %convert_element_type3A_3328 : vector<128x1xi32> to vector<128x1xf32>
    %slice3A_3330 = vector.extract_strided_slice %dot_general3A_806 {offsets = [1, 0], sizes = [1, 32], strides = [1, 1]} : vector<3x32xf32> to vector<1x32xf32>
    %mul3A_3331 = vector.broadcast %convert_element_type3A_3329 : vector<128x1xf32> to vector<128x32xf32>
    %mul3A_3332 = vector.broadcast %slice3A_3330 : vector<1x32xf32> to vector<128x32xf32>
    %mul3A_3333 = arith.mulf %mul3A_3331, %mul3A_3332 : vector<128x32xf32>
    %add3A_3334 = arith.addf %add3A_3324, %mul3A_3333 : vector<128x32xf32>
    %eq3A_3335 = arith.constant 2 : i32
    %eq3A_3336 = vector.broadcast %eq3A_3335 : i32 to vector<128x1xi32>
    %eq3A_3337 = arith.cmpi eq, %slice3A_3313, %eq3A_3336 : vector<128x1xi32>
    %convert_element_type3A_3338 = arith.extui %eq3A_3337 : vector<128x1xi1> to vector<128x1xi32>
    %convert_element_type3A_3339 = arith.sitofp %convert_element_type3A_3338 : vector<128x1xi32> to vector<128x1xf32>
    %slice3A_3340 = vector.extract_strided_slice %dot_general3A_806 {offsets = [2, 0], sizes = [1, 32], strides = [1, 1]} : vector<3x32xf32> to vector<1x32xf32>
    %mul3A_3341 = vector.broadcast %convert_element_type3A_3339 : vector<128x1xf32> to vector<128x32xf32>
    %mul3A_3342 = vector.broadcast %slice3A_3340 : vector<1x32xf32> to vector<128x32xf32>
    %mul3A_3343 = arith.mulf %mul3A_3341, %mul3A_3342 : vector<128x32xf32>
    %add3A_3344 = arith.addf %add3A_3334, %mul3A_3343 : vector<128x32xf32>
    %slice3A_3345 = vector.extract_strided_slice %get3A_826 {offsets = [0, 25], sizes = [128, 1], strides = [1, 1]} : vector<128x30xi32> to vector<128x1xi32>
    %eq3A_3346 = arith.constant 0 : i32
    %eq3A_3347 = vector.broadcast %eq3A_3346 : i32 to vector<128x1xi32>
    %eq3A_3348 = arith.cmpi eq, %slice3A_3345, %eq3A_3347 : vector<128x1xi32>
    %convert_element_type3A_3349 = arith.extui %eq3A_3348 : vector<128x1xi1> to vector<128x1xi32>
    %convert_element_type3A_3350 = arith.sitofp %convert_element_type3A_3349 : vector<128x1xi32> to vector<128x1xf32>
    %slice3A_3351 = vector.extract_strided_slice %dot_general3A_813 {offsets = [0, 0], sizes = [1, 32], strides = [1, 1]} : vector<3x32xf32> to vector<1x32xf32>
    %mul3A_3352 = vector.broadcast %convert_element_type3A_3350 : vector<128x1xf32> to vector<128x32xf32>
    %mul3A_3353 = vector.broadcast %slice3A_3351 : vector<1x32xf32> to vector<128x32xf32>
    %mul3A_3354 = arith.mulf %mul3A_3352, %mul3A_3353 : vector<128x32xf32>
    %add3A_3355 = arith.addf %add3A_3344, %mul3A_3354 : vector<128x32xf32>
    %eq3A_3356 = arith.constant 1 : i32
    %eq3A_3357 = vector.broadcast %eq3A_3356 : i32 to vector<128x1xi32>
    %eq3A_3358 = arith.cmpi eq, %slice3A_3345, %eq3A_3357 : vector<128x1xi32>
    %convert_element_type3A_3359 = arith.extui %eq3A_3358 : vector<128x1xi1> to vector<128x1xi32>
    %convert_element_type3A_3360 = arith.sitofp %convert_element_type3A_3359 : vector<128x1xi32> to vector<128x1xf32>
    %slice3A_3361 = vector.extract_strided_slice %dot_general3A_813 {offsets = [1, 0], sizes = [1, 32], strides = [1, 1]} : vector<3x32xf32> to vector<1x32xf32>
    %mul3A_3362 = vector.broadcast %convert_element_type3A_3360 : vector<128x1xf32> to vector<128x32xf32>
    %mul3A_3363 = vector.broadcast %slice3A_3361 : vector<1x32xf32> to vector<128x32xf32>
    %mul3A_3364 = arith.mulf %mul3A_3362, %mul3A_3363 : vector<128x32xf32>
    %add3A_3365 = arith.addf %add3A_3355, %mul3A_3364 : vector<128x32xf32>
    %eq3A_3366 = arith.constant 2 : i32
    %eq3A_3367 = vector.broadcast %eq3A_3366 : i32 to vector<128x1xi32>
    %eq3A_3368 = arith.cmpi eq, %slice3A_3345, %eq3A_3367 : vector<128x1xi32>
    %convert_element_type3A_3369 = arith.extui %eq3A_3368 : vector<128x1xi1> to vector<128x1xi32>
    %convert_element_type3A_3370 = arith.sitofp %convert_element_type3A_3369 : vector<128x1xi32> to vector<128x1xf32>
    %slice3A_3371 = vector.extract_strided_slice %dot_general3A_813 {offsets = [2, 0], sizes = [1, 32], strides = [1, 1]} : vector<3x32xf32> to vector<1x32xf32>
    %mul3A_3372 = vector.broadcast %convert_element_type3A_3370 : vector<128x1xf32> to vector<128x32xf32>
    %mul3A_3373 = vector.broadcast %slice3A_3371 : vector<1x32xf32> to vector<128x32xf32>
    %mul3A_3374 = arith.mulf %mul3A_3372, %mul3A_3373 : vector<128x32xf32>
    %add3A_3375 = arith.addf %add3A_3365, %mul3A_3374 : vector<128x32xf32>
    %slice3A_3376 = vector.extract_strided_slice %get3A_826 {offsets = [0, 26], sizes = [128, 1], strides = [1, 1]} : vector<128x30xi32> to vector<128x1xi32>
    %eq3A_3377 = arith.constant 0 : i32
    %eq3A_3378 = vector.broadcast %eq3A_3377 : i32 to vector<128x1xi32>
    %eq3A_3379 = arith.cmpi eq, %slice3A_3376, %eq3A_3378 : vector<128x1xi32>
    %convert_element_type3A_3380 = arith.extui %eq3A_3379 : vector<128x1xi1> to vector<128x1xi32>
    %convert_element_type3A_3381 = arith.sitofp %convert_element_type3A_3380 : vector<128x1xi32> to vector<128x1xf32>
    %slice3A_3382 = vector.extract_strided_slice %dot_general3A_820 {offsets = [0, 0], sizes = [1, 32], strides = [1, 1]} : vector<3x32xf32> to vector<1x32xf32>
    %mul3A_3383 = vector.broadcast %convert_element_type3A_3381 : vector<128x1xf32> to vector<128x32xf32>
    %mul3A_3384 = vector.broadcast %slice3A_3382 : vector<1x32xf32> to vector<128x32xf32>
    %mul3A_3385 = arith.mulf %mul3A_3383, %mul3A_3384 : vector<128x32xf32>
    %add3A_3386 = arith.addf %add3A_3375, %mul3A_3385 : vector<128x32xf32>
    %eq3A_3387 = arith.constant 1 : i32
    %eq3A_3388 = vector.broadcast %eq3A_3387 : i32 to vector<128x1xi32>
    %eq3A_3389 = arith.cmpi eq, %slice3A_3376, %eq3A_3388 : vector<128x1xi32>
    %convert_element_type3A_3390 = arith.extui %eq3A_3389 : vector<128x1xi1> to vector<128x1xi32>
    %convert_element_type3A_3391 = arith.sitofp %convert_element_type3A_3390 : vector<128x1xi32> to vector<128x1xf32>
    %slice3A_3392 = vector.extract_strided_slice %dot_general3A_820 {offsets = [1, 0], sizes = [1, 32], strides = [1, 1]} : vector<3x32xf32> to vector<1x32xf32>
    %mul3A_3393 = vector.broadcast %convert_element_type3A_3391 : vector<128x1xf32> to vector<128x32xf32>
    %mul3A_3394 = vector.broadcast %slice3A_3392 : vector<1x32xf32> to vector<128x32xf32>
    %mul3A_3395 = arith.mulf %mul3A_3393, %mul3A_3394 : vector<128x32xf32>
    %add3A_3396 = arith.addf %add3A_3386, %mul3A_3395 : vector<128x32xf32>
    %eq3A_3397 = arith.constant 2 : i32
    %eq3A_3398 = vector.broadcast %eq3A_3397 : i32 to vector<128x1xi32>
    %eq3A_3399 = arith.cmpi eq, %slice3A_3376, %eq3A_3398 : vector<128x1xi32>
    %convert_element_type3A_3400 = arith.extui %eq3A_3399 : vector<128x1xi1> to vector<128x1xi32>
    %convert_element_type3A_3401 = arith.sitofp %convert_element_type3A_3400 : vector<128x1xi32> to vector<128x1xf32>
    %slice3A_3402 = vector.extract_strided_slice %dot_general3A_820 {offsets = [2, 0], sizes = [1, 32], strides = [1, 1]} : vector<3x32xf32> to vector<1x32xf32>
    %mul3A_3403 = vector.broadcast %convert_element_type3A_3401 : vector<128x1xf32> to vector<128x32xf32>
    %mul3A_3404 = vector.broadcast %slice3A_3402 : vector<1x32xf32> to vector<128x32xf32>
    %mul3A_3405 = arith.mulf %mul3A_3403, %mul3A_3404 : vector<128x32xf32>
    %add3A_3406 = arith.addf %add3A_3396, %mul3A_3405 : vector<128x32xf32>
    %max3A_3407 = arith.constant 0.000000e+00 : f32
    %max3A_3408 = vector.broadcast %max3A_3407 : f32 to vector<128x32xf32>
    %max3A_3409 = arith.maximumf %add3A_3406, %max3A_3408 : vector<128x32xf32>
    %max3A_3410 = arith.maximumf %max3A_3305, %max3A_3409 : vector<128x32xf32>
    %get3A_3411 = arith.constant 736 : index
    %get3A_3412 = arith.constant 0 : index
    %get3A_3413 = vector.load %arg12[%get3A_3411, %get3A_3412] : memref<864x128xf32, #tpu.memory_space<vmem>>, vector<32x128xf32>
    %dot_general3A_3414 = arith.constant dense<0.000000e+00> : vector<128x128xf32>
    %dot_general3A_3415 = tpu.matmul %max3A_3410, %get3A_3413, %dot_general3A_3414 {dimension_numbers = #tpu.dot_dimension_numbers<[1], [0], [0], [1], [0, 0, 1, 1], [], []>, transpose_lhs_hint = false} : vector<128x32xf32>, vector<32x128xf32>, vector<128x128xf32> -> vector<128x128xf32>
    %add3A_3416 = arith.addf %add3A_3312, %dot_general3A_3415 : vector<128x128xf32>
    %slice3A_3417 = vector.extract_strided_slice %get3A_826 {offsets = [0, 25], sizes = [128, 1], strides = [1, 1]} : vector<128x30xi32> to vector<128x1xi32>
    %eq3A_3418 = arith.constant 0 : i32
    %eq3A_3419 = vector.broadcast %eq3A_3418 : i32 to vector<128x1xi32>
    %eq3A_3420 = arith.cmpi eq, %slice3A_3417, %eq3A_3419 : vector<128x1xi32>
    %convert_element_type3A_3421 = arith.extui %eq3A_3420 : vector<128x1xi1> to vector<128x1xi32>
    %convert_element_type3A_3422 = arith.sitofp %convert_element_type3A_3421 : vector<128x1xi32> to vector<128x1xf32>
    %slice3A_3423 = vector.extract_strided_slice %dot_general3A_806 {offsets = [0, 0], sizes = [1, 32], strides = [1, 1]} : vector<3x32xf32> to vector<1x32xf32>
    %mul3A_3424 = vector.broadcast %convert_element_type3A_3422 : vector<128x1xf32> to vector<128x32xf32>
    %mul3A_3425 = vector.broadcast %slice3A_3423 : vector<1x32xf32> to vector<128x32xf32>
    %mul3A_3426 = arith.mulf %mul3A_3424, %mul3A_3425 : vector<128x32xf32>
    %add3A_3427 = vector.broadcast %get3A_823 : vector<1x32xf32> to vector<128x32xf32>
    %add3A_3428 = arith.addf %add3A_3427, %mul3A_3426 : vector<128x32xf32>
    %eq3A_3429 = arith.constant 1 : i32
    %eq3A_3430 = vector.broadcast %eq3A_3429 : i32 to vector<128x1xi32>
    %eq3A_3431 = arith.cmpi eq, %slice3A_3417, %eq3A_3430 : vector<128x1xi32>
    %convert_element_type3A_3432 = arith.extui %eq3A_3431 : vector<128x1xi1> to vector<128x1xi32>
    %convert_element_type3A_3433 = arith.sitofp %convert_element_type3A_3432 : vector<128x1xi32> to vector<128x1xf32>
    %slice3A_3434 = vector.extract_strided_slice %dot_general3A_806 {offsets = [1, 0], sizes = [1, 32], strides = [1, 1]} : vector<3x32xf32> to vector<1x32xf32>
    %mul3A_3435 = vector.broadcast %convert_element_type3A_3433 : vector<128x1xf32> to vector<128x32xf32>
    %mul3A_3436 = vector.broadcast %slice3A_3434 : vector<1x32xf32> to vector<128x32xf32>
    %mul3A_3437 = arith.mulf %mul3A_3435, %mul3A_3436 : vector<128x32xf32>
    %add3A_3438 = arith.addf %add3A_3428, %mul3A_3437 : vector<128x32xf32>
    %eq3A_3439 = arith.constant 2 : i32
    %eq3A_3440 = vector.broadcast %eq3A_3439 : i32 to vector<128x1xi32>
    %eq3A_3441 = arith.cmpi eq, %slice3A_3417, %eq3A_3440 : vector<128x1xi32>
    %convert_element_type3A_3442 = arith.extui %eq3A_3441 : vector<128x1xi1> to vector<128x1xi32>
    %convert_element_type3A_3443 = arith.sitofp %convert_element_type3A_3442 : vector<128x1xi32> to vector<128x1xf32>
    %slice3A_3444 = vector.extract_strided_slice %dot_general3A_806 {offsets = [2, 0], sizes = [1, 32], strides = [1, 1]} : vector<3x32xf32> to vector<1x32xf32>
    %mul3A_3445 = vector.broadcast %convert_element_type3A_3443 : vector<128x1xf32> to vector<128x32xf32>
    %mul3A_3446 = vector.broadcast %slice3A_3444 : vector<1x32xf32> to vector<128x32xf32>
    %mul3A_3447 = arith.mulf %mul3A_3445, %mul3A_3446 : vector<128x32xf32>
    %add3A_3448 = arith.addf %add3A_3438, %mul3A_3447 : vector<128x32xf32>
    %slice3A_3449 = vector.extract_strided_slice %get3A_826 {offsets = [0, 26], sizes = [128, 1], strides = [1, 1]} : vector<128x30xi32> to vector<128x1xi32>
    %eq3A_3450 = arith.constant 0 : i32
    %eq3A_3451 = vector.broadcast %eq3A_3450 : i32 to vector<128x1xi32>
    %eq3A_3452 = arith.cmpi eq, %slice3A_3449, %eq3A_3451 : vector<128x1xi32>
    %convert_element_type3A_3453 = arith.extui %eq3A_3452 : vector<128x1xi1> to vector<128x1xi32>
    %convert_element_type3A_3454 = arith.sitofp %convert_element_type3A_3453 : vector<128x1xi32> to vector<128x1xf32>
    %slice3A_3455 = vector.extract_strided_slice %dot_general3A_813 {offsets = [0, 0], sizes = [1, 32], strides = [1, 1]} : vector<3x32xf32> to vector<1x32xf32>
    %mul3A_3456 = vector.broadcast %convert_element_type3A_3454 : vector<128x1xf32> to vector<128x32xf32>
    %mul3A_3457 = vector.broadcast %slice3A_3455 : vector<1x32xf32> to vector<128x32xf32>
    %mul3A_3458 = arith.mulf %mul3A_3456, %mul3A_3457 : vector<128x32xf32>
    %add3A_3459 = arith.addf %add3A_3448, %mul3A_3458 : vector<128x32xf32>
    %eq3A_3460 = arith.constant 1 : i32
    %eq3A_3461 = vector.broadcast %eq3A_3460 : i32 to vector<128x1xi32>
    %eq3A_3462 = arith.cmpi eq, %slice3A_3449, %eq3A_3461 : vector<128x1xi32>
    %convert_element_type3A_3463 = arith.extui %eq3A_3462 : vector<128x1xi1> to vector<128x1xi32>
    %convert_element_type3A_3464 = arith.sitofp %convert_element_type3A_3463 : vector<128x1xi32> to vector<128x1xf32>
    %slice3A_3465 = vector.extract_strided_slice %dot_general3A_813 {offsets = [1, 0], sizes = [1, 32], strides = [1, 1]} : vector<3x32xf32> to vector<1x32xf32>
    %mul3A_3466 = vector.broadcast %convert_element_type3A_3464 : vector<128x1xf32> to vector<128x32xf32>
    %mul3A_3467 = vector.broadcast %slice3A_3465 : vector<1x32xf32> to vector<128x32xf32>
    %mul3A_3468 = arith.mulf %mul3A_3466, %mul3A_3467 : vector<128x32xf32>
    %add3A_3469 = arith.addf %add3A_3459, %mul3A_3468 : vector<128x32xf32>
    %eq3A_3470 = arith.constant 2 : i32
    %eq3A_3471 = vector.broadcast %eq3A_3470 : i32 to vector<128x1xi32>
    %eq3A_3472 = arith.cmpi eq, %slice3A_3449, %eq3A_3471 : vector<128x1xi32>
    %convert_element_type3A_3473 = arith.extui %eq3A_3472 : vector<128x1xi1> to vector<128x1xi32>
    %convert_element_type3A_3474 = arith.sitofp %convert_element_type3A_3473 : vector<128x1xi32> to vector<128x1xf32>
    %slice3A_3475 = vector.extract_strided_slice %dot_general3A_813 {offsets = [2, 0], sizes = [1, 32], strides = [1, 1]} : vector<3x32xf32> to vector<1x32xf32>
    %mul3A_3476 = vector.broadcast %convert_element_type3A_3474 : vector<128x1xf32> to vector<128x32xf32>
    %mul3A_3477 = vector.broadcast %slice3A_3475 : vector<1x32xf32> to vector<128x32xf32>
    %mul3A_3478 = arith.mulf %mul3A_3476, %mul3A_3477 : vector<128x32xf32>
    %add3A_3479 = arith.addf %add3A_3469, %mul3A_3478 : vector<128x32xf32>
    %slice3A_3480 = vector.extract_strided_slice %get3A_826 {offsets = [0, 27], sizes = [128, 1], strides = [1, 1]} : vector<128x30xi32> to vector<128x1xi32>
    %eq3A_3481 = arith.constant 0 : i32
    %eq3A_3482 = vector.broadcast %eq3A_3481 : i32 to vector<128x1xi32>
    %eq3A_3483 = arith.cmpi eq, %slice3A_3480, %eq3A_3482 : vector<128x1xi32>
    %convert_element_type3A_3484 = arith.extui %eq3A_3483 : vector<128x1xi1> to vector<128x1xi32>
    %convert_element_type3A_3485 = arith.sitofp %convert_element_type3A_3484 : vector<128x1xi32> to vector<128x1xf32>
    %slice3A_3486 = vector.extract_strided_slice %dot_general3A_820 {offsets = [0, 0], sizes = [1, 32], strides = [1, 1]} : vector<3x32xf32> to vector<1x32xf32>
    %mul3A_3487 = vector.broadcast %convert_element_type3A_3485 : vector<128x1xf32> to vector<128x32xf32>
    %mul3A_3488 = vector.broadcast %slice3A_3486 : vector<1x32xf32> to vector<128x32xf32>
    %mul3A_3489 = arith.mulf %mul3A_3487, %mul3A_3488 : vector<128x32xf32>
    %add3A_3490 = arith.addf %add3A_3479, %mul3A_3489 : vector<128x32xf32>
    %eq3A_3491 = arith.constant 1 : i32
    %eq3A_3492 = vector.broadcast %eq3A_3491 : i32 to vector<128x1xi32>
    %eq3A_3493 = arith.cmpi eq, %slice3A_3480, %eq3A_3492 : vector<128x1xi32>
    %convert_element_type3A_3494 = arith.extui %eq3A_3493 : vector<128x1xi1> to vector<128x1xi32>
    %convert_element_type3A_3495 = arith.sitofp %convert_element_type3A_3494 : vector<128x1xi32> to vector<128x1xf32>
    %slice3A_3496 = vector.extract_strided_slice %dot_general3A_820 {offsets = [1, 0], sizes = [1, 32], strides = [1, 1]} : vector<3x32xf32> to vector<1x32xf32>
    %mul3A_3497 = vector.broadcast %convert_element_type3A_3495 : vector<128x1xf32> to vector<128x32xf32>
    %mul3A_3498 = vector.broadcast %slice3A_3496 : vector<1x32xf32> to vector<128x32xf32>
    %mul3A_3499 = arith.mulf %mul3A_3497, %mul3A_3498 : vector<128x32xf32>
    %add3A_3500 = arith.addf %add3A_3490, %mul3A_3499 : vector<128x32xf32>
    %eq3A_3501 = arith.constant 2 : i32
    %eq3A_3502 = vector.broadcast %eq3A_3501 : i32 to vector<128x1xi32>
    %eq3A_3503 = arith.cmpi eq, %slice3A_3480, %eq3A_3502 : vector<128x1xi32>
    %convert_element_type3A_3504 = arith.extui %eq3A_3503 : vector<128x1xi1> to vector<128x1xi32>
    %convert_element_type3A_3505 = arith.sitofp %convert_element_type3A_3504 : vector<128x1xi32> to vector<128x1xf32>
    %slice3A_3506 = vector.extract_strided_slice %dot_general3A_820 {offsets = [2, 0], sizes = [1, 32], strides = [1, 1]} : vector<3x32xf32> to vector<1x32xf32>
    %mul3A_3507 = vector.broadcast %convert_element_type3A_3505 : vector<128x1xf32> to vector<128x32xf32>
    %mul3A_3508 = vector.broadcast %slice3A_3506 : vector<1x32xf32> to vector<128x32xf32>
    %mul3A_3509 = arith.mulf %mul3A_3507, %mul3A_3508 : vector<128x32xf32>
    %add3A_3510 = arith.addf %add3A_3500, %mul3A_3509 : vector<128x32xf32>
    %max3A_3511 = arith.constant 0.000000e+00 : f32
    %max3A_3512 = vector.broadcast %max3A_3511 : f32 to vector<128x32xf32>
    %max3A_3513 = arith.maximumf %add3A_3510, %max3A_3512 : vector<128x32xf32>
    %max3A_3514 = arith.maximumf %max3A_3409, %max3A_3513 : vector<128x32xf32>
    %get3A_3515 = arith.constant 768 : index
    %get3A_3516 = arith.constant 0 : index
    %get3A_3517 = vector.load %arg12[%get3A_3515, %get3A_3516] : memref<864x128xf32, #tpu.memory_space<vmem>>, vector<32x128xf32>
    %dot_general3A_3518 = arith.constant dense<0.000000e+00> : vector<128x128xf32>
    %dot_general3A_3519 = tpu.matmul %max3A_3514, %get3A_3517, %dot_general3A_3518 {dimension_numbers = #tpu.dot_dimension_numbers<[1], [0], [0], [1], [0, 0, 1, 1], [], []>, transpose_lhs_hint = false} : vector<128x32xf32>, vector<32x128xf32>, vector<128x128xf32> -> vector<128x128xf32>
    %add3A_3520 = arith.addf %add3A_3416, %dot_general3A_3519 : vector<128x128xf32>
    %slice3A_3521 = vector.extract_strided_slice %get3A_826 {offsets = [0, 26], sizes = [128, 1], strides = [1, 1]} : vector<128x30xi32> to vector<128x1xi32>
    %eq3A_3522 = arith.constant 0 : i32
    %eq3A_3523 = vector.broadcast %eq3A_3522 : i32 to vector<128x1xi32>
    %eq3A_3524 = arith.cmpi eq, %slice3A_3521, %eq3A_3523 : vector<128x1xi32>
    %convert_element_type3A_3525 = arith.extui %eq3A_3524 : vector<128x1xi1> to vector<128x1xi32>
    %convert_element_type3A_3526 = arith.sitofp %convert_element_type3A_3525 : vector<128x1xi32> to vector<128x1xf32>
    %slice3A_3527 = vector.extract_strided_slice %dot_general3A_806 {offsets = [0, 0], sizes = [1, 32], strides = [1, 1]} : vector<3x32xf32> to vector<1x32xf32>
    %mul3A_3528 = vector.broadcast %convert_element_type3A_3526 : vector<128x1xf32> to vector<128x32xf32>
    %mul3A_3529 = vector.broadcast %slice3A_3527 : vector<1x32xf32> to vector<128x32xf32>
    %mul3A_3530 = arith.mulf %mul3A_3528, %mul3A_3529 : vector<128x32xf32>
    %add3A_3531 = vector.broadcast %get3A_823 : vector<1x32xf32> to vector<128x32xf32>
    %add3A_3532 = arith.addf %add3A_3531, %mul3A_3530 : vector<128x32xf32>
    %eq3A_3533 = arith.constant 1 : i32
    %eq3A_3534 = vector.broadcast %eq3A_3533 : i32 to vector<128x1xi32>
    %eq3A_3535 = arith.cmpi eq, %slice3A_3521, %eq3A_3534 : vector<128x1xi32>
    %convert_element_type3A_3536 = arith.extui %eq3A_3535 : vector<128x1xi1> to vector<128x1xi32>
    %convert_element_type3A_3537 = arith.sitofp %convert_element_type3A_3536 : vector<128x1xi32> to vector<128x1xf32>
    %slice3A_3538 = vector.extract_strided_slice %dot_general3A_806 {offsets = [1, 0], sizes = [1, 32], strides = [1, 1]} : vector<3x32xf32> to vector<1x32xf32>
    %mul3A_3539 = vector.broadcast %convert_element_type3A_3537 : vector<128x1xf32> to vector<128x32xf32>
    %mul3A_3540 = vector.broadcast %slice3A_3538 : vector<1x32xf32> to vector<128x32xf32>
    %mul3A_3541 = arith.mulf %mul3A_3539, %mul3A_3540 : vector<128x32xf32>
    %add3A_3542 = arith.addf %add3A_3532, %mul3A_3541 : vector<128x32xf32>
    %eq3A_3543 = arith.constant 2 : i32
    %eq3A_3544 = vector.broadcast %eq3A_3543 : i32 to vector<128x1xi32>
    %eq3A_3545 = arith.cmpi eq, %slice3A_3521, %eq3A_3544 : vector<128x1xi32>
    %convert_element_type3A_3546 = arith.extui %eq3A_3545 : vector<128x1xi1> to vector<128x1xi32>
    %convert_element_type3A_3547 = arith.sitofp %convert_element_type3A_3546 : vector<128x1xi32> to vector<128x1xf32>
    %slice3A_3548 = vector.extract_strided_slice %dot_general3A_806 {offsets = [2, 0], sizes = [1, 32], strides = [1, 1]} : vector<3x32xf32> to vector<1x32xf32>
    %mul3A_3549 = vector.broadcast %convert_element_type3A_3547 : vector<128x1xf32> to vector<128x32xf32>
    %mul3A_3550 = vector.broadcast %slice3A_3548 : vector<1x32xf32> to vector<128x32xf32>
    %mul3A_3551 = arith.mulf %mul3A_3549, %mul3A_3550 : vector<128x32xf32>
    %add3A_3552 = arith.addf %add3A_3542, %mul3A_3551 : vector<128x32xf32>
    %slice3A_3553 = vector.extract_strided_slice %get3A_826 {offsets = [0, 27], sizes = [128, 1], strides = [1, 1]} : vector<128x30xi32> to vector<128x1xi32>
    %eq3A_3554 = arith.constant 0 : i32
    %eq3A_3555 = vector.broadcast %eq3A_3554 : i32 to vector<128x1xi32>
    %eq3A_3556 = arith.cmpi eq, %slice3A_3553, %eq3A_3555 : vector<128x1xi32>
    %convert_element_type3A_3557 = arith.extui %eq3A_3556 : vector<128x1xi1> to vector<128x1xi32>
    %convert_element_type3A_3558 = arith.sitofp %convert_element_type3A_3557 : vector<128x1xi32> to vector<128x1xf32>
    %slice3A_3559 = vector.extract_strided_slice %dot_general3A_813 {offsets = [0, 0], sizes = [1, 32], strides = [1, 1]} : vector<3x32xf32> to vector<1x32xf32>
    %mul3A_3560 = vector.broadcast %convert_element_type3A_3558 : vector<128x1xf32> to vector<128x32xf32>
    %mul3A_3561 = vector.broadcast %slice3A_3559 : vector<1x32xf32> to vector<128x32xf32>
    %mul3A_3562 = arith.mulf %mul3A_3560, %mul3A_3561 : vector<128x32xf32>
    %add3A_3563 = arith.addf %add3A_3552, %mul3A_3562 : vector<128x32xf32>
    %eq3A_3564 = arith.constant 1 : i32
    %eq3A_3565 = vector.broadcast %eq3A_3564 : i32 to vector<128x1xi32>
    %eq3A_3566 = arith.cmpi eq, %slice3A_3553, %eq3A_3565 : vector<128x1xi32>
    %convert_element_type3A_3567 = arith.extui %eq3A_3566 : vector<128x1xi1> to vector<128x1xi32>
    %convert_element_type3A_3568 = arith.sitofp %convert_element_type3A_3567 : vector<128x1xi32> to vector<128x1xf32>
    %slice3A_3569 = vector.extract_strided_slice %dot_general3A_813 {offsets = [1, 0], sizes = [1, 32], strides = [1, 1]} : vector<3x32xf32> to vector<1x32xf32>
    %mul3A_3570 = vector.broadcast %convert_element_type3A_3568 : vector<128x1xf32> to vector<128x32xf32>
    %mul3A_3571 = vector.broadcast %slice3A_3569 : vector<1x32xf32> to vector<128x32xf32>
    %mul3A_3572 = arith.mulf %mul3A_3570, %mul3A_3571 : vector<128x32xf32>
    %add3A_3573 = arith.addf %add3A_3563, %mul3A_3572 : vector<128x32xf32>
    %eq3A_3574 = arith.constant 2 : i32
    %eq3A_3575 = vector.broadcast %eq3A_3574 : i32 to vector<128x1xi32>
    %eq3A_3576 = arith.cmpi eq, %slice3A_3553, %eq3A_3575 : vector<128x1xi32>
    %convert_element_type3A_3577 = arith.extui %eq3A_3576 : vector<128x1xi1> to vector<128x1xi32>
    %convert_element_type3A_3578 = arith.sitofp %convert_element_type3A_3577 : vector<128x1xi32> to vector<128x1xf32>
    %slice3A_3579 = vector.extract_strided_slice %dot_general3A_813 {offsets = [2, 0], sizes = [1, 32], strides = [1, 1]} : vector<3x32xf32> to vector<1x32xf32>
    %mul3A_3580 = vector.broadcast %convert_element_type3A_3578 : vector<128x1xf32> to vector<128x32xf32>
    %mul3A_3581 = vector.broadcast %slice3A_3579 : vector<1x32xf32> to vector<128x32xf32>
    %mul3A_3582 = arith.mulf %mul3A_3580, %mul3A_3581 : vector<128x32xf32>
    %add3A_3583 = arith.addf %add3A_3573, %mul3A_3582 : vector<128x32xf32>
    %slice3A_3584 = vector.extract_strided_slice %get3A_826 {offsets = [0, 28], sizes = [128, 1], strides = [1, 1]} : vector<128x30xi32> to vector<128x1xi32>
    %eq3A_3585 = arith.constant 0 : i32
    %eq3A_3586 = vector.broadcast %eq3A_3585 : i32 to vector<128x1xi32>
    %eq3A_3587 = arith.cmpi eq, %slice3A_3584, %eq3A_3586 : vector<128x1xi32>
    %convert_element_type3A_3588 = arith.extui %eq3A_3587 : vector<128x1xi1> to vector<128x1xi32>
    %convert_element_type3A_3589 = arith.sitofp %convert_element_type3A_3588 : vector<128x1xi32> to vector<128x1xf32>
    %slice3A_3590 = vector.extract_strided_slice %dot_general3A_820 {offsets = [0, 0], sizes = [1, 32], strides = [1, 1]} : vector<3x32xf32> to vector<1x32xf32>
    %mul3A_3591 = vector.broadcast %convert_element_type3A_3589 : vector<128x1xf32> to vector<128x32xf32>
    %mul3A_3592 = vector.broadcast %slice3A_3590 : vector<1x32xf32> to vector<128x32xf32>
    %mul3A_3593 = arith.mulf %mul3A_3591, %mul3A_3592 : vector<128x32xf32>
    %add3A_3594 = arith.addf %add3A_3583, %mul3A_3593 : vector<128x32xf32>
    %eq3A_3595 = arith.constant 1 : i32
    %eq3A_3596 = vector.broadcast %eq3A_3595 : i32 to vector<128x1xi32>
    %eq3A_3597 = arith.cmpi eq, %slice3A_3584, %eq3A_3596 : vector<128x1xi32>
    %convert_element_type3A_3598 = arith.extui %eq3A_3597 : vector<128x1xi1> to vector<128x1xi32>
    %convert_element_type3A_3599 = arith.sitofp %convert_element_type3A_3598 : vector<128x1xi32> to vector<128x1xf32>
    %slice3A_3600 = vector.extract_strided_slice %dot_general3A_820 {offsets = [1, 0], sizes = [1, 32], strides = [1, 1]} : vector<3x32xf32> to vector<1x32xf32>
    %mul3A_3601 = vector.broadcast %convert_element_type3A_3599 : vector<128x1xf32> to vector<128x32xf32>
    %mul3A_3602 = vector.broadcast %slice3A_3600 : vector<1x32xf32> to vector<128x32xf32>
    %mul3A_3603 = arith.mulf %mul3A_3601, %mul3A_3602 : vector<128x32xf32>
    %add3A_3604 = arith.addf %add3A_3594, %mul3A_3603 : vector<128x32xf32>
    %eq3A_3605 = arith.constant 2 : i32
    %eq3A_3606 = vector.broadcast %eq3A_3605 : i32 to vector<128x1xi32>
    %eq3A_3607 = arith.cmpi eq, %slice3A_3584, %eq3A_3606 : vector<128x1xi32>
    %convert_element_type3A_3608 = arith.extui %eq3A_3607 : vector<128x1xi1> to vector<128x1xi32>
    %convert_element_type3A_3609 = arith.sitofp %convert_element_type3A_3608 : vector<128x1xi32> to vector<128x1xf32>
    %slice3A_3610 = vector.extract_strided_slice %dot_general3A_820 {offsets = [2, 0], sizes = [1, 32], strides = [1, 1]} : vector<3x32xf32> to vector<1x32xf32>
    %mul3A_3611 = vector.broadcast %convert_element_type3A_3609 : vector<128x1xf32> to vector<128x32xf32>
    %mul3A_3612 = vector.broadcast %slice3A_3610 : vector<1x32xf32> to vector<128x32xf32>
    %mul3A_3613 = arith.mulf %mul3A_3611, %mul3A_3612 : vector<128x32xf32>
    %add3A_3614 = arith.addf %add3A_3604, %mul3A_3613 : vector<128x32xf32>
    %max3A_3615 = arith.constant 0.000000e+00 : f32
    %max3A_3616 = vector.broadcast %max3A_3615 : f32 to vector<128x32xf32>
    %max3A_3617 = arith.maximumf %add3A_3614, %max3A_3616 : vector<128x32xf32>
    %max3A_3618 = arith.maximumf %max3A_3513, %max3A_3617 : vector<128x32xf32>
    %get3A_3619 = arith.constant 800 : index
    %get3A_3620 = arith.constant 0 : index
    %get3A_3621 = vector.load %arg12[%get3A_3619, %get3A_3620] : memref<864x128xf32, #tpu.memory_space<vmem>>, vector<32x128xf32>
    %dot_general3A_3622 = arith.constant dense<0.000000e+00> : vector<128x128xf32>
    %dot_general3A_3623 = tpu.matmul %max3A_3618, %get3A_3621, %dot_general3A_3622 {dimension_numbers = #tpu.dot_dimension_numbers<[1], [0], [0], [1], [0, 0, 1, 1], [], []>, transpose_lhs_hint = false} : vector<128x32xf32>, vector<32x128xf32>, vector<128x128xf32> -> vector<128x128xf32>
    %add3A_3624 = arith.addf %add3A_3520, %dot_general3A_3623 : vector<128x128xf32>
    %slice3A_3625 = vector.extract_strided_slice %get3A_826 {offsets = [0, 27], sizes = [128, 1], strides = [1, 1]} : vector<128x30xi32> to vector<128x1xi32>
    %eq3A_3626 = arith.constant 0 : i32
    %eq3A_3627 = vector.broadcast %eq3A_3626 : i32 to vector<128x1xi32>
    %eq3A_3628 = arith.cmpi eq, %slice3A_3625, %eq3A_3627 : vector<128x1xi32>
    %convert_element_type3A_3629 = arith.extui %eq3A_3628 : vector<128x1xi1> to vector<128x1xi32>
    %convert_element_type3A_3630 = arith.sitofp %convert_element_type3A_3629 : vector<128x1xi32> to vector<128x1xf32>
    %slice3A_3631 = vector.extract_strided_slice %dot_general3A_806 {offsets = [0, 0], sizes = [1, 32], strides = [1, 1]} : vector<3x32xf32> to vector<1x32xf32>
    %mul3A_3632 = vector.broadcast %convert_element_type3A_3630 : vector<128x1xf32> to vector<128x32xf32>
    %mul3A_3633 = vector.broadcast %slice3A_3631 : vector<1x32xf32> to vector<128x32xf32>
    %mul3A_3634 = arith.mulf %mul3A_3632, %mul3A_3633 : vector<128x32xf32>
    %add3A_3635 = vector.broadcast %get3A_823 : vector<1x32xf32> to vector<128x32xf32>
    %add3A_3636 = arith.addf %add3A_3635, %mul3A_3634 : vector<128x32xf32>
    %eq3A_3637 = arith.constant 1 : i32
    %eq3A_3638 = vector.broadcast %eq3A_3637 : i32 to vector<128x1xi32>
    %eq3A_3639 = arith.cmpi eq, %slice3A_3625, %eq3A_3638 : vector<128x1xi32>
    %convert_element_type3A_3640 = arith.extui %eq3A_3639 : vector<128x1xi1> to vector<128x1xi32>
    %convert_element_type3A_3641 = arith.sitofp %convert_element_type3A_3640 : vector<128x1xi32> to vector<128x1xf32>
    %slice3A_3642 = vector.extract_strided_slice %dot_general3A_806 {offsets = [1, 0], sizes = [1, 32], strides = [1, 1]} : vector<3x32xf32> to vector<1x32xf32>
    %mul3A_3643 = vector.broadcast %convert_element_type3A_3641 : vector<128x1xf32> to vector<128x32xf32>
    %mul3A_3644 = vector.broadcast %slice3A_3642 : vector<1x32xf32> to vector<128x32xf32>
    %mul3A_3645 = arith.mulf %mul3A_3643, %mul3A_3644 : vector<128x32xf32>
    %add3A_3646 = arith.addf %add3A_3636, %mul3A_3645 : vector<128x32xf32>
    %eq3A_3647 = arith.constant 2 : i32
    %eq3A_3648 = vector.broadcast %eq3A_3647 : i32 to vector<128x1xi32>
    %eq3A_3649 = arith.cmpi eq, %slice3A_3625, %eq3A_3648 : vector<128x1xi32>
    %convert_element_type3A_3650 = arith.extui %eq3A_3649 : vector<128x1xi1> to vector<128x1xi32>
    %convert_element_type3A_3651 = arith.sitofp %convert_element_type3A_3650 : vector<128x1xi32> to vector<128x1xf32>
    %slice3A_3652 = vector.extract_strided_slice %dot_general3A_806 {offsets = [2, 0], sizes = [1, 32], strides = [1, 1]} : vector<3x32xf32> to vector<1x32xf32>
    %mul3A_3653 = vector.broadcast %convert_element_type3A_3651 : vector<128x1xf32> to vector<128x32xf32>
    %mul3A_3654 = vector.broadcast %slice3A_3652 : vector<1x32xf32> to vector<128x32xf32>
    %mul3A_3655 = arith.mulf %mul3A_3653, %mul3A_3654 : vector<128x32xf32>
    %add3A_3656 = arith.addf %add3A_3646, %mul3A_3655 : vector<128x32xf32>
    %slice3A_3657 = vector.extract_strided_slice %get3A_826 {offsets = [0, 28], sizes = [128, 1], strides = [1, 1]} : vector<128x30xi32> to vector<128x1xi32>
    %eq3A_3658 = arith.constant 0 : i32
    %eq3A_3659 = vector.broadcast %eq3A_3658 : i32 to vector<128x1xi32>
    %eq3A_3660 = arith.cmpi eq, %slice3A_3657, %eq3A_3659 : vector<128x1xi32>
    %convert_element_type3A_3661 = arith.extui %eq3A_3660 : vector<128x1xi1> to vector<128x1xi32>
    %convert_element_type3A_3662 = arith.sitofp %convert_element_type3A_3661 : vector<128x1xi32> to vector<128x1xf32>
    %slice3A_3663 = vector.extract_strided_slice %dot_general3A_813 {offsets = [0, 0], sizes = [1, 32], strides = [1, 1]} : vector<3x32xf32> to vector<1x32xf32>
    %mul3A_3664 = vector.broadcast %convert_element_type3A_3662 : vector<128x1xf32> to vector<128x32xf32>
    %mul3A_3665 = vector.broadcast %slice3A_3663 : vector<1x32xf32> to vector<128x32xf32>
    %mul3A_3666 = arith.mulf %mul3A_3664, %mul3A_3665 : vector<128x32xf32>
    %add3A_3667 = arith.addf %add3A_3656, %mul3A_3666 : vector<128x32xf32>
    %eq3A_3668 = arith.constant 1 : i32
    %eq3A_3669 = vector.broadcast %eq3A_3668 : i32 to vector<128x1xi32>
    %eq3A_3670 = arith.cmpi eq, %slice3A_3657, %eq3A_3669 : vector<128x1xi32>
    %convert_element_type3A_3671 = arith.extui %eq3A_3670 : vector<128x1xi1> to vector<128x1xi32>
    %convert_element_type3A_3672 = arith.sitofp %convert_element_type3A_3671 : vector<128x1xi32> to vector<128x1xf32>
    %slice3A_3673 = vector.extract_strided_slice %dot_general3A_813 {offsets = [1, 0], sizes = [1, 32], strides = [1, 1]} : vector<3x32xf32> to vector<1x32xf32>
    %mul3A_3674 = vector.broadcast %convert_element_type3A_3672 : vector<128x1xf32> to vector<128x32xf32>
    %mul3A_3675 = vector.broadcast %slice3A_3673 : vector<1x32xf32> to vector<128x32xf32>
    %mul3A_3676 = arith.mulf %mul3A_3674, %mul3A_3675 : vector<128x32xf32>
    %add3A_3677 = arith.addf %add3A_3667, %mul3A_3676 : vector<128x32xf32>
    %eq3A_3678 = arith.constant 2 : i32
    %eq3A_3679 = vector.broadcast %eq3A_3678 : i32 to vector<128x1xi32>
    %eq3A_3680 = arith.cmpi eq, %slice3A_3657, %eq3A_3679 : vector<128x1xi32>
    %convert_element_type3A_3681 = arith.extui %eq3A_3680 : vector<128x1xi1> to vector<128x1xi32>
    %convert_element_type3A_3682 = arith.sitofp %convert_element_type3A_3681 : vector<128x1xi32> to vector<128x1xf32>
    %slice3A_3683 = vector.extract_strided_slice %dot_general3A_813 {offsets = [2, 0], sizes = [1, 32], strides = [1, 1]} : vector<3x32xf32> to vector<1x32xf32>
    %mul3A_3684 = vector.broadcast %convert_element_type3A_3682 : vector<128x1xf32> to vector<128x32xf32>
    %mul3A_3685 = vector.broadcast %slice3A_3683 : vector<1x32xf32> to vector<128x32xf32>
    %mul3A_3686 = arith.mulf %mul3A_3684, %mul3A_3685 : vector<128x32xf32>
    %add3A_3687 = arith.addf %add3A_3677, %mul3A_3686 : vector<128x32xf32>
    %slice3A_3688 = vector.extract_strided_slice %get3A_826 {offsets = [0, 29], sizes = [128, 1], strides = [1, 1]} : vector<128x30xi32> to vector<128x1xi32>
    %eq3A_3689 = arith.constant 0 : i32
    %eq3A_3690 = vector.broadcast %eq3A_3689 : i32 to vector<128x1xi32>
    %eq3A_3691 = arith.cmpi eq, %slice3A_3688, %eq3A_3690 : vector<128x1xi32>
    %convert_element_type3A_3692 = arith.extui %eq3A_3691 : vector<128x1xi1> to vector<128x1xi32>
    %convert_element_type3A_3693 = arith.sitofp %convert_element_type3A_3692 : vector<128x1xi32> to vector<128x1xf32>
    %slice3A_3694 = vector.extract_strided_slice %dot_general3A_820 {offsets = [0, 0], sizes = [1, 32], strides = [1, 1]} : vector<3x32xf32> to vector<1x32xf32>
    %mul3A_3695 = vector.broadcast %convert_element_type3A_3693 : vector<128x1xf32> to vector<128x32xf32>
    %mul3A_3696 = vector.broadcast %slice3A_3694 : vector<1x32xf32> to vector<128x32xf32>
    %mul3A_3697 = arith.mulf %mul3A_3695, %mul3A_3696 : vector<128x32xf32>
    %add3A_3698 = arith.addf %add3A_3687, %mul3A_3697 : vector<128x32xf32>
    %eq3A_3699 = arith.constant 1 : i32
    %eq3A_3700 = vector.broadcast %eq3A_3699 : i32 to vector<128x1xi32>
    %eq3A_3701 = arith.cmpi eq, %slice3A_3688, %eq3A_3700 : vector<128x1xi32>
    %convert_element_type3A_3702 = arith.extui %eq3A_3701 : vector<128x1xi1> to vector<128x1xi32>
    %convert_element_type3A_3703 = arith.sitofp %convert_element_type3A_3702 : vector<128x1xi32> to vector<128x1xf32>
    %slice3A_3704 = vector.extract_strided_slice %dot_general3A_820 {offsets = [1, 0], sizes = [1, 32], strides = [1, 1]} : vector<3x32xf32> to vector<1x32xf32>
    %mul3A_3705 = vector.broadcast %convert_element_type3A_3703 : vector<128x1xf32> to vector<128x32xf32>
    %mul3A_3706 = vector.broadcast %slice3A_3704 : vector<1x32xf32> to vector<128x32xf32>
    %mul3A_3707 = arith.mulf %mul3A_3705, %mul3A_3706 : vector<128x32xf32>
    %add3A_3708 = arith.addf %add3A_3698, %mul3A_3707 : vector<128x32xf32>
    %eq3A_3709 = arith.constant 2 : i32
    %eq3A_3710 = vector.broadcast %eq3A_3709 : i32 to vector<128x1xi32>
    %eq3A_3711 = arith.cmpi eq, %slice3A_3688, %eq3A_3710 : vector<128x1xi32>
    %convert_element_type3A_3712 = arith.extui %eq3A_3711 : vector<128x1xi1> to vector<128x1xi32>
    %convert_element_type3A_3713 = arith.sitofp %convert_element_type3A_3712 : vector<128x1xi32> to vector<128x1xf32>
    %slice3A_3714 = vector.extract_strided_slice %dot_general3A_820 {offsets = [2, 0], sizes = [1, 32], strides = [1, 1]} : vector<3x32xf32> to vector<1x32xf32>
    %mul3A_3715 = vector.broadcast %convert_element_type3A_3713 : vector<128x1xf32> to vector<128x32xf32>
    %mul3A_3716 = vector.broadcast %slice3A_3714 : vector<1x32xf32> to vector<128x32xf32>
    %mul3A_3717 = arith.mulf %mul3A_3715, %mul3A_3716 : vector<128x32xf32>
    %add3A_3718 = arith.addf %add3A_3708, %mul3A_3717 : vector<128x32xf32>
    %max3A_3719 = arith.constant 0.000000e+00 : f32
    %max3A_3720 = vector.broadcast %max3A_3719 : f32 to vector<128x32xf32>
    %max3A_3721 = arith.maximumf %add3A_3718, %max3A_3720 : vector<128x32xf32>
    %max3A_3722 = arith.maximumf %max3A_3617, %max3A_3721 : vector<128x32xf32>
    %get3A_3723 = arith.constant 832 : index
    %get3A_3724 = arith.constant 0 : index
    %get3A_3725 = vector.load %arg12[%get3A_3723, %get3A_3724] : memref<864x128xf32, #tpu.memory_space<vmem>>, vector<32x128xf32>
    %dot_general3A_3726 = arith.constant dense<0.000000e+00> : vector<128x128xf32>
    %dot_general3A_3727 = tpu.matmul %max3A_3722, %get3A_3725, %dot_general3A_3726 {dimension_numbers = #tpu.dot_dimension_numbers<[1], [0], [0], [1], [0, 0, 1, 1], [], []>, transpose_lhs_hint = false} : vector<128x32xf32>, vector<32x128xf32>, vector<128x128xf32> -> vector<128x128xf32>
    %add3A_3728 = arith.addf %add3A_3624, %dot_general3A_3727 : vector<128x128xf32>
    %max3A_3729 = arith.constant 0.000000e+00 : f32
    %max3A_3730 = vector.broadcast %max3A_3729 : f32 to vector<128x128xf32>
    %max3A_3731 = arith.maximumf %add3A_3728, %max3A_3730 : vector<128x128xf32>
    %get3A_3732 = arith.constant 0 : index
    %get3A_3733 = arith.constant 0 : index
    %get3A_3734 = vector.load %arg14[%get3A_3732, %get3A_3733] : memref<128x32xf32, #tpu.memory_space<vmem>>, vector<128x32xf32>
    %dot_general3A_3735 = arith.constant dense<0.000000e+00> : vector<128x32xf32>
    %dot_general3A_3736 = tpu.matmul %max3A_3731, %get3A_3734, %dot_general3A_3735 {dimension_numbers = #tpu.dot_dimension_numbers<[1], [0], [0], [1], [0, 0, 1, 1], [], []>, transpose_lhs_hint = false} : vector<128x128xf32>, vector<128x32xf32>, vector<128x32xf32> -> vector<128x32xf32>
    %get3A_3737 = arith.constant 0 : index
    %get3A_3738 = arith.constant 0 : index
    %get3A_3739 = vector.load %arg15[%get3A_3737, %get3A_3738] : memref<1x32xf32, #tpu.memory_space<vmem>>, vector<1x32xf32>
    %add3A_3740 = vector.broadcast %get3A_3739 : vector<1x32xf32> to vector<128x32xf32>
    %add3A_3741 = arith.addf %dot_general3A_3736, %add3A_3740 : vector<128x32xf32>
    %max3A_3742 = arith.constant 0.000000e+00 : f32
    %max3A_3743 = vector.broadcast %max3A_3742 : f32 to vector<128x32xf32>
    %max3A_3744 = arith.maximumf %add3A_3741, %max3A_3743 : vector<128x32xf32>
    %get3A_3745 = arith.constant 0 : index
    %get3A_3746 = arith.constant 0 : index
    %get3A_3747 = vector.load %arg6[%get3A_3745, %get3A_3746] : memref<1x128xf32, #tpu.memory_space<vmem>>, vector<1x128xf32>
    %get3A_3748 = arith.constant 0 : index
    %get3A_3749 = arith.constant 0 : index
    %get3A_3750 = arith.constant 0 : index
    %get3A_3751 = vector.load %arg1[%get3A_3748, %get3A_3749, %get3A_3750] : memref<13x128x16xf32, #tpu.memory_space<vmem>>, vector<1x128x16xf32>
    %get3A_3752 = vector.shape_cast %get3A_3751 : vector<1x128x16xf32> to vector<128x16xf32>
    %get3A_3753 = arith.constant 0 : index
    %get3A_3754 = arith.constant 0 : index
    %get3A_3755 = arith.constant 0 : index
    %get3A_3756 = vector.load %arg5[%get3A_3753, %get3A_3754, %get3A_3755] : memref<5x16x128xf32, #tpu.memory_space<vmem>>, vector<1x16x128xf32>
    %get3A_3757 = vector.shape_cast %get3A_3756 : vector<1x16x128xf32> to vector<16x128xf32>
    %dot_general3A_3758 = arith.constant dense<0.000000e+00> : vector<128x128xf32>
    %dot_general3A_3759 = tpu.matmul %get3A_3752, %get3A_3757, %dot_general3A_3758 {dimension_numbers = #tpu.dot_dimension_numbers<[1], [0], [0], [1], [0, 0, 1, 1], [], []>, transpose_lhs_hint = false} : vector<128x16xf32>, vector<16x128xf32>, vector<128x128xf32> -> vector<128x128xf32>
    %add3A_3760 = vector.broadcast %get3A_3747 : vector<1x128xf32> to vector<128x128xf32>
    %add3A_3761 = arith.addf %add3A_3760, %dot_general3A_3759 : vector<128x128xf32>
    %get3A_3762 = arith.constant 1 : index
    %get3A_3763 = arith.constant 0 : index
    %get3A_3764 = arith.constant 0 : index
    %get3A_3765 = vector.load %arg1[%get3A_3762, %get3A_3763, %get3A_3764] : memref<13x128x16xf32, #tpu.memory_space<vmem>>, vector<1x128x16xf32>
    %get3A_3766 = vector.shape_cast %get3A_3765 : vector<1x128x16xf32> to vector<128x16xf32>
    %get3A_3767 = arith.constant 1 : index
    %get3A_3768 = arith.constant 0 : index
    %get3A_3769 = arith.constant 0 : index
    %get3A_3770 = vector.load %arg5[%get3A_3767, %get3A_3768, %get3A_3769] : memref<5x16x128xf32, #tpu.memory_space<vmem>>, vector<1x16x128xf32>
    %get3A_3771 = vector.shape_cast %get3A_3770 : vector<1x16x128xf32> to vector<16x128xf32>
    %dot_general3A_3772 = arith.constant dense<0.000000e+00> : vector<128x128xf32>
    %dot_general3A_3773 = tpu.matmul %get3A_3766, %get3A_3771, %dot_general3A_3772 {dimension_numbers = #tpu.dot_dimension_numbers<[1], [0], [0], [1], [0, 0, 1, 1], [], []>, transpose_lhs_hint = false} : vector<128x16xf32>, vector<16x128xf32>, vector<128x128xf32> -> vector<128x128xf32>
    %add3A_3774 = arith.addf %add3A_3761, %dot_general3A_3773 : vector<128x128xf32>
    %get3A_3775 = arith.constant 2 : index
    %get3A_3776 = arith.constant 0 : index
    %get3A_3777 = arith.constant 0 : index
    %get3A_3778 = vector.load %arg1[%get3A_3775, %get3A_3776, %get3A_3777] : memref<13x128x16xf32, #tpu.memory_space<vmem>>, vector<1x128x16xf32>
    %get3A_3779 = vector.shape_cast %get3A_3778 : vector<1x128x16xf32> to vector<128x16xf32>
    %get3A_3780 = arith.constant 2 : index
    %get3A_3781 = arith.constant 0 : index
    %get3A_3782 = arith.constant 0 : index
    %get3A_3783 = vector.load %arg5[%get3A_3780, %get3A_3781, %get3A_3782] : memref<5x16x128xf32, #tpu.memory_space<vmem>>, vector<1x16x128xf32>
    %get3A_3784 = vector.shape_cast %get3A_3783 : vector<1x16x128xf32> to vector<16x128xf32>
    %dot_general3A_3785 = arith.constant dense<0.000000e+00> : vector<128x128xf32>
    %dot_general3A_3786 = tpu.matmul %get3A_3779, %get3A_3784, %dot_general3A_3785 {dimension_numbers = #tpu.dot_dimension_numbers<[1], [0], [0], [1], [0, 0, 1, 1], [], []>, transpose_lhs_hint = false} : vector<128x16xf32>, vector<16x128xf32>, vector<128x128xf32> -> vector<128x128xf32>
    %add3A_3787 = arith.addf %add3A_3774, %dot_general3A_3786 : vector<128x128xf32>
    %get3A_3788 = arith.constant 3 : index
    %get3A_3789 = arith.constant 0 : index
    %get3A_3790 = arith.constant 0 : index
    %get3A_3791 = vector.load %arg1[%get3A_3788, %get3A_3789, %get3A_3790] : memref<13x128x16xf32, #tpu.memory_space<vmem>>, vector<1x128x16xf32>
    %get3A_3792 = vector.shape_cast %get3A_3791 : vector<1x128x16xf32> to vector<128x16xf32>
    %get3A_3793 = arith.constant 3 : index
    %get3A_3794 = arith.constant 0 : index
    %get3A_3795 = arith.constant 0 : index
    %get3A_3796 = vector.load %arg5[%get3A_3793, %get3A_3794, %get3A_3795] : memref<5x16x128xf32, #tpu.memory_space<vmem>>, vector<1x16x128xf32>
    %get3A_3797 = vector.shape_cast %get3A_3796 : vector<1x16x128xf32> to vector<16x128xf32>
    %dot_general3A_3798 = arith.constant dense<0.000000e+00> : vector<128x128xf32>
    %dot_general3A_3799 = tpu.matmul %get3A_3792, %get3A_3797, %dot_general3A_3798 {dimension_numbers = #tpu.dot_dimension_numbers<[1], [0], [0], [1], [0, 0, 1, 1], [], []>, transpose_lhs_hint = false} : vector<128x16xf32>, vector<16x128xf32>, vector<128x128xf32> -> vector<128x128xf32>
    %add3A_3800 = arith.addf %add3A_3787, %dot_general3A_3799 : vector<128x128xf32>
    %get3A_3801 = arith.constant 4 : index
    %get3A_3802 = arith.constant 0 : index
    %get3A_3803 = arith.constant 0 : index
    %get3A_3804 = vector.load %arg1[%get3A_3801, %get3A_3802, %get3A_3803] : memref<13x128x16xf32, #tpu.memory_space<vmem>>, vector<1x128x16xf32>
    %get3A_3805 = vector.shape_cast %get3A_3804 : vector<1x128x16xf32> to vector<128x16xf32>
    %get3A_3806 = arith.constant 4 : index
    %get3A_3807 = arith.constant 0 : index
    %get3A_3808 = arith.constant 0 : index
    %get3A_3809 = vector.load %arg5[%get3A_3806, %get3A_3807, %get3A_3808] : memref<5x16x128xf32, #tpu.memory_space<vmem>>, vector<1x16x128xf32>
    %get3A_3810 = vector.shape_cast %get3A_3809 : vector<1x16x128xf32> to vector<16x128xf32>
    %dot_general3A_3811 = arith.constant dense<0.000000e+00> : vector<128x128xf32>
    %dot_general3A_3812 = tpu.matmul %get3A_3805, %get3A_3810, %dot_general3A_3811 {dimension_numbers = #tpu.dot_dimension_numbers<[1], [0], [0], [1], [0, 0, 1, 1], [], []>, transpose_lhs_hint = false} : vector<128x16xf32>, vector<16x128xf32>, vector<128x128xf32> -> vector<128x128xf32>
    %add3A_3813 = arith.addf %add3A_3800, %dot_general3A_3812 : vector<128x128xf32>
    %max3A_3814 = arith.constant 0.000000e+00 : f32
    %max3A_3815 = vector.broadcast %max3A_3814 : f32 to vector<128x128xf32>
    %max3A_3816 = arith.maximumf %add3A_3813, %max3A_3815 : vector<128x128xf32>
    %get3A_3817 = arith.constant 0 : index
    %get3A_3818 = arith.constant 0 : index
    %get3A_3819 = vector.load %arg7[%get3A_3817, %get3A_3818] : memref<128x32xf32, #tpu.memory_space<vmem>>, vector<128x32xf32>
    %dot_general3A_3820 = arith.constant dense<0.000000e+00> : vector<128x32xf32>
    %dot_general3A_3821 = tpu.matmul %max3A_3816, %get3A_3819, %dot_general3A_3820 {dimension_numbers = #tpu.dot_dimension_numbers<[1], [0], [0], [1], [0, 0, 1, 1], [], []>, transpose_lhs_hint = false} : vector<128x128xf32>, vector<128x32xf32>, vector<128x32xf32> -> vector<128x32xf32>
    %get3A_3822 = arith.constant 0 : index
    %get3A_3823 = arith.constant 0 : index
    %get3A_3824 = vector.load %arg8[%get3A_3822, %get3A_3823] : memref<1x32xf32, #tpu.memory_space<vmem>>, vector<1x32xf32>
    %add3A_3825 = vector.broadcast %get3A_3824 : vector<1x32xf32> to vector<128x32xf32>
    %add3A_3826 = arith.addf %dot_general3A_3821, %add3A_3825 : vector<128x32xf32>
    %max3A_3827 = arith.constant 0.000000e+00 : f32
    %max3A_3828 = vector.broadcast %max3A_3827 : f32 to vector<128x32xf32>
    %max3A_3829 = arith.maximumf %add3A_3826, %max3A_3828 : vector<128x32xf32>
    %get3A_3830 = arith.constant 0 : index
    %get3A_3831 = arith.constant 0 : index
    %get3A_3832 = vector.load %arg21[%get3A_3830, %get3A_3831] : memref<64x64xf32, #tpu.memory_space<vmem>>, vector<32x64xf32>
    %dot_general3A_3833 = arith.constant dense<0.000000e+00> : vector<128x64xf32>
    %dot_general3A_3834 = tpu.matmul %max3A_3744, %get3A_3832, %dot_general3A_3833 {dimension_numbers = #tpu.dot_dimension_numbers<[1], [0], [0], [1], [0, 0, 1, 1], [], []>, transpose_lhs_hint = false} : vector<128x32xf32>, vector<32x64xf32>, vector<128x64xf32> -> vector<128x64xf32>
    %get3A_3835 = arith.constant 32 : index
    %get3A_3836 = arith.constant 0 : index
    %get3A_3837 = vector.load %arg21[%get3A_3835, %get3A_3836] : memref<64x64xf32, #tpu.memory_space<vmem>>, vector<32x64xf32>
    %dot_general3A_3838 = arith.constant dense<0.000000e+00> : vector<128x64xf32>
    %dot_general3A_3839 = tpu.matmul %max3A_3829, %get3A_3837, %dot_general3A_3838 {dimension_numbers = #tpu.dot_dimension_numbers<[1], [0], [0], [1], [0, 0, 1, 1], [], []>, transpose_lhs_hint = false} : vector<128x32xf32>, vector<32x64xf32>, vector<128x64xf32> -> vector<128x64xf32>
    %add3A_3840 = arith.addf %dot_general3A_3834, %dot_general3A_3839 : vector<128x64xf32>
    %get3A_3841 = arith.constant 0 : index
    %get3A_3842 = arith.constant 0 : index
    %get3A_3843 = vector.load %arg22[%get3A_3841, %get3A_3842] : memref<1x64xf32, #tpu.memory_space<vmem>>, vector<1x64xf32>
    %add3A_3844 = vector.broadcast %get3A_3843 : vector<1x64xf32> to vector<128x64xf32>
    %add3A_3845 = arith.addf %add3A_3840, %add3A_3844 : vector<128x64xf32>
    %max3A_3846 = arith.constant 0.000000e+00 : f32
    %max3A_3847 = vector.broadcast %max3A_3846 : f32 to vector<128x64xf32>
    %max3A_3848 = arith.maximumf %add3A_3845, %max3A_3847 : vector<128x64xf32>
    %get3A_3849 = arith.constant 0 : index
    %get3A_3850 = arith.constant 0 : index
    %get3A_3851 = vector.load %arg23[%get3A_3849, %get3A_3850] : memref<64x1xf32, #tpu.memory_space<vmem>>, vector<64x1xf32>
    %dot_general3A_3852 = arith.constant dense<0.000000e+00> : vector<128x1xf32>
    %dot_general3A_3853 = tpu.matmul %max3A_3848, %get3A_3851, %dot_general3A_3852 {dimension_numbers = #tpu.dot_dimension_numbers<[1], [0], [0], [1], [0, 0, 1, 1], [], []>, transpose_lhs_hint = false} : vector<128x64xf32>, vector<64x1xf32>, vector<128x1xf32> -> vector<128x1xf32>
    %get3A_3854 = arith.constant 0 : index
    %get3A_3855 = arith.constant 0 : index
    %get3A_3856 = vector.load %arg24[%get3A_3854, %get3A_3855] : memref<1x1xf32, #tpu.memory_space<vmem>>, vector<1x1xf32>
    %add3A_3857 = vector.broadcast %get3A_3856 : vector<1x1xf32> to vector<128x1xf32>
    %add3A_3858 = arith.addf %dot_general3A_3853, %add3A_3857 : vector<128x1xf32>
    %logistic3A = arith.negf %add3A_3858 : vector<128x1xf32>
    %logistic3A_3859 = math.exp %logistic3A : vector<128x1xf32>
    %logistic3A_3860 = arith.constant 1.000000e+00 : f32
    %logistic3A_3861 = vector.broadcast %logistic3A_3860 : f32 to vector<128x1xf32>
    %logistic3A_3862 = arith.addf %logistic3A_3861, %logistic3A_3859 : vector<128x1xf32>
    %logistic3A_3863 = arith.divf %logistic3A_3861, %logistic3A_3862 : vector<128x1xf32>
    %swap3A = arith.constant 0 : index
    %swap3A_3864 = arith.constant 0 : index
    %swap3A_3865 = vector.load %arg25[%swap3A, %swap3A_3864] : memref<128x1xf32, #tpu.memory_space<vmem>>, vector<128x1xf32>
    tpu.vector_store %arg25[%swap3A, %swap3A_3864], %logistic3A_3863 {strides = array<i32>} : memref<128x1xf32, #tpu.memory_space<vmem>>, vector<128x1xf32>,
    return
  }
  func.func @transform_0(%arg0: i32) -> (i32, i32, i32) {
    %c0_i32 = arith.constant 0 : i32
    %c0_i32_0 = arith.constant 0 : i32
    %c0_i32_1 = arith.constant 0 : i32
    return %c0_i32, %arg0, %c0_i32_0 : i32, i32, i32
  }
  func.func @transform_1(%arg0: i32) -> (i32, i32) {
    %c0_i32 = arith.constant 0 : i32
    %c0_i32_0 = arith.constant 0 : i32
    return %arg0, %c0_i32 : i32, i32
  }
  func.func @transform_2(%arg0: i32) -> (i32, i32, i32) {
    %c0_i32 = arith.constant 0 : i32
    %c0_i32_0 = arith.constant 0 : i32
    %c0_i32_1 = arith.constant 0 : i32
    return %arg0, %c0_i32, %c0_i32_0 : i32, i32, i32
  }
  func.func @transform_3(%arg0: i32) -> (i32, i32) {
    %c0_i32 = arith.constant 0 : i32
    %c0_i32_0 = arith.constant 0 : i32
    return %arg0, %c0_i32 : i32, i32
  }
  func.func @transform_4(%arg0: i32) -> (i32, i32, i32) {
    %c0_i32 = arith.constant 0 : i32
    %c0_i32_0 = arith.constant 0 : i32
    %c0_i32_1 = arith.constant 0 : i32
    %c0_i32_2 = arith.constant 0 : i32
    return %c0_i32, %c0_i32_0, %c0_i32_1 : i32, i32, i32
  }
  func.func @transform_5(%arg0: i32) -> (i32, i32) {
    %c0_i32 = arith.constant 0 : i32
    %c0_i32_0 = arith.constant 0 : i32
    %c0_i32_1 = arith.constant 0 : i32
    return %c0_i32, %c0_i32_0 : i32, i32
  }
  func.func @transform_6(%arg0: i32) -> (i32, i32) {
    %c0_i32 = arith.constant 0 : i32
    %c0_i32_0 = arith.constant 0 : i32
    %c0_i32_1 = arith.constant 0 : i32
    return %c0_i32, %c0_i32_0 : i32, i32
  }
  func.func @transform_7(%arg0: i32) -> (i32, i32) {
    %c0_i32 = arith.constant 0 : i32
    %c0_i32_0 = arith.constant 0 : i32
    %c0_i32_1 = arith.constant 0 : i32
    return %c0_i32, %c0_i32_0 : i32, i32
  }
  func.func @transform_8(%arg0: i32) -> (i32, i32, i32) {
    %c0_i32 = arith.constant 0 : i32
    %c0_i32_0 = arith.constant 0 : i32
    %c0_i32_1 = arith.constant 0 : i32
    %c0_i32_2 = arith.constant 0 : i32
    return %c0_i32, %c0_i32_0, %c0_i32_1 : i32, i32, i32
  }
  func.func @transform_9(%arg0: i32) -> (i32, i32) {
    %c0_i32 = arith.constant 0 : i32
    %c0_i32_0 = arith.constant 0 : i32
    %c0_i32_1 = arith.constant 0 : i32
    return %c0_i32, %c0_i32_0 : i32, i32
  }
  func.func @transform_10(%arg0: i32) -> (i32, i32) {
    %c0_i32 = arith.constant 0 : i32
    %c0_i32_0 = arith.constant 0 : i32
    %c0_i32_1 = arith.constant 0 : i32
    return %c0_i32, %c0_i32_0 : i32, i32
  }
  func.func @transform_11(%arg0: i32) -> (i32, i32) {
    %c0_i32 = arith.constant 0 : i32
    %c0_i32_0 = arith.constant 0 : i32
    %c0_i32_1 = arith.constant 0 : i32
    return %c0_i32, %c0_i32_0 : i32, i32
  }
  func.func @transform_12(%arg0: i32) -> (i32, i32) {
    %c0_i32 = arith.constant 0 : i32
    %c0_i32_0 = arith.constant 0 : i32
    %c0_i32_1 = arith.constant 0 : i32
    return %c0_i32, %c0_i32_0 : i32, i32
  }
  func.func @transform_13(%arg0: i32) -> (i32, i32) {
    %c0_i32 = arith.constant 0 : i32
    %c0_i32_0 = arith.constant 0 : i32
    %c0_i32_1 = arith.constant 0 : i32
    return %c0_i32, %c0_i32_0 : i32, i32
  }
  func.func @transform_14(%arg0: i32) -> (i32, i32) {
    %c0_i32 = arith.constant 0 : i32
    %c0_i32_0 = arith.constant 0 : i32
    %c0_i32_1 = arith.constant 0 : i32
    return %c0_i32, %c0_i32_0 : i32, i32
  }
  func.func @transform_15(%arg0: i32) -> (i32, i32) {
    %c0_i32 = arith.constant 0 : i32
    %c0_i32_0 = arith.constant 0 : i32
    %c0_i32_1 = arith.constant 0 : i32
    return %c0_i32, %c0_i32_0 : i32, i32
  }
  func.func @transform_16(%arg0: i32) -> (i32, i32) {
    %c0_i32 = arith.constant 0 : i32
    %c0_i32_0 = arith.constant 0 : i32
    %c0_i32_1 = arith.constant 0 : i32
    return %c0_i32, %c0_i32_0 : i32, i32
  }
  func.func @transform_17(%arg0: i32) -> (i32, i32) {
    %c0_i32 = arith.constant 0 : i32
    %c0_i32_0 = arith.constant 0 : i32
    %c0_i32_1 = arith.constant 0 : i32
    return %c0_i32, %c0_i32_0 : i32, i32
  }
  func.func @transform_18(%arg0: i32) -> (i32, i32, i32) {
    %c0_i32 = arith.constant 0 : i32
    %c0_i32_0 = arith.constant 0 : i32
    %c0_i32_1 = arith.constant 0 : i32
    %c0_i32_2 = arith.constant 0 : i32
    return %c0_i32, %c0_i32_0, %c0_i32_1 : i32, i32, i32
  }
  func.func @transform_19(%arg0: i32) -> (i32, i32) {
    %c0_i32 = arith.constant 0 : i32
    %c0_i32_0 = arith.constant 0 : i32
    %c0_i32_1 = arith.constant 0 : i32
    return %c0_i32, %c0_i32_0 : i32, i32
  }
  func.func @transform_20(%arg0: i32) -> (i32, i32) {
    %c0_i32 = arith.constant 0 : i32
    %c0_i32_0 = arith.constant 0 : i32
    %c0_i32_1 = arith.constant 0 : i32
    return %c0_i32, %c0_i32_0 : i32, i32
  }
  func.func @transform_21(%arg0: i32) -> (i32, i32) {
    %c0_i32 = arith.constant 0 : i32
    %c0_i32_0 = arith.constant 0 : i32
    %c0_i32_1 = arith.constant 0 : i32
    return %c0_i32, %c0_i32_0 : i32, i32
  }
  func.func @transform_22(%arg0: i32) -> (i32, i32) {
    %c0_i32 = arith.constant 0 : i32
    %c0_i32_0 = arith.constant 0 : i32
    %c0_i32_1 = arith.constant 0 : i32
    return %c0_i32, %c0_i32_0 : i32, i32
  }
  func.func @transform_23(%arg0: i32) -> (i32, i32) {
    %c0_i32 = arith.constant 0 : i32
    %c0_i32_0 = arith.constant 0 : i32
    %c0_i32_1 = arith.constant 0 : i32
    return %c0_i32, %c0_i32_0 : i32, i32
  }
  func.func @transform_24(%arg0: i32) -> (i32, i32) {
    %c0_i32 = arith.constant 0 : i32
    %c0_i32_0 = arith.constant 0 : i32
    return %arg0, %c0_i32 : i32, i32
  }
}

</mosaic_0001>

<sc_bundles>
// kernel: kernel.4.cloned.1.call-start
scs
__scs_entry_jumppad:
0x0: {  	(pc) =	sbr.rel $0x88, $3  }
0x1: {  	(tag) =	ssettag $0x0;
	lr =	simm.s32 $0x1  }
0x2: {  	[smem:$0x3F72] =	sst lr;
	_ =	strace $0xD0000000  }
0x3: {  	_ = 	snop  }
0x4: {  	_ = 	snop  }
0x5: {  	_ = 	snop  }
0x6: {  	_ = 	snop  }
0x7: {  	_ = 	snop  }
__scs_overlays_trampoline_lowered:
0x8: {  	[smem:$0x3F81] =	sst s0  }
0x9: {  	[smem:$0x3F82] =	sst s1  }
0xa: {  	[smem:$0x3F83] =	sst s2  }
0xb: {  	[smem:$0x3F84] =	sst s3  }
0xc: {  	[smem:$0x3F85] =	sst s4  }
0xd: {  	[smem:$0x3F86] =	sst s5  }
0xe: {  	[smem:$0x3F87] =	sst s6  }
0xf: {  	[smem:$0x3F88] =	sst s7  }
0x10: {  	[smem:$0x3F89] =	sst s8  }
0x11: {  	[smem:$0x3F8A] =	sst s9;
	s0 =	simm.s32 @!p0 $0x0  }
0x12: {  	s1 =	sld [smem:$0x3F70];
	s0 =	simm.s32 @p0 $0x1  }
0x13: {  	[smem:$0x3F8B] =	sst s0;
	s0 =	simm.s32 @!p1 $0x0  }
0x14: {  	s2 =	sld [smem:$0x3F6F];
	s0 =	simm.s32 @p1 $0x1  }
0x15: {  	[smem:$0x3F8C] =	sst s0;
	s0 =	simm.s32 @!p2 $0x0  }
0x16: {  	s3 =	sld [smem:$0x3FDB];
	s0 =	simm.s32 @p2 $0x1  }
0x17: {  	s4 =	simm.s32 $0x1BF5;
	[smem:$0x3F8E] =	sst s0  }
0x18: {  	s0 =	sld [smem:$0x3F71];
	_ =	swait.ge [sflag:s4], $0x0  }
0x19: {  	s7 =	sld [smem:$0x3F72]  }
0x1a: {  	s8 =	sadd.s32 $0xFFFFE003, lr  }
0x1b: {  	s9 =	sadd.s32 $0xFFFFFEF7, lr;
	s5 =	simm.s32 $0xFFFFFFFF;
	p2 =	slt.u32 s8, $0xFFFFF086  }
0x1c: {  	p1 =	slt.u32 s9, $0xF7A;
	s5 =	simm.s32 @!p2 $0x0  }
0x1d: {  	s5 =	simm.s32 @p1 $0x1;
	p0 =	seq.s32 s7, s2  }
0x1e: {  	s7 =	smul.u32 @!p0 $0xF7A, s2;
	p2 =	seq.s32 @!p0 s5, $0x0  }
0x1f: {  	s9 =	smul.u32 $0xF7A, s1;
	s8 =	simm.s32 @!p0 $0x1BF5;
	p2 =	por !p2, p0  }
0x20: {  	[sflag:s8] =	ssyncset.s32 @!p0 $0xFFFFF086;
	s6 =	sadd.s32 @!p0 s3, s7;
	s7 =	simm.s32 @!p0 $0x108  }
0x21: {  	s3 =	sadd.s32 s3, s9;
	s6 =	sadd.s32 @!p0 $0x88, s6;
	s7 =	simm.s32 @p2 $0x1082  }
0x22: {  	[simem:s7], [sflag:s8] =	dma.local @!p0 [hbm:s6], $0xF7A  }
0x23: {  	s9 =	sor.u32 $0xD0000000, s2;
	s6 =	simm.s32 $0x108;
	_ =	swait.ge @!p0 [sflag:s8], $0x0  }
0x24: {  	s3 =	sadd.s32 $0x88, s3;
	s6 =	simm.s32 @!p1 $0x1082;
	[sflag:s4] =	ssyncset.s32 $0xFFFFF086  }
0x25: {  	[simem:s6], [sflag:s4] =	dma.local [hbm:s3], $0xF7A  }
0x26: {  	[smem:$0x3F72] =	sst s1;
	(tag) =	ssettag s2;
	_ =	strace s9  }
0x27: {  	s1 =	sld [smem:$0x3F82]  }
0x28: {  	s2 =	sld [smem:$0x3F83]  }
0x29: {  	s4 =	sld [smem:$0x3F85]  }
0x2a: {  	p0 =	seq.s32 s5, $0x0;
	s5 =	sld [smem:$0x3F86]  }
0x2b: {  	s6 =	sld [smem:$0x3F87]  }
0x2c: {  	s7 =	sld [smem:$0x3F88]  }
0x2d: {  	s3 =	simm.s32 $0x108;
	s8 =	sld [smem:$0x3F89]  }
0x2e: {  	s3 =	simm.s32 @!p0 $0x1082;
	s9 =	sld [smem:$0x3F8A]  }
0x2f: {  	lr =	sadd.s32 s0, s3;
	s0 =	sld [smem:$0x3F81]  }
0x30: {  	s3 =	sld [smem:$0x3F84]  }
0x31: {  	[smem:$0x3F8D] =	sst s10  }
0x32: {  	s10 =	sld [smem:$0x3F8B];
	_ =	sdelay $0x3  }
0x33: {  	p0 =	seq.s32 s10, $0x1;
	s10 =	sld [smem:$0x3F8D];
	_ =	sdelay $0x3  }
0x34: {  	[smem:$0x3F8D] =	sst s10  }
0x35: {  	s10 =	sld [smem:$0x3F8C];
	_ =	sdelay $0x3  }
0x36: {  	p1 =	seq.s32 s10, $0x1;
	s10 =	sld [smem:$0x3F8D];
	_ =	sdelay $0x3  }
0x37: {  	[smem:$0x3F8D] =	sst s10  }
0x38: {  	s10 =	sld [smem:$0x3F8E]  }
0x39: {  	_ = 	snop;
	(pc) =	sbr.ind lr, $3  }
0x3a: {  	_ = 	snop  }
0x3b: {  	_ = 	snop  }
0x3c: {  	p2 =	seq.s32 s10, $0x1;
	s10 =	sld [smem:$0x3F8D]  }
0x3d: {  	_ =	shalt  }
0x3e: {  	_ =	shalt  }
0x3f: {  	_ =	shalt  }
0x40: {  	_ =	shalt  }
0x41: {  	_ =	shalt  }
0x42: {  	_ =	shalt  }
0x43: {  	_ =	shalt  }
0x44: {  	_ =	shalt  }
0x45: {  	_ =	shalt  }
0x46: {  	_ =	shalt  }
0x47: {  	_ =	shalt  }
0x48: {  	_ =	shalt  }
0x49: {  	_ =	shalt  }
0x4a: {  	_ =	shalt  }
0x4b: {  	_ =	shalt  }
0x4c: {  	_ =	shalt  }
0x4d: {  	_ =	shalt  }
0x4e: {  	_ =	shalt  }
0x4f: {  	_ =	shalt  }
0x50: {  	_ =	shalt  }
0x51: {  	_ =	shalt  }
0x52: {  	_ =	shalt  }
0x53: {  	_ =	shalt  }
0x54: {  	_ =	shalt  }
0x55: {  	_ =	shalt  }
0x56: {  	_ =	shalt  }
0x57: {  	_ =	shalt  }
0x58: {  	_ =	shalt  }
0x59: {  	_ =	shalt  }
0x5a: {  	_ =	shalt  }
0x5b: {  	_ =	shalt  }
0x5c: {  	_ =	shalt  }
0x5d: {  	_ =	shalt  }
0x5e: {  	_ =	shalt  }
0x5f: {  	_ =	shalt  }
0x60: {  	_ =	shalt  }
0x61: {  	_ =	shalt  }
0x62: {  	_ =	shalt  }
0x63: {  	_ =	shalt  }
0x64: {  	_ =	shalt  }
0x65: {  	_ =	shalt  }
0x66: {  	_ =	shalt  }
0x67: {  	_ =	shalt  }
0x68: {  	_ =	shalt  }
0x69: {  	_ =	shalt  }
0x6a: {  	_ =	shalt  }
0x6b: {  	_ =	shalt  }
0x6c: {  	_ =	shalt  }
0x6d: {  	_ =	shalt  }
0x6e: {  	_ =	shalt  }
0x6f: {  	_ =	shalt  }
0x70: {  	_ =	shalt  }
0x71: {  	_ =	shalt  }
0x72: {  	_ =	shalt  }
0x73: {  	_ =	shalt  }
0x74: {  	_ =	shalt  }
0x75: {  	_ =	shalt  }
0x76: {  	_ =	shalt  }
0x77: {  	_ =	shalt  }
0x78: {  	_ =	shalt  }
0x79: {  	_ =	shalt  }
0x7a: {  	_ =	shalt  }
0x7b: {  	_ =	shalt  }
0x7c: {  	_ =	shalt  }
0x7d: {  	_ =	shalt  }
0x7e: {  	_ =	shalt  }
0x7f: {  	_ =	shalt  }
0x80: {  	_ =	shalt  }
0x81: {  	_ =	shalt  }
0x82: {  	_ =	shalt  }
0x83: {  	_ =	shalt  }
0x84: {  	_ =	shalt  }
0x85: {  	_ =	shalt  }
0x86: {  	_ =	shalt  }
0x87: {  	_ =	shalt  }
.Lfunc_end0:
.L_simem_size_0:
called_computation_lowered:
.L_overlay_start_0:
0x88: {  	s2 =	sld [smem:$0x3FD9]  }
0x89: {  	s3 =	sld [smem:$0x3FFE];
	_ =	sdelay $0x1  }
0x8a: {  	s1 =	srdreg.scid  }
0x8b: {  	s0 =	sand.u32 $0x1, s1  }
0x8c: {  	s17 =	sshll.u32 s0, $0xA;
	s2 =	sadd.s32 s3, s2  }
0x8d: {  	s2 =	sadd.s32 s2, s17  }
0x8e: {  	[smem:$0x3F99] =	sst s2  }
0x8f: {  	_ = 	snop  }
0x90: {  	s2 =	sld [smem:$0x3FC4];
	(tm) =	ssettm $0x1  }
0x91: {  	s18 =	sld [smem:$0x3FFB];
	_ =	sdelay $0x3  }
0x92: {  	_ =	strace s18  }
0x93: {  	s3 =	sld [smem:$0x3FFC];
	_ =	sdelay $0x3  }
0x94: {  	_ =	strace s3  }
0x95: {  	s3 =	sld [smem:$0x3FFD];
	_ =	sdelay $0x3  }
0x96: {  	_ =	strace s3  }
0x97: {  	_ =	strace $0x8FFFFFFF  }
0x98: {  	s19 =	sld [smem:$0x3FDB];
	_ =	sdelay $0x1  }
0x99: {  	s4 =	simm.s32 $_scs_section_size  }
0x9a: {  	s5 =	simm.s32 $_size__tile_overlayer_lowered;
	s6 =	simm.s32 $_tile_overlayer_lowered  }
0x9b: {  	s22 =	simm.s32 $0x1BFF;
	s21 =	sshll.u32 s6, $0x1;
	s3 =	sadd.s32 s4, s19  }
0x9c: {  	s7 =	simm.s32 $0x0;
	s20 =	sshll.u32 s5, $0x1;
	s5 =	sadd.s32 s21, s3  }
0x9d: {  	[timem:s7], [sflag:s22] =	dma.local [hbm:s5], s20  }
0x9e: {  	_ =	swait.ge [sflag:s22], s20  }
0x9f: {  	s4 =	ssub.s32 $0x0, s20;
	[sflag:s22] =	ssyncset.done $0x0  }
0xa0: {  	[sflag:s22] =	ssyncadd.s32 s4;
	_ =	sdelay $0x1  }
0xa1: {  	s23 =	simm.s32 $0x1B8B  }
0xa2: {  	_ =	swait.ge [sflag:s23], $0x1  }
0xa3: {  	[sflag:s23] =	ssyncset.done $0x0  }
0xa4: {  	s25 =	simm.s32 $0x1B8E;
	s24 =	sld [smem:$0x3FFE];
	[sflag:s23] =	ssyncadd.s32 $0xFFFFFFFF  }
0xa5: {  	s26 =	simm.s32 $execute0_lowered;
	[smem:$0x3FD2] =	sst s25  }
0xa6: {  	s5 =	sshll.u32 s26, $0x1;
	_ =	strace $0x80000046;
	[dreg:$0x1] =	wrdreg $0xFFFFFFFF  }
0xa7: {  	s28 =	simm.s32 $_size_execute0_lowered;
	s3 =	sadd.s32 s3, s5;
	[dreg:$0x0] =	wrdreg $0x0  }
0xa8: {  	s5 =	sshll.u32 s28, $0x1;
	[dreg:$0x2] =	wrdreg s3  }
0xa9: {  	[dreg:$0x3] =	wrdreg s5  }
0xaa: {  	[dreg:$0x4] =	wrdreg $0xC0  }
0xab: {  	_ =	task [dreg:s7], $0x5FFFF  }
0xac: {  	[dreg:$0x1] =	wrdreg $0xFFFFFFFF  }
0xad: {  	[dreg:$0x0] =	wrdreg $0x60  }
0xae: {  	[dreg:$0x2] =	wrdreg s24  }
0xaf: {  	[dreg:$0x3] =	wrdreg s2  }
0xb0: {  	[dreg:$0x4] =	wrdreg $0x9  }
0xb1: {  	_ =	task.clear_ibuf [dreg:s7], $0x5FFFF;
	_ =	strace $0x90000046  }
0xb2: {  	s29 =	simm.s32 $0x9;
	_ =	strace $0x80000048  }
0xb3: {  	_ =	swait.ge [sflag:s29], $0x1  }
0xb4: {  	[sflag:s29] =	ssyncadd.s32 $0xFFFFFFFF  }
0xb5: {  	_ =	strace $0x90000048  }
0xb6: {  	_ =	sfence  }
0xb7: {  	s30 =	sld [smem:$0x0];
	_ =	sdelay $0x2  }
0xb8: {  	s31 =	sshll.u32 s1, $0xD;
	s1 =	sshrl.u32 s1, $0x2  }
0xb9: {  	s3 =	sand.u32 $0x4000, s31;
	s1 =	sadd.s32 s1, s30  }
0xba: {  	s0 =	sor.u32 s3, s0;
	s1 =	sshll.u32 s1, $0x11  }
0xbb: {  	s0 =	sor.u32 s1, s0  }
0xbc: {  	s0 =	sadd.s32 $0x8F2B, s0  }
0xbd: {  	[sflag:s0] =	ssyncadd.remote.s32 $0x1  }
0xbe: {  	_ =	sfence.sel $0xFFFF  }
0xbf: {  	[dreg:$0x0] =	wrdreg $0xFFFFFFFF;
	(pc) =	sbr.abs _section_cstart, $3  }
0xc0: {  	[dreg:$0x1] =	wrdreg $0xFFFFFFFF  }
0xc1: {  	_ =	task.clear_ibuf [dreg:s7], $0x2FFFF;
	_ =	strace $0x9FFFFFFF  }
0xc2: {  	(tm) =	ssettm $0x7FFFFFFF  }
0xc3: {  	_ =	shalt  }
tec
execute0_lowered:
.L_overlay_start_1:
0x0: {  	(tag) =	ssettag $0x1  }
0x1: {  	s1 =	srdreg.scid  }
0x2: {  	s0 =	stileid.u32;
	s31 =	sand.u32 $0x1, s1  }
0x3: {  	s5 =	rddreg [dreg:$0x0];
	s16 =	sshll.u32 s0, $0x8;
	s3 =	sshll.u32 s31, $0x7  }
0x4: {  	s29 =	rddreg [dreg:$0x1];
	s2 =	simm.s32 $0x0;
	s1 =	sor.u32 s3, s16  }
0x5: {  	[smem:$0x7FF] =	sst s2;
	s17 =	sadd.s32 $0x5C00, s5;
	s30 =	sshrl.u32 s1, $0x3  }
0x6: {  	_ =	strace $0x80000047;
	s4 =	sshll.u32 s1, $0x1;
	s26 =	sadd.s32 s30, s5  }
0x7: {  	[dreg:$0x3] =	wrdreg s17;
	s28 =	sadd.s32 s4, s5;
	s18 =	sadd.s32 $0x23A00, s26  }
0x8: {  	s19 =	sadd.s32 $0x33400, s28;
	[dreg:$0x4] =	wrdreg s18  }
0x9: {  	s20 =	sadd.s32 $0x23C00, s26;
	[dreg:$0x5] =	wrdreg s19  }
0xa: {  	s21 =	sadd.s32 $0x35400, s28;
	[dreg:$0x6] =	wrdreg s20  }
0xb: {  	s23 =	sadd.s32 $0x23E00, s26;
	[dreg:$0x7] =	wrdreg s21  }
0xc: {  	[dreg:$0x8] =	wrdreg s23  }
0xd: {  	s3 =	simm.s32 $0x2;
	s22 =	rddreg [dreg:$0x4]  }
0xe: {  	[tilespmem:s2], [sflag:$0x2] =	stream.linear.gather [hbm4b:s22+s2], $0x80, $0x38;
	[tilespmem:$0x4080] =	vst v63  }
0xf: {  	_ =	swait.ge [sflag:s3], $0x80  }
0x10: {  	s6 =	simm.s32 $0x1;
	[sflag:s3] =	ssyncset.done $0x0  }
0x11: {  	s4 =	sadd.s32 $0x16E00, s5;
	s5 =	simm.s32 $0x80;
	[sflag:s3] =	ssyncadd.s32 $0xFFFFFF80  }
0x12: {  	[tilespmem:s5], [sflag:$0x1] =	stream.indirect.gather [hbm4b:s4+s5], $0x10, s2, s5, $0xb8;
	[tilespmem:$0x4080] =	vst v63  }
0x13: {  	_ =	swait.ge [sflag:s6], $0x800  }
0x14: {  	[sflag:s6] =	ssyncset.done $0x0  }
0x15: {  	s7 =	rddreg [dreg:$0x5];
	[sflag:s6] =	ssyncadd.s32 $0xFFFFF800  }
0x16: {  	[hbm4b:s7+s2] =	stream.linear.scatter [tilespmem:s5], [sflag:$0x2], $0x800, $0x38;
	[tilespmem:$0x4080] =	vst v63  }
0x17: {  	_ =	swait.ge [sflag:s3], $0x800  }
0x18: {  	[sflag:s3] =	ssyncset.done $0x0  }
0x19: {  	s24 =	rddreg [dreg:$0x6];
	[sflag:s3] =	ssyncadd.s32 $0xFFFFF800  }
0x1a: {  	[tilespmem:s2], [sflag:$0x2] =	stream.linear.gather [hbm4b:s24+s2], $0x80, $0x38;
	[tilespmem:$0x4080] =	vst v63  }
0x1b: {  	_ =	swait.ge [sflag:s3], $0x80  }
0x1c: {  	[sflag:s3] =	ssyncset.done $0x0  }
0x1d: {  	[sflag:s3] =	ssyncadd.s32 $0xFFFFFF80  }
0x1e: {  	[tilespmem:s5], [sflag:$0x1] =	stream.indirect.gather [hbm4b:s4+s5], $0x10, s2, s5, $0xb8;
	[tilespmem:$0x4080] =	vst v63  }
0x1f: {  	_ =	swait.ge [sflag:s6], $0x800  }
0x20: {  	[sflag:s6] =	ssyncset.done $0x0  }
0x21: {  	s25 =	rddreg [dreg:$0x7];
	[sflag:s6] =	ssyncadd.s32 $0xFFFFF800  }
0x22: {  	[hbm4b:s25+s2] =	stream.linear.scatter [tilespmem:s5], [sflag:$0x2], $0x800, $0x38;
	[tilespmem:$0x4080] =	vst v63  }
0x23: {  	_ =	swait.ge [sflag:s3], $0x800  }
0x24: {  	[sflag:s3] =	ssyncset.done $0x0  }
0x25: {  	s0 =	rddreg [dreg:$0x8];
	[sflag:s3] =	ssyncadd.s32 $0xFFFFF800  }
0x26: {  	[tilespmem:s2], [sflag:$0x2] =	stream.linear.gather [hbm4b:s0+s2], $0x80, $0x38;
	[tilespmem:$0x4080] =	vst v63  }
0x27: {  	_ =	swait.ge [sflag:s3], $0x80  }
0x28: {  	[sflag:s3] =	ssyncset.done $0x0  }
0x29: {  	[sflag:s3] =	ssyncadd.s32 $0xFFFFFF80  }
0x2a: {  	[tilespmem:s5], [sflag:$0x1] =	stream.indirect.gather [hbm4b:s4+s5], $0x10, s2, s5, $0xb8;
	[tilespmem:$0x4080] =	vst v63  }
0x2b: {  	_ =	swait.ge [sflag:s6], $0x800  }
0x2c: {  	[sflag:s6] =	ssyncset.done $0x0  }
0x2d: {  	s7 =	sadd.s32 $0x37400, s28;
	[sflag:s6] =	ssyncadd.s32 $0xFFFFF800  }
0x2e: {  	[hbm4b:s7+s2] =	stream.linear.scatter [tilespmem:s5], [sflag:$0x2], $0x800, $0x38;
	[tilespmem:$0x4080] =	vst v63  }
0x2f: {  	_ =	swait.ge [sflag:s3], $0x800  }
0x30: {  	[sflag:s3] =	ssyncset.done $0x0  }
0x31: {  	s8 =	sadd.s32 $0x24000, s26;
	[sflag:s3] =	ssyncadd.s32 $0xFFFFF800  }
0x32: {  	[tilespmem:s2], [sflag:$0x2] =	stream.linear.gather [hbm4b:s8+s2], $0x80, $0x38;
	[tilespmem:$0x4080] =	vst v63  }
0x33: {  	_ =	swait.ge [sflag:s3], $0x80  }
0x34: {  	[sflag:s3] =	ssyncset.done $0x0  }
0x35: {  	[sflag:s3] =	ssyncadd.s32 $0xFFFFFF80  }
0x36: {  	[tilespmem:s5], [sflag:$0x1] =	stream.indirect.gather [hbm4b:s4+s5], $0x10, s2, s5, $0xb8;
	[tilespmem:$0x4080] =	vst v63  }
0x37: {  	_ =	swait.ge [sflag:s6], $0x800  }
0x38: {  	[sflag:s6] =	ssyncset.done $0x0  }
0x39: {  	s9 =	sadd.s32 $0x39400, s28;
	[sflag:s6] =	ssyncadd.s32 $0xFFFFF800  }
0x3a: {  	[hbm4b:s9+s2] =	stream.linear.scatter [tilespmem:s5], [sflag:$0x2], $0x800, $0x38;
	[tilespmem:$0x4080] =	vst v63  }
0x3b: {  	_ =	swait.ge [sflag:s3], $0x800  }
0x3c: {  	[sflag:s3] =	ssyncset.done $0x0  }
0x3d: {  	s10 =	sadd.s32 $0x24200, s26;
	[sflag:s3] =	ssyncadd.s32 $0xFFFFF800  }
0x3e: {  	[tilespmem:s2], [sflag:$0x2] =	stream.linear.gather [hbm4b:s10+s2], $0x80, $0x38;
	[tilespmem:$0x4080] =	vst v63  }
0x3f: {  	_ =	swait.ge [sflag:s3], $0x80  }
0x40: {  	[sflag:s3] =	ssyncset.done $0x0  }
0x41: {  	[sflag:s3] =	ssyncadd.s32 $0xFFFFFF80  }
0x42: {  	[tilespmem:s5], [sflag:$0x1] =	stream.indirect.gather [hbm4b:s4+s5], $0x10, s2, s5, $0xb8;
	[tilespmem:$0x4080] =	vst v63  }
0x43: {  	_ =	swait.ge [sflag:s6], $0x800  }
0x44: {  	[sflag:s6] =	ssyncset.done $0x0  }
0x45: {  	s11 =	sadd.s32 $0x3B400, s28;
	[sflag:s6] =	ssyncadd.s32 $0xFFFFF800  }
0x46: {  	[hbm4b:s11+s2] =	stream.linear.scatter [tilespmem:s5], [sflag:$0x2], $0x800, $0x38;
	[tilespmem:$0x4080] =	vst v63  }
0x47: {  	_ =	swait.ge [sflag:s3], $0x800  }
0x48: {  	[sflag:s3] =	ssyncset.done $0x0  }
0x49: {  	s12 =	sadd.s32 $0x24400, s26;
	[sflag:s3] =	ssyncadd.s32 $0xFFFFF800  }
0x4a: {  	[tilespmem:s2], [sflag:$0x2] =	stream.linear.gather [hbm4b:s12+s2], $0x80, $0x38;
	[tilespmem:$0x4080] =	vst v63  }
0x4b: {  	_ =	swait.ge [sflag:s3], $0x80  }
0x4c: {  	[sflag:s3] =	ssyncset.done $0x0  }
0x4d: {  	[sflag:s3] =	ssyncadd.s32 $0xFFFFFF80  }
0x4e: {  	[tilespmem:s5], [sflag:$0x1] =	stream.indirect.gather [hbm4b:s4+s5], $0x10, s2, s5, $0xb8;
	[tilespmem:$0x4080] =	vst v63  }
0x4f: {  	_ =	swait.ge [sflag:s6], $0x800  }
0x50: {  	[sflag:s6] =	ssyncset.done $0x0  }
0x51: {  	s13 =	sadd.s32 $0x3D400, s28;
	[sflag:s6] =	ssyncadd.s32 $0xFFFFF800  }
0x52: {  	[hbm4b:s13+s2] =	stream.linear.scatter [tilespmem:s5], [sflag:$0x2], $0x800, $0x38;
	[tilespmem:$0x4080] =	vst v63  }
0x53: {  	_ =	swait.ge [sflag:s3], $0x800  }
0x54: {  	[sflag:s3] =	ssyncset.done $0x0  }
0x55: {  	s14 =	sadd.s32 $0x24600, s26;
	[sflag:s3] =	ssyncadd.s32 $0xFFFFF800  }
0x56: {  	[tilespmem:s2], [sflag:$0x2] =	stream.linear.gather [hbm4b:s14+s2], $0x80, $0x38;
	[tilespmem:$0x4080] =	vst v63  }
0x57: {  	_ =	swait.ge [sflag:s3], $0x80  }
0x58: {  	[sflag:s3] =	ssyncset.done $0x0  }
0x59: {  	[sflag:s3] =	ssyncadd.s32 $0xFFFFFF80  }
0x5a: {  	[tilespmem:s5], [sflag:$0x1] =	stream.indirect.gather [hbm4b:s4+s5], $0x10, s2, s5, $0xb8;
	[tilespmem:$0x4080] =	vst v63  }
0x5b: {  	_ =	swait.ge [sflag:s6], $0x800  }
0x5c: {  	[sflag:s6] =	ssyncset.done $0x0  }
0x5d: {  	s15 =	sadd.s32 $0x3F400, s28;
	[sflag:s6] =	ssyncadd.s32 $0xFFFFF800  }
0x5e: {  	[hbm4b:s15+s2] =	stream.linear.scatter [tilespmem:s5], [sflag:$0x2], $0x800, $0x38;
	[tilespmem:$0x4080] =	vst v63  }
0x5f: {  	_ =	swait.ge [sflag:s3], $0x800  }
0x60: {  	[sflag:s3] =	ssyncset.done $0x0  }
0x61: {  	s16 =	sadd.s32 $0x24800, s26;
	[sflag:s3] =	ssyncadd.s32 $0xFFFFF800  }
0x62: {  	[tilespmem:s2], [sflag:$0x2] =	stream.linear.gather [hbm4b:s16+s2], $0x80, $0x38;
	[tilespmem:$0x4080] =	vst v63  }
0x63: {  	_ =	swait.ge [sflag:s3], $0x80  }
0x64: {  	[sflag:s3] =	ssyncset.done $0x0  }
0x65: {  	[sflag:s3] =	ssyncadd.s32 $0xFFFFFF80  }
0x66: {  	[tilespmem:s5], [sflag:$0x1] =	stream.indirect.gather [hbm4b:s4+s5], $0x10, s2, s5, $0xb8;
	[tilespmem:$0x4080] =	vst v63  }
0x67: {  	_ =	swait.ge [sflag:s6], $0x800  }
0x68: {  	[sflag:s6] =	ssyncset.done $0x0  }
0x69: {  	s17 =	sadd.s32 $0x41400, s28;
	[sflag:s6] =	ssyncadd.s32 $0xFFFFF800  }
0x6a: {  	[hbm4b:s17+s2] =	stream.linear.scatter [tilespmem:s5], [sflag:$0x2], $0x800, $0x38;
	[tilespmem:$0x4080] =	vst v63  }
0x6b: {  	_ =	swait.ge [sflag:s3], $0x800  }
0x6c: {  	[sflag:s3] =	ssyncset.done $0x0  }
0x6d: {  	s18 =	sadd.s32 $0x24A00, s26;
	[sflag:s3] =	ssyncadd.s32 $0xFFFFF800  }
0x6e: {  	[tilespmem:s2], [sflag:$0x2] =	stream.linear.gather [hbm4b:s18+s2], $0x80, $0x38;
	[tilespmem:$0x4080] =	vst v63  }
0x6f: {  	_ =	swait.ge [sflag:s3], $0x80  }
0x70: {  	[sflag:s3] =	ssyncset.done $0x0  }
0x71: {  	[sflag:s3] =	ssyncadd.s32 $0xFFFFFF80  }
0x72: {  	[tilespmem:s5], [sflag:$0x1] =	stream.indirect.gather [hbm4b:s4+s5], $0x10, s2, s5, $0xb8;
	[tilespmem:$0x4080] =	vst v63  }
0x73: {  	_ =	swait.ge [sflag:s6], $0x800  }
0x74: {  	[sflag:s6] =	ssyncset.done $0x0  }
0x75: {  	s19 =	sadd.s32 $0x43400, s28;
	[sflag:s6] =	ssyncadd.s32 $0xFFFFF800  }
0x76: {  	[hbm4b:s19+s2] =	stream.linear.scatter [tilespmem:s5], [sflag:$0x2], $0x800, $0x38;
	[tilespmem:$0x4080] =	vst v63  }
0x77: {  	_ =	swait.ge [sflag:s3], $0x800  }
0x78: {  	[sflag:s3] =	ssyncset.done $0x0  }
0x79: {  	s20 =	sadd.s32 $0x24C00, s26;
	[sflag:s3] =	ssyncadd.s32 $0xFFFFF800  }
0x7a: {  	[tilespmem:s2], [sflag:$0x2] =	stream.linear.gather [hbm4b:s20+s2], $0x80, $0x38;
	[tilespmem:$0x4080] =	vst v63  }
0x7b: {  	_ =	swait.ge [sflag:s3], $0x80  }
0x7c: {  	[sflag:s3] =	ssyncset.done $0x0  }
0x7d: {  	[sflag:s3] =	ssyncadd.s32 $0xFFFFFF80  }
0x7e: {  	[tilespmem:s5], [sflag:$0x1] =	stream.indirect.gather [hbm4b:s4+s5], $0x10, s2, s5, $0xb8;
	[tilespmem:$0x4080] =	vst v63  }
0x7f: {  	_ =	swait.ge [sflag:s6], $0x800  }
0x80: {  	[sflag:s6] =	ssyncset.done $0x0  }
0x81: {  	s21 =	sadd.s32 $0x45400, s28;
	[sflag:s6] =	ssyncadd.s32 $0xFFFFF800  }
0x82: {  	[hbm4b:s21+s2] =	stream.linear.scatter [tilespmem:s5], [sflag:$0x2], $0x800, $0x38;
	[tilespmem:$0x4080] =	vst v63  }
0x83: {  	_ =	swait.ge [sflag:s3], $0x800  }
0x84: {  	[sflag:s3] =	ssyncset.done $0x0  }
0x85: {  	s22 =	sadd.s32 $0x24E00, s26;
	[sflag:s3] =	ssyncadd.s32 $0xFFFFF800  }
0x86: {  	[tilespmem:s2], [sflag:$0x2] =	stream.linear.gather [hbm4b:s22+s2], $0x80, $0x38;
	[tilespmem:$0x4080] =	vst v63  }
0x87: {  	_ =	swait.ge [sflag:s3], $0x80  }
0x88: {  	[sflag:s3] =	ssyncset.done $0x0  }
0x89: {  	[sflag:s3] =	ssyncadd.s32 $0xFFFFFF80  }
0x8a: {  	[tilespmem:s5], [sflag:$0x1] =	stream.indirect.gather [hbm4b:s4+s5], $0x10, s2, s5, $0xb8;
	[tilespmem:$0x4080] =	vst v63  }
0x8b: {  	_ =	swait.ge [sflag:s6], $0x800  }
0x8c: {  	[sflag:s6] =	ssyncset.done $0x0  }
0x8d: {  	s23 =	sadd.s32 $0x47400, s28;
	[sflag:s6] =	ssyncadd.s32 $0xFFFFF800  }
0x8e: {  	[hbm4b:s23+s2] =	stream.linear.scatter [tilespmem:s5], [sflag:$0x2], $0x800, $0x38;
	[tilespmem:$0x4080] =	vst v63  }
0x8f: {  	_ =	swait.ge [sflag:s3], $0x800  }
0x90: {  	[sflag:s3] =	ssyncset.done $0x0  }
0x91: {  	s24 =	sadd.s32 $0x25000, s26;
	[sflag:s3] =	ssyncadd.s32 $0xFFFFF800  }
0x92: {  	[tilespmem:s2], [sflag:$0x2] =	stream.linear.gather [hbm4b:s24+s2], $0x80, $0x38;
	[tilespmem:$0x4080] =	vst v63  }
0x93: {  	_ =	swait.ge [sflag:s3], $0x80  }
0x94: {  	[sflag:s3] =	ssyncset.done $0x0  }
0x95: {  	[sflag:s3] =	ssyncadd.s32 $0xFFFFFF80  }
0x96: {  	[tilespmem:s5], [sflag:$0x1] =	stream.indirect.gather [hbm4b:s4+s5], $0x10, s2, s5, $0xb8;
	[tilespmem:$0x4080] =	vst v63  }
0x97: {  	_ =	swait.ge [sflag:s6], $0x800  }
0x98: {  	[sflag:s6] =	ssyncset.done $0x0  }
0x99: {  	s25 =	sadd.s32 $0x49400, s28;
	[sflag:s6] =	ssyncadd.s32 $0xFFFFF800  }
0x9a: {  	[hbm4b:s25+s2] =	stream.linear.scatter [tilespmem:s5], [sflag:$0x2], $0x800, $0x38;
	[tilespmem:$0x4080] =	vst v63  }
0x9b: {  	_ =	swait.ge [sflag:s3], $0x800  }
0x9c: {  	[sflag:s3] =	ssyncset.done $0x0  }
0x9d: {  	s26 =	sadd.s32 $0x25200, s26;
	[sflag:s3] =	ssyncadd.s32 $0xFFFFF800  }
0x9e: {  	[tilespmem:s2], [sflag:$0x2] =	stream.linear.gather [hbm4b:s26+s2], $0x80, $0x38;
	[tilespmem:$0x4080] =	vst v63  }
0x9f: {  	_ =	swait.ge [sflag:s3], $0x80  }
0xa0: {  	[sflag:s3] =	ssyncset.done $0x0  }
0xa1: {  	[sflag:s3] =	ssyncadd.s32 $0xFFFFFF80  }
0xa2: {  	[tilespmem:s5], [sflag:$0x1] =	stream.indirect.gather [hbm4b:s4+s5], $0x10, s2, s5, $0xb8;
	[tilespmem:$0x4080] =	vst v63  }
0xa3: {  	_ =	swait.ge [sflag:s6], $0x800  }
0xa4: {  	[sflag:s6] =	ssyncset.done $0x0  }
0xa5: {  	s28 =	sadd.s32 $0x4B400, s28;
	[sflag:s6] =	ssyncadd.s32 $0xFFFFF800  }
0xa6: {  	[hbm4b:s28+s2] =	stream.linear.scatter [tilespmem:s5], [sflag:$0x2], $0x800, $0x38;
	[tilespmem:$0x4080] =	vst v63  }
0xa7: {  	_ =	swait.ge [sflag:s3], $0x800  }
0xa8: {  	[sflag:s3] =	ssyncset.done $0x0  }
0xa9: {  	s1 =	smul.u32 $0xE, s1;
	s29 =	sadd.s32 s29, s30;
	[sflag:s3] =	ssyncadd.s32 $0xFFFFF800  }
0xaa: {  	[tilespmem:s2], [sflag:$0x2] =	stream.linear.gather [hbm4b:s29+s2], $0x80, $0x38;
	[tilespmem:$0x4080] =	vst v63  }
0xab: {  	_ =	swait.ge [sflag:s3], $0x80  }
0xac: {  	s30 =	simm.s32 $0x880;
	[dreg:$0x9] =	wrdreg s1;
	[sflag:s3] =	ssyncset.done $0x0  }
0xad: {  	s1 =	ssub.s32 $0x2, s31;
	s0 =	rddreg [dreg:$0x3];
	[sflag:s3] =	ssyncadd.s32 $0xFFFFFF80  }
0xae: {  	[tilespmem:s30], [sflag:$0x1] =	stream.indirect.gather [hbm4b:s0+s5], $0x70, s2, s5, $0xb8;
	[tilespmem:$0x4080] =	vst v63  }
0xaf: {  	s0 =	sshrl.u32 s1, $0x1  }
0xb0: {  	_ =	swait.ge [sflag:s6], $0x3800;
	[dreg:$0xa] =	wrdreg s0  }
0xb1: {  	s0 =	rddreg [dreg:$0x0]  }
0xb2: {  	s31 =	rddreg [dreg:$0x9]  }
0xb3: {  	s0 =	sadd.s32 s31, s0;
	s31 =	rddreg [dreg:$0xa]  }
0xb4: {  	s1 =	ssub.s32 s1, s31  }
0xb5: {  	s1 =	smax.u32 s1, $0x1  }
0xb6: {  	p0 =	sne.s32 s1, $0x1  }
.Ltmp0:
0xb7: {  	_ = 	snop;
	(pc) =	sbr.rel @!p0 .LBB2_2-.Ltmp0, $4  }
0xb8: {  	[sflag:s6] =	ssyncset.done $0x0  }
0xb9: {  	[sflag:s6] =	ssyncadd.s32 $0xFFFFC800;
	s31 =	sadd.s32 $0x25400, s0  }
0xba: {  	[hbm4b:s31+s2] =	stream.linear.scatter [tilespmem:s30], [sflag:$0x2], $0x3800, $0x38;
	[tilespmem:$0x4080] =	vst v63  }
0xbb: {  	s0 =	sadd.s32 $0xFFFFFFFF, s1;
	_ =	swait.ge [sflag:s3], $0x3800  }
.LBB2_1:
0xbc: {  	[sflag:s3] =	ssyncset.done $0x0  }
0xbd: {  	s1 =	rddreg [dreg:$0x4];
	[sflag:s3] =	ssyncadd.s32 $0xFFFFC800  }
0xbe: {  	[tilespmem:s2], [sflag:$0x2] =	stream.linear.gather [hbm4b:s1+s2], $0x80, $0x38;
	[tilespmem:$0x4080] =	vst v63  }
0xbf: {  	_ =	swait.ge [sflag:s3], $0x80  }
0xc0: {  	[sflag:s3] =	ssyncset.done $0x0  }
0xc1: {  	[sflag:s3] =	ssyncadd.s32 $0xFFFFFF80  }
0xc2: {  	[tilespmem:s5], [sflag:$0x1] =	stream.indirect.gather [hbm4b:s4+s5], $0x10, s2, s5, $0xb8;
	[tilespmem:$0x4080] =	vst v63  }
0xc3: {  	_ =	swait.ge [sflag:s6], $0x800  }
0xc4: {  	[sflag:s6] =	ssyncset.done $0x0  }
0xc5: {  	s1 =	rddreg [dreg:$0x5];
	[sflag:s6] =	ssyncadd.s32 $0xFFFFF800  }
0xc6: {  	[hbm4b:s1+s2] =	stream.linear.scatter [tilespmem:s5], [sflag:$0x2], $0x800, $0x38;
	[tilespmem:$0x4080] =	vst v63  }
0xc7: {  	_ =	swait.ge [sflag:s3], $0x800  }
0xc8: {  	[sflag:s3] =	ssyncset.done $0x0  }
0xc9: {  	s1 =	rddreg [dreg:$0x6];
	[sflag:s3] =	ssyncadd.s32 $0xFFFFF800  }
0xca: {  	[tilespmem:s2], [sflag:$0x2] =	stream.linear.gather [hbm4b:s1+s2], $0x80, $0x38;
	[tilespmem:$0x4080] =	vst v63  }
0xcb: {  	_ =	swait.ge [sflag:s3], $0x80  }
0xcc: {  	[sflag:s3] =	ssyncset.done $0x0  }
0xcd: {  	[sflag:s3] =	ssyncadd.s32 $0xFFFFFF80  }
0xce: {  	[tilespmem:s5], [sflag:$0x1] =	stream.indirect.gather [hbm4b:s4+s5], $0x10, s2, s5, $0xb8;
	[tilespmem:$0x4080] =	vst v63  }
0xcf: {  	_ =	swait.ge [sflag:s6], $0x800  }
0xd0: {  	[sflag:s6] =	ssyncset.done $0x0  }
0xd1: {  	s1 =	rddreg [dreg:$0x7];
	[sflag:s6] =	ssyncadd.s32 $0xFFFFF800  }
0xd2: {  	[hbm4b:s1+s2] =	stream.linear.scatter [tilespmem:s5], [sflag:$0x2], $0x800, $0x38;
	[tilespmem:$0x4080] =	vst v63  }
0xd3: {  	_ =	swait.ge [sflag:s3], $0x800  }
0xd4: {  	[sflag:s3] =	ssyncset.done $0x0  }
0xd5: {  	s1 =	rddreg [dreg:$0x8];
	[sflag:s3] =	ssyncadd.s32 $0xFFFFF800  }
0xd6: {  	[tilespmem:s2], [sflag:$0x2] =	stream.linear.gather [hbm4b:s1+s2], $0x80, $0x38;
	[tilespmem:$0x4080] =	vst v63  }
0xd7: {  	_ =	swait.ge [sflag:s3], $0x80  }
0xd8: {  	[sflag:s3] =	ssyncset.done $0x0  }
0xd9: {  	[sflag:s3] =	ssyncadd.s32 $0xFFFFFF80  }
0xda: {  	[tilespmem:s5], [sflag:$0x1] =	stream.indirect.gather [hbm4b:s4+s5], $0x10, s2, s5, $0xb8;
	[tilespmem:$0x4080] =	vst v63  }
0xdb: {  	_ =	swait.ge [sflag:s6], $0x800  }
0xdc: {  	[sflag:s6] =	ssyncset.done $0x0  }
0xdd: {  	[sflag:s6] =	ssyncadd.s32 $0xFFFFF800  }
0xde: {  	[hbm4b:s7+s2] =	stream.linear.scatter [tilespmem:s5], [sflag:$0x2], $0x800, $0x38;
	[tilespmem:$0x4080] =	vst v63  }
0xdf: {  	_ =	swait.ge [sflag:s3], $0x800  }
0xe0: {  	[sflag:s3] =	ssyncset.done $0x0  }
0xe1: {  	[sflag:s3] =	ssyncadd.s32 $0xFFFFF800  }
0xe2: {  	[tilespmem:s2], [sflag:$0x2] =	stream.linear.gather [hbm4b:s8+s2], $0x80, $0x38;
	[tilespmem:$0x4080] =	vst v63  }
0xe3: {  	_ =	swait.ge [sflag:s3], $0x80  }
0xe4: {  	[sflag:s3] =	ssyncset.done $0x0  }
0xe5: {  	[sflag:s3] =	ssyncadd.s32 $0xFFFFFF80  }
0xe6: {  	[tilespmem:s5], [sflag:$0x1] =	stream.indirect.gather [hbm4b:s4+s5], $0x10, s2, s5, $0xb8;
	[tilespmem:$0x4080] =	vst v63  }
0xe7: {  	_ =	swait.ge [sflag:s6], $0x800  }
0xe8: {  	[sflag:s6] =	ssyncset.done $0x0  }
0xe9: {  	[sflag:s6] =	ssyncadd.s32 $0xFFFFF800  }
0xea: {  	[hbm4b:s9+s2] =	stream.linear.scatter [tilespmem:s5], [sflag:$0x2], $0x800, $0x38;
	[tilespmem:$0x4080] =	vst v63  }
0xeb: {  	_ =	swait.ge [sflag:s3], $0x800  }
0xec: {  	[sflag:s3] =	ssyncset.done $0x0  }
0xed: {  	[sflag:s3] =	ssyncadd.s32 $0xFFFFF800  }
0xee: {  	[tilespmem:s2], [sflag:$0x2] =	stream.linear.gather [hbm4b:s10+s2], $0x80, $0x38;
	[tilespmem:$0x4080] =	vst v63  }
0xef: {  	_ =	swait.ge [sflag:s3], $0x80  }
0xf0: {  	[sflag:s3] =	ssyncset.done $0x0  }
0xf1: {  	[sflag:s3] =	ssyncadd.s32 $0xFFFFFF80  }
0xf2: {  	[tilespmem:s5], [sflag:$0x1] =	stream.indirect.gather [hbm4b:s4+s5], $0x10, s2, s5, $0xb8;
	[tilespmem:$0x4080] =	vst v63  }
0xf3: {  	_ =	swait.ge [sflag:s6], $0x800  }
0xf4: {  	[sflag:s6] =	ssyncset.done $0x0  }
0xf5: {  	[sflag:s6] =	ssyncadd.s32 $0xFFFFF800  }
0xf6: {  	[hbm4b:s11+s2] =	stream.linear.scatter [tilespmem:s5], [sflag:$0x2], $0x800, $0x38;
	[tilespmem:$0x4080] =	vst v63  }
0xf7: {  	_ =	swait.ge [sflag:s3], $0x800  }
0xf8: {  	[sflag:s3] =	ssyncset.done $0x0  }
0xf9: {  	[sflag:s3] =	ssyncadd.s32 $0xFFFFF800  }
0xfa: {  	[tilespmem:s2], [sflag:$0x2] =	stream.linear.gather [hbm4b:s12+s2], $0x80, $0x38;
	[tilespmem:$0x4080] =	vst v63  }
0xfb: {  	_ =	swait.ge [sflag:s3], $0x80  }
0xfc: {  	[sflag:s3] =	ssyncset.done $0x0  }
0xfd: {  	[sflag:s3] =	ssyncadd.s32 $0xFFFFFF80  }
0xfe: {  	[tilespmem:s5], [sflag:$0x1] =	stream.indirect.gather [hbm4b:s4+s5], $0x10, s2, s5, $0xb8;
	[tilespmem:$0x4080] =	vst v63  }
0xff: {  	_ =	swait.ge [sflag:s6], $0x800  }
0x100: {  	[sflag:s6] =	ssyncset.done $0x0  }
0x101: {  	[sflag:s6] =	ssyncadd.s32 $0xFFFFF800  }
0x102: {  	[hbm4b:s13+s2] =	stream.linear.scatter [tilespmem:s5], [sflag:$0x2], $0x800, $0x38;
	[tilespmem:$0x4080] =	vst v63  }
0x103: {  	_ =	swait.ge [sflag:s3], $0x800  }
0x104: {  	[sflag:s3] =	ssyncset.done $0x0  }
0x105: {  	[sflag:s3] =	ssyncadd.s32 $0xFFFFF800  }
0x106: {  	[tilespmem:s2], [sflag:$0x2] =	stream.linear.gather [hbm4b:s14+s2], $0x80, $0x38;
	[tilespmem:$0x4080] =	vst v63  }
0x107: {  	_ =	swait.ge [sflag:s3], $0x80  }
0x108: {  	[sflag:s3] =	ssyncset.done $0x0  }
0x109: {  	[sflag:s3] =	ssyncadd.s32 $0xFFFFFF80  }
0x10a: {  	[tilespmem:s5], [sflag:$0x1] =	stream.indirect.gather [hbm4b:s4+s5], $0x10, s2, s5, $0xb8;
	[tilespmem:$0x4080] =	vst v63  }
0x10b: {  	_ =	swait.ge [sflag:s6], $0x800  }
0x10c: {  	[sflag:s6] =	ssyncset.done $0x0  }
0x10d: {  	[sflag:s6] =	ssyncadd.s32 $0xFFFFF800  }
0x10e: {  	[hbm4b:s15+s2] =	stream.linear.scatter [tilespmem:s5], [sflag:$0x2], $0x800, $0x38;
	[tilespmem:$0x4080] =	vst v63  }
0x10f: {  	_ =	swait.ge [sflag:s3], $0x800  }
0x110: {  	[sflag:s3] =	ssyncset.done $0x0  }
0x111: {  	[sflag:s3] =	ssyncadd.s32 $0xFFFFF800  }
0x112: {  	[tilespmem:s2], [sflag:$0x2] =	stream.linear.gather [hbm4b:s16+s2], $0x80, $0x38;
	[tilespmem:$0x4080] =	vst v63  }
0x113: {  	_ =	swait.ge [sflag:s3], $0x80  }
0x114: {  	[sflag:s3] =	ssyncset.done $0x0  }
0x115: {  	[sflag:s3] =	ssyncadd.s32 $0xFFFFFF80  }
0x116: {  	[tilespmem:s5], [sflag:$0x1] =	stream.indirect.gather [hbm4b:s4+s5], $0x10, s2, s5, $0xb8;
	[tilespmem:$0x4080] =	vst v63  }
0x117: {  	_ =	swait.ge [sflag:s6], $0x800  }
0x118: {  	[sflag:s6] =	ssyncset.done $0x0  }
0x119: {  	[sflag:s6] =	ssyncadd.s32 $0xFFFFF800  }
0x11a: {  	[hbm4b:s17+s2] =	stream.linear.scatter [tilespmem:s5], [sflag:$0x2], $0x800, $0x38;
	[tilespmem:$0x4080] =	vst v63  }
0x11b: {  	_ =	swait.ge [sflag:s3], $0x800  }
0x11c: {  	[sflag:s3] =	ssyncset.done $0x0  }
0x11d: {  	[sflag:s3] =	ssyncadd.s32 $0xFFFFF800  }
0x11e: {  	[tilespmem:s2], [sflag:$0x2] =	stream.linear.gather [hbm4b:s18+s2], $0x80, $0x38;
	[tilespmem:$0x4080] =	vst v63  }
0x11f: {  	_ =	swait.ge [sflag:s3], $0x80  }
0x120: {  	[sflag:s3] =	ssyncset.done $0x0  }
0x121: {  	[sflag:s3] =	ssyncadd.s32 $0xFFFFFF80  }
0x122: {  	[tilespmem:s5], [sflag:$0x1] =	stream.indirect.gather [hbm4b:s4+s5], $0x10, s2, s5, $0xb8;
	[tilespmem:$0x4080] =	vst v63  }
0x123: {  	_ =	swait.ge [sflag:s6], $0x800  }
0x124: {  	[sflag:s6] =	ssyncset.done $0x0  }
0x125: {  	[sflag:s6] =	ssyncadd.s32 $0xFFFFF800  }
0x126: {  	[hbm4b:s19+s2] =	stream.linear.scatter [tilespmem:s5], [sflag:$0x2], $0x800, $0x38;
	[tilespmem:$0x4080] =	vst v63  }
0x127: {  	_ =	swait.ge [sflag:s3], $0x800  }
0x128: {  	[sflag:s3] =	ssyncset.done $0x0  }
0x129: {  	[sflag:s3] =	ssyncadd.s32 $0xFFFFF800  }
0x12a: {  	[tilespmem:s2], [sflag:$0x2] =	stream.linear.gather [hbm4b:s20+s2], $0x80, $0x38;
	[tilespmem:$0x4080] =	vst v63  }
0x12b: {  	_ =	swait.ge [sflag:s3], $0x80  }
0x12c: {  	[sflag:s3] =	ssyncset.done $0x0  }
0x12d: {  	[sflag:s3] =	ssyncadd.s32 $0xFFFFFF80  }
0x12e: {  	[tilespmem:s5], [sflag:$0x1] =	stream.indirect.gather [hbm4b:s4+s5], $0x10, s2, s5, $0xb8;
	[tilespmem:$0x4080] =	vst v63  }
0x12f: {  	_ =	swait.ge [sflag:s6], $0x800  }
0x130: {  	[sflag:s6] =	ssyncset.done $0x0  }
0x131: {  	[sflag:s6] =	ssyncadd.s32 $0xFFFFF800  }
0x132: {  	[hbm4b:s21+s2] =	stream.linear.scatter [tilespmem:s5], [sflag:$0x2], $0x800, $0x38;
	[tilespmem:$0x4080] =	vst v63  }
0x133: {  	_ =	swait.ge [sflag:s3], $0x800  }
0x134: {  	[sflag:s3] =	ssyncset.done $0x0  }
0x135: {  	[sflag:s3] =	ssyncadd.s32 $0xFFFFF800  }
0x136: {  	[tilespmem:s2], [sflag:$0x2] =	stream.linear.gather [hbm4b:s22+s2], $0x80, $0x38;
	[tilespmem:$0x4080] =	vst v63  }
0x137: {  	_ =	swait.ge [sflag:s3], $0x80  }
0x138: {  	[sflag:s3] =	ssyncset.done $0x0  }
0x139: {  	[sflag:s3] =	ssyncadd.s32 $0xFFFFFF80  }
0x13a: {  	[tilespmem:s5], [sflag:$0x1] =	stream.indirect.gather [hbm4b:s4+s5], $0x10, s2, s5, $0xb8;
	[tilespmem:$0x4080] =	vst v63  }
0x13b: {  	_ =	swait.ge [sflag:s6], $0x800  }
0x13c: {  	[sflag:s6] =	ssyncset.done $0x0  }
0x13d: {  	[sflag:s6] =	ssyncadd.s32 $0xFFFFF800  }
0x13e: {  	[hbm4b:s23+s2] =	stream.linear.scatter [tilespmem:s5], [sflag:$0x2], $0x800, $0x38;
	[tilespmem:$0x4080] =	vst v63  }
0x13f: {  	_ =	swait.ge [sflag:s3], $0x800  }
0x140: {  	[sflag:s3] =	ssyncset.done $0x0  }
0x141: {  	[sflag:s3] =	ssyncadd.s32 $0xFFFFF800  }
0x142: {  	[tilespmem:s2], [sflag:$0x2] =	stream.linear.gather [hbm4b:s24+s2], $0x80, $0x38;
	[tilespmem:$0x4080] =	vst v63  }
0x143: {  	_ =	swait.ge [sflag:s3], $0x80  }
0x144: {  	[sflag:s3] =	ssyncset.done $0x0  }
0x145: {  	[sflag:s3] =	ssyncadd.s32 $0xFFFFFF80  }
0x146: {  	[tilespmem:s5], [sflag:$0x1] =	stream.indirect.gather [hbm4b:s4+s5], $0x10, s2, s5, $0xb8;
	[tilespmem:$0x4080] =	vst v63  }
0x147: {  	_ =	swait.ge [sflag:s6], $0x800  }
0x148: {  	[sflag:s6] =	ssyncset.done $0x0  }
0x149: {  	[sflag:s6] =	ssyncadd.s32 $0xFFFFF800  }
0x14a: {  	[hbm4b:s25+s2] =	stream.linear.scatter [tilespmem:s5], [sflag:$0x2], $0x800, $0x38;
	[tilespmem:$0x4080] =	vst v63  }
0x14b: {  	_ =	swait.ge [sflag:s3], $0x800  }
0x14c: {  	[sflag:s3] =	ssyncset.done $0x0  }
0x14d: {  	[sflag:s3] =	ssyncadd.s32 $0xFFFFF800  }
0x14e: {  	[tilespmem:s2], [sflag:$0x2] =	stream.linear.gather [hbm4b:s26+s2], $0x80, $0x38;
	[tilespmem:$0x4080] =	vst v63  }
0x14f: {  	_ =	swait.ge [sflag:s3], $0x80  }
0x150: {  	[sflag:s3] =	ssyncset.done $0x0  }
0x151: {  	[sflag:s3] =	ssyncadd.s32 $0xFFFFFF80  }
0x152: {  	[tilespmem:s5], [sflag:$0x1] =	stream.indirect.gather [hbm4b:s4+s5], $0x10, s2, s5, $0xb8;
	[tilespmem:$0x4080] =	vst v63  }
0x153: {  	_ =	swait.ge [sflag:s6], $0x800  }
0x154: {  	[sflag:s6] =	ssyncset.done $0x0  }
0x155: {  	[sflag:s6] =	ssyncadd.s32 $0xFFFFF800  }
0x156: {  	[hbm4b:s28+s2] =	stream.linear.scatter [tilespmem:s5], [sflag:$0x2], $0x800, $0x38;
	[tilespmem:$0x4080] =	vst v63  }
0x157: {  	_ =	swait.ge [sflag:s3], $0x800  }
0x158: {  	[sflag:s3] =	ssyncset.done $0x0  }
0x159: {  	[sflag:s3] =	ssyncadd.s32 $0xFFFFF800  }
0x15a: {  	[tilespmem:s2], [sflag:$0x2] =	stream.linear.gather [hbm4b:s29+s2], $0x80, $0x38;
	[tilespmem:$0x4080] =	vst v63  }
0x15b: {  	_ =	swait.ge [sflag:s3], $0x80  }
0x15c: {  	[sflag:s3] =	ssyncset.done $0x0  }
0x15d: {  	p0 =	sne.s32 s0, $0x1;
	s1 =	rddreg [dreg:$0x3];
	[sflag:s3] =	ssyncadd.s32 $0xFFFFFF80  }
0x15e: {  	[tilespmem:s30], [sflag:$0x1] =	stream.indirect.gather [hbm4b:s1+s5], $0x70, s2, s5, $0xb8;
	[tilespmem:$0x4080] =	vst v63  }
.Ltmp1:
0x15f: {  	_ =	swait.ge [sflag:s6], $0x3800;
	(pc) =	sbr.rel @p0 .LBB2_1-.Ltmp1, $4  }
0x160: {  	[sflag:s6] =	ssyncset.done $0x0  }
0x161: {  	[sflag:s6] =	ssyncadd.s32 $0xFFFFC800  }
0x162: {  	[hbm4b:s31+s2] =	stream.linear.scatter [tilespmem:s30], [sflag:$0x2], $0x3800, $0x38;
	[tilespmem:$0x4080] =	vst v63  }
0x163: {  	s0 =	sadd.s32 $0xFFFFFFFF, s0;
	_ =	swait.ge [sflag:s3], $0x3800  }
.LBB2_2:
0x164: {  	[sflag:s3] =	ssyncset.done $0x0  }
0x165: {  	[sflag:s3] =	ssyncadd.s32 $0xFFFFC800  }
0x166: {  	_ =	sfence.sel $0x180000  }
0x167: {  	[bflag:$0x0] =	sbarrier.arrive $0xFFFF  }
0x168: {  	_ =	strace $0x90000047  }
0x169: {  	s0 =	stileid.u32;
	[bflag:$0x2] =	sbarrier.arrive $0xFFFF  }
0x16a: {  	p0 =	sne.s32 s0, $0x0;
	s0 =	rddreg [dreg:$0x2]  }
0x16b: {  	s0 =	sadd.s32 @!p0 $0x100000, s0  }
0x16c: {  	[sflag:s0] =	ssyncadd.tile.s32 @!p0 $0x1;
	_ =	shalt  }
.Lfunc_end2:
_tile_overlayer_lowered:
.L_overlay_start_2:
0x16d: {  	(tag) =	ssettag $0x2  }
0x16e: {  	s0 =	rddreg [dreg:$0x0];
	s2 =	stileid.u32  }
0x16f: {  	s1 =	rddreg [dreg:$0x1];
	p0 =	sne.s32 s2, $0x0  }
0x170: {  	s3 =	rddreg [dreg:$0x2];
	[bflag:$0x3] =	sbarrier.arrive $0xFFFF;
	s2 =	simm.s32 @!p0 $0x1C02  }
0x171: {  	[timem:s3], [sflag:s2] =	dma.local @!p0 [hbm:s0], s1  }
0x172: {  	s0 =	simm.s32 @!p0 $0x2  }
0x173: {  	_ =	swait.ge @!p0 [sflag:s0], s1  }
0x174: {  	s1 =	ssub.s32 @!p0 $0x0, s1;
	[sflag:s0] =	ssyncset.done @!p0 $0x0  }
0x175: {  	[sflag:s0] =	ssyncadd.s32 @!p0 s1  }
0x176: {  	[bflag:$0x3] =	sbarrier.arrive $0xFFFF  }
0x177: {  	_ =	shalt  }

</sc_bundles>
